<compile_context>
chip_gen: v7x
topology: tpu7x:2x2x1
jax: 0.10.2.dev20260603
libtpu: 0.0.44.dev20260713+nightly
codegen_flags: <defaults>
</compile_context>

<pallas_src>
import functools

import jax
import jax.numpy as jnp
from jax import lax
from jax.experimental import pallas as pl
from jax.experimental.pallas import tpu as pltpu
from jax.experimental.pallas import tpu_sc as plsc

N = 10000
E = 10000
NODE_F = 32
EDGE_F = 16
HID = 90
NGRAPH = 64

NP = 10240
EP = 10240
NC = 2
NS = 16
NW = NC * NS
EW = EP // NW
CH = 80
NCH = EW // CH
ROWS_SUB = NP // NS

BE = 512
NE = EP // BE
BN = 512
NN = NP // BN

F = 128
HP = 96
HP2 = 48


def _sc_mesh():
    return plsc.VectorSubcoreMesh(core_axis_name="c", subcore_axis_name="s")


def _gather_rows(table, idx):

    @functools.partial(
        pl.kernel,
        out_type=jax.ShapeDtypeStruct((EP, F), jnp.float32),
        mesh=_sc_mesh(),
        scratch_types=[
            pltpu.VMEM((EW,), jnp.int32),
            pltpu.VMEM((EW, F), jnp.float32),
            pltpu.SemaphoreType.DMA,
        ],
    )
    def k(table_hbm, idx_hbm, out_hbm, idx_v, rows_v, sem):
        c = lax.axis_index("c")
        s = lax.axis_index("s")
        base = (s * NC + c) * EW
        pltpu.sync_copy(idx_hbm.at[pl.ds(base, EW)], idx_v)
        cps = [
            pltpu.async_copy(
                table_hbm.at[idx_v.at[pl.ds(j * CH, CH)]],
                rows_v.at[pl.ds(j * CH, CH)],
                sem,
            )
            for j in range(NCH)
        ]
        for cp in cps:
            cp.wait()
        pltpu.sync_copy(rows_v, out_hbm.at[pl.ds(base, EW)])

    return k(table, idx)


def _scatter_add(msg, dst3, zeros):

    @functools.partial(
        pl.kernel,
        out_type=jax.ShapeDtypeStruct((NC, NP, F), jnp.float32),
        mesh=_sc_mesh(),
        scratch_types=[
            pltpu.VMEM((NCH, CH), jnp.int32),
            pltpu.VMEM((EW, F), jnp.float32),
            pltpu.VMEM_SHARED((NP, F), jnp.float32),
            pltpu.SemaphoreType.DMA,
            pltpu.SemaphoreType.DMA,
        ],
    )
    def k(msg_hbm, dst_hbm, zeros_hbm, out_hbm, idx_v, rows_v, acc_sh, zsem, sem):
        c = lax.axis_index("c")
        s = lax.axis_index("s")
        wid = s * NC + c
        base = wid * EW
        zcp = pltpu.async_copy(
            zeros_hbm, acc_sh.at[pl.ds(s * ROWS_SUB, ROWS_SUB)], zsem)
        pltpu.sync_copy(dst_hbm.at[wid], idx_v)
        pltpu.sync_copy(msg_hbm.at[pl.ds(base, EW)], rows_v)
        zcp.wait()
        plsc.subcore_barrier()
        cps = [
            pltpu.async_copy(
                rows_v.at[pl.ds(j * CH, CH)],
                acc_sh.at[idx_v.at[j]],
                sem,
                add=True,
            )
            for j in range(NCH)
        ]
        for cp in cps:
            cp.wait()
        plsc.subcore_barrier()
        pltpu.sync_copy(
            acc_sh.at[pl.ds(s * ROWS_SUB, ROWS_SUB)],
            out_hbm.at[c, pl.ds(s * ROWS_SUB, ROWS_SUB)],
        )

    return k(msg, dst3, zeros)


def _edge_messages(eaT, xj, w1T, b1c, w2pT, b2T, nin, op):
    ng = nin // 2

    def body(eaT_ref, xj_ref, w1T_ref, b1c_ref, w2pT_ref, b2T_ref, out_ref):
        hT = jnp.maximum(
            jnp.dot(w1T_ref[...], eaT_ref[...]) + b1c_ref[...], 0.0)
        hTb = hT.astype(jnp.bfloat16)
        xT = jnp.transpose(xj_ref[...])
        xTr = xT.astype(jnp.bfloat16).astype(jnp.float32)
        accT = jnp.dot(b2T_ref[...], xT)
        for g in range(ng):
            ctg = jnp.dot(w2pT_ref[pl.ds(g * 2 * op, 2 * op), :], hTb,
                          preferred_element_type=jnp.float32)
            ctg = ctg.astype(jnp.bfloat16).astype(jnp.float32)
            for j in range(2):
                i = 2 * g + j
                accT = accT + xTr[i:i + 1, :] * ctg[j * op:(j + 1) * op, :]
        accT = jnp.concatenate(
            [accT, jnp.zeros((F - op, BE), jnp.float32)], axis=0)
        out_ref[...] = jnp.transpose(accT)

    return pl.pallas_call(
        body,
        grid=(NE,),
        in_specs=[
            pl.BlockSpec((EDGE_F, BE), lambda e: (0, e)),
            pl.BlockSpec((BE, F), lambda e: (e, 0)),
            pl.BlockSpec((HID, EDGE_F), lambda e: (0, 0)),
            pl.BlockSpec((HID, 1), lambda e: (0, 0)),
            pl.BlockSpec((nin * op, HID), lambda e: (0, 0)),
            pl.BlockSpec((op, F), lambda e: (0, 0)),
        ],
        out_specs=pl.BlockSpec((BE, F), lambda e: (e, 0)),
        out_shape=jax.ShapeDtypeStruct((EP, F), jnp.float32),
    )(eaT, xj, w1T, b1c, w2pT, b2T)


def _node_update(xl, aggr, rootp, biasp):

    def body(x_ref, a0_ref, a1_ref, r_ref, b_ref, o_ref):
        v = (jnp.dot(x_ref[...], r_ref[...])
             + a0_ref[0] + a1_ref[0] + b_ref[...])
        o_ref[...] = jnp.maximum(v, 0.0)

    return pl.pallas_call(
        body,
        grid=(NN,),
        in_specs=[
            pl.BlockSpec((BN, F), lambda i: (i, 0)),
            pl.BlockSpec((1, BN, F), lambda i: (0, i, 0)),
            pl.BlockSpec((1, BN, F), lambda i: (1, i, 0)),
            pl.BlockSpec((F, F), lambda i: (0, 0)),
            pl.BlockSpec((1, F), lambda i: (0, 0)),
        ],
        out_specs=pl.BlockSpec((BN, F), lambda i: (i, 0)),
        out_shape=jax.ShapeDtypeStruct((NP, F), jnp.float32),
    )(xl, aggr, aggr, rootp, biasp)


def _node_pool_head(xl, aggr, rootp, biasp, batch_row, fc1p, fc1bp, outwp, outbp):

    def body(x_ref, a0_ref, a1_ref, r_ref, b_ref, br_ref, w_ref, wb_ref,
             ow_ref, ob_ref, o_ref, g_ref):
        i = pl.program_id(0)
        h = jnp.maximum(
            jnp.dot(x_ref[...], r_ref[...])
            + a0_ref[0] + a1_ref[0] + b_ref[...], 0.0)
        ids = br_ref[...]
        rows = lax.broadcasted_iota(jnp.int32, (NGRAPH, BN), 0)
        oh = (rows == ids).astype(jnp.float32)
        contrib = jnp.dot(oh, h, precision=lax.Precision.HIGHEST)

        @pl.when(i == 0)
        def _():
            g_ref[...] = contrib

        @pl.when(i > 0)
        def _():
            g_ref[...] = g_ref[...] + contrib

        @pl.when(i == NN - 1)
        def _():
            t = jnp.maximum(
                jnp.dot(g_ref[...], w_ref[...]) + wb_ref[...], 0.0)
            o_ref[...] = jnp.dot(t, ow_ref[...]) + ob_ref[...]

    return pl.pallas_call(
        body,
        grid=(NN,),
        in_specs=[
            pl.BlockSpec((BN, F), lambda i: (i, 0)),
            pl.BlockSpec((1, BN, F), lambda i: (0, i, 0)),
            pl.BlockSpec((1, BN, F), lambda i: (1, i, 0)),
            pl.BlockSpec((F, F), lambda i: (0, 0)),
            pl.BlockSpec((1, F), lambda i: (0, 0)),
            pl.BlockSpec((1, BN), lambda i: (0, i)),
            pl.BlockSpec((F, HP), lambda i: (0, 0)),
            pl.BlockSpec((1, HP), lambda i: (0, 0)),
            pl.BlockSpec((HP, F), lambda i: (0, 0)),
            pl.BlockSpec((1, F), lambda i: (0, 0)),
        ],
        out_specs=pl.BlockSpec((NGRAPH, F), lambda i: (0, 0)),
        out_shape=jax.ShapeDtypeStruct((NGRAPH, F), jnp.float32),
        scratch_shapes=[pltpu.VMEM((NGRAPH, F), jnp.float32)],
    )(xl, aggr, aggr, rootp, biasp, batch_row, fc1p, fc1bp, outwp, outbp)


def _pad2(a, r, c):
    return jnp.pad(a, ((0, r - a.shape[0]), (0, c - a.shape[1])))


def _prep_w2(w2, b2, nin, nout, op):
    w = w2.reshape(HID, nin, nout)
    w = jnp.pad(w, ((0, 0), (0, 0), (0, op - nout)))
    w2pT = w.transpose(1, 2, 0).reshape(nin * op, HID)
    b = b2.reshape(nin, nout)
    b2T = _pad2(b.T, op, F)
    return w2pT.astype(jnp.bfloat16), b2T


def kernel(x, pos, edge_index, edge_attr, batch,
           mlp1_w1, mlp1_b1, mlp1_w2, mlp1_b2, root1, bias1,
           mlp2_w1, mlp2_b1, mlp2_w2, mlp2_b2, root2, bias2,
           mlp3_w1, mlp3_b1, mlp3_w2, mlp3_b2, root3, bias3,
           fc1_w, fc1_b, out_w, out_b):
    f32 = jnp.float32
    xl = _pad2(jnp.concatenate([x, pos], axis=1), NP, F).astype(f32)

    src = jnp.concatenate([edge_index[0], jnp.zeros((EP - E,), jnp.int32)])
    dst3 = jnp.concatenate([edge_index[1],
                            jnp.full((EP - E,), NP - 1, jnp.int32)]
                           ).reshape(NW, NCH, CH)
    eaT = _pad2(edge_attr, EP, EDGE_F).astype(f32).T
    zeros = jnp.zeros((ROWS_SUB, F), f32)
    batch_row = jnp.concatenate(
        [batch, jnp.full((NP - N,), NGRAPH, jnp.int32)]).reshape(1, NP)

    layers = [
        (NODE_F, HID, HP, mlp1_w1, mlp1_b1, mlp1_w2, mlp1_b2, root1, bias1),
        (HID, HID, HP, mlp2_w1, mlp2_b1, mlp2_w2, mlp2_b2, root2, bias2),
        (HID, HID // 2, HP2, mlp3_w1, mlp3_b1, mlp3_w2, mlp3_b2, root3, bias3),
    ]
    aggr = None
    for li, (nin, nout, op, w1, b1, w2, b2, root, bias) in enumerate(layers):
        w2pT, b2T = _prep_w2(w2, b2, nin, nout, op)
        rootp = _pad2(root, F, F)
        biasp = _pad2(bias.reshape(1, nout), 1, F)
        xj = _gather_rows(xl, src)
        msg = _edge_messages(eaT, xj, w1.T, b1.reshape(HID, 1), w2pT, b2T,
                             nin, op)
        aggr = _scatter_add(msg, dst3, zeros)
        if li < 2:
            xl = _node_update(xl, aggr, rootp, biasp)

    fc1p = _pad2(fc1_w, F, HP)
    fc1bp = _pad2(fc1_b.reshape(1, HID), 1, HP)
    outwp = _pad2(out_w, HP, F)
    outbp = _pad2(out_b.reshape(1, 1), 1, F)
    rootp3 = _pad2(root3, F, F)
    biasp3 = _pad2(bias3.reshape(1, HID // 2), 1, F)
    out = _node_pool_head(xl, aggr, rootp3, biasp3, batch_row,
                          fc1p, fc1bp, outwp, outbp)
    return out[:, :1]

# --- scband reference (transcript-rebuilt; emitter-appended) ---
"""Pipeline reference for scband-nnconv-network-64244120814372 (READ-ONLY COPY).

The authoritative reference and input builder live on the scoring server;
editing this copy changes nothing except your own understanding.
"""

import jax, jax.numpy as jnp
import numpy as np

N = 10000
E = 10000
NODE_F = 32
EDGE_F = 16
HID = 90
NGRAPH = 64


def _mlp(e, w1, b1, w2, b2):
    h = jnp.maximum(e @ w1 + b1, 0.0)
    return h @ w2 + b2


def _nnconv(x, edge_index, edge_attr, w1, b1, w2, b2, root, bias, in_ch, out_ch):
    W = _mlp(edge_attr, w1, b1, w2, b2).reshape(-1, in_ch, out_ch)
    src = edge_index[0]
    dst = edge_index[1]
    x_j = jnp.take(x, src, axis=0)
    msg = jnp.einsum('ei,eio->eo', x_j, W)
    aggr = jax.ops.segment_sum(msg, dst, num_segments=x.shape[0])
    return x @ root + aggr + bias


def setup_inputs(seed: int = 0):
    key = jax.random.key(seed)
    ks = [jax.random.fold_in(key, i) for i in range(32)]
    def p(i, shape, scale):
        return jax.random.normal(ks[i], shape, dtype=jnp.float32) * scale
    inp = {}
    inp['x'] = jax.random.normal(ks[0], (N, NODE_F - 3), dtype=jnp.float32)
    inp['pos'] = jax.random.normal(ks[1], (N, 3), dtype=jnp.float32)
    inp['edge_index'] = jax.random.randint(ks[2], (2, E), 0, N, dtype=jnp.int32)
    inp['edge_attr'] = jax.random.normal(ks[3], (E, EDGE_F), dtype=jnp.float32)
    inp['batch'] = jnp.sort(jax.random.randint(ks[4], (N,), 0, NGRAPH, dtype=jnp.int32))
    inp['mlp1_w1'] = p(5, (EDGE_F, HID), 0.1)
    inp['mlp1_b1'] = jnp.zeros((HID,), jnp.float32)
    inp['mlp1_w2'] = p(6, (HID, NODE_F * HID), 0.02)
    inp['mlp1_b2'] = jnp.zeros((NODE_F * HID,), jnp.float32)
    inp['root1'] = p(7, (NODE_F, HID), 0.1)
    inp['bias1'] = jnp.zeros((HID,), jnp.float32)
    inp['mlp2_w1'] = p(8, (EDGE_F, HID), 0.1)
    inp['mlp2_b1'] = jnp.zeros((HID,), jnp.float32)
    inp['mlp2_w2'] = p(9, (HID, HID * HID), 0.02)
    inp['mlp2_b2'] = jnp.zeros((HID * HID,), jnp.float32)
    inp['root2'] = p(10, (HID, HID), 0.1)
    inp['bias2'] = jnp.zeros((HID,), jnp.float32)
    inp['mlp3_w1'] = p(11, (EDGE_F, HID), 0.1)
    inp['mlp3_b1'] = jnp.zeros((HID,), jnp.float32)
    inp['mlp3_w2'] = p(12, (HID, HID * (HID // 2)), 0.02)
    inp['mlp3_b2'] = jnp.zeros((HID * (HID // 2),), jnp.float32)
    inp['root3'] = p(13, (HID, HID // 2), 0.1)
    inp['bias3'] = jnp.zeros((HID // 2,), jnp.float32)
    inp['fc1_w'] = p(14, (HID // 2, HID), 0.1)
    inp['fc1_b'] = jnp.zeros((HID,), jnp.float32)
    inp['out_w'] = p(15, (HID, 1), 0.1)
    inp['out_b'] = jnp.zeros((1,), jnp.float32)
    return inp


def reference(x, pos, edge_index, edge_attr, batch,
              mlp1_w1, mlp1_b1, mlp1_w2, mlp1_b2, root1, bias1,
              mlp2_w1, mlp2_b1, mlp2_w2, mlp2_b2, root2, bias2,
              mlp3_w1, mlp3_b1, mlp3_w2, mlp3_b2, root3, bias3,
              fc1_w, fc1_b, out_w, out_b):
    h = jnp.concatenate([x, pos], axis=1)
    h = jax.nn.relu(_nnconv(h, edge_index, edge_attr, mlp1_w1, mlp1_b1, mlp1_w2, mlp1_b2, root1, bias1, NODE_F, HID))
    h = jax.nn.relu(_nnconv(h, edge_index, edge_attr, mlp2_w1, mlp2_b1, mlp2_w2, mlp2_b2, root2, bias2, HID, HID))
    h = jax.nn.relu(_nnconv(h, edge_index, edge_attr, mlp3_w1, mlp3_b1, mlp3_w2, mlp3_b2, root3, bias3, HID, HID // 2))
    g = jax.ops.segment_sum(h, batch, num_segments=NGRAPH)
    g = jax.nn.relu(g @ fc1_w + fc1_b)
    return g @ out_w + out_b

if __name__ == "__main__":
    import jax
    _d = setup_inputs()
    print(jax.jit(kernel)(*tuple(_d.values())))

</pallas_src>

<mosaic_0001>
#map = affine_map<(d0, d1) -> (0, 0)>
#map1 = affine_map<(d0, d1) -> (0)>
module attributes {stable_mosaic.version = 14 : i64} {
  func.func @k(%arg0: i32, %arg1: i32, %arg2: memref<10240x128xf32, #tpu.memory_space<hbm>>, %arg3: memref<10240xi32, #tpu.memory_space<hbm>>, %arg4: memref<10240x128xf32, #tpu.memory_space<hbm>>, %arg5: memref<320xi32, #tpu.memory_space<vmem>>, %arg6: memref<320x128xf32, #tpu.memory_space<vmem>>, %arg7: memref<!tpu.dma_semaphore, #tpu.memory_space<semaphore_mem>>) attributes {dimension_semantics = [#tpu.dimension_semantics<core_parallel>, #tpu.dimension_semantics<subcore_parallel>], iteration_bounds = array<i64: 2, 16>, scalar_prefetch = 0 : i64, scratch_operands = 3 : i64, tpu.core_type = #tpu.core_type<sc_vector_subcore>, window_params = [{transform_indices = #map}, {transform_indices = #map1}, {transform_indices = #map}]} {
    %mul3A = arith.constant 2 : i32
    %mul3A_0 = arith.muli %arg1, %mul3A : i32
    %add3A = arith.addi %mul3A_0, %arg0 : i32
    %mul3A_1 = arith.constant 320 : i32
    %mul3A_2 = arith.muli %add3A, %mul3A_1 : i32
    "tpu.region"() ({
      %run_scoped3A = tpu.sem_alloc : memref<!tpu.dma_semaphore, #tpu.memory_space<semaphore_mem>>
      %dma_start3A_65 = tpu.memref_slice %arg3[%mul3A_2] : memref<10240xi32, #tpu.memory_space<hbm>> -> memref<320xi32, #tpu.memory_space<hbm>>
      %dma_start3A_66 = tpu.memref_slice %arg3[%mul3A_2] : memref<10240xi32, #tpu.memory_space<hbm>> -> memref<320xi32, #tpu.memory_space<hbm>>
      tpu.enqueue_dma source(%dma_start3A_66 : memref<320xi32, #tpu.memory_space<hbm>>) target(%arg5 : memref<320xi32, #tpu.memory_space<vmem>>) target_semaphore(%run_scoped3A : memref<!tpu.dma_semaphore, #tpu.memory_space<semaphore_mem>>)
      %dma_wait3A_67 = tpu.memref_slice %arg3[%mul3A_2] : memref<10240xi32, #tpu.memory_space<hbm>> -> memref<320xi32, #tpu.memory_space<hbm>>
      %dma_wait3A_68 = tpu.memref_slice %arg3[%mul3A_2] : memref<10240xi32, #tpu.memory_space<hbm>> -> memref<320xi32, #tpu.memory_space<hbm>>
      tpu.wait_dma2 semaphore(%run_scoped3A : memref<!tpu.dma_semaphore, #tpu.memory_space<semaphore_mem>>) src(%dma_wait3A_68 : memref<320xi32, #tpu.memory_space<hbm>>) dst(%arg5 : memref<320xi32, #tpu.memory_space<vmem>>)
      tpu.yield
    }) : () -> ()
    %dma_start3A = arith.constant 0 : i32
    %dma_start3A_3 = arith.constant 0 : i32
    %dma_start3A_4 = tpu.memref_slice %arg6[%dma_start3A, %dma_start3A_3] : memref<320x128xf32, #tpu.memory_space<vmem>> -> memref<80x128xf32, #tpu.memory_space<vmem>>
    %dma_start3A_5 = arith.constant 0 : i32
    %dma_start3A_6 = tpu.memref_slice %arg5[%dma_start3A_5] : memref<320xi32, #tpu.memory_space<vmem>> -> memref<80xi32, #tpu.memory_space<vmem>>
    %dma_start3A_7 = arith.constant 0 : i32
    %dma_start3A_8 = arith.constant 0 : i32
    %dma_start3A_9 = tpu.memref_slice %arg2[%dma_start3A_7, %dma_start3A_8] : memref<10240x128xf32, #tpu.memory_space<hbm>> -> memref<10240x128xf32, #tpu.memory_space<hbm>>
    tpu.enqueue_indirect_dma source(%dma_start3A_9 : memref<10240x128xf32, #tpu.memory_space<hbm>>) target(%dma_start3A_4 : memref<80x128xf32, #tpu.memory_space<vmem>>) offsets(%dma_start3A_6 : memref<80xi32, #tpu.memory_space<vmem>>) semaphore(%arg7 : memref<!tpu.dma_semaphore, #tpu.memory_space<semaphore_mem>>)
    %dma_start3A_10 = arith.constant 80 : i32
    %dma_start3A_11 = arith.constant 0 : i32
    %dma_start3A_12 = tpu.memref_slice %arg6[%dma_start3A_10, %dma_start3A_11] : memref<320x128xf32, #tpu.memory_space<vmem>> -> memref<80x128xf32, #tpu.memory_space<vmem>>
    %dma_start3A_13 = arith.constant 80 : i32
    %dma_start3A_14 = tpu.memref_slice %arg5[%dma_start3A_13] : memref<320xi32, #tpu.memory_space<vmem>> -> memref<80xi32, #tpu.memory_space<vmem>>
    %dma_start3A_15 = arith.constant 0 : i32
    %dma_start3A_16 = arith.constant 0 : i32
    %dma_start3A_17 = tpu.memref_slice %arg2[%dma_start3A_15, %dma_start3A_16] : memref<10240x128xf32, #tpu.memory_space<hbm>> -> memref<10240x128xf32, #tpu.memory_space<hbm>>
    tpu.enqueue_indirect_dma source(%dma_start3A_17 : memref<10240x128xf32, #tpu.memory_space<hbm>>) target(%dma_start3A_12 : memref<80x128xf32, #tpu.memory_space<vmem>>) offsets(%dma_start3A_14 : memref<80xi32, #tpu.memory_space<vmem>>) semaphore(%arg7 : memref<!tpu.dma_semaphore, #tpu.memory_space<semaphore_mem>>)
    %dma_start3A_18 = arith.constant 160 : i32
    %dma_start3A_19 = arith.constant 0 : i32
    %dma_start3A_20 = tpu.memref_slice %arg6[%dma_start3A_18, %dma_start3A_19] : memref<320x128xf32, #tpu.memory_space<vmem>> -> memref<80x128xf32, #tpu.memory_space<vmem>>
    %dma_start3A_21 = arith.constant 160 : i32
    %dma_start3A_22 = tpu.memref_slice %arg5[%dma_start3A_21] : memref<320xi32, #tpu.memory_space<vmem>> -> memref<80xi32, #tpu.memory_space<vmem>>
    %dma_start3A_23 = arith.constant 0 : i32
    %dma_start3A_24 = arith.constant 0 : i32
    %dma_start3A_25 = tpu.memref_slice %arg2[%dma_start3A_23, %dma_start3A_24] : memref<10240x128xf32, #tpu.memory_space<hbm>> -> memref<10240x128xf32, #tpu.memory_space<hbm>>
    tpu.enqueue_indirect_dma source(%dma_start3A_25 : memref<10240x128xf32, #tpu.memory_space<hbm>>) target(%dma_start3A_20 : memref<80x128xf32, #tpu.memory_space<vmem>>) offsets(%dma_start3A_22 : memref<80xi32, #tpu.memory_space<vmem>>) semaphore(%arg7 : memref<!tpu.dma_semaphore, #tpu.memory_space<semaphore_mem>>)
    %dma_start3A_26 = arith.constant 240 : i32
    %dma_start3A_27 = arith.constant 0 : i32
    %dma_start3A_28 = tpu.memref_slice %arg6[%dma_start3A_26, %dma_start3A_27] : memref<320x128xf32, #tpu.memory_space<vmem>> -> memref<80x128xf32, #tpu.memory_space<vmem>>
    %dma_start3A_29 = arith.constant 240 : i32
    %dma_start3A_30 = tpu.memref_slice %arg5[%dma_start3A_29] : memref<320xi32, #tpu.memory_space<vmem>> -> memref<80xi32, #tpu.memory_space<vmem>>
    %dma_start3A_31 = arith.constant 0 : i32
    %dma_start3A_32 = arith.constant 0 : i32
    %dma_start3A_33 = tpu.memref_slice %arg2[%dma_start3A_31, %dma_start3A_32] : memref<10240x128xf32, #tpu.memory_space<hbm>> -> memref<10240x128xf32, #tpu.memory_space<hbm>>
    tpu.enqueue_indirect_dma source(%dma_start3A_33 : memref<10240x128xf32, #tpu.memory_space<hbm>>) target(%dma_start3A_28 : memref<80x128xf32, #tpu.memory_space<vmem>>) offsets(%dma_start3A_30 : memref<80xi32, #tpu.memory_space<vmem>>) semaphore(%arg7 : memref<!tpu.dma_semaphore, #tpu.memory_space<semaphore_mem>>)
    %dma_wait3A = arith.constant 0 : i32
    %dma_wait3A_34 = arith.constant 0 : i32
    %dma_wait3A_35 = tpu.memref_slice %arg6[%dma_wait3A, %dma_wait3A_34] : memref<320x128xf32, #tpu.memory_space<vmem>> -> memref<80x128xf32, #tpu.memory_space<vmem>>
    %dma_wait3A_36 = arith.constant 0 : i32
    %dma_wait3A_37 = tpu.memref_slice %arg5[%dma_wait3A_36] : memref<320xi32, #tpu.memory_space<vmem>> -> memref<80xi32, #tpu.memory_space<vmem>>
    %dma_wait3A_38 = arith.constant 0 : i32
    %dma_wait3A_39 = arith.constant 0 : i32
    %dma_wait3A_40 = tpu.memref_slice %arg2[%dma_wait3A_38, %dma_wait3A_39] : memref<10240x128xf32, #tpu.memory_space<hbm>> -> memref<10240x128xf32, #tpu.memory_space<hbm>>
    tpu.wait_indirect_dma semaphore(%arg7 : memref<!tpu.dma_semaphore, #tpu.memory_space<semaphore_mem>>) src(%dma_wait3A_40 : memref<10240x128xf32, #tpu.memory_space<hbm>>) dst(%dma_wait3A_35 : memref<80x128xf32, #tpu.memory_space<vmem>>)
    %dma_wait3A_41 = arith.constant 80 : i32
    %dma_wait3A_42 = arith.constant 0 : i32
    %dma_wait3A_43 = tpu.memref_slice %arg6[%dma_wait3A_41, %dma_wait3A_42] : memref<320x128xf32, #tpu.memory_space<vmem>> -> memref<80x128xf32, #tpu.memory_space<vmem>>
    %dma_wait3A_44 = arith.constant 80 : i32
    %dma_wait3A_45 = tpu.memref_slice %arg5[%dma_wait3A_44] : memref<320xi32, #tpu.memory_space<vmem>> -> memref<80xi32, #tpu.memory_space<vmem>>
    %dma_wait3A_46 = arith.constant 0 : i32
    %dma_wait3A_47 = arith.constant 0 : i32
    %dma_wait3A_48 = tpu.memref_slice %arg2[%dma_wait3A_46, %dma_wait3A_47] : memref<10240x128xf32, #tpu.memory_space<hbm>> -> memref<10240x128xf32, #tpu.memory_space<hbm>>
    tpu.wait_indirect_dma semaphore(%arg7 : memref<!tpu.dma_semaphore, #tpu.memory_space<semaphore_mem>>) src(%dma_wait3A_48 : memref<10240x128xf32, #tpu.memory_space<hbm>>) dst(%dma_wait3A_43 : memref<80x128xf32, #tpu.memory_space<vmem>>)
    %dma_wait3A_49 = arith.constant 160 : i32
    %dma_wait3A_50 = arith.constant 0 : i32
    %dma_wait3A_51 = tpu.memref_slice %arg6[%dma_wait3A_49, %dma_wait3A_50] : memref<320x128xf32, #tpu.memory_space<vmem>> -> memref<80x128xf32, #tpu.memory_space<vmem>>
    %dma_wait3A_52 = arith.constant 160 : i32
    %dma_wait3A_53 = tpu.memref_slice %arg5[%dma_wait3A_52] : memref<320xi32, #tpu.memory_space<vmem>> -> memref<80xi32, #tpu.memory_space<vmem>>
    %dma_wait3A_54 = arith.constant 0 : i32
    %dma_wait3A_55 = arith.constant 0 : i32
    %dma_wait3A_56 = tpu.memref_slice %arg2[%dma_wait3A_54, %dma_wait3A_55] : memref<10240x128xf32, #tpu.memory_space<hbm>> -> memref<10240x128xf32, #tpu.memory_space<hbm>>
    tpu.wait_indirect_dma semaphore(%arg7 : memref<!tpu.dma_semaphore, #tpu.memory_space<semaphore_mem>>) src(%dma_wait3A_56 : memref<10240x128xf32, #tpu.memory_space<hbm>>) dst(%dma_wait3A_51 : memref<80x128xf32, #tpu.memory_space<vmem>>)
    %dma_wait3A_57 = arith.constant 240 : i32
    %dma_wait3A_58 = arith.constant 0 : i32
    %dma_wait3A_59 = tpu.memref_slice %arg6[%dma_wait3A_57, %dma_wait3A_58] : memref<320x128xf32, #tpu.memory_space<vmem>> -> memref<80x128xf32, #tpu.memory_space<vmem>>
    %dma_wait3A_60 = arith.constant 240 : i32
    %dma_wait3A_61 = tpu.memref_slice %arg5[%dma_wait3A_60] : memref<320xi32, #tpu.memory_space<vmem>> -> memref<80xi32, #tpu.memory_space<vmem>>
    %dma_wait3A_62 = arith.constant 0 : i32
    %dma_wait3A_63 = arith.constant 0 : i32
    %dma_wait3A_64 = tpu.memref_slice %arg2[%dma_wait3A_62, %dma_wait3A_63] : memref<10240x128xf32, #tpu.memory_space<hbm>> -> memref<10240x128xf32, #tpu.memory_space<hbm>>
    tpu.wait_indirect_dma semaphore(%arg7 : memref<!tpu.dma_semaphore, #tpu.memory_space<semaphore_mem>>) src(%dma_wait3A_64 : memref<10240x128xf32, #tpu.memory_space<hbm>>) dst(%dma_wait3A_59 : memref<80x128xf32, #tpu.memory_space<vmem>>)
    "tpu.region"() ({
      %run_scoped3A = tpu.sem_alloc : memref<!tpu.dma_semaphore, #tpu.memory_space<semaphore_mem>>
      %dma_start3A_65 = arith.constant 0 : i32
      %dma_start3A_66 = tpu.memref_slice %arg4[%mul3A_2, %dma_start3A_65] : memref<10240x128xf32, #tpu.memory_space<hbm>> -> memref<320x128xf32, #tpu.memory_space<hbm>>
      %dma_start3A_67 = arith.constant 0 : i32
      %dma_start3A_68 = tpu.memref_slice %arg4[%mul3A_2, %dma_start3A_67] : memref<10240x128xf32, #tpu.memory_space<hbm>> -> memref<320x128xf32, #tpu.memory_space<hbm>>
      tpu.enqueue_dma source(%arg6 : memref<320x128xf32, #tpu.memory_space<vmem>>) target(%dma_start3A_68 : memref<320x128xf32, #tpu.memory_space<hbm>>) target_semaphore(%run_scoped3A : memref<!tpu.dma_semaphore, #tpu.memory_space<semaphore_mem>>)
      %dma_wait3A_69 = arith.constant 0 : i32
      %dma_wait3A_70 = tpu.memref_slice %arg4[%mul3A_2, %dma_wait3A_69] : memref<10240x128xf32, #tpu.memory_space<hbm>> -> memref<320x128xf32, #tpu.memory_space<hbm>>
      %dma_wait3A_71 = arith.constant 0 : i32
      %dma_wait3A_72 = tpu.memref_slice %arg4[%mul3A_2, %dma_wait3A_71] : memref<10240x128xf32, #tpu.memory_space<hbm>> -> memref<320x128xf32, #tpu.memory_space<hbm>>
      tpu.wait_dma2 semaphore(%run_scoped3A : memref<!tpu.dma_semaphore, #tpu.memory_space<semaphore_mem>>) src(%arg6 : memref<320x128xf32, #tpu.memory_space<vmem>>) dst(%dma_wait3A_72 : memref<320x128xf32, #tpu.memory_space<hbm>>)
      tpu.yield
    }) : () -> ()
    return
  }
}

#map = affine_map<(d0, d1) -> (0, 0)>
#map1 = affine_map<(d0, d1) -> (0)>
module attributes {stable_mosaic.version = 14 : i64} {
  func.func @k(%arg0: i32, %arg1: i32, %arg2: memref<10240x128xf32, #tpu.memory_space<hbm>>, %arg3: memref<10240xi32, #tpu.memory_space<hbm>>, %arg4: memref<10240x128xf32, #tpu.memory_space<hbm>>, %arg5: memref<320xi32, #tpu.memory_space<vmem>>, %arg6: memref<320x128xf32, #tpu.memory_space<vmem>>, %arg7: memref<!tpu.dma_semaphore, #tpu.memory_space<semaphore_mem>>) attributes {dimension_semantics = [#tpu.dimension_semantics<core_parallel>, #tpu.dimension_semantics<subcore_parallel>], iteration_bounds = array<i64: 2, 16>, scalar_prefetch = 0 : i64, scratch_operands = 3 : i64, tpu.core_type = #tpu.core_type<sc_vector_subcore>, window_params = [{transform_indices = #map}, {transform_indices = #map1}, {transform_indices = #map}]} {
    %mul3A = arith.constant 2 : i32
    %mul3A_0 = arith.muli %arg1, %mul3A : i32
    %add3A = arith.addi %mul3A_0, %arg0 : i32
    %mul3A_1 = arith.constant 320 : i32
    %mul3A_2 = arith.muli %add3A, %mul3A_1 : i32
    "tpu.region"() ({
      %run_scoped3A = tpu.sem_alloc : memref<!tpu.dma_semaphore, #tpu.memory_space<semaphore_mem>>
      %dma_start3A_65 = tpu.memref_slice %arg3[%mul3A_2] : memref<10240xi32, #tpu.memory_space<hbm>> -> memref<320xi32, #tpu.memory_space<hbm>>
      %dma_start3A_66 = tpu.memref_slice %arg3[%mul3A_2] : memref<10240xi32, #tpu.memory_space<hbm>> -> memref<320xi32, #tpu.memory_space<hbm>>
      tpu.enqueue_dma source(%dma_start3A_66 : memref<320xi32, #tpu.memory_space<hbm>>) target(%arg5 : memref<320xi32, #tpu.memory_space<vmem>>) target_semaphore(%run_scoped3A : memref<!tpu.dma_semaphore, #tpu.memory_space<semaphore_mem>>)
      %dma_wait3A_67 = tpu.memref_slice %arg3[%mul3A_2] : memref<10240xi32, #tpu.memory_space<hbm>> -> memref<320xi32, #tpu.memory_space<hbm>>
      %dma_wait3A_68 = tpu.memref_slice %arg3[%mul3A_2] : memref<10240xi32, #tpu.memory_space<hbm>> -> memref<320xi32, #tpu.memory_space<hbm>>
      tpu.wait_dma2 semaphore(%run_scoped3A : memref<!tpu.dma_semaphore, #tpu.memory_space<semaphore_mem>>) src(%dma_wait3A_68 : memref<320xi32, #tpu.memory_space<hbm>>) dst(%arg5 : memref<320xi32, #tpu.memory_space<vmem>>)
      tpu.yield
    }) : () -> ()
    %dma_start3A = arith.constant 0 : i32
    %dma_start3A_3 = arith.constant 0 : i32
    %dma_start3A_4 = tpu.memref_slice %arg6[%dma_start3A, %dma_start3A_3] : memref<320x128xf32, #tpu.memory_space<vmem>> -> memref<80x128xf32, #tpu.memory_space<vmem>>
    %dma_start3A_5 = arith.constant 0 : i32
    %dma_start3A_6 = tpu.memref_slice %arg5[%dma_start3A_5] : memref<320xi32, #tpu.memory_space<vmem>> -> memref<80xi32, #tpu.memory_space<vmem>>
    %dma_start3A_7 = arith.constant 0 : i32
    %dma_start3A_8 = arith.constant 0 : i32
    %dma_start3A_9 = tpu.memref_slice %arg2[%dma_start3A_7, %dma_start3A_8] : memref<10240x128xf32, #tpu.memory_space<hbm>> -> memref<10240x128xf32, #tpu.memory_space<hbm>>
    tpu.enqueue_indirect_dma source(%dma_start3A_9 : memref<10240x128xf32, #tpu.memory_space<hbm>>) target(%dma_start3A_4 : memref<80x128xf32, #tpu.memory_space<vmem>>) offsets(%dma_start3A_6 : memref<80xi32, #tpu.memory_space<vmem>>) semaphore(%arg7 : memref<!tpu.dma_semaphore, #tpu.memory_space<semaphore_mem>>)
    %dma_start3A_10 = arith.constant 80 : i32
    %dma_start3A_11 = arith.constant 0 : i32
    %dma_start3A_12 = tpu.memref_slice %arg6[%dma_start3A_10, %dma_start3A_11] : memref<320x128xf32, #tpu.memory_space<vmem>> -> memref<80x128xf32, #tpu.memory_space<vmem>>
    %dma_start3A_13 = arith.constant 80 : i32
    %dma_start3A_14 = tpu.memref_slice %arg5[%dma_start3A_13] : memref<320xi32, #tpu.memory_space<vmem>> -> memref<80xi32, #tpu.memory_space<vmem>>
    %dma_start3A_15 = arith.constant 0 : i32
    %dma_start3A_16 = arith.constant 0 : i32
    %dma_start3A_17 = tpu.memref_slice %arg2[%dma_start3A_15, %dma_start3A_16] : memref<10240x128xf32, #tpu.memory_space<hbm>> -> memref<10240x128xf32, #tpu.memory_space<hbm>>
    tpu.enqueue_indirect_dma source(%dma_start3A_17 : memref<10240x128xf32, #tpu.memory_space<hbm>>) target(%dma_start3A_12 : memref<80x128xf32, #tpu.memory_space<vmem>>) offsets(%dma_start3A_14 : memref<80xi32, #tpu.memory_space<vmem>>) semaphore(%arg7 : memref<!tpu.dma_semaphore, #tpu.memory_space<semaphore_mem>>)
    %dma_start3A_18 = arith.constant 160 : i32
    %dma_start3A_19 = arith.constant 0 : i32
    %dma_start3A_20 = tpu.memref_slice %arg6[%dma_start3A_18, %dma_start3A_19] : memref<320x128xf32, #tpu.memory_space<vmem>> -> memref<80x128xf32, #tpu.memory_space<vmem>>
    %dma_start3A_21 = arith.constant 160 : i32
    %dma_start3A_22 = tpu.memref_slice %arg5[%dma_start3A_21] : memref<320xi32, #tpu.memory_space<vmem>> -> memref<80xi32, #tpu.memory_space<vmem>>
    %dma_start3A_23 = arith.constant 0 : i32
    %dma_start3A_24 = arith.constant 0 : i32
    %dma_start3A_25 = tpu.memref_slice %arg2[%dma_start3A_23, %dma_start3A_24] : memref<10240x128xf32, #tpu.memory_space<hbm>> -> memref<10240x128xf32, #tpu.memory_space<hbm>>
    tpu.enqueue_indirect_dma source(%dma_start3A_25 : memref<10240x128xf32, #tpu.memory_space<hbm>>) target(%dma_start3A_20 : memref<80x128xf32, #tpu.memory_space<vmem>>) offsets(%dma_start3A_22 : memref<80xi32, #tpu.memory_space<vmem>>) semaphore(%arg7 : memref<!tpu.dma_semaphore, #tpu.memory_space<semaphore_mem>>)
    %dma_start3A_26 = arith.constant 240 : i32
    %dma_start3A_27 = arith.constant 0 : i32
    %dma_start3A_28 = tpu.memref_slice %arg6[%dma_start3A_26, %dma_start3A_27] : memref<320x128xf32, #tpu.memory_space<vmem>> -> memref<80x128xf32, #tpu.memory_space<vmem>>
    %dma_start3A_29 = arith.constant 240 : i32
    %dma_start3A_30 = tpu.memref_slice %arg5[%dma_start3A_29] : memref<320xi32, #tpu.memory_space<vmem>> -> memref<80xi32, #tpu.memory_space<vmem>>
    %dma_start3A_31 = arith.constant 0 : i32
    %dma_start3A_32 = arith.constant 0 : i32
    %dma_start3A_33 = tpu.memref_slice %arg2[%dma_start3A_31, %dma_start3A_32] : memref<10240x128xf32, #tpu.memory_space<hbm>> -> memref<10240x128xf32, #tpu.memory_space<hbm>>
    tpu.enqueue_indirect_dma source(%dma_start3A_33 : memref<10240x128xf32, #tpu.memory_space<hbm>>) target(%dma_start3A_28 : memref<80x128xf32, #tpu.memory_space<vmem>>) offsets(%dma_start3A_30 : memref<80xi32, #tpu.memory_space<vmem>>) semaphore(%arg7 : memref<!tpu.dma_semaphore, #tpu.memory_space<semaphore_mem>>)
    %dma_wait3A = arith.constant 0 : i32
    %dma_wait3A_34 = arith.constant 0 : i32
    %dma_wait3A_35 = tpu.memref_slice %arg6[%dma_wait3A, %dma_wait3A_34] : memref<320x128xf32, #tpu.memory_space<vmem>> -> memref<80x128xf32, #tpu.memory_space<vmem>>
    %dma_wait3A_36 = arith.constant 0 : i32
    %dma_wait3A_37 = tpu.memref_slice %arg5[%dma_wait3A_36] : memref<320xi32, #tpu.memory_space<vmem>> -> memref<80xi32, #tpu.memory_space<vmem>>
    %dma_wait3A_38 = arith.constant 0 : i32
    %dma_wait3A_39 = arith.constant 0 : i32
    %dma_wait3A_40 = tpu.memref_slice %arg2[%dma_wait3A_38, %dma_wait3A_39] : memref<10240x128xf32, #tpu.memory_space<hbm>> -> memref<10240x128xf32, #tpu.memory_space<hbm>>
    tpu.wait_indirect_dma semaphore(%arg7 : memref<!tpu.dma_semaphore, #tpu.memory_space<semaphore_mem>>) src(%dma_wait3A_40 : memref<10240x128xf32, #tpu.memory_space<hbm>>) dst(%dma_wait3A_35 : memref<80x128xf32, #tpu.memory_space<vmem>>)
    %dma_wait3A_41 = arith.constant 80 : i32
    %dma_wait3A_42 = arith.constant 0 : i32
    %dma_wait3A_43 = tpu.memref_slice %arg6[%dma_wait3A_41, %dma_wait3A_42] : memref<320x128xf32, #tpu.memory_space<vmem>> -> memref<80x128xf32, #tpu.memory_space<vmem>>
    %dma_wait3A_44 = arith.constant 80 : i32
    %dma_wait3A_45 = tpu.memref_slice %arg5[%dma_wait3A_44] : memref<320xi32, #tpu.memory_space<vmem>> -> memref<80xi32, #tpu.memory_space<vmem>>
    %dma_wait3A_46 = arith.constant 0 : i32
    %dma_wait3A_47 = arith.constant 0 : i32
    %dma_wait3A_48 = tpu.memref_slice %arg2[%dma_wait3A_46, %dma_wait3A_47] : memref<10240x128xf32, #tpu.memory_space<hbm>> -> memref<10240x128xf32, #tpu.memory_space<hbm>>
    tpu.wait_indirect_dma semaphore(%arg7 : memref<!tpu.dma_semaphore, #tpu.memory_space<semaphore_mem>>) src(%dma_wait3A_48 : memref<10240x128xf32, #tpu.memory_space<hbm>>) dst(%dma_wait3A_43 : memref<80x128xf32, #tpu.memory_space<vmem>>)
    %dma_wait3A_49 = arith.constant 160 : i32
    %dma_wait3A_50 = arith.constant 0 : i32
    %dma_wait3A_51 = tpu.memref_slice %arg6[%dma_wait3A_49, %dma_wait3A_50] : memref<320x128xf32, #tpu.memory_space<vmem>> -> memref<80x128xf32, #tpu.memory_space<vmem>>
    %dma_wait3A_52 = arith.constant 160 : i32
    %dma_wait3A_53 = tpu.memref_slice %arg5[%dma_wait3A_52] : memref<320xi32, #tpu.memory_space<vmem>> -> memref<80xi32, #tpu.memory_space<vmem>>
    %dma_wait3A_54 = arith.constant 0 : i32
    %dma_wait3A_55 = arith.constant 0 : i32
    %dma_wait3A_56 = tpu.memref_slice %arg2[%dma_wait3A_54, %dma_wait3A_55] : memref<10240x128xf32, #tpu.memory_space<hbm>> -> memref<10240x128xf32, #tpu.memory_space<hbm>>
    tpu.wait_indirect_dma semaphore(%arg7 : memref<!tpu.dma_semaphore, #tpu.memory_space<semaphore_mem>>) src(%dma_wait3A_56 : memref<10240x128xf32, #tpu.memory_space<hbm>>) dst(%dma_wait3A_51 : memref<80x128xf32, #tpu.memory_space<vmem>>)
    %dma_wait3A_57 = arith.constant 240 : i32
    %dma_wait3A_58 = arith.constant 0 : i32
    %dma_wait3A_59 = tpu.memref_slice %arg6[%dma_wait3A_57, %dma_wait3A_58] : memref<320x128xf32, #tpu.memory_space<vmem>> -> memref<80x128xf32, #tpu.memory_space<vmem>>
    %dma_wait3A_60 = arith.constant 240 : i32
    %dma_wait3A_61 = tpu.memref_slice %arg5[%dma_wait3A_60] : memref<320xi32, #tpu.memory_space<vmem>> -> memref<80xi32, #tpu.memory_space<vmem>>
    %dma_wait3A_62 = arith.constant 0 : i32
    %dma_wait3A_63 = arith.constant 0 : i32
    %dma_wait3A_64 = tpu.memref_slice %arg2[%dma_wait3A_62, %dma_wait3A_63] : memref<10240x128xf32, #tpu.memory_space<hbm>> -> memref<10240x128xf32, #tpu.memory_space<hbm>>
    tpu.wait_indirect_dma semaphore(%arg7 : memref<!tpu.dma_semaphore, #tpu.memory_space<semaphore_mem>>) src(%dma_wait3A_64 : memref<10240x128xf32, #tpu.memory_space<hbm>>) dst(%dma_wait3A_59 : memref<80x128xf32, #tpu.memory_space<vmem>>)
    "tpu.region"() ({
      %run_scoped3A = tpu.sem_alloc : memref<!tpu.dma_semaphore, #tpu.memory_space<semaphore_mem>>
      %dma_start3A_65 = arith.constant 0 : i32
      %dma_start3A_66 = tpu.memref_slice %arg4[%mul3A_2, %dma_start3A_65] : memref<10240x128xf32, #tpu.memory_space<hbm>> -> memref<320x128xf32, #tpu.memory_space<hbm>>
      %dma_start3A_67 = arith.constant 0 : i32
      %dma_start3A_68 = tpu.memref_slice %arg4[%mul3A_2, %dma_start3A_67] : memref<10240x128xf32, #tpu.memory_space<hbm>> -> memref<320x128xf32, #tpu.memory_space<hbm>>
      tpu.enqueue_dma source(%arg6 : memref<320x128xf32, #tpu.memory_space<vmem>>) target(%dma_start3A_68 : memref<320x128xf32, #tpu.memory_space<hbm>>) target_semaphore(%run_scoped3A : memref<!tpu.dma_semaphore, #tpu.memory_space<semaphore_mem>>)
      %dma_wait3A_69 = arith.constant 0 : i32
      %dma_wait3A_70 = tpu.memref_slice %arg4[%mul3A_2, %dma_wait3A_69] : memref<10240x128xf32, #tpu.memory_space<hbm>> -> memref<320x128xf32, #tpu.memory_space<hbm>>
      %dma_wait3A_71 = arith.constant 0 : i32
      %dma_wait3A_72 = tpu.memref_slice %arg4[%mul3A_2, %dma_wait3A_71] : memref<10240x128xf32, #tpu.memory_space<hbm>> -> memref<320x128xf32, #tpu.memory_space<hbm>>
      tpu.wait_dma2 semaphore(%run_scoped3A : memref<!tpu.dma_semaphore, #tpu.memory_space<semaphore_mem>>) src(%arg6 : memref<320x128xf32, #tpu.memory_space<vmem>>) dst(%dma_wait3A_72 : memref<320x128xf32, #tpu.memory_space<hbm>>)
      tpu.yield
    }) : () -> ()
    return
  }
}

#map = affine_map<(d0, d1) -> (0, 0)>
#map1 = affine_map<(d0, d1) -> (0, 0, 0)>
module attributes {stable_mosaic.version = 14 : i64} {
  func.func @k(%arg0: i32, %arg1: i32, %arg2: memref<10240x128xf32, #tpu.memory_space<hbm>>, %arg3: memref<32x4x80xi32, #tpu.memory_space<hbm>>, %arg4: memref<640x128xf32, #tpu.memory_space<hbm>>, %arg5: memref<2x10240x128xf32, #tpu.memory_space<hbm>>, %arg6: memref<4x80xi32, #tpu.memory_space<vmem>>, %arg7: memref<320x128xf32, #tpu.memory_space<vmem>>, %arg8: memref<10240x128xf32, #tpu.memory_space<vmem_shared>>, %arg9: memref<!tpu.dma_semaphore, #tpu.memory_space<semaphore_mem>>, %arg10: memref<!tpu.dma_semaphore, #tpu.memory_space<semaphore_mem>>) attributes {dimension_semantics = [#tpu.dimension_semantics<core_parallel>, #tpu.dimension_semantics<subcore_parallel>], iteration_bounds = array<i64: 2, 16>, scalar_prefetch = 0 : i64, scratch_operands = 5 : i64, tpu.core_type = #tpu.core_type<sc_vector_subcore>, window_params = [{transform_indices = #map}, {transform_indices = #map1}, {transform_indices = #map}, {transform_indices = #map1}]} {
    %mul3A = arith.constant 2 : i32
    %mul3A_0 = arith.muli %arg1, %mul3A : i32
    %add3A = arith.addi %mul3A_0, %arg0 : i32
    %mul3A_1 = arith.constant 320 : i32
    %mul3A_2 = arith.muli %add3A, %mul3A_1 : i32
    %mul3A_3 = arith.constant 640 : i32
    %mul3A_4 = arith.muli %arg1, %mul3A_3 : i32
    %dma_start3A = arith.constant 0 : i32
    %dma_start3A_5 = tpu.memref_slice %arg8[%mul3A_4, %dma_start3A] : memref<10240x128xf32, #tpu.memory_space<vmem_shared>> -> memref<640x128xf32, #tpu.memory_space<vmem_shared>>
    tpu.enqueue_dma source(%arg4 : memref<640x128xf32, #tpu.memory_space<hbm>>) target(%dma_start3A_5 : memref<640x128xf32, #tpu.memory_space<vmem_shared>>) target_semaphore(%arg9 : memref<!tpu.dma_semaphore, #tpu.memory_space<semaphore_mem>>)
    "tpu.region"() ({
      %run_scoped3A = tpu.sem_alloc : memref<!tpu.dma_semaphore, #tpu.memory_space<semaphore_mem>>
      %dma_start3A_92 = arith.constant 0 : i32
      %dma_start3A_93 = arith.constant 0 : i32
      %dma_start3A_94 = tpu.memref_slice %arg3[%add3A, %dma_start3A_92, %dma_start3A_93] : memref<32x4x80xi32, #tpu.memory_space<hbm>> -> memref<1x4x80xi32, #tpu.memory_space<hbm>>
      %dma_start3A_95 = tpu.memref_squeeze %dma_start3A_94 : memref<1x4x80xi32, #tpu.memory_space<hbm>> -> memref<4x80xi32, #tpu.memory_space<hbm>>
      %dma_start3A_96 = arith.constant 0 : i32
      %dma_start3A_97 = arith.constant 0 : i32
      %dma_start3A_98 = tpu.memref_slice %arg3[%add3A, %dma_start3A_96, %dma_start3A_97] : memref<32x4x80xi32, #tpu.memory_space<hbm>> -> memref<1x4x80xi32, #tpu.memory_space<hbm>>
      %dma_start3A_99 = tpu.memref_squeeze %dma_start3A_98 : memref<1x4x80xi32, #tpu.memory_space<hbm>> -> memref<4x80xi32, #tpu.memory_space<hbm>>
      tpu.enqueue_dma source(%dma_start3A_99 : memref<4x80xi32, #tpu.memory_space<hbm>>) target(%arg6 : memref<4x80xi32, #tpu.memory_space<vmem>>) target_semaphore(%run_scoped3A : memref<!tpu.dma_semaphore, #tpu.memory_space<semaphore_mem>>)
      %dma_wait3A_100 = arith.constant 0 : i32
      %dma_wait3A_101 = arith.constant 0 : i32
      %dma_wait3A_102 = tpu.memref_slice %arg3[%add3A, %dma_wait3A_100, %dma_wait3A_101] : memref<32x4x80xi32, #tpu.memory_space<hbm>> -> memref<1x4x80xi32, #tpu.memory_space<hbm>>
      %dma_wait3A_103 = tpu.memref_squeeze %dma_wait3A_102 : memref<1x4x80xi32, #tpu.memory_space<hbm>> -> memref<4x80xi32, #tpu.memory_space<hbm>>
      %dma_wait3A_104 = arith.constant 0 : i32
      %dma_wait3A_105 = arith.constant 0 : i32
      %dma_wait3A_106 = tpu.memref_slice %arg3[%add3A, %dma_wait3A_104, %dma_wait3A_105] : memref<32x4x80xi32, #tpu.memory_space<hbm>> -> memref<1x4x80xi32, #tpu.memory_space<hbm>>
      %dma_wait3A_107 = tpu.memref_squeeze %dma_wait3A_106 : memref<1x4x80xi32, #tpu.memory_space<hbm>> -> memref<4x80xi32, #tpu.memory_space<hbm>>
      tpu.wait_dma2 semaphore(%run_scoped3A : memref<!tpu.dma_semaphore, #tpu.memory_space<semaphore_mem>>) src(%dma_wait3A_107 : memref<4x80xi32, #tpu.memory_space<hbm>>) dst(%arg6 : memref<4x80xi32, #tpu.memory_space<vmem>>)
      tpu.yield
    }) : () -> ()
    "tpu.region"() ({
      %run_scoped3A = tpu.sem_alloc : memref<!tpu.dma_semaphore, #tpu.memory_space<semaphore_mem>>
      %dma_start3A_92 = arith.constant 0 : i32
      %dma_start3A_93 = tpu.memref_slice %arg2[%mul3A_2, %dma_start3A_92] : memref<10240x128xf32, #tpu.memory_space<hbm>> -> memref<320x128xf32, #tpu.memory_space<hbm>>
      %dma_start3A_94 = arith.constant 0 : i32
      %dma_start3A_95 = tpu.memref_slice %arg2[%mul3A_2, %dma_start3A_94] : memref<10240x128xf32, #tpu.memory_space<hbm>> -> memref<320x128xf32, #tpu.memory_space<hbm>>
      tpu.enqueue_dma source(%dma_start3A_95 : memref<320x128xf32, #tpu.memory_space<hbm>>) target(%arg7 : memref<320x128xf32, #tpu.memory_space<vmem>>) target_semaphore(%run_scoped3A : memref<!tpu.dma_semaphore, #tpu.memory_space<semaphore_mem>>)
      %dma_wait3A_96 = arith.constant 0 : i32
      %dma_wait3A_97 = tpu.memref_slice %arg2[%mul3A_2, %dma_wait3A_96] : memref<10240x128xf32, #tpu.memory_space<hbm>> -> memref<320x128xf32, #tpu.memory_space<hbm>>
      %dma_wait3A_98 = arith.constant 0 : i32
      %dma_wait3A_99 = tpu.memref_slice %arg2[%mul3A_2, %dma_wait3A_98] : memref<10240x128xf32, #tpu.memory_space<hbm>> -> memref<320x128xf32, #tpu.memory_space<hbm>>
      tpu.wait_dma2 semaphore(%run_scoped3A : memref<!tpu.dma_semaphore, #tpu.memory_space<semaphore_mem>>) src(%dma_wait3A_99 : memref<320x128xf32, #tpu.memory_space<hbm>>) dst(%arg7 : memref<320x128xf32, #tpu.memory_space<vmem>>)
      tpu.yield
    }) : () -> ()
    %dma_wait3A = arith.constant 0 : i32
    %dma_wait3A_6 = tpu.memref_slice %arg8[%mul3A_4, %dma_wait3A] : memref<10240x128xf32, #tpu.memory_space<vmem_shared>> -> memref<640x128xf32, #tpu.memory_space<vmem_shared>>
    tpu.wait_dma2 semaphore(%arg9 : memref<!tpu.dma_semaphore, #tpu.memory_space<semaphore_mem>>) src(%arg4 : memref<640x128xf32, #tpu.memory_space<hbm>>) dst(%dma_wait3A_6 : memref<640x128xf32, #tpu.memory_space<vmem_shared>>)
    %barrier3A = arith.constant 0 : index
    tpu.barrier barrier_id(%barrier3A)
    %dma_start3A_7 = arith.constant 0 : i32
    %dma_start3A_8 = arith.constant 0 : i32
    %dma_start3A_9 = arith.constant 0 : i32
    %dma_start3A_10 = tpu.memref_slice %arg7[%dma_start3A_8, %dma_start3A_9] : memref<320x128xf32, #tpu.memory_space<vmem>> -> memref<80x128xf32, #tpu.memory_space<vmem>>
    %dma_start3A_11 = arith.constant 0 : i32
    %dma_start3A_12 = tpu.memref_slice %arg6[%dma_start3A_7, %dma_start3A_11] : memref<4x80xi32, #tpu.memory_space<vmem>> -> memref<1x80xi32, #tpu.memory_space<vmem>>
    %dma_start3A_13 = tpu.memref_squeeze %dma_start3A_12 : memref<1x80xi32, #tpu.memory_space<vmem>> -> memref<80xi32, #tpu.memory_space<vmem>>
    %dma_start3A_14 = arith.constant 0 : i32
    %dma_start3A_15 = arith.constant 0 : i32
    %dma_start3A_16 = tpu.memref_slice %arg8[%dma_start3A_14, %dma_start3A_15] : memref<10240x128xf32, #tpu.memory_space<vmem_shared>> -> memref<10240x128xf32, #tpu.memory_space<vmem_shared>>
    tpu.enqueue_indirect_dma source(%dma_start3A_10 : memref<80x128xf32, #tpu.memory_space<vmem>>) target(%dma_start3A_16 : memref<10240x128xf32, #tpu.memory_space<vmem_shared>>) offsets(%dma_start3A_13 : memref<80xi32, #tpu.memory_space<vmem>>) semaphore(%arg10 : memref<!tpu.dma_semaphore, #tpu.memory_space<semaphore_mem>>) {add = true}
    %dma_start3A_17 = arith.constant 1 : i32
    %dma_start3A_18 = arith.constant 80 : i32
    %dma_start3A_19 = arith.constant 0 : i32
    %dma_start3A_20 = tpu.memref_slice %arg7[%dma_start3A_18, %dma_start3A_19] : memref<320x128xf32, #tpu.memory_space<vmem>> -> memref<80x128xf32, #tpu.memory_space<vmem>>
    %dma_start3A_21 = arith.constant 0 : i32
    %dma_start3A_22 = tpu.memref_slice %arg6[%dma_start3A_17, %dma_start3A_21] : memref<4x80xi32, #tpu.memory_space<vmem>> -> memref<1x80xi32, #tpu.memory_space<vmem>>
    %dma_start3A_23 = tpu.memref_squeeze %dma_start3A_22 : memref<1x80xi32, #tpu.memory_space<vmem>> -> memref<80xi32, #tpu.memory_space<vmem>>
    %dma_start3A_24 = arith.constant 0 : i32
    %dma_start3A_25 = arith.constant 0 : i32
    %dma_start3A_26 = tpu.memref_slice %arg8[%dma_start3A_24, %dma_start3A_25] : memref<10240x128xf32, #tpu.memory_space<vmem_shared>> -> memref<10240x128xf32, #tpu.memory_space<vmem_shared>>
    tpu.enqueue_indirect_dma source(%dma_start3A_20 : memref<80x128xf32, #tpu.memory_space<vmem>>) target(%dma_start3A_26 : memref<10240x128xf32, #tpu.memory_space<vmem_shared>>) offsets(%dma_start3A_23 : memref<80xi32, #tpu.memory_space<vmem>>) semaphore(%arg10 : memref<!tpu.dma_semaphore, #tpu.memory_space<semaphore_mem>>) {add = true}
    %dma_start3A_27 = arith.constant 2 : i32
    %dma_start3A_28 = arith.constant 160 : i32
    %dma_start3A_29 = arith.constant 0 : i32
    %dma_start3A_30 = tpu.memref_slice %arg7[%dma_start3A_28, %dma_start3A_29] : memref<320x128xf32, #tpu.memory_space<vmem>> -> memref<80x128xf32, #tpu.memory_space<vmem>>
    %dma_start3A_31 = arith.constant 0 : i32
    %dma_start3A_32 = tpu.memref_slice %arg6[%dma_start3A_27, %dma_start3A_31] : memref<4x80xi32, #tpu.memory_space<vmem>> -> memref<1x80xi32, #tpu.memory_space<vmem>>
    %dma_start3A_33 = tpu.memref_squeeze %dma_start3A_32 : memref<1x80xi32, #tpu.memory_space<vmem>> -> memref<80xi32, #tpu.memory_space<vmem>>
    %dma_start3A_34 = arith.constant 0 : i32
    %dma_start3A_35 = arith.constant 0 : i32
    %dma_start3A_36 = tpu.memref_slice %arg8[%dma_start3A_34, %dma_start3A_35] : memref<10240x128xf32, #tpu.memory_space<vmem_shared>> -> memref<10240x128xf32, #tpu.memory_space<vmem_shared>>
    tpu.enqueue_indirect_dma source(%dma_start3A_30 : memref<80x128xf32, #tpu.memory_space<vmem>>) target(%dma_start3A_36 : memref<10240x128xf32, #tpu.memory_space<vmem_shared>>) offsets(%dma_start3A_33 : memref<80xi32, #tpu.memory_space<vmem>>) semaphore(%arg10 : memref<!tpu.dma_semaphore, #tpu.memory_space<semaphore_mem>>) {add = true}
    %dma_start3A_37 = arith.constant 3 : i32
    %dma_start3A_38 = arith.constant 240 : i32
    %dma_start3A_39 = arith.constant 0 : i32
    %dma_start3A_40 = tpu.memref_slice %arg7[%dma_start3A_38, %dma_start3A_39] : memref<320x128xf32, #tpu.memory_space<vmem>> -> memref<80x128xf32, #tpu.memory_space<vmem>>
    %dma_start3A_41 = arith.constant 0 : i32
    %dma_start3A_42 = tpu.memref_slice %arg6[%dma_start3A_37, %dma_start3A_41] : memref<4x80xi32, #tpu.memory_space<vmem>> -> memref<1x80xi32, #tpu.memory_space<vmem>>
    %dma_start3A_43 = tpu.memref_squeeze %dma_start3A_42 : memref<1x80xi32, #tpu.memory_space<vmem>> -> memref<80xi32, #tpu.memory_space<vmem>>
    %dma_start3A_44 = arith.constant 0 : i32
    %dma_start3A_45 = arith.constant 0 : i32
    %dma_start3A_46 = tpu.memref_slice %arg8[%dma_start3A_44, %dma_start3A_45] : memref<10240x128xf32, #tpu.memory_space<vmem_shared>> -> memref<10240x128xf32, #tpu.memory_space<vmem_shared>>
    tpu.enqueue_indirect_dma source(%dma_start3A_40 : memref<80x128xf32, #tpu.memory_space<vmem>>) target(%dma_start3A_46 : memref<10240x128xf32, #tpu.memory_space<vmem_shared>>) offsets(%dma_start3A_43 : memref<80xi32, #tpu.memory_space<vmem>>) semaphore(%arg10 : memref<!tpu.dma_semaphore, #tpu.memory_space<semaphore_mem>>) {add = true}
    %dma_wait3A_47 = arith.constant 0 : i32
    %dma_wait3A_48 = arith.constant 0 : i32
    %dma_wait3A_49 = arith.constant 0 : i32
    %dma_wait3A_50 = tpu.memref_slice %arg7[%dma_wait3A_48, %dma_wait3A_49] : memref<320x128xf32, #tpu.memory_space<vmem>> -> memref<80x128xf32, #tpu.memory_space<vmem>>
    %dma_wait3A_51 = arith.constant 0 : i32
    %dma_wait3A_52 = tpu.memref_slice %arg6[%dma_wait3A_47, %dma_wait3A_51] : memref<4x80xi32, #tpu.memory_space<vmem>> -> memref<1x80xi32, #tpu.memory_space<vmem>>
    %dma_wait3A_53 = tpu.memref_squeeze %dma_wait3A_52 : memref<1x80xi32, #tpu.memory_space<vmem>> -> memref<80xi32, #tpu.memory_space<vmem>>
    %dma_wait3A_54 = arith.constant 0 : i32
    %dma_wait3A_55 = arith.constant 0 : i32
    %dma_wait3A_56 = tpu.memref_slice %arg8[%dma_wait3A_54, %dma_wait3A_55] : memref<10240x128xf32, #tpu.memory_space<vmem_shared>> -> memref<10240x128xf32, #tpu.memory_space<vmem_shared>>
    tpu.wait_indirect_dma semaphore(%arg10 : memref<!tpu.dma_semaphore, #tpu.memory_space<semaphore_mem>>) src(%dma_wait3A_50 : memref<80x128xf32, #tpu.memory_space<vmem>>) dst(%dma_wait3A_56 : memref<10240x128xf32, #tpu.memory_space<vmem_shared>>)
    %dma_wait3A_57 = arith.constant 1 : i32
    %dma_wait3A_58 = arith.constant 80 : i32
    %dma_wait3A_59 = arith.constant 0 : i32
    %dma_wait3A_60 = tpu.memref_slice %arg7[%dma_wait3A_58, %dma_wait3A_59] : memref<320x128xf32, #tpu.memory_space<vmem>> -> memref<80x128xf32, #tpu.memory_space<vmem>>
    %dma_wait3A_61 = arith.constant 0 : i32
    %dma_wait3A_62 = tpu.memref_slice %arg6[%dma_wait3A_57, %dma_wait3A_61] : memref<4x80xi32, #tpu.memory_space<vmem>> -> memref<1x80xi32, #tpu.memory_space<vmem>>
    %dma_wait3A_63 = tpu.memref_squeeze %dma_wait3A_62 : memref<1x80xi32, #tpu.memory_space<vmem>> -> memref<80xi32, #tpu.memory_space<vmem>>
    %dma_wait3A_64 = arith.constant 0 : i32
    %dma_wait3A_65 = arith.constant 0 : i32
    %dma_wait3A_66 = tpu.memref_slice %arg8[%dma_wait3A_64, %dma_wait3A_65] : memref<10240x128xf32, #tpu.memory_space<vmem_shared>> -> memref<10240x128xf32, #tpu.memory_space<vmem_shared>>
    tpu.wait_indirect_dma semaphore(%arg10 : memref<!tpu.dma_semaphore, #tpu.memory_space<semaphore_mem>>) src(%dma_wait3A_60 : memref<80x128xf32, #tpu.memory_space<vmem>>) dst(%dma_wait3A_66 : memref<10240x128xf32, #tpu.memory_space<vmem_shared>>)
    %dma_wait3A_67 = arith.constant 2 : i32
    %dma_wait3A_68 = arith.constant 160 : i32
    %dma_wait3A_69 = arith.constant 0 : i32
    %dma_wait3A_70 = tpu.memref_slice %arg7[%dma_wait3A_68, %dma_wait3A_69] : memref<320x128xf32, #tpu.memory_space<vmem>> -> memref<80x128xf32, #tpu.memory_space<vmem>>
    %dma_wait3A_71 = arith.constant 0 : i32
    %dma_wait3A_72 = tpu.memref_slice %arg6[%dma_wait3A_67, %dma_wait3A_71] : memref<4x80xi32, #tpu.memory_space<vmem>> -> memref<1x80xi32, #tpu.memory_space<vmem>>
    %dma_wait3A_73 = tpu.memref_squeeze %dma_wait3A_72 : memref<1x80xi32, #tpu.memory_space<vmem>> -> memref<80xi32, #tpu.memory_space<vmem>>
    %dma_wait3A_74 = arith.constant 0 : i32
    %dma_wait3A_75 = arith.constant 0 : i32
    %dma_wait3A_76 = tpu.memref_slice %arg8[%dma_wait3A_74, %dma_wait3A_75] : memref<10240x128xf32, #tpu.memory_space<vmem_shared>> -> memref<10240x128xf32, #tpu.memory_space<vmem_shared>>
    tpu.wait_indirect_dma semaphore(%arg10 : memref<!tpu.dma_semaphore, #tpu.memory_space<semaphore_mem>>) src(%dma_wait3A_70 : memref<80x128xf32, #tpu.memory_space<vmem>>) dst(%dma_wait3A_76 : memref<10240x128xf32, #tpu.memory_space<vmem_shared>>)
    %dma_wait3A_77 = arith.constant 3 : i32
    %dma_wait3A_78 = arith.constant 240 : i32
    %dma_wait3A_79 = arith.constant 0 : i32
    %dma_wait3A_80 = tpu.memref_slice %arg7[%dma_wait3A_78, %dma_wait3A_79] : memref<320x128xf32, #tpu.memory_space<vmem>> -> memref<80x128xf32, #tpu.memory_space<vmem>>
    %dma_wait3A_81 = arith.constant 0 : i32
    %dma_wait3A_82 = tpu.memref_slice %arg6[%dma_wait3A_77, %dma_wait3A_81] : memref<4x80xi32, #tpu.memory_space<vmem>> -> memref<1x80xi32, #tpu.memory_space<vmem>>
    %dma_wait3A_83 = tpu.memref_squeeze %dma_wait3A_82 : memref<1x80xi32, #tpu.memory_space<vmem>> -> memref<80xi32, #tpu.memory_space<vmem>>
    %dma_wait3A_84 = arith.constant 0 : i32
    %dma_wait3A_85 = arith.constant 0 : i32
    %dma_wait3A_86 = tpu.memref_slice %arg8[%dma_wait3A_84, %dma_wait3A_85] : memref<10240x128xf32, #tpu.memory_space<vmem_shared>> -> memref<10240x128xf32, #tpu.memory_space<vmem_shared>>
    tpu.wait_indirect_dma semaphore(%arg10 : memref<!tpu.dma_semaphore, #tpu.memory_space<semaphore_mem>>) src(%dma_wait3A_80 : memref<80x128xf32, #tpu.memory_space<vmem>>) dst(%dma_wait3A_86 : memref<10240x128xf32, #tpu.memory_space<vmem_shared>>)
    %barrier3A_87 = arith.constant 0 : index
    tpu.barrier barrier_id(%barrier3A_87)
    %mul3A_88 = arith.constant 640 : i32
    %mul3A_89 = arith.muli %arg1, %mul3A_88 : i32
    %mul3A_90 = arith.constant 640 : i32
    %mul3A_91 = arith.muli %arg1, %mul3A_90 : i32
    "tpu.region"() ({
      %run_scoped3A = tpu.sem_alloc : memref<!tpu.dma_semaphore, #tpu.memory_space<semaphore_mem>>
      %dma_start3A_92 = arith.constant 0 : i32
      %dma_start3A_93 = tpu.memref_slice %arg5[%arg0, %mul3A_91, %dma_start3A_92] : memref<2x10240x128xf32, #tpu.memory_space<hbm>> -> memref<1x640x128xf32, #tpu.memory_space<hbm>>
      %dma_start3A_94 = tpu.memref_squeeze %dma_start3A_93 : memref<1x640x128xf32, #tpu.memory_space<hbm>> -> memref<640x128xf32, #tpu.memory_space<hbm>>
      %dma_start3A_95 = arith.constant 0 : i32
      %dma_start3A_96 = tpu.memref_slice %arg8[%mul3A_89, %dma_start3A_95] : memref<10240x128xf32, #tpu.memory_space<vmem_shared>> -> memref<640x128xf32, #tpu.memory_space<vmem_shared>>
      tpu.enqueue_dma source(%dma_start3A_96 : memref<640x128xf32, #tpu.memory_space<vmem_shared>>) target(%dma_start3A_94 : memref<640x128xf32, #tpu.memory_space<hbm>>) target_semaphore(%run_scoped3A : memref<!tpu.dma_semaphore, #tpu.memory_space<semaphore_mem>>)
      %dma_wait3A_97 = arith.constant 0 : i32
      %dma_wait3A_98 = tpu.memref_slice %arg5[%arg0, %mul3A_91, %dma_wait3A_97] : memref<2x10240x128xf32, #tpu.memory_space<hbm>> -> memref<1x640x128xf32, #tpu.memory_space<hbm>>
      %dma_wait3A_99 = tpu.memref_squeeze %dma_wait3A_98 : memref<1x640x128xf32, #tpu.memory_space<hbm>> -> memref<640x128xf32, #tpu.memory_space<hbm>>
      %dma_wait3A_100 = arith.constant 0 : i32
      %dma_wait3A_101 = tpu.memref_slice %arg8[%mul3A_89, %dma_wait3A_100] : memref<10240x128xf32, #tpu.memory_space<vmem_shared>> -> memref<640x128xf32, #tpu.memory_space<vmem_shared>>
      tpu.wait_dma2 semaphore(%run_scoped3A : memref<!tpu.dma_semaphore, #tpu.memory_space<semaphore_mem>>) src(%dma_wait3A_101 : memref<640x128xf32, #tpu.memory_space<vmem_shared>>) dst(%dma_wait3A_99 : memref<640x128xf32, #tpu.memory_space<hbm>>)
      tpu.yield
    }) : () -> ()
    return
  }
}

#map = affine_map<(d0, d1) -> (0, 0)>
#map1 = affine_map<(d0, d1) -> (0, 0, 0)>
module attributes {stable_mosaic.version = 14 : i64} {
  func.func @k(%arg0: i32, %arg1: i32, %arg2: memref<10240x128xf32, #tpu.memory_space<hbm>>, %arg3: memref<32x4x80xi32, #tpu.memory_space<hbm>>, %arg4: memref<640x128xf32, #tpu.memory_space<hbm>>, %arg5: memref<2x10240x128xf32, #tpu.memory_space<hbm>>, %arg6: memref<4x80xi32, #tpu.memory_space<vmem>>, %arg7: memref<320x128xf32, #tpu.memory_space<vmem>>, %arg8: memref<10240x128xf32, #tpu.memory_space<vmem_shared>>, %arg9: memref<!tpu.dma_semaphore, #tpu.memory_space<semaphore_mem>>, %arg10: memref<!tpu.dma_semaphore, #tpu.memory_space<semaphore_mem>>) attributes {dimension_semantics = [#tpu.dimension_semantics<core_parallel>, #tpu.dimension_semantics<subcore_parallel>], iteration_bounds = array<i64: 2, 16>, scalar_prefetch = 0 : i64, scratch_operands = 5 : i64, tpu.core_type = #tpu.core_type<sc_vector_subcore>, window_params = [{transform_indices = #map}, {transform_indices = #map1}, {transform_indices = #map}, {transform_indices = #map1}]} {
    %mul3A = arith.constant 2 : i32
    %mul3A_0 = arith.muli %arg1, %mul3A : i32
    %add3A = arith.addi %mul3A_0, %arg0 : i32
    %mul3A_1 = arith.constant 320 : i32
    %mul3A_2 = arith.muli %add3A, %mul3A_1 : i32
    %mul3A_3 = arith.constant 640 : i32
    %mul3A_4 = arith.muli %arg1, %mul3A_3 : i32
    %dma_start3A = arith.constant 0 : i32
    %dma_start3A_5 = tpu.memref_slice %arg8[%mul3A_4, %dma_start3A] : memref<10240x128xf32, #tpu.memory_space<vmem_shared>> -> memref<640x128xf32, #tpu.memory_space<vmem_shared>>
    tpu.enqueue_dma source(%arg4 : memref<640x128xf32, #tpu.memory_space<hbm>>) target(%dma_start3A_5 : memref<640x128xf32, #tpu.memory_space<vmem_shared>>) target_semaphore(%arg9 : memref<!tpu.dma_semaphore, #tpu.memory_space<semaphore_mem>>)
    "tpu.region"() ({
      %run_scoped3A = tpu.sem_alloc : memref<!tpu.dma_semaphore, #tpu.memory_space<semaphore_mem>>
      %dma_start3A_92 = arith.constant 0 : i32
      %dma_start3A_93 = arith.constant 0 : i32
      %dma_start3A_94 = tpu.memref_slice %arg3[%add3A, %dma_start3A_92, %dma_start3A_93] : memref<32x4x80xi32, #tpu.memory_space<hbm>> -> memref<1x4x80xi32, #tpu.memory_space<hbm>>
      %dma_start3A_95 = tpu.memref_squeeze %dma_start3A_94 : memref<1x4x80xi32, #tpu.memory_space<hbm>> -> memref<4x80xi32, #tpu.memory_space<hbm>>
      %dma_start3A_96 = arith.constant 0 : i32
      %dma_start3A_97 = arith.constant 0 : i32
      %dma_start3A_98 = tpu.memref_slice %arg3[%add3A, %dma_start3A_96, %dma_start3A_97] : memref<32x4x80xi32, #tpu.memory_space<hbm>> -> memref<1x4x80xi32, #tpu.memory_space<hbm>>
      %dma_start3A_99 = tpu.memref_squeeze %dma_start3A_98 : memref<1x4x80xi32, #tpu.memory_space<hbm>> -> memref<4x80xi32, #tpu.memory_space<hbm>>
      tpu.enqueue_dma source(%dma_start3A_99 : memref<4x80xi32, #tpu.memory_space<hbm>>) target(%arg6 : memref<4x80xi32, #tpu.memory_space<vmem>>) target_semaphore(%run_scoped3A : memref<!tpu.dma_semaphore, #tpu.memory_space<semaphore_mem>>)
      %dma_wait3A_100 = arith.constant 0 : i32
      %dma_wait3A_101 = arith.constant 0 : i32
      %dma_wait3A_102 = tpu.memref_slice %arg3[%add3A, %dma_wait3A_100, %dma_wait3A_101] : memref<32x4x80xi32, #tpu.memory_space<hbm>> -> memref<1x4x80xi32, #tpu.memory_space<hbm>>
      %dma_wait3A_103 = tpu.memref_squeeze %dma_wait3A_102 : memref<1x4x80xi32, #tpu.memory_space<hbm>> -> memref<4x80xi32, #tpu.memory_space<hbm>>
      %dma_wait3A_104 = arith.constant 0 : i32
      %dma_wait3A_105 = arith.constant 0 : i32
      %dma_wait3A_106 = tpu.memref_slice %arg3[%add3A, %dma_wait3A_104, %dma_wait3A_105] : memref<32x4x80xi32, #tpu.memory_space<hbm>> -> memref<1x4x80xi32, #tpu.memory_space<hbm>>
      %dma_wait3A_107 = tpu.memref_squeeze %dma_wait3A_106 : memref<1x4x80xi32, #tpu.memory_space<hbm>> -> memref<4x80xi32, #tpu.memory_space<hbm>>
      tpu.wait_dma2 semaphore(%run_scoped3A : memref<!tpu.dma_semaphore, #tpu.memory_space<semaphore_mem>>) src(%dma_wait3A_107 : memref<4x80xi32, #tpu.memory_space<hbm>>) dst(%arg6 : memref<4x80xi32, #tpu.memory_space<vmem>>)
      tpu.yield
    }) : () -> ()
    "tpu.region"() ({
      %run_scoped3A = tpu.sem_alloc : memref<!tpu.dma_semaphore, #tpu.memory_space<semaphore_mem>>
      %dma_start3A_92 = arith.constant 0 : i32
      %dma_start3A_93 = tpu.memref_slice %arg2[%mul3A_2, %dma_start3A_92] : memref<10240x128xf32, #tpu.memory_space<hbm>> -> memref<320x128xf32, #tpu.memory_space<hbm>>
      %dma_start3A_94 = arith.constant 0 : i32
      %dma_start3A_95 = tpu.memref_slice %arg2[%mul3A_2, %dma_start3A_94] : memref<10240x128xf32, #tpu.memory_space<hbm>> -> memref<320x128xf32, #tpu.memory_space<hbm>>
      tpu.enqueue_dma source(%dma_start3A_95 : memref<320x128xf32, #tpu.memory_space<hbm>>) target(%arg7 : memref<320x128xf32, #tpu.memory_space<vmem>>) target_semaphore(%run_scoped3A : memref<!tpu.dma_semaphore, #tpu.memory_space<semaphore_mem>>)
      %dma_wait3A_96 = arith.constant 0 : i32
      %dma_wait3A_97 = tpu.memref_slice %arg2[%mul3A_2, %dma_wait3A_96] : memref<10240x128xf32, #tpu.memory_space<hbm>> -> memref<320x128xf32, #tpu.memory_space<hbm>>
      %dma_wait3A_98 = arith.constant 0 : i32
      %dma_wait3A_99 = tpu.memref_slice %arg2[%mul3A_2, %dma_wait3A_98] : memref<10240x128xf32, #tpu.memory_space<hbm>> -> memref<320x128xf32, #tpu.memory_space<hbm>>
      tpu.wait_dma2 semaphore(%run_scoped3A : memref<!tpu.dma_semaphore, #tpu.memory_space<semaphore_mem>>) src(%dma_wait3A_99 : memref<320x128xf32, #tpu.memory_space<hbm>>) dst(%arg7 : memref<320x128xf32, #tpu.memory_space<vmem>>)
      tpu.yield
    }) : () -> ()
    %dma_wait3A = arith.constant 0 : i32
    %dma_wait3A_6 = tpu.memref_slice %arg8[%mul3A_4, %dma_wait3A] : memref<10240x128xf32, #tpu.memory_space<vmem_shared>> -> memref<640x128xf32, #tpu.memory_space<vmem_shared>>
    tpu.wait_dma2 semaphore(%arg9 : memref<!tpu.dma_semaphore, #tpu.memory_space<semaphore_mem>>) src(%arg4 : memref<640x128xf32, #tpu.memory_space<hbm>>) dst(%dma_wait3A_6 : memref<640x128xf32, #tpu.memory_space<vmem_shared>>)
    %barrier3A = arith.constant 0 : index
    tpu.barrier barrier_id(%barrier3A)
    %dma_start3A_7 = arith.constant 0 : i32
    %dma_start3A_8 = arith.constant 0 : i32
    %dma_start3A_9 = arith.constant 0 : i32
    %dma_start3A_10 = tpu.memref_slice %arg7[%dma_start3A_8, %dma_start3A_9] : memref<320x128xf32, #tpu.memory_space<vmem>> -> memref<80x128xf32, #tpu.memory_space<vmem>>
    %dma_start3A_11 = arith.constant 0 : i32
    %dma_start3A_12 = tpu.memref_slice %arg6[%dma_start3A_7, %dma_start3A_11] : memref<4x80xi32, #tpu.memory_space<vmem>> -> memref<1x80xi32, #tpu.memory_space<vmem>>
    %dma_start3A_13 = tpu.memref_squeeze %dma_start3A_12 : memref<1x80xi32, #tpu.memory_space<vmem>> -> memref<80xi32, #tpu.memory_space<vmem>>
    %dma_start3A_14 = arith.constant 0 : i32
    %dma_start3A_15 = arith.constant 0 : i32
    %dma_start3A_16 = tpu.memref_slice %arg8[%dma_start3A_14, %dma_start3A_15] : memref<10240x128xf32, #tpu.memory_space<vmem_shared>> -> memref<10240x128xf32, #tpu.memory_space<vmem_shared>>
    tpu.enqueue_indirect_dma source(%dma_start3A_10 : memref<80x128xf32, #tpu.memory_space<vmem>>) target(%dma_start3A_16 : memref<10240x128xf32, #tpu.memory_space<vmem_shared>>) offsets(%dma_start3A_13 : memref<80xi32, #tpu.memory_space<vmem>>) semaphore(%arg10 : memref<!tpu.dma_semaphore, #tpu.memory_space<semaphore_mem>>) {add = true}
    %dma_start3A_17 = arith.constant 1 : i32
    %dma_start3A_18 = arith.constant 80 : i32
    %dma_start3A_19 = arith.constant 0 : i32
    %dma_start3A_20 = tpu.memref_slice %arg7[%dma_start3A_18, %dma_start3A_19] : memref<320x128xf32, #tpu.memory_space<vmem>> -> memref<80x128xf32, #tpu.memory_space<vmem>>
    %dma_start3A_21 = arith.constant 0 : i32
    %dma_start3A_22 = tpu.memref_slice %arg6[%dma_start3A_17, %dma_start3A_21] : memref<4x80xi32, #tpu.memory_space<vmem>> -> memref<1x80xi32, #tpu.memory_space<vmem>>
    %dma_start3A_23 = tpu.memref_squeeze %dma_start3A_22 : memref<1x80xi32, #tpu.memory_space<vmem>> -> memref<80xi32, #tpu.memory_space<vmem>>
    %dma_start3A_24 = arith.constant 0 : i32
    %dma_start3A_25 = arith.constant 0 : i32
    %dma_start3A_26 = tpu.memref_slice %arg8[%dma_start3A_24, %dma_start3A_25] : memref<10240x128xf32, #tpu.memory_space<vmem_shared>> -> memref<10240x128xf32, #tpu.memory_space<vmem_shared>>
    tpu.enqueue_indirect_dma source(%dma_start3A_20 : memref<80x128xf32, #tpu.memory_space<vmem>>) target(%dma_start3A_26 : memref<10240x128xf32, #tpu.memory_space<vmem_shared>>) offsets(%dma_start3A_23 : memref<80xi32, #tpu.memory_space<vmem>>) semaphore(%arg10 : memref<!tpu.dma_semaphore, #tpu.memory_space<semaphore_mem>>) {add = true}
    %dma_start3A_27 = arith.constant 2 : i32
    %dma_start3A_28 = arith.constant 160 : i32
    %dma_start3A_29 = arith.constant 0 : i32
    %dma_start3A_30 = tpu.memref_slice %arg7[%dma_start3A_28, %dma_start3A_29] : memref<320x128xf32, #tpu.memory_space<vmem>> -> memref<80x128xf32, #tpu.memory_space<vmem>>
    %dma_start3A_31 = arith.constant 0 : i32
    %dma_start3A_32 = tpu.memref_slice %arg6[%dma_start3A_27, %dma_start3A_31] : memref<4x80xi32, #tpu.memory_space<vmem>> -> memref<1x80xi32, #tpu.memory_space<vmem>>
    %dma_start3A_33 = tpu.memref_squeeze %dma_start3A_32 : memref<1x80xi32, #tpu.memory_space<vmem>> -> memref<80xi32, #tpu.memory_space<vmem>>
    %dma_start3A_34 = arith.constant 0 : i32
    %dma_start3A_35 = arith.constant 0 : i32
    %dma_start3A_36 = tpu.memref_slice %arg8[%dma_start3A_34, %dma_start3A_35] : memref<10240x128xf32, #tpu.memory_space<vmem_shared>> -> memref<10240x128xf32, #tpu.memory_space<vmem_shared>>
    tpu.enqueue_indirect_dma source(%dma_start3A_30 : memref<80x128xf32, #tpu.memory_space<vmem>>) target(%dma_start3A_36 : memref<10240x128xf32, #tpu.memory_space<vmem_shared>>) offsets(%dma_start3A_33 : memref<80xi32, #tpu.memory_space<vmem>>) semaphore(%arg10 : memref<!tpu.dma_semaphore, #tpu.memory_space<semaphore_mem>>) {add = true}
    %dma_start3A_37 = arith.constant 3 : i32
    %dma_start3A_38 = arith.constant 240 : i32
    %dma_start3A_39 = arith.constant 0 : i32
    %dma_start3A_40 = tpu.memref_slice %arg7[%dma_start3A_38, %dma_start3A_39] : memref<320x128xf32, #tpu.memory_space<vmem>> -> memref<80x128xf32, #tpu.memory_space<vmem>>
    %dma_start3A_41 = arith.constant 0 : i32
    %dma_start3A_42 = tpu.memref_slice %arg6[%dma_start3A_37, %dma_start3A_41] : memref<4x80xi32, #tpu.memory_space<vmem>> -> memref<1x80xi32, #tpu.memory_space<vmem>>
    %dma_start3A_43 = tpu.memref_squeeze %dma_start3A_42 : memref<1x80xi32, #tpu.memory_space<vmem>> -> memref<80xi32, #tpu.memory_space<vmem>>
    %dma_start3A_44 = arith.constant 0 : i32
    %dma_start3A_45 = arith.constant 0 : i32
    %dma_start3A_46 = tpu.memref_slice %arg8[%dma_start3A_44, %dma_start3A_45] : memref<10240x128xf32, #tpu.memory_space<vmem_shared>> -> memref<10240x128xf32, #tpu.memory_space<vmem_shared>>
    tpu.enqueue_indirect_dma source(%dma_start3A_40 : memref<80x128xf32, #tpu.memory_space<vmem>>) target(%dma_start3A_46 : memref<10240x128xf32, #tpu.memory_space<vmem_shared>>) offsets(%dma_start3A_43 : memref<80xi32, #tpu.memory_space<vmem>>) semaphore(%arg10 : memref<!tpu.dma_semaphore, #tpu.memory_space<semaphore_mem>>) {add = true}
    %dma_wait3A_47 = arith.constant 0 : i32
    %dma_wait3A_48 = arith.constant 0 : i32
    %dma_wait3A_49 = arith.constant 0 : i32
    %dma_wait3A_50 = tpu.memref_slice %arg7[%dma_wait3A_48, %dma_wait3A_49] : memref<320x128xf32, #tpu.memory_space<vmem>> -> memref<80x128xf32, #tpu.memory_space<vmem>>
    %dma_wait3A_51 = arith.constant 0 : i32
    %dma_wait3A_52 = tpu.memref_slice %arg6[%dma_wait3A_47, %dma_wait3A_51] : memref<4x80xi32, #tpu.memory_space<vmem>> -> memref<1x80xi32, #tpu.memory_space<vmem>>
    %dma_wait3A_53 = tpu.memref_squeeze %dma_wait3A_52 : memref<1x80xi32, #tpu.memory_space<vmem>> -> memref<80xi32, #tpu.memory_space<vmem>>
    %dma_wait3A_54 = arith.constant 0 : i32
    %dma_wait3A_55 = arith.constant 0 : i32
    %dma_wait3A_56 = tpu.memref_slice %arg8[%dma_wait3A_54, %dma_wait3A_55] : memref<10240x128xf32, #tpu.memory_space<vmem_shared>> -> memref<10240x128xf32, #tpu.memory_space<vmem_shared>>
    tpu.wait_indirect_dma semaphore(%arg10 : memref<!tpu.dma_semaphore, #tpu.memory_space<semaphore_mem>>) src(%dma_wait3A_50 : memref<80x128xf32, #tpu.memory_space<vmem>>) dst(%dma_wait3A_56 : memref<10240x128xf32, #tpu.memory_space<vmem_shared>>)
    %dma_wait3A_57 = arith.constant 1 : i32
    %dma_wait3A_58 = arith.constant 80 : i32
    %dma_wait3A_59 = arith.constant 0 : i32
    %dma_wait3A_60 = tpu.memref_slice %arg7[%dma_wait3A_58, %dma_wait3A_59] : memref<320x128xf32, #tpu.memory_space<vmem>> -> memref<80x128xf32, #tpu.memory_space<vmem>>
    %dma_wait3A_61 = arith.constant 0 : i32
    %dma_wait3A_62 = tpu.memref_slice %arg6[%dma_wait3A_57, %dma_wait3A_61] : memref<4x80xi32, #tpu.memory_space<vmem>> -> memref<1x80xi32, #tpu.memory_space<vmem>>
    %dma_wait3A_63 = tpu.memref_squeeze %dma_wait3A_62 : memref<1x80xi32, #tpu.memory_space<vmem>> -> memref<80xi32, #tpu.memory_space<vmem>>
    %dma_wait3A_64 = arith.constant 0 : i32
    %dma_wait3A_65 = arith.constant 0 : i32
    %dma_wait3A_66 = tpu.memref_slice %arg8[%dma_wait3A_64, %dma_wait3A_65] : memref<10240x128xf32, #tpu.memory_space<vmem_shared>> -> memref<10240x128xf32, #tpu.memory_space<vmem_shared>>
    tpu.wait_indirect_dma semaphore(%arg10 : memref<!tpu.dma_semaphore, #tpu.memory_space<semaphore_mem>>) src(%dma_wait3A_60 : memref<80x128xf32, #tpu.memory_space<vmem>>) dst(%dma_wait3A_66 : memref<10240x128xf32, #tpu.memory_space<vmem_shared>>)
    %dma_wait3A_67 = arith.constant 2 : i32
    %dma_wait3A_68 = arith.constant 160 : i32
    %dma_wait3A_69 = arith.constant 0 : i32
    %dma_wait3A_70 = tpu.memref_slice %arg7[%dma_wait3A_68, %dma_wait3A_69] : memref<320x128xf32, #tpu.memory_space<vmem>> -> memref<80x128xf32, #tpu.memory_space<vmem>>
    %dma_wait3A_71 = arith.constant 0 : i32
    %dma_wait3A_72 = tpu.memref_slice %arg6[%dma_wait3A_67, %dma_wait3A_71] : memref<4x80xi32, #tpu.memory_space<vmem>> -> memref<1x80xi32, #tpu.memory_space<vmem>>
    %dma_wait3A_73 = tpu.memref_squeeze %dma_wait3A_72 : memref<1x80xi32, #tpu.memory_space<vmem>> -> memref<80xi32, #tpu.memory_space<vmem>>
    %dma_wait3A_74 = arith.constant 0 : i32
    %dma_wait3A_75 = arith.constant 0 : i32
    %dma_wait3A_76 = tpu.memref_slice %arg8[%dma_wait3A_74, %dma_wait3A_75] : memref<10240x128xf32, #tpu.memory_space<vmem_shared>> -> memref<10240x128xf32, #tpu.memory_space<vmem_shared>>
    tpu.wait_indirect_dma semaphore(%arg10 : memref<!tpu.dma_semaphore, #tpu.memory_space<semaphore_mem>>) src(%dma_wait3A_70 : memref<80x128xf32, #tpu.memory_space<vmem>>) dst(%dma_wait3A_76 : memref<10240x128xf32, #tpu.memory_space<vmem_shared>>)
    %dma_wait3A_77 = arith.constant 3 : i32
    %dma_wait3A_78 = arith.constant 240 : i32
    %dma_wait3A_79 = arith.constant 0 : i32
    %dma_wait3A_80 = tpu.memref_slice %arg7[%dma_wait3A_78, %dma_wait3A_79] : memref<320x128xf32, #tpu.memory_space<vmem>> -> memref<80x128xf32, #tpu.memory_space<vmem>>
    %dma_wait3A_81 = arith.constant 0 : i32
    %dma_wait3A_82 = tpu.memref_slice %arg6[%dma_wait3A_77, %dma_wait3A_81] : memref<4x80xi32, #tpu.memory_space<vmem>> -> memref<1x80xi32, #tpu.memory_space<vmem>>
    %dma_wait3A_83 = tpu.memref_squeeze %dma_wait3A_82 : memref<1x80xi32, #tpu.memory_space<vmem>> -> memref<80xi32, #tpu.memory_space<vmem>>
    %dma_wait3A_84 = arith.constant 0 : i32
    %dma_wait3A_85 = arith.constant 0 : i32
    %dma_wait3A_86 = tpu.memref_slice %arg8[%dma_wait3A_84, %dma_wait3A_85] : memref<10240x128xf32, #tpu.memory_space<vmem_shared>> -> memref<10240x128xf32, #tpu.memory_space<vmem_shared>>
    tpu.wait_indirect_dma semaphore(%arg10 : memref<!tpu.dma_semaphore, #tpu.memory_space<semaphore_mem>>) src(%dma_wait3A_80 : memref<80x128xf32, #tpu.memory_space<vmem>>) dst(%dma_wait3A_86 : memref<10240x128xf32, #tpu.memory_space<vmem_shared>>)
    %barrier3A_87 = arith.constant 0 : index
    tpu.barrier barrier_id(%barrier3A_87)
    %mul3A_88 = arith.constant 640 : i32
    %mul3A_89 = arith.muli %arg1, %mul3A_88 : i32
    %mul3A_90 = arith.constant 640 : i32
    %mul3A_91 = arith.muli %arg1, %mul3A_90 : i32
    "tpu.region"() ({
      %run_scoped3A = tpu.sem_alloc : memref<!tpu.dma_semaphore, #tpu.memory_space<semaphore_mem>>
      %dma_start3A_92 = arith.constant 0 : i32
      %dma_start3A_93 = tpu.memref_slice %arg5[%arg0, %mul3A_91, %dma_start3A_92] : memref<2x10240x128xf32, #tpu.memory_space<hbm>> -> memref<1x640x128xf32, #tpu.memory_space<hbm>>
      %dma_start3A_94 = tpu.memref_squeeze %dma_start3A_93 : memref<1x640x128xf32, #tpu.memory_space<hbm>> -> memref<640x128xf32, #tpu.memory_space<hbm>>
      %dma_start3A_95 = arith.constant 0 : i32
      %dma_start3A_96 = tpu.memref_slice %arg8[%mul3A_89, %dma_start3A_95] : memref<10240x128xf32, #tpu.memory_space<vmem_shared>> -> memref<640x128xf32, #tpu.memory_space<vmem_shared>>
      tpu.enqueue_dma source(%dma_start3A_96 : memref<640x128xf32, #tpu.memory_space<vmem_shared>>) target(%dma_start3A_94 : memref<640x128xf32, #tpu.memory_space<hbm>>) target_semaphore(%run_scoped3A : memref<!tpu.dma_semaphore, #tpu.memory_space<semaphore_mem>>)
      %dma_wait3A_97 = arith.constant 0 : i32
      %dma_wait3A_98 = tpu.memref_slice %arg5[%arg0, %mul3A_91, %dma_wait3A_97] : memref<2x10240x128xf32, #tpu.memory_space<hbm>> -> memref<1x640x128xf32, #tpu.memory_space<hbm>>
      %dma_wait3A_99 = tpu.memref_squeeze %dma_wait3A_98 : memref<1x640x128xf32, #tpu.memory_space<hbm>> -> memref<640x128xf32, #tpu.memory_space<hbm>>
      %dma_wait3A_100 = arith.constant 0 : i32
      %dma_wait3A_101 = tpu.memref_slice %arg8[%mul3A_89, %dma_wait3A_100] : memref<10240x128xf32, #tpu.memory_space<vmem_shared>> -> memref<640x128xf32, #tpu.memory_space<vmem_shared>>
      tpu.wait_dma2 semaphore(%run_scoped3A : memref<!tpu.dma_semaphore, #tpu.memory_space<semaphore_mem>>) src(%dma_wait3A_101 : memref<640x128xf32, #tpu.memory_space<vmem_shared>>) dst(%dma_wait3A_99 : memref<640x128xf32, #tpu.memory_space<hbm>>)
      tpu.yield
    }) : () -> ()
    return
  }
}

#map = affine_map<(d0, d1) -> (0, 0)>
#map1 = affine_map<(d0, d1) -> (0)>
module attributes {stable_mosaic.version = 14 : i64} {
  func.func @k(%arg0: i32, %arg1: i32, %arg2: memref<10240x128xf32, #tpu.memory_space<hbm>>, %arg3: memref<10240xi32, #tpu.memory_space<hbm>>, %arg4: memref<10240x128xf32, #tpu.memory_space<hbm>>, %arg5: memref<320xi32, #tpu.memory_space<vmem>>, %arg6: memref<320x128xf32, #tpu.memory_space<vmem>>, %arg7: memref<!tpu.dma_semaphore, #tpu.memory_space<semaphore_mem>>) attributes {dimension_semantics = [#tpu.dimension_semantics<core_parallel>, #tpu.dimension_semantics<subcore_parallel>], iteration_bounds = array<i64: 2, 16>, scalar_prefetch = 0 : i64, scratch_operands = 3 : i64, tpu.core_type = #tpu.core_type<sc_vector_subcore>, window_params = [{transform_indices = #map}, {transform_indices = #map1}, {transform_indices = #map}]} {
    %mul3A = arith.constant 2 : i32
    %mul3A_0 = arith.muli %arg1, %mul3A : i32
    %add3A = arith.addi %mul3A_0, %arg0 : i32
    %mul3A_1 = arith.constant 320 : i32
    %mul3A_2 = arith.muli %add3A, %mul3A_1 : i32
    "tpu.region"() ({
      %run_scoped3A = tpu.sem_alloc : memref<!tpu.dma_semaphore, #tpu.memory_space<semaphore_mem>>
      %dma_start3A_65 = tpu.memref_slice %arg3[%mul3A_2] : memref<10240xi32, #tpu.memory_space<hbm>> -> memref<320xi32, #tpu.memory_space<hbm>>
      %dma_start3A_66 = tpu.memref_slice %arg3[%mul3A_2] : memref<10240xi32, #tpu.memory_space<hbm>> -> memref<320xi32, #tpu.memory_space<hbm>>
      tpu.enqueue_dma source(%dma_start3A_66 : memref<320xi32, #tpu.memory_space<hbm>>) target(%arg5 : memref<320xi32, #tpu.memory_space<vmem>>) target_semaphore(%run_scoped3A : memref<!tpu.dma_semaphore, #tpu.memory_space<semaphore_mem>>)
      %dma_wait3A_67 = tpu.memref_slice %arg3[%mul3A_2] : memref<10240xi32, #tpu.memory_space<hbm>> -> memref<320xi32, #tpu.memory_space<hbm>>
      %dma_wait3A_68 = tpu.memref_slice %arg3[%mul3A_2] : memref<10240xi32, #tpu.memory_space<hbm>> -> memref<320xi32, #tpu.memory_space<hbm>>
      tpu.wait_dma2 semaphore(%run_scoped3A : memref<!tpu.dma_semaphore, #tpu.memory_space<semaphore_mem>>) src(%dma_wait3A_68 : memref<320xi32, #tpu.memory_space<hbm>>) dst(%arg5 : memref<320xi32, #tpu.memory_space<vmem>>)
      tpu.yield
    }) : () -> ()
    %dma_start3A = arith.constant 0 : i32
    %dma_start3A_3 = arith.constant 0 : i32
    %dma_start3A_4 = tpu.memref_slice %arg6[%dma_start3A, %dma_start3A_3] : memref<320x128xf32, #tpu.memory_space<vmem>> -> memref<80x128xf32, #tpu.memory_space<vmem>>
    %dma_start3A_5 = arith.constant 0 : i32
    %dma_start3A_6 = tpu.memref_slice %arg5[%dma_start3A_5] : memref<320xi32, #tpu.memory_space<vmem>> -> memref<80xi32, #tpu.memory_space<vmem>>
    %dma_start3A_7 = arith.constant 0 : i32
    %dma_start3A_8 = arith.constant 0 : i32
    %dma_start3A_9 = tpu.memref_slice %arg2[%dma_start3A_7, %dma_start3A_8] : memref<10240x128xf32, #tpu.memory_space<hbm>> -> memref<10240x128xf32, #tpu.memory_space<hbm>>
    tpu.enqueue_indirect_dma source(%dma_start3A_9 : memref<10240x128xf32, #tpu.memory_space<hbm>>) target(%dma_start3A_4 : memref<80x128xf32, #tpu.memory_space<vmem>>) offsets(%dma_start3A_6 : memref<80xi32, #tpu.memory_space<vmem>>) semaphore(%arg7 : memref<!tpu.dma_semaphore, #tpu.memory_space<semaphore_mem>>)
    %dma_start3A_10 = arith.constant 80 : i32
    %dma_start3A_11 = arith.constant 0 : i32
    %dma_start3A_12 = tpu.memref_slice %arg6[%dma_start3A_10, %dma_start3A_11] : memref<320x128xf32, #tpu.memory_space<vmem>> -> memref<80x128xf32, #tpu.memory_space<vmem>>
    %dma_start3A_13 = arith.constant 80 : i32
    %dma_start3A_14 = tpu.memref_slice %arg5[%dma_start3A_13] : memref<320xi32, #tpu.memory_space<vmem>> -> memref<80xi32, #tpu.memory_space<vmem>>
    %dma_start3A_15 = arith.constant 0 : i32
    %dma_start3A_16 = arith.constant 0 : i32
    %dma_start3A_17 = tpu.memref_slice %arg2[%dma_start3A_15, %dma_start3A_16] : memref<10240x128xf32, #tpu.memory_space<hbm>> -> memref<10240x128xf32, #tpu.memory_space<hbm>>
    tpu.enqueue_indirect_dma source(%dma_start3A_17 : memref<10240x128xf32, #tpu.memory_space<hbm>>) target(%dma_start3A_12 : memref<80x128xf32, #tpu.memory_space<vmem>>) offsets(%dma_start3A_14 : memref<80xi32, #tpu.memory_space<vmem>>) semaphore(%arg7 : memref<!tpu.dma_semaphore, #tpu.memory_space<semaphore_mem>>)
    %dma_start3A_18 = arith.constant 160 : i32
    %dma_start3A_19 = arith.constant 0 : i32
    %dma_start3A_20 = tpu.memref_slice %arg6[%dma_start3A_18, %dma_start3A_19] : memref<320x128xf32, #tpu.memory_space<vmem>> -> memref<80x128xf32, #tpu.memory_space<vmem>>
    %dma_start3A_21 = arith.constant 160 : i32
    %dma_start3A_22 = tpu.memref_slice %arg5[%dma_start3A_21] : memref<320xi32, #tpu.memory_space<vmem>> -> memref<80xi32, #tpu.memory_space<vmem>>
    %dma_start3A_23 = arith.constant 0 : i32
    %dma_start3A_24 = arith.constant 0 : i32
    %dma_start3A_25 = tpu.memref_slice %arg2[%dma_start3A_23, %dma_start3A_24] : memref<10240x128xf32, #tpu.memory_space<hbm>> -> memref<10240x128xf32, #tpu.memory_space<hbm>>
    tpu.enqueue_indirect_dma source(%dma_start3A_25 : memref<10240x128xf32, #tpu.memory_space<hbm>>) target(%dma_start3A_20 : memref<80x128xf32, #tpu.memory_space<vmem>>) offsets(%dma_start3A_22 : memref<80xi32, #tpu.memory_space<vmem>>) semaphore(%arg7 : memref<!tpu.dma_semaphore, #tpu.memory_space<semaphore_mem>>)
    %dma_start3A_26 = arith.constant 240 : i32
    %dma_start3A_27 = arith.constant 0 : i32
    %dma_start3A_28 = tpu.memref_slice %arg6[%dma_start3A_26, %dma_start3A_27] : memref<320x128xf32, #tpu.memory_space<vmem>> -> memref<80x128xf32, #tpu.memory_space<vmem>>
    %dma_start3A_29 = arith.constant 240 : i32
    %dma_start3A_30 = tpu.memref_slice %arg5[%dma_start3A_29] : memref<320xi32, #tpu.memory_space<vmem>> -> memref<80xi32, #tpu.memory_space<vmem>>
    %dma_start3A_31 = arith.constant 0 : i32
    %dma_start3A_32 = arith.constant 0 : i32
    %dma_start3A_33 = tpu.memref_slice %arg2[%dma_start3A_31, %dma_start3A_32] : memref<10240x128xf32, #tpu.memory_space<hbm>> -> memref<10240x128xf32, #tpu.memory_space<hbm>>
    tpu.enqueue_indirect_dma source(%dma_start3A_33 : memref<10240x128xf32, #tpu.memory_space<hbm>>) target(%dma_start3A_28 : memref<80x128xf32, #tpu.memory_space<vmem>>) offsets(%dma_start3A_30 : memref<80xi32, #tpu.memory_space<vmem>>) semaphore(%arg7 : memref<!tpu.dma_semaphore, #tpu.memory_space<semaphore_mem>>)
    %dma_wait3A = arith.constant 0 : i32
    %dma_wait3A_34 = arith.constant 0 : i32
    %dma_wait3A_35 = tpu.memref_slice %arg6[%dma_wait3A, %dma_wait3A_34] : memref<320x128xf32, #tpu.memory_space<vmem>> -> memref<80x128xf32, #tpu.memory_space<vmem>>
    %dma_wait3A_36 = arith.constant 0 : i32
    %dma_wait3A_37 = tpu.memref_slice %arg5[%dma_wait3A_36] : memref<320xi32, #tpu.memory_space<vmem>> -> memref<80xi32, #tpu.memory_space<vmem>>
    %dma_wait3A_38 = arith.constant 0 : i32
    %dma_wait3A_39 = arith.constant 0 : i32
    %dma_wait3A_40 = tpu.memref_slice %arg2[%dma_wait3A_38, %dma_wait3A_39] : memref<10240x128xf32, #tpu.memory_space<hbm>> -> memref<10240x128xf32, #tpu.memory_space<hbm>>
    tpu.wait_indirect_dma semaphore(%arg7 : memref<!tpu.dma_semaphore, #tpu.memory_space<semaphore_mem>>) src(%dma_wait3A_40 : memref<10240x128xf32, #tpu.memory_space<hbm>>) dst(%dma_wait3A_35 : memref<80x128xf32, #tpu.memory_space<vmem>>)
    %dma_wait3A_41 = arith.constant 80 : i32
    %dma_wait3A_42 = arith.constant 0 : i32
    %dma_wait3A_43 = tpu.memref_slice %arg6[%dma_wait3A_41, %dma_wait3A_42] : memref<320x128xf32, #tpu.memory_space<vmem>> -> memref<80x128xf32, #tpu.memory_space<vmem>>
    %dma_wait3A_44 = arith.constant 80 : i32
    %dma_wait3A_45 = tpu.memref_slice %arg5[%dma_wait3A_44] : memref<320xi32, #tpu.memory_space<vmem>> -> memref<80xi32, #tpu.memory_space<vmem>>
    %dma_wait3A_46 = arith.constant 0 : i32
    %dma_wait3A_47 = arith.constant 0 : i32
    %dma_wait3A_48 = tpu.memref_slice %arg2[%dma_wait3A_46, %dma_wait3A_47] : memref<10240x128xf32, #tpu.memory_space<hbm>> -> memref<10240x128xf32, #tpu.memory_space<hbm>>
    tpu.wait_indirect_dma semaphore(%arg7 : memref<!tpu.dma_semaphore, #tpu.memory_space<semaphore_mem>>) src(%dma_wait3A_48 : memref<10240x128xf32, #tpu.memory_space<hbm>>) dst(%dma_wait3A_43 : memref<80x128xf32, #tpu.memory_space<vmem>>)
    %dma_wait3A_49 = arith.constant 160 : i32
    %dma_wait3A_50 = arith.constant 0 : i32
    %dma_wait3A_51 = tpu.memref_slice %arg6[%dma_wait3A_49, %dma_wait3A_50] : memref<320x128xf32, #tpu.memory_space<vmem>> -> memref<80x128xf32, #tpu.memory_space<vmem>>
    %dma_wait3A_52 = arith.constant 160 : i32
    %dma_wait3A_53 = tpu.memref_slice %arg5[%dma_wait3A_52] : memref<320xi32, #tpu.memory_space<vmem>> -> memref<80xi32, #tpu.memory_space<vmem>>
    %dma_wait3A_54 = arith.constant 0 : i32
    %dma_wait3A_55 = arith.constant 0 : i32
    %dma_wait3A_56 = tpu.memref_slice %arg2[%dma_wait3A_54, %dma_wait3A_55] : memref<10240x128xf32, #tpu.memory_space<hbm>> -> memref<10240x128xf32, #tpu.memory_space<hbm>>
    tpu.wait_indirect_dma semaphore(%arg7 : memref<!tpu.dma_semaphore, #tpu.memory_space<semaphore_mem>>) src(%dma_wait3A_56 : memref<10240x128xf32, #tpu.memory_space<hbm>>) dst(%dma_wait3A_51 : memref<80x128xf32, #tpu.memory_space<vmem>>)
    %dma_wait3A_57 = arith.constant 240 : i32
    %dma_wait3A_58 = arith.constant 0 : i32
    %dma_wait3A_59 = tpu.memref_slice %arg6[%dma_wait3A_57, %dma_wait3A_58] : memref<320x128xf32, #tpu.memory_space<vmem>> -> memref<80x128xf32, #tpu.memory_space<vmem>>
    %dma_wait3A_60 = arith.constant 240 : i32
    %dma_wait3A_61 = tpu.memref_slice %arg5[%dma_wait3A_60] : memref<320xi32, #tpu.memory_space<vmem>> -> memref<80xi32, #tpu.memory_space<vmem>>
    %dma_wait3A_62 = arith.constant 0 : i32
    %dma_wait3A_63 = arith.constant 0 : i32
    %dma_wait3A_64 = tpu.memref_slice %arg2[%dma_wait3A_62, %dma_wait3A_63] : memref<10240x128xf32, #tpu.memory_space<hbm>> -> memref<10240x128xf32, #tpu.memory_space<hbm>>
    tpu.wait_indirect_dma semaphore(%arg7 : memref<!tpu.dma_semaphore, #tpu.memory_space<semaphore_mem>>) src(%dma_wait3A_64 : memref<10240x128xf32, #tpu.memory_space<hbm>>) dst(%dma_wait3A_59 : memref<80x128xf32, #tpu.memory_space<vmem>>)
    "tpu.region"() ({
      %run_scoped3A = tpu.sem_alloc : memref<!tpu.dma_semaphore, #tpu.memory_space<semaphore_mem>>
      %dma_start3A_65 = arith.constant 0 : i32
      %dma_start3A_66 = tpu.memref_slice %arg4[%mul3A_2, %dma_start3A_65] : memref<10240x128xf32, #tpu.memory_space<hbm>> -> memref<320x128xf32, #tpu.memory_space<hbm>>
      %dma_start3A_67 = arith.constant 0 : i32
      %dma_start3A_68 = tpu.memref_slice %arg4[%mul3A_2, %dma_start3A_67] : memref<10240x128xf32, #tpu.memory_space<hbm>> -> memref<320x128xf32, #tpu.memory_space<hbm>>
      tpu.enqueue_dma source(%arg6 : memref<320x128xf32, #tpu.memory_space<vmem>>) target(%dma_start3A_68 : memref<320x128xf32, #tpu.memory_space<hbm>>) target_semaphore(%run_scoped3A : memref<!tpu.dma_semaphore, #tpu.memory_space<semaphore_mem>>)
      %dma_wait3A_69 = arith.constant 0 : i32
      %dma_wait3A_70 = tpu.memref_slice %arg4[%mul3A_2, %dma_wait3A_69] : memref<10240x128xf32, #tpu.memory_space<hbm>> -> memref<320x128xf32, #tpu.memory_space<hbm>>
      %dma_wait3A_71 = arith.constant 0 : i32
      %dma_wait3A_72 = tpu.memref_slice %arg4[%mul3A_2, %dma_wait3A_71] : memref<10240x128xf32, #tpu.memory_space<hbm>> -> memref<320x128xf32, #tpu.memory_space<hbm>>
      tpu.wait_dma2 semaphore(%run_scoped3A : memref<!tpu.dma_semaphore, #tpu.memory_space<semaphore_mem>>) src(%arg6 : memref<320x128xf32, #tpu.memory_space<vmem>>) dst(%dma_wait3A_72 : memref<320x128xf32, #tpu.memory_space<hbm>>)
      tpu.yield
    }) : () -> ()
    return
  }
}

#map = affine_map<(d0, d1) -> (0, 0)>
#map1 = affine_map<(d0, d1) -> (0, 0, 0)>
module attributes {stable_mosaic.version = 14 : i64} {
  func.func @k(%arg0: i32, %arg1: i32, %arg2: memref<10240x128xf32, #tpu.memory_space<hbm>>, %arg3: memref<32x4x80xi32, #tpu.memory_space<hbm>>, %arg4: memref<640x128xf32, #tpu.memory_space<hbm>>, %arg5: memref<2x10240x128xf32, #tpu.memory_space<hbm>>, %arg6: memref<4x80xi32, #tpu.memory_space<vmem>>, %arg7: memref<320x128xf32, #tpu.memory_space<vmem>>, %arg8: memref<10240x128xf32, #tpu.memory_space<vmem_shared>>, %arg9: memref<!tpu.dma_semaphore, #tpu.memory_space<semaphore_mem>>, %arg10: memref<!tpu.dma_semaphore, #tpu.memory_space<semaphore_mem>>) attributes {dimension_semantics = [#tpu.dimension_semantics<core_parallel>, #tpu.dimension_semantics<subcore_parallel>], iteration_bounds = array<i64: 2, 16>, scalar_prefetch = 0 : i64, scratch_operands = 5 : i64, tpu.core_type = #tpu.core_type<sc_vector_subcore>, window_params = [{transform_indices = #map}, {transform_indices = #map1}, {transform_indices = #map}, {transform_indices = #map1}]} {
    %mul3A = arith.constant 2 : i32
    %mul3A_0 = arith.muli %arg1, %mul3A : i32
    %add3A = arith.addi %mul3A_0, %arg0 : i32
    %mul3A_1 = arith.constant 320 : i32
    %mul3A_2 = arith.muli %add3A, %mul3A_1 : i32
    %mul3A_3 = arith.constant 640 : i32
    %mul3A_4 = arith.muli %arg1, %mul3A_3 : i32
    %dma_start3A = arith.constant 0 : i32
    %dma_start3A_5 = tpu.memref_slice %arg8[%mul3A_4, %dma_start3A] : memref<10240x128xf32, #tpu.memory_space<vmem_shared>> -> memref<640x128xf32, #tpu.memory_space<vmem_shared>>
    tpu.enqueue_dma source(%arg4 : memref<640x128xf32, #tpu.memory_space<hbm>>) target(%dma_start3A_5 : memref<640x128xf32, #tpu.memory_space<vmem_shared>>) target_semaphore(%arg9 : memref<!tpu.dma_semaphore, #tpu.memory_space<semaphore_mem>>)
    "tpu.region"() ({
      %run_scoped3A = tpu.sem_alloc : memref<!tpu.dma_semaphore, #tpu.memory_space<semaphore_mem>>
      %dma_start3A_92 = arith.constant 0 : i32
      %dma_start3A_93 = arith.constant 0 : i32
      %dma_start3A_94 = tpu.memref_slice %arg3[%add3A, %dma_start3A_92, %dma_start3A_93] : memref<32x4x80xi32, #tpu.memory_space<hbm>> -> memref<1x4x80xi32, #tpu.memory_space<hbm>>
      %dma_start3A_95 = tpu.memref_squeeze %dma_start3A_94 : memref<1x4x80xi32, #tpu.memory_space<hbm>> -> memref<4x80xi32, #tpu.memory_space<hbm>>
      %dma_start3A_96 = arith.constant 0 : i32
      %dma_start3A_97 = arith.constant 0 : i32
      %dma_start3A_98 = tpu.memref_slice %arg3[%add3A, %dma_start3A_96, %dma_start3A_97] : memref<32x4x80xi32, #tpu.memory_space<hbm>> -> memref<1x4x80xi32, #tpu.memory_space<hbm>>
      %dma_start3A_99 = tpu.memref_squeeze %dma_start3A_98 : memref<1x4x80xi32, #tpu.memory_space<hbm>> -> memref<4x80xi32, #tpu.memory_space<hbm>>
      tpu.enqueue_dma source(%dma_start3A_99 : memref<4x80xi32, #tpu.memory_space<hbm>>) target(%arg6 : memref<4x80xi32, #tpu.memory_space<vmem>>) target_semaphore(%run_scoped3A : memref<!tpu.dma_semaphore, #tpu.memory_space<semaphore_mem>>)
      %dma_wait3A_100 = arith.constant 0 : i32
      %dma_wait3A_101 = arith.constant 0 : i32
      %dma_wait3A_102 = tpu.memref_slice %arg3[%add3A, %dma_wait3A_100, %dma_wait3A_101] : memref<32x4x80xi32, #tpu.memory_space<hbm>> -> memref<1x4x80xi32, #tpu.memory_space<hbm>>
      %dma_wait3A_103 = tpu.memref_squeeze %dma_wait3A_102 : memref<1x4x80xi32, #tpu.memory_space<hbm>> -> memref<4x80xi32, #tpu.memory_space<hbm>>
      %dma_wait3A_104 = arith.constant 0 : i32
      %dma_wait3A_105 = arith.constant 0 : i32
      %dma_wait3A_106 = tpu.memref_slice %arg3[%add3A, %dma_wait3A_104, %dma_wait3A_105] : memref<32x4x80xi32, #tpu.memory_space<hbm>> -> memref<1x4x80xi32, #tpu.memory_space<hbm>>
      %dma_wait3A_107 = tpu.memref_squeeze %dma_wait3A_106 : memref<1x4x80xi32, #tpu.memory_space<hbm>> -> memref<4x80xi32, #tpu.memory_space<hbm>>
      tpu.wait_dma2 semaphore(%run_scoped3A : memref<!tpu.dma_semaphore, #tpu.memory_space<semaphore_mem>>) src(%dma_wait3A_107 : memref<4x80xi32, #tpu.memory_space<hbm>>) dst(%arg6 : memref<4x80xi32, #tpu.memory_space<vmem>>)
      tpu.yield
    }) : () -> ()
    "tpu.region"() ({
      %run_scoped3A = tpu.sem_alloc : memref<!tpu.dma_semaphore, #tpu.memory_space<semaphore_mem>>
      %dma_start3A_92 = arith.constant 0 : i32
      %dma_start3A_93 = tpu.memref_slice %arg2[%mul3A_2, %dma_start3A_92] : memref<10240x128xf32, #tpu.memory_space<hbm>> -> memref<320x128xf32, #tpu.memory_space<hbm>>
      %dma_start3A_94 = arith.constant 0 : i32
      %dma_start3A_95 = tpu.memref_slice %arg2[%mul3A_2, %dma_start3A_94] : memref<10240x128xf32, #tpu.memory_space<hbm>> -> memref<320x128xf32, #tpu.memory_space<hbm>>
      tpu.enqueue_dma source(%dma_start3A_95 : memref<320x128xf32, #tpu.memory_space<hbm>>) target(%arg7 : memref<320x128xf32, #tpu.memory_space<vmem>>) target_semaphore(%run_scoped3A : memref<!tpu.dma_semaphore, #tpu.memory_space<semaphore_mem>>)
      %dma_wait3A_96 = arith.constant 0 : i32
      %dma_wait3A_97 = tpu.memref_slice %arg2[%mul3A_2, %dma_wait3A_96] : memref<10240x128xf32, #tpu.memory_space<hbm>> -> memref<320x128xf32, #tpu.memory_space<hbm>>
      %dma_wait3A_98 = arith.constant 0 : i32
      %dma_wait3A_99 = tpu.memref_slice %arg2[%mul3A_2, %dma_wait3A_98] : memref<10240x128xf32, #tpu.memory_space<hbm>> -> memref<320x128xf32, #tpu.memory_space<hbm>>
      tpu.wait_dma2 semaphore(%run_scoped3A : memref<!tpu.dma_semaphore, #tpu.memory_space<semaphore_mem>>) src(%dma_wait3A_99 : memref<320x128xf32, #tpu.memory_space<hbm>>) dst(%arg7 : memref<320x128xf32, #tpu.memory_space<vmem>>)
      tpu.yield
    }) : () -> ()
    %dma_wait3A = arith.constant 0 : i32
    %dma_wait3A_6 = tpu.memref_slice %arg8[%mul3A_4, %dma_wait3A] : memref<10240x128xf32, #tpu.memory_space<vmem_shared>> -> memref<640x128xf32, #tpu.memory_space<vmem_shared>>
    tpu.wait_dma2 semaphore(%arg9 : memref<!tpu.dma_semaphore, #tpu.memory_space<semaphore_mem>>) src(%arg4 : memref<640x128xf32, #tpu.memory_space<hbm>>) dst(%dma_wait3A_6 : memref<640x128xf32, #tpu.memory_space<vmem_shared>>)
    %barrier3A = arith.constant 0 : index
    tpu.barrier barrier_id(%barrier3A)
    %dma_start3A_7 = arith.constant 0 : i32
    %dma_start3A_8 = arith.constant 0 : i32
    %dma_start3A_9 = arith.constant 0 : i32
    %dma_start3A_10 = tpu.memref_slice %arg7[%dma_start3A_8, %dma_start3A_9] : memref<320x128xf32, #tpu.memory_space<vmem>> -> memref<80x128xf32, #tpu.memory_space<vmem>>
    %dma_start3A_11 = arith.constant 0 : i32
    %dma_start3A_12 = tpu.memref_slice %arg6[%dma_start3A_7, %dma_start3A_11] : memref<4x80xi32, #tpu.memory_space<vmem>> -> memref<1x80xi32, #tpu.memory_space<vmem>>
    %dma_start3A_13 = tpu.memref_squeeze %dma_start3A_12 : memref<1x80xi32, #tpu.memory_space<vmem>> -> memref<80xi32, #tpu.memory_space<vmem>>
    %dma_start3A_14 = arith.constant 0 : i32
    %dma_start3A_15 = arith.constant 0 : i32
    %dma_start3A_16 = tpu.memref_slice %arg8[%dma_start3A_14, %dma_start3A_15] : memref<10240x128xf32, #tpu.memory_space<vmem_shared>> -> memref<10240x128xf32, #tpu.memory_space<vmem_shared>>
    tpu.enqueue_indirect_dma source(%dma_start3A_10 : memref<80x128xf32, #tpu.memory_space<vmem>>) target(%dma_start3A_16 : memref<10240x128xf32, #tpu.memory_space<vmem_shared>>) offsets(%dma_start3A_13 : memref<80xi32, #tpu.memory_space<vmem>>) semaphore(%arg10 : memref<!tpu.dma_semaphore, #tpu.memory_space<semaphore_mem>>) {add = true}
    %dma_start3A_17 = arith.constant 1 : i32
    %dma_start3A_18 = arith.constant 80 : i32
    %dma_start3A_19 = arith.constant 0 : i32
    %dma_start3A_20 = tpu.memref_slice %arg7[%dma_start3A_18, %dma_start3A_19] : memref<320x128xf32, #tpu.memory_space<vmem>> -> memref<80x128xf32, #tpu.memory_space<vmem>>
    %dma_start3A_21 = arith.constant 0 : i32
    %dma_start3A_22 = tpu.memref_slice %arg6[%dma_start3A_17, %dma_start3A_21] : memref<4x80xi32, #tpu.memory_space<vmem>> -> memref<1x80xi32, #tpu.memory_space<vmem>>
    %dma_start3A_23 = tpu.memref_squeeze %dma_start3A_22 : memref<1x80xi32, #tpu.memory_space<vmem>> -> memref<80xi32, #tpu.memory_space<vmem>>
    %dma_start3A_24 = arith.constant 0 : i32
    %dma_start3A_25 = arith.constant 0 : i32
    %dma_start3A_26 = tpu.memref_slice %arg8[%dma_start3A_24, %dma_start3A_25] : memref<10240x128xf32, #tpu.memory_space<vmem_shared>> -> memref<10240x128xf32, #tpu.memory_space<vmem_shared>>
    tpu.enqueue_indirect_dma source(%dma_start3A_20 : memref<80x128xf32, #tpu.memory_space<vmem>>) target(%dma_start3A_26 : memref<10240x128xf32, #tpu.memory_space<vmem_shared>>) offsets(%dma_start3A_23 : memref<80xi32, #tpu.memory_space<vmem>>) semaphore(%arg10 : memref<!tpu.dma_semaphore, #tpu.memory_space<semaphore_mem>>) {add = true}
    %dma_start3A_27 = arith.constant 2 : i32
    %dma_start3A_28 = arith.constant 160 : i32
    %dma_start3A_29 = arith.constant 0 : i32
    %dma_start3A_30 = tpu.memref_slice %arg7[%dma_start3A_28, %dma_start3A_29] : memref<320x128xf32, #tpu.memory_space<vmem>> -> memref<80x128xf32, #tpu.memory_space<vmem>>
    %dma_start3A_31 = arith.constant 0 : i32
    %dma_start3A_32 = tpu.memref_slice %arg6[%dma_start3A_27, %dma_start3A_31] : memref<4x80xi32, #tpu.memory_space<vmem>> -> memref<1x80xi32, #tpu.memory_space<vmem>>
    %dma_start3A_33 = tpu.memref_squeeze %dma_start3A_32 : memref<1x80xi32, #tpu.memory_space<vmem>> -> memref<80xi32, #tpu.memory_space<vmem>>
    %dma_start3A_34 = arith.constant 0 : i32
    %dma_start3A_35 = arith.constant 0 : i32
    %dma_start3A_36 = tpu.memref_slice %arg8[%dma_start3A_34, %dma_start3A_35] : memref<10240x128xf32, #tpu.memory_space<vmem_shared>> -> memref<10240x128xf32, #tpu.memory_space<vmem_shared>>
    tpu.enqueue_indirect_dma source(%dma_start3A_30 : memref<80x128xf32, #tpu.memory_space<vmem>>) target(%dma_start3A_36 : memref<10240x128xf32, #tpu.memory_space<vmem_shared>>) offsets(%dma_start3A_33 : memref<80xi32, #tpu.memory_space<vmem>>) semaphore(%arg10 : memref<!tpu.dma_semaphore, #tpu.memory_space<semaphore_mem>>) {add = true}
    %dma_start3A_37 = arith.constant 3 : i32
    %dma_start3A_38 = arith.constant 240 : i32
    %dma_start3A_39 = arith.constant 0 : i32
    %dma_start3A_40 = tpu.memref_slice %arg7[%dma_start3A_38, %dma_start3A_39] : memref<320x128xf32, #tpu.memory_space<vmem>> -> memref<80x128xf32, #tpu.memory_space<vmem>>
    %dma_start3A_41 = arith.constant 0 : i32
    %dma_start3A_42 = tpu.memref_slice %arg6[%dma_start3A_37, %dma_start3A_41] : memref<4x80xi32, #tpu.memory_space<vmem>> -> memref<1x80xi32, #tpu.memory_space<vmem>>
    %dma_start3A_43 = tpu.memref_squeeze %dma_start3A_42 : memref<1x80xi32, #tpu.memory_space<vmem>> -> memref<80xi32, #tpu.memory_space<vmem>>
    %dma_start3A_44 = arith.constant 0 : i32
    %dma_start3A_45 = arith.constant 0 : i32
    %dma_start3A_46 = tpu.memref_slice %arg8[%dma_start3A_44, %dma_start3A_45] : memref<10240x128xf32, #tpu.memory_space<vmem_shared>> -> memref<10240x128xf32, #tpu.memory_space<vmem_shared>>
    tpu.enqueue_indirect_dma source(%dma_start3A_40 : memref<80x128xf32, #tpu.memory_space<vmem>>) target(%dma_start3A_46 : memref<10240x128xf32, #tpu.memory_space<vmem_shared>>) offsets(%dma_start3A_43 : memref<80xi32, #tpu.memory_space<vmem>>) semaphore(%arg10 : memref<!tpu.dma_semaphore, #tpu.memory_space<semaphore_mem>>) {add = true}
    %dma_wait3A_47 = arith.constant 0 : i32
    %dma_wait3A_48 = arith.constant 0 : i32
    %dma_wait3A_49 = arith.constant 0 : i32
    %dma_wait3A_50 = tpu.memref_slice %arg7[%dma_wait3A_48, %dma_wait3A_49] : memref<320x128xf32, #tpu.memory_space<vmem>> -> memref<80x128xf32, #tpu.memory_space<vmem>>
    %dma_wait3A_51 = arith.constant 0 : i32
    %dma_wait3A_52 = tpu.memref_slice %arg6[%dma_wait3A_47, %dma_wait3A_51] : memref<4x80xi32, #tpu.memory_space<vmem>> -> memref<1x80xi32, #tpu.memory_space<vmem>>
    %dma_wait3A_53 = tpu.memref_squeeze %dma_wait3A_52 : memref<1x80xi32, #tpu.memory_space<vmem>> -> memref<80xi32, #tpu.memory_space<vmem>>
    %dma_wait3A_54 = arith.constant 0 : i32
    %dma_wait3A_55 = arith.constant 0 : i32
    %dma_wait3A_56 = tpu.memref_slice %arg8[%dma_wait3A_54, %dma_wait3A_55] : memref<10240x128xf32, #tpu.memory_space<vmem_shared>> -> memref<10240x128xf32, #tpu.memory_space<vmem_shared>>
    tpu.wait_indirect_dma semaphore(%arg10 : memref<!tpu.dma_semaphore, #tpu.memory_space<semaphore_mem>>) src(%dma_wait3A_50 : memref<80x128xf32, #tpu.memory_space<vmem>>) dst(%dma_wait3A_56 : memref<10240x128xf32, #tpu.memory_space<vmem_shared>>)
    %dma_wait3A_57 = arith.constant 1 : i32
    %dma_wait3A_58 = arith.constant 80 : i32
    %dma_wait3A_59 = arith.constant 0 : i32
    %dma_wait3A_60 = tpu.memref_slice %arg7[%dma_wait3A_58, %dma_wait3A_59] : memref<320x128xf32, #tpu.memory_space<vmem>> -> memref<80x128xf32, #tpu.memory_space<vmem>>
    %dma_wait3A_61 = arith.constant 0 : i32
    %dma_wait3A_62 = tpu.memref_slice %arg6[%dma_wait3A_57, %dma_wait3A_61] : memref<4x80xi32, #tpu.memory_space<vmem>> -> memref<1x80xi32, #tpu.memory_space<vmem>>
    %dma_wait3A_63 = tpu.memref_squeeze %dma_wait3A_62 : memref<1x80xi32, #tpu.memory_space<vmem>> -> memref<80xi32, #tpu.memory_space<vmem>>
    %dma_wait3A_64 = arith.constant 0 : i32
    %dma_wait3A_65 = arith.constant 0 : i32
    %dma_wait3A_66 = tpu.memref_slice %arg8[%dma_wait3A_64, %dma_wait3A_65] : memref<10240x128xf32, #tpu.memory_space<vmem_shared>> -> memref<10240x128xf32, #tpu.memory_space<vmem_shared>>
    tpu.wait_indirect_dma semaphore(%arg10 : memref<!tpu.dma_semaphore, #tpu.memory_space<semaphore_mem>>) src(%dma_wait3A_60 : memref<80x128xf32, #tpu.memory_space<vmem>>) dst(%dma_wait3A_66 : memref<10240x128xf32, #tpu.memory_space<vmem_shared>>)
    %dma_wait3A_67 = arith.constant 2 : i32
    %dma_wait3A_68 = arith.constant 160 : i32
    %dma_wait3A_69 = arith.constant 0 : i32
    %dma_wait3A_70 = tpu.memref_slice %arg7[%dma_wait3A_68, %dma_wait3A_69] : memref<320x128xf32, #tpu.memory_space<vmem>> -> memref<80x128xf32, #tpu.memory_space<vmem>>
    %dma_wait3A_71 = arith.constant 0 : i32
    %dma_wait3A_72 = tpu.memref_slice %arg6[%dma_wait3A_67, %dma_wait3A_71] : memref<4x80xi32, #tpu.memory_space<vmem>> -> memref<1x80xi32, #tpu.memory_space<vmem>>
    %dma_wait3A_73 = tpu.memref_squeeze %dma_wait3A_72 : memref<1x80xi32, #tpu.memory_space<vmem>> -> memref<80xi32, #tpu.memory_space<vmem>>
    %dma_wait3A_74 = arith.constant 0 : i32
    %dma_wait3A_75 = arith.constant 0 : i32
    %dma_wait3A_76 = tpu.memref_slice %arg8[%dma_wait3A_74, %dma_wait3A_75] : memref<10240x128xf32, #tpu.memory_space<vmem_shared>> -> memref<10240x128xf32, #tpu.memory_space<vmem_shared>>
    tpu.wait_indirect_dma semaphore(%arg10 : memref<!tpu.dma_semaphore, #tpu.memory_space<semaphore_mem>>) src(%dma_wait3A_70 : memref<80x128xf32, #tpu.memory_space<vmem>>) dst(%dma_wait3A_76 : memref<10240x128xf32, #tpu.memory_space<vmem_shared>>)
    %dma_wait3A_77 = arith.constant 3 : i32
    %dma_wait3A_78 = arith.constant 240 : i32
    %dma_wait3A_79 = arith.constant 0 : i32
    %dma_wait3A_80 = tpu.memref_slice %arg7[%dma_wait3A_78, %dma_wait3A_79] : memref<320x128xf32, #tpu.memory_space<vmem>> -> memref<80x128xf32, #tpu.memory_space<vmem>>
    %dma_wait3A_81 = arith.constant 0 : i32
    %dma_wait3A_82 = tpu.memref_slice %arg6[%dma_wait3A_77, %dma_wait3A_81] : memref<4x80xi32, #tpu.memory_space<vmem>> -> memref<1x80xi32, #tpu.memory_space<vmem>>
    %dma_wait3A_83 = tpu.memref_squeeze %dma_wait3A_82 : memref<1x80xi32, #tpu.memory_space<vmem>> -> memref<80xi32, #tpu.memory_space<vmem>>
    %dma_wait3A_84 = arith.constant 0 : i32
    %dma_wait3A_85 = arith.constant 0 : i32
    %dma_wait3A_86 = tpu.memref_slice %arg8[%dma_wait3A_84, %dma_wait3A_85] : memref<10240x128xf32, #tpu.memory_space<vmem_shared>> -> memref<10240x128xf32, #tpu.memory_space<vmem_shared>>
    tpu.wait_indirect_dma semaphore(%arg10 : memref<!tpu.dma_semaphore, #tpu.memory_space<semaphore_mem>>) src(%dma_wait3A_80 : memref<80x128xf32, #tpu.memory_space<vmem>>) dst(%dma_wait3A_86 : memref<10240x128xf32, #tpu.memory_space<vmem_shared>>)
    %barrier3A_87 = arith.constant 0 : index
    tpu.barrier barrier_id(%barrier3A_87)
    %mul3A_88 = arith.constant 640 : i32
    %mul3A_89 = arith.muli %arg1, %mul3A_88 : i32
    %mul3A_90 = arith.constant 640 : i32
    %mul3A_91 = arith.muli %arg1, %mul3A_90 : i32
    "tpu.region"() ({
      %run_scoped3A = tpu.sem_alloc : memref<!tpu.dma_semaphore, #tpu.memory_space<semaphore_mem>>
      %dma_start3A_92 = arith.constant 0 : i32
      %dma_start3A_93 = tpu.memref_slice %arg5[%arg0, %mul3A_91, %dma_start3A_92] : memref<2x10240x128xf32, #tpu.memory_space<hbm>> -> memref<1x640x128xf32, #tpu.memory_space<hbm>>
      %dma_start3A_94 = tpu.memref_squeeze %dma_start3A_93 : memref<1x640x128xf32, #tpu.memory_space<hbm>> -> memref<640x128xf32, #tpu.memory_space<hbm>>
      %dma_start3A_95 = arith.constant 0 : i32
      %dma_start3A_96 = tpu.memref_slice %arg8[%mul3A_89, %dma_start3A_95] : memref<10240x128xf32, #tpu.memory_space<vmem_shared>> -> memref<640x128xf32, #tpu.memory_space<vmem_shared>>
      tpu.enqueue_dma source(%dma_start3A_96 : memref<640x128xf32, #tpu.memory_space<vmem_shared>>) target(%dma_start3A_94 : memref<640x128xf32, #tpu.memory_space<hbm>>) target_semaphore(%run_scoped3A : memref<!tpu.dma_semaphore, #tpu.memory_space<semaphore_mem>>)
      %dma_wait3A_97 = arith.constant 0 : i32
      %dma_wait3A_98 = tpu.memref_slice %arg5[%arg0, %mul3A_91, %dma_wait3A_97] : memref<2x10240x128xf32, #tpu.memory_space<hbm>> -> memref<1x640x128xf32, #tpu.memory_space<hbm>>
      %dma_wait3A_99 = tpu.memref_squeeze %dma_wait3A_98 : memref<1x640x128xf32, #tpu.memory_space<hbm>> -> memref<640x128xf32, #tpu.memory_space<hbm>>
      %dma_wait3A_100 = arith.constant 0 : i32
      %dma_wait3A_101 = tpu.memref_slice %arg8[%mul3A_89, %dma_wait3A_100] : memref<10240x128xf32, #tpu.memory_space<vmem_shared>> -> memref<640x128xf32, #tpu.memory_space<vmem_shared>>
      tpu.wait_dma2 semaphore(%run_scoped3A : memref<!tpu.dma_semaphore, #tpu.memory_space<semaphore_mem>>) src(%dma_wait3A_101 : memref<640x128xf32, #tpu.memory_space<vmem_shared>>) dst(%dma_wait3A_99 : memref<640x128xf32, #tpu.memory_space<hbm>>)
      tpu.yield
    }) : () -> ()
    return
  }
}

module attributes {stable_mosaic.version = 14 : i64} {
  func.func @body(%arg0: i32, %arg1: memref<16x512xf32, #tpu.memory_space<vmem>>, %arg2: memref<512x128xf32, #tpu.memory_space<vmem>>, %arg3: memref<90x16xf32, #tpu.memory_space<vmem>>, %arg4: memref<90x1xf32, #tpu.memory_space<vmem>>, %arg5: memref<3072x90xbf16, #tpu.memory_space<vmem>>, %arg6: memref<96x128xf32, #tpu.memory_space<vmem>>, %arg7: memref<512x128xf32, #tpu.memory_space<vmem>>) attributes {dimension_semantics = [#tpu.dimension_semantics<arbitrary>], iteration_bounds = array<i64: 20>, scalar_prefetch = 0 : i64, scratch_operands = 0 : i64, tpu.core_type = #tpu.core_type<tc>, window_params = [{transform_indices = @transform_0, window_bounds = array<i64: 16, 512>}, {transform_indices = @transform_1, window_bounds = array<i64: 512, 128>}, {pipeline_mode = #tpu.pipeline_mode<synchronous>, transform_indices = @transform_2, window_bounds = array<i64: 90, 16>}, {pipeline_mode = #tpu.pipeline_mode<synchronous>, transform_indices = @transform_3, window_bounds = array<i64: 90, 1>}, {pipeline_mode = #tpu.pipeline_mode<synchronous>, transform_indices = @transform_4, window_bounds = array<i64: 3072, 90>}, {pipeline_mode = #tpu.pipeline_mode<synchronous>, transform_indices = @transform_5, window_bounds = array<i64: 96, 128>}, {transform_indices = @transform_6, window_bounds = array<i64: 512, 128>}]} {
    %get3A = arith.constant 0 : index
    %get3A_0 = arith.constant 0 : index
    %get3A_1 = vector.load %arg3[%get3A, %get3A_0] : memref<90x16xf32, #tpu.memory_space<vmem>>, vector<90x16xf32>
    %get3A_2 = arith.constant 0 : index
    %get3A_3 = arith.constant 0 : index
    %get3A_4 = vector.load %arg1[%get3A_2, %get3A_3] : memref<16x512xf32, #tpu.memory_space<vmem>>, vector<16x512xf32>
    %dot_general3A = arith.constant dense<0.000000e+00> : vector<90x512xf32>
    %dot_general3A_5 = tpu.matmul %get3A_1, %get3A_4, %dot_general3A {dimension_numbers = #tpu.dot_dimension_numbers<[1], [0], [0], [1], [0, 0, 1, 1], [], []>, transpose_lhs_hint = false} : vector<90x16xf32>, vector<16x512xf32>, vector<90x512xf32> -> vector<90x512xf32>
    %get3A_6 = arith.constant 0 : index
    %get3A_7 = arith.constant 0 : index
    %get3A_8 = vector.load %arg4[%get3A_6, %get3A_7] : memref<90x1xf32, #tpu.memory_space<vmem>>, vector<90x1xf32>
    %add3A = vector.broadcast %get3A_8 : vector<90x1xf32> to vector<90x512xf32>
    %add3A_9 = arith.addf %dot_general3A_5, %add3A : vector<90x512xf32>
    %max3A = arith.constant 0.000000e+00 : f32
    %max3A_10 = vector.broadcast %max3A : f32 to vector<90x512xf32>
    %max3A_11 = arith.maximumf %add3A_9, %max3A_10 : vector<90x512xf32>
    %convert_element_type3A = arith.truncf %max3A_11 : vector<90x512xf32> to vector<90x512xbf16>
    %get3A_12 = arith.constant 0 : index
    %get3A_13 = arith.constant 0 : index
    %get3A_14 = vector.load %arg2[%get3A_12, %get3A_13] : memref<512x128xf32, #tpu.memory_space<vmem>>, vector<512x128xf32>
    %transpose3A = tpu.transpose %get3A_14, [1, 0] : vector<512x128xf32> -> vector<128x512xf32>
    %convert_element_type3A_15 = arith.truncf %transpose3A : vector<128x512xf32> to vector<128x512xbf16>
    %convert_element_type3A_16 = arith.extf %convert_element_type3A_15 : vector<128x512xbf16> to vector<128x512xf32>
    %get3A_17 = arith.constant 0 : index
    %get3A_18 = arith.constant 0 : index
    %get3A_19 = vector.load %arg6[%get3A_17, %get3A_18] : memref<96x128xf32, #tpu.memory_space<vmem>>, vector<96x128xf32>
    %dot_general3A_20 = arith.constant dense<0.000000e+00> : vector<96x512xf32>
    %dot_general3A_21 = tpu.matmul %get3A_19, %transpose3A, %dot_general3A_20 {dimension_numbers = #tpu.dot_dimension_numbers<[1], [0], [0], [1], [0, 0, 1, 1], [], []>, transpose_lhs_hint = false} : vector<96x128xf32>, vector<128x512xf32>, vector<96x512xf32> -> vector<96x512xf32>
    %get3A_22 = arith.constant 0 : index
    %get3A_23 = arith.constant 0 : index
    %get3A_24 = vector.load %arg5[%get3A_22, %get3A_23] : memref<3072x90xbf16, #tpu.memory_space<vmem>>, vector<192x90xbf16>
    %dot_general3A_25 = arith.constant dense<0.000000e+00> : vector<192x512xf32>
    %dot_general3A_26 = tpu.matmul %get3A_24, %convert_element_type3A, %dot_general3A_25 {dimension_numbers = #tpu.dot_dimension_numbers<[1], [0], [0], [1], [0, 0, 1, 1], [], []>, transpose_lhs_hint = false} : vector<192x90xbf16>, vector<90x512xbf16>, vector<192x512xf32> -> vector<192x512xf32>
    %convert_element_type3A_27 = arith.truncf %dot_general3A_26 : vector<192x512xf32> to vector<192x512xbf16>
    %convert_element_type3A_28 = arith.extf %convert_element_type3A_27 : vector<192x512xbf16> to vector<192x512xf32>
    %slice3A = vector.extract_strided_slice %convert_element_type3A_16 {offsets = [0, 0], sizes = [1, 512], strides = [1, 1]} : vector<128x512xf32> to vector<1x512xf32>
    %slice3A_29 = vector.extract_strided_slice %convert_element_type3A_28 {offsets = [0, 0], sizes = [96, 512], strides = [1, 1]} : vector<192x512xf32> to vector<96x512xf32>
    %mul3A = vector.broadcast %slice3A : vector<1x512xf32> to vector<96x512xf32>
    %mul3A_30 = arith.mulf %mul3A, %slice3A_29 : vector<96x512xf32>
    %add3A_31 = arith.addf %dot_general3A_21, %mul3A_30 : vector<96x512xf32>
    %slice3A_32 = vector.extract_strided_slice %convert_element_type3A_16 {offsets = [1, 0], sizes = [1, 512], strides = [1, 1]} : vector<128x512xf32> to vector<1x512xf32>
    %slice3A_33 = vector.extract_strided_slice %convert_element_type3A_28 {offsets = [96, 0], sizes = [96, 512], strides = [1, 1]} : vector<192x512xf32> to vector<96x512xf32>
    %mul3A_34 = vector.broadcast %slice3A_32 : vector<1x512xf32> to vector<96x512xf32>
    %mul3A_35 = arith.mulf %mul3A_34, %slice3A_33 : vector<96x512xf32>
    %add3A_36 = arith.addf %add3A_31, %mul3A_35 : vector<96x512xf32>
    %get3A_37 = arith.constant 192 : index
    %get3A_38 = arith.constant 0 : index
    %get3A_39 = vector.load %arg5[%get3A_37, %get3A_38] : memref<3072x90xbf16, #tpu.memory_space<vmem>>, vector<192x90xbf16>
    %dot_general3A_40 = arith.constant dense<0.000000e+00> : vector<192x512xf32>
    %dot_general3A_41 = tpu.matmul %get3A_39, %convert_element_type3A, %dot_general3A_40 {dimension_numbers = #tpu.dot_dimension_numbers<[1], [0], [0], [1], [0, 0, 1, 1], [], []>, transpose_lhs_hint = false} : vector<192x90xbf16>, vector<90x512xbf16>, vector<192x512xf32> -> vector<192x512xf32>
    %convert_element_type3A_42 = arith.truncf %dot_general3A_41 : vector<192x512xf32> to vector<192x512xbf16>
    %convert_element_type3A_43 = arith.extf %convert_element_type3A_42 : vector<192x512xbf16> to vector<192x512xf32>
    %slice3A_44 = vector.extract_strided_slice %convert_element_type3A_16 {offsets = [2, 0], sizes = [1, 512], strides = [1, 1]} : vector<128x512xf32> to vector<1x512xf32>
    %slice3A_45 = vector.extract_strided_slice %convert_element_type3A_43 {offsets = [0, 0], sizes = [96, 512], strides = [1, 1]} : vector<192x512xf32> to vector<96x512xf32>
    %mul3A_46 = vector.broadcast %slice3A_44 : vector<1x512xf32> to vector<96x512xf32>
    %mul3A_47 = arith.mulf %mul3A_46, %slice3A_45 : vector<96x512xf32>
    %add3A_48 = arith.addf %add3A_36, %mul3A_47 : vector<96x512xf32>
    %slice3A_49 = vector.extract_strided_slice %convert_element_type3A_16 {offsets = [3, 0], sizes = [1, 512], strides = [1, 1]} : vector<128x512xf32> to vector<1x512xf32>
    %slice3A_50 = vector.extract_strided_slice %convert_element_type3A_43 {offsets = [96, 0], sizes = [96, 512], strides = [1, 1]} : vector<192x512xf32> to vector<96x512xf32>
    %mul3A_51 = vector.broadcast %slice3A_49 : vector<1x512xf32> to vector<96x512xf32>
    %mul3A_52 = arith.mulf %mul3A_51, %slice3A_50 : vector<96x512xf32>
    %add3A_53 = arith.addf %add3A_48, %mul3A_52 : vector<96x512xf32>
    %get3A_54 = arith.constant 384 : index
    %get3A_55 = arith.constant 0 : index
    %get3A_56 = vector.load %arg5[%get3A_54, %get3A_55] : memref<3072x90xbf16, #tpu.memory_space<vmem>>, vector<192x90xbf16>
    %dot_general3A_57 = arith.constant dense<0.000000e+00> : vector<192x512xf32>
    %dot_general3A_58 = tpu.matmul %get3A_56, %convert_element_type3A, %dot_general3A_57 {dimension_numbers = #tpu.dot_dimension_numbers<[1], [0], [0], [1], [0, 0, 1, 1], [], []>, transpose_lhs_hint = false} : vector<192x90xbf16>, vector<90x512xbf16>, vector<192x512xf32> -> vector<192x512xf32>
    %convert_element_type3A_59 = arith.truncf %dot_general3A_58 : vector<192x512xf32> to vector<192x512xbf16>
    %convert_element_type3A_60 = arith.extf %convert_element_type3A_59 : vector<192x512xbf16> to vector<192x512xf32>
    %slice3A_61 = vector.extract_strided_slice %convert_element_type3A_16 {offsets = [4, 0], sizes = [1, 512], strides = [1, 1]} : vector<128x512xf32> to vector<1x512xf32>
    %slice3A_62 = vector.extract_strided_slice %convert_element_type3A_60 {offsets = [0, 0], sizes = [96, 512], strides = [1, 1]} : vector<192x512xf32> to vector<96x512xf32>
    %mul3A_63 = vector.broadcast %slice3A_61 : vector<1x512xf32> to vector<96x512xf32>
    %mul3A_64 = arith.mulf %mul3A_63, %slice3A_62 : vector<96x512xf32>
    %add3A_65 = arith.addf %add3A_53, %mul3A_64 : vector<96x512xf32>
    %slice3A_66 = vector.extract_strided_slice %convert_element_type3A_16 {offsets = [5, 0], sizes = [1, 512], strides = [1, 1]} : vector<128x512xf32> to vector<1x512xf32>
    %slice3A_67 = vector.extract_strided_slice %convert_element_type3A_60 {offsets = [96, 0], sizes = [96, 512], strides = [1, 1]} : vector<192x512xf32> to vector<96x512xf32>
    %mul3A_68 = vector.broadcast %slice3A_66 : vector<1x512xf32> to vector<96x512xf32>
    %mul3A_69 = arith.mulf %mul3A_68, %slice3A_67 : vector<96x512xf32>
    %add3A_70 = arith.addf %add3A_65, %mul3A_69 : vector<96x512xf32>
    %get3A_71 = arith.constant 576 : index
    %get3A_72 = arith.constant 0 : index
    %get3A_73 = vector.load %arg5[%get3A_71, %get3A_72] : memref<3072x90xbf16, #tpu.memory_space<vmem>>, vector<192x90xbf16>
    %dot_general3A_74 = arith.constant dense<0.000000e+00> : vector<192x512xf32>
    %dot_general3A_75 = tpu.matmul %get3A_73, %convert_element_type3A, %dot_general3A_74 {dimension_numbers = #tpu.dot_dimension_numbers<[1], [0], [0], [1], [0, 0, 1, 1], [], []>, transpose_lhs_hint = false} : vector<192x90xbf16>, vector<90x512xbf16>, vector<192x512xf32> -> vector<192x512xf32>
    %convert_element_type3A_76 = arith.truncf %dot_general3A_75 : vector<192x512xf32> to vector<192x512xbf16>
    %convert_element_type3A_77 = arith.extf %convert_element_type3A_76 : vector<192x512xbf16> to vector<192x512xf32>
    %slice3A_78 = vector.extract_strided_slice %convert_element_type3A_16 {offsets = [6, 0], sizes = [1, 512], strides = [1, 1]} : vector<128x512xf32> to vector<1x512xf32>
    %slice3A_79 = vector.extract_strided_slice %convert_element_type3A_77 {offsets = [0, 0], sizes = [96, 512], strides = [1, 1]} : vector<192x512xf32> to vector<96x512xf32>
    %mul3A_80 = vector.broadcast %slice3A_78 : vector<1x512xf32> to vector<96x512xf32>
    %mul3A_81 = arith.mulf %mul3A_80, %slice3A_79 : vector<96x512xf32>
    %add3A_82 = arith.addf %add3A_70, %mul3A_81 : vector<96x512xf32>
    %slice3A_83 = vector.extract_strided_slice %convert_element_type3A_16 {offsets = [7, 0], sizes = [1, 512], strides = [1, 1]} : vector<128x512xf32> to vector<1x512xf32>
    %slice3A_84 = vector.extract_strided_slice %convert_element_type3A_77 {offsets = [96, 0], sizes = [96, 512], strides = [1, 1]} : vector<192x512xf32> to vector<96x512xf32>
    %mul3A_85 = vector.broadcast %slice3A_83 : vector<1x512xf32> to vector<96x512xf32>
    %mul3A_86 = arith.mulf %mul3A_85, %slice3A_84 : vector<96x512xf32>
    %add3A_87 = arith.addf %add3A_82, %mul3A_86 : vector<96x512xf32>
    %get3A_88 = arith.constant 768 : index
    %get3A_89 = arith.constant 0 : index
    %get3A_90 = vector.load %arg5[%get3A_88, %get3A_89] : memref<3072x90xbf16, #tpu.memory_space<vmem>>, vector<192x90xbf16>
    %dot_general3A_91 = arith.constant dense<0.000000e+00> : vector<192x512xf32>
    %dot_general3A_92 = tpu.matmul %get3A_90, %convert_element_type3A, %dot_general3A_91 {dimension_numbers = #tpu.dot_dimension_numbers<[1], [0], [0], [1], [0, 0, 1, 1], [], []>, transpose_lhs_hint = false} : vector<192x90xbf16>, vector<90x512xbf16>, vector<192x512xf32> -> vector<192x512xf32>
    %convert_element_type3A_93 = arith.truncf %dot_general3A_92 : vector<192x512xf32> to vector<192x512xbf16>
    %convert_element_type3A_94 = arith.extf %convert_element_type3A_93 : vector<192x512xbf16> to vector<192x512xf32>
    %slice3A_95 = vector.extract_strided_slice %convert_element_type3A_16 {offsets = [8, 0], sizes = [1, 512], strides = [1, 1]} : vector<128x512xf32> to vector<1x512xf32>
    %slice3A_96 = vector.extract_strided_slice %convert_element_type3A_94 {offsets = [0, 0], sizes = [96, 512], strides = [1, 1]} : vector<192x512xf32> to vector<96x512xf32>
    %mul3A_97 = vector.broadcast %slice3A_95 : vector<1x512xf32> to vector<96x512xf32>
    %mul3A_98 = arith.mulf %mul3A_97, %slice3A_96 : vector<96x512xf32>
    %add3A_99 = arith.addf %add3A_87, %mul3A_98 : vector<96x512xf32>
    %slice3A_100 = vector.extract_strided_slice %convert_element_type3A_16 {offsets = [9, 0], sizes = [1, 512], strides = [1, 1]} : vector<128x512xf32> to vector<1x512xf32>
    %slice3A_101 = vector.extract_strided_slice %convert_element_type3A_94 {offsets = [96, 0], sizes = [96, 512], strides = [1, 1]} : vector<192x512xf32> to vector<96x512xf32>
    %mul3A_102 = vector.broadcast %slice3A_100 : vector<1x512xf32> to vector<96x512xf32>
    %mul3A_103 = arith.mulf %mul3A_102, %slice3A_101 : vector<96x512xf32>
    %add3A_104 = arith.addf %add3A_99, %mul3A_103 : vector<96x512xf32>
    %get3A_105 = arith.constant 960 : index
    %get3A_106 = arith.constant 0 : index
    %get3A_107 = vector.load %arg5[%get3A_105, %get3A_106] : memref<3072x90xbf16, #tpu.memory_space<vmem>>, vector<192x90xbf16>
    %dot_general3A_108 = arith.constant dense<0.000000e+00> : vector<192x512xf32>
    %dot_general3A_109 = tpu.matmul %get3A_107, %convert_element_type3A, %dot_general3A_108 {dimension_numbers = #tpu.dot_dimension_numbers<[1], [0], [0], [1], [0, 0, 1, 1], [], []>, transpose_lhs_hint = false} : vector<192x90xbf16>, vector<90x512xbf16>, vector<192x512xf32> -> vector<192x512xf32>
    %convert_element_type3A_110 = arith.truncf %dot_general3A_109 : vector<192x512xf32> to vector<192x512xbf16>
    %convert_element_type3A_111 = arith.extf %convert_element_type3A_110 : vector<192x512xbf16> to vector<192x512xf32>
    %slice3A_112 = vector.extract_strided_slice %convert_element_type3A_16 {offsets = [10, 0], sizes = [1, 512], strides = [1, 1]} : vector<128x512xf32> to vector<1x512xf32>
    %slice3A_113 = vector.extract_strided_slice %convert_element_type3A_111 {offsets = [0, 0], sizes = [96, 512], strides = [1, 1]} : vector<192x512xf32> to vector<96x512xf32>
    %mul3A_114 = vector.broadcast %slice3A_112 : vector<1x512xf32> to vector<96x512xf32>
    %mul3A_115 = arith.mulf %mul3A_114, %slice3A_113 : vector<96x512xf32>
    %add3A_116 = arith.addf %add3A_104, %mul3A_115 : vector<96x512xf32>
    %slice3A_117 = vector.extract_strided_slice %convert_element_type3A_16 {offsets = [11, 0], sizes = [1, 512], strides = [1, 1]} : vector<128x512xf32> to vector<1x512xf32>
    %slice3A_118 = vector.extract_strided_slice %convert_element_type3A_111 {offsets = [96, 0], sizes = [96, 512], strides = [1, 1]} : vector<192x512xf32> to vector<96x512xf32>
    %mul3A_119 = vector.broadcast %slice3A_117 : vector<1x512xf32> to vector<96x512xf32>
    %mul3A_120 = arith.mulf %mul3A_119, %slice3A_118 : vector<96x512xf32>
    %add3A_121 = arith.addf %add3A_116, %mul3A_120 : vector<96x512xf32>
    %get3A_122 = arith.constant 1152 : index
    %get3A_123 = arith.constant 0 : index
    %get3A_124 = vector.load %arg5[%get3A_122, %get3A_123] : memref<3072x90xbf16, #tpu.memory_space<vmem>>, vector<192x90xbf16>
    %dot_general3A_125 = arith.constant dense<0.000000e+00> : vector<192x512xf32>
    %dot_general3A_126 = tpu.matmul %get3A_124, %convert_element_type3A, %dot_general3A_125 {dimension_numbers = #tpu.dot_dimension_numbers<[1], [0], [0], [1], [0, 0, 1, 1], [], []>, transpose_lhs_hint = false} : vector<192x90xbf16>, vector<90x512xbf16>, vector<192x512xf32> -> vector<192x512xf32>
    %convert_element_type3A_127 = arith.truncf %dot_general3A_126 : vector<192x512xf32> to vector<192x512xbf16>
    %convert_element_type3A_128 = arith.extf %convert_element_type3A_127 : vector<192x512xbf16> to vector<192x512xf32>
    %slice3A_129 = vector.extract_strided_slice %convert_element_type3A_16 {offsets = [12, 0], sizes = [1, 512], strides = [1, 1]} : vector<128x512xf32> to vector<1x512xf32>
    %slice3A_130 = vector.extract_strided_slice %convert_element_type3A_128 {offsets = [0, 0], sizes = [96, 512], strides = [1, 1]} : vector<192x512xf32> to vector<96x512xf32>
    %mul3A_131 = vector.broadcast %slice3A_129 : vector<1x512xf32> to vector<96x512xf32>
    %mul3A_132 = arith.mulf %mul3A_131, %slice3A_130 : vector<96x512xf32>
    %add3A_133 = arith.addf %add3A_121, %mul3A_132 : vector<96x512xf32>
    %slice3A_134 = vector.extract_strided_slice %convert_element_type3A_16 {offsets = [13, 0], sizes = [1, 512], strides = [1, 1]} : vector<128x512xf32> to vector<1x512xf32>
    %slice3A_135 = vector.extract_strided_slice %convert_element_type3A_128 {offsets = [96, 0], sizes = [96, 512], strides = [1, 1]} : vector<192x512xf32> to vector<96x512xf32>
    %mul3A_136 = vector.broadcast %slice3A_134 : vector<1x512xf32> to vector<96x512xf32>
    %mul3A_137 = arith.mulf %mul3A_136, %slice3A_135 : vector<96x512xf32>
    %add3A_138 = arith.addf %add3A_133, %mul3A_137 : vector<96x512xf32>
    %get3A_139 = arith.constant 1344 : index
    %get3A_140 = arith.constant 0 : index
    %get3A_141 = vector.load %arg5[%get3A_139, %get3A_140] : memref<3072x90xbf16, #tpu.memory_space<vmem>>, vector<192x90xbf16>
    %dot_general3A_142 = arith.constant dense<0.000000e+00> : vector<192x512xf32>
    %dot_general3A_143 = tpu.matmul %get3A_141, %convert_element_type3A, %dot_general3A_142 {dimension_numbers = #tpu.dot_dimension_numbers<[1], [0], [0], [1], [0, 0, 1, 1], [], []>, transpose_lhs_hint = false} : vector<192x90xbf16>, vector<90x512xbf16>, vector<192x512xf32> -> vector<192x512xf32>
    %convert_element_type3A_144 = arith.truncf %dot_general3A_143 : vector<192x512xf32> to vector<192x512xbf16>
    %convert_element_type3A_145 = arith.extf %convert_element_type3A_144 : vector<192x512xbf16> to vector<192x512xf32>
    %slice3A_146 = vector.extract_strided_slice %convert_element_type3A_16 {offsets = [14, 0], sizes = [1, 512], strides = [1, 1]} : vector<128x512xf32> to vector<1x512xf32>
    %slice3A_147 = vector.extract_strided_slice %convert_element_type3A_145 {offsets = [0, 0], sizes = [96, 512], strides = [1, 1]} : vector<192x512xf32> to vector<96x512xf32>
    %mul3A_148 = vector.broadcast %slice3A_146 : vector<1x512xf32> to vector<96x512xf32>
    %mul3A_149 = arith.mulf %mul3A_148, %slice3A_147 : vector<96x512xf32>
    %add3A_150 = arith.addf %add3A_138, %mul3A_149 : vector<96x512xf32>
    %slice3A_151 = vector.extract_strided_slice %convert_element_type3A_16 {offsets = [15, 0], sizes = [1, 512], strides = [1, 1]} : vector<128x512xf32> to vector<1x512xf32>
    %slice3A_152 = vector.extract_strided_slice %convert_element_type3A_145 {offsets = [96, 0], sizes = [96, 512], strides = [1, 1]} : vector<192x512xf32> to vector<96x512xf32>
    %mul3A_153 = vector.broadcast %slice3A_151 : vector<1x512xf32> to vector<96x512xf32>
    %mul3A_154 = arith.mulf %mul3A_153, %slice3A_152 : vector<96x512xf32>
    %add3A_155 = arith.addf %add3A_150, %mul3A_154 : vector<96x512xf32>
    %get3A_156 = arith.constant 1536 : index
    %get3A_157 = arith.constant 0 : index
    %get3A_158 = vector.load %arg5[%get3A_156, %get3A_157] : memref<3072x90xbf16, #tpu.memory_space<vmem>>, vector<192x90xbf16>
    %dot_general3A_159 = arith.constant dense<0.000000e+00> : vector<192x512xf32>
    %dot_general3A_160 = tpu.matmul %get3A_158, %convert_element_type3A, %dot_general3A_159 {dimension_numbers = #tpu.dot_dimension_numbers<[1], [0], [0], [1], [0, 0, 1, 1], [], []>, transpose_lhs_hint = false} : vector<192x90xbf16>, vector<90x512xbf16>, vector<192x512xf32> -> vector<192x512xf32>
    %convert_element_type3A_161 = arith.truncf %dot_general3A_160 : vector<192x512xf32> to vector<192x512xbf16>
    %convert_element_type3A_162 = arith.extf %convert_element_type3A_161 : vector<192x512xbf16> to vector<192x512xf32>
    %slice3A_163 = vector.extract_strided_slice %convert_element_type3A_16 {offsets = [16, 0], sizes = [1, 512], strides = [1, 1]} : vector<128x512xf32> to vector<1x512xf32>
    %slice3A_164 = vector.extract_strided_slice %convert_element_type3A_162 {offsets = [0, 0], sizes = [96, 512], strides = [1, 1]} : vector<192x512xf32> to vector<96x512xf32>
    %mul3A_165 = vector.broadcast %slice3A_163 : vector<1x512xf32> to vector<96x512xf32>
    %mul3A_166 = arith.mulf %mul3A_165, %slice3A_164 : vector<96x512xf32>
    %add3A_167 = arith.addf %add3A_155, %mul3A_166 : vector<96x512xf32>
    %slice3A_168 = vector.extract_strided_slice %convert_element_type3A_16 {offsets = [17, 0], sizes = [1, 512], strides = [1, 1]} : vector<128x512xf32> to vector<1x512xf32>
    %slice3A_169 = vector.extract_strided_slice %convert_element_type3A_162 {offsets = [96, 0], sizes = [96, 512], strides = [1, 1]} : vector<192x512xf32> to vector<96x512xf32>
    %mul3A_170 = vector.broadcast %slice3A_168 : vector<1x512xf32> to vector<96x512xf32>
    %mul3A_171 = arith.mulf %mul3A_170, %slice3A_169 : vector<96x512xf32>
    %add3A_172 = arith.addf %add3A_167, %mul3A_171 : vector<96x512xf32>
    %get3A_173 = arith.constant 1728 : index
    %get3A_174 = arith.constant 0 : index
    %get3A_175 = vector.load %arg5[%get3A_173, %get3A_174] : memref<3072x90xbf16, #tpu.memory_space<vmem>>, vector<192x90xbf16>
    %dot_general3A_176 = arith.constant dense<0.000000e+00> : vector<192x512xf32>
    %dot_general3A_177 = tpu.matmul %get3A_175, %convert_element_type3A, %dot_general3A_176 {dimension_numbers = #tpu.dot_dimension_numbers<[1], [0], [0], [1], [0, 0, 1, 1], [], []>, transpose_lhs_hint = false} : vector<192x90xbf16>, vector<90x512xbf16>, vector<192x512xf32> -> vector<192x512xf32>
    %convert_element_type3A_178 = arith.truncf %dot_general3A_177 : vector<192x512xf32> to vector<192x512xbf16>
    %convert_element_type3A_179 = arith.extf %convert_element_type3A_178 : vector<192x512xbf16> to vector<192x512xf32>
    %slice3A_180 = vector.extract_strided_slice %convert_element_type3A_16 {offsets = [18, 0], sizes = [1, 512], strides = [1, 1]} : vector<128x512xf32> to vector<1x512xf32>
    %slice3A_181 = vector.extract_strided_slice %convert_element_type3A_179 {offsets = [0, 0], sizes = [96, 512], strides = [1, 1]} : vector<192x512xf32> to vector<96x512xf32>
    %mul3A_182 = vector.broadcast %slice3A_180 : vector<1x512xf32> to vector<96x512xf32>
    %mul3A_183 = arith.mulf %mul3A_182, %slice3A_181 : vector<96x512xf32>
    %add3A_184 = arith.addf %add3A_172, %mul3A_183 : vector<96x512xf32>
    %slice3A_185 = vector.extract_strided_slice %convert_element_type3A_16 {offsets = [19, 0], sizes = [1, 512], strides = [1, 1]} : vector<128x512xf32> to vector<1x512xf32>
    %slice3A_186 = vector.extract_strided_slice %convert_element_type3A_179 {offsets = [96, 0], sizes = [96, 512], strides = [1, 1]} : vector<192x512xf32> to vector<96x512xf32>
    %mul3A_187 = vector.broadcast %slice3A_185 : vector<1x512xf32> to vector<96x512xf32>
    %mul3A_188 = arith.mulf %mul3A_187, %slice3A_186 : vector<96x512xf32>
    %add3A_189 = arith.addf %add3A_184, %mul3A_188 : vector<96x512xf32>
    %get3A_190 = arith.constant 1920 : index
    %get3A_191 = arith.constant 0 : index
    %get3A_192 = vector.load %arg5[%get3A_190, %get3A_191] : memref<3072x90xbf16, #tpu.memory_space<vmem>>, vector<192x90xbf16>
    %dot_general3A_193 = arith.constant dense<0.000000e+00> : vector<192x512xf32>
    %dot_general3A_194 = tpu.matmul %get3A_192, %convert_element_type3A, %dot_general3A_193 {dimension_numbers = #tpu.dot_dimension_numbers<[1], [0], [0], [1], [0, 0, 1, 1], [], []>, transpose_lhs_hint = false} : vector<192x90xbf16>, vector<90x512xbf16>, vector<192x512xf32> -> vector<192x512xf32>
    %convert_element_type3A_195 = arith.truncf %dot_general3A_194 : vector<192x512xf32> to vector<192x512xbf16>
    %convert_element_type3A_196 = arith.extf %convert_element_type3A_195 : vector<192x512xbf16> to vector<192x512xf32>
    %slice3A_197 = vector.extract_strided_slice %convert_element_type3A_16 {offsets = [20, 0], sizes = [1, 512], strides = [1, 1]} : vector<128x512xf32> to vector<1x512xf32>
    %slice3A_198 = vector.extract_strided_slice %convert_element_type3A_196 {offsets = [0, 0], sizes = [96, 512], strides = [1, 1]} : vector<192x512xf32> to vector<96x512xf32>
    %mul3A_199 = vector.broadcast %slice3A_197 : vector<1x512xf32> to vector<96x512xf32>
    %mul3A_200 = arith.mulf %mul3A_199, %slice3A_198 : vector<96x512xf32>
    %add3A_201 = arith.addf %add3A_189, %mul3A_200 : vector<96x512xf32>
    %slice3A_202 = vector.extract_strided_slice %convert_element_type3A_16 {offsets = [21, 0], sizes = [1, 512], strides = [1, 1]} : vector<128x512xf32> to vector<1x512xf32>
    %slice3A_203 = vector.extract_strided_slice %convert_element_type3A_196 {offsets = [96, 0], sizes = [96, 512], strides = [1, 1]} : vector<192x512xf32> to vector<96x512xf32>
    %mul3A_204 = vector.broadcast %slice3A_202 : vector<1x512xf32> to vector<96x512xf32>
    %mul3A_205 = arith.mulf %mul3A_204, %slice3A_203 : vector<96x512xf32>
    %add3A_206 = arith.addf %add3A_201, %mul3A_205 : vector<96x512xf32>
    %get3A_207 = arith.constant 2112 : index
    %get3A_208 = arith.constant 0 : index
    %get3A_209 = vector.load %arg5[%get3A_207, %get3A_208] : memref<3072x90xbf16, #tpu.memory_space<vmem>>, vector<192x90xbf16>
    %dot_general3A_210 = arith.constant dense<0.000000e+00> : vector<192x512xf32>
    %dot_general3A_211 = tpu.matmul %get3A_209, %convert_element_type3A, %dot_general3A_210 {dimension_numbers = #tpu.dot_dimension_numbers<[1], [0], [0], [1], [0, 0, 1, 1], [], []>, transpose_lhs_hint = false} : vector<192x90xbf16>, vector<90x512xbf16>, vector<192x512xf32> -> vector<192x512xf32>
    %convert_element_type3A_212 = arith.truncf %dot_general3A_211 : vector<192x512xf32> to vector<192x512xbf16>
    %convert_element_type3A_213 = arith.extf %convert_element_type3A_212 : vector<192x512xbf16> to vector<192x512xf32>
    %slice3A_214 = vector.extract_strided_slice %convert_element_type3A_16 {offsets = [22, 0], sizes = [1, 512], strides = [1, 1]} : vector<128x512xf32> to vector<1x512xf32>
    %slice3A_215 = vector.extract_strided_slice %convert_element_type3A_213 {offsets = [0, 0], sizes = [96, 512], strides = [1, 1]} : vector<192x512xf32> to vector<96x512xf32>
    %mul3A_216 = vector.broadcast %slice3A_214 : vector<1x512xf32> to vector<96x512xf32>
    %mul3A_217 = arith.mulf %mul3A_216, %slice3A_215 : vector<96x512xf32>
    %add3A_218 = arith.addf %add3A_206, %mul3A_217 : vector<96x512xf32>
    %slice3A_219 = vector.extract_strided_slice %convert_element_type3A_16 {offsets = [23, 0], sizes = [1, 512], strides = [1, 1]} : vector<128x512xf32> to vector<1x512xf32>
    %slice3A_220 = vector.extract_strided_slice %convert_element_type3A_213 {offsets = [96, 0], sizes = [96, 512], strides = [1, 1]} : vector<192x512xf32> to vector<96x512xf32>
    %mul3A_221 = vector.broadcast %slice3A_219 : vector<1x512xf32> to vector<96x512xf32>
    %mul3A_222 = arith.mulf %mul3A_221, %slice3A_220 : vector<96x512xf32>
    %add3A_223 = arith.addf %add3A_218, %mul3A_222 : vector<96x512xf32>
    %get3A_224 = arith.constant 2304 : index
    %get3A_225 = arith.constant 0 : index
    %get3A_226 = vector.load %arg5[%get3A_224, %get3A_225] : memref<3072x90xbf16, #tpu.memory_space<vmem>>, vector<192x90xbf16>
    %dot_general3A_227 = arith.constant dense<0.000000e+00> : vector<192x512xf32>
    %dot_general3A_228 = tpu.matmul %get3A_226, %convert_element_type3A, %dot_general3A_227 {dimension_numbers = #tpu.dot_dimension_numbers<[1], [0], [0], [1], [0, 0, 1, 1], [], []>, transpose_lhs_hint = false} : vector<192x90xbf16>, vector<90x512xbf16>, vector<192x512xf32> -> vector<192x512xf32>
    %convert_element_type3A_229 = arith.truncf %dot_general3A_228 : vector<192x512xf32> to vector<192x512xbf16>
    %convert_element_type3A_230 = arith.extf %convert_element_type3A_229 : vector<192x512xbf16> to vector<192x512xf32>
    %slice3A_231 = vector.extract_strided_slice %convert_element_type3A_16 {offsets = [24, 0], sizes = [1, 512], strides = [1, 1]} : vector<128x512xf32> to vector<1x512xf32>
    %slice3A_232 = vector.extract_strided_slice %convert_element_type3A_230 {offsets = [0, 0], sizes = [96, 512], strides = [1, 1]} : vector<192x512xf32> to vector<96x512xf32>
    %mul3A_233 = vector.broadcast %slice3A_231 : vector<1x512xf32> to vector<96x512xf32>
    %mul3A_234 = arith.mulf %mul3A_233, %slice3A_232 : vector<96x512xf32>
    %add3A_235 = arith.addf %add3A_223, %mul3A_234 : vector<96x512xf32>
    %slice3A_236 = vector.extract_strided_slice %convert_element_type3A_16 {offsets = [25, 0], sizes = [1, 512], strides = [1, 1]} : vector<128x512xf32> to vector<1x512xf32>
    %slice3A_237 = vector.extract_strided_slice %convert_element_type3A_230 {offsets = [96, 0], sizes = [96, 512], strides = [1, 1]} : vector<192x512xf32> to vector<96x512xf32>
    %mul3A_238 = vector.broadcast %slice3A_236 : vector<1x512xf32> to vector<96x512xf32>
    %mul3A_239 = arith.mulf %mul3A_238, %slice3A_237 : vector<96x512xf32>
    %add3A_240 = arith.addf %add3A_235, %mul3A_239 : vector<96x512xf32>
    %get3A_241 = arith.constant 2496 : index
    %get3A_242 = arith.constant 0 : index
    %get3A_243 = vector.load %arg5[%get3A_241, %get3A_242] : memref<3072x90xbf16, #tpu.memory_space<vmem>>, vector<192x90xbf16>
    %dot_general3A_244 = arith.constant dense<0.000000e+00> : vector<192x512xf32>
    %dot_general3A_245 = tpu.matmul %get3A_243, %convert_element_type3A, %dot_general3A_244 {dimension_numbers = #tpu.dot_dimension_numbers<[1], [0], [0], [1], [0, 0, 1, 1], [], []>, transpose_lhs_hint = false} : vector<192x90xbf16>, vector<90x512xbf16>, vector<192x512xf32> -> vector<192x512xf32>
    %convert_element_type3A_246 = arith.truncf %dot_general3A_245 : vector<192x512xf32> to vector<192x512xbf16>
    %convert_element_type3A_247 = arith.extf %convert_element_type3A_246 : vector<192x512xbf16> to vector<192x512xf32>
    %slice3A_248 = vector.extract_strided_slice %convert_element_type3A_16 {offsets = [26, 0], sizes = [1, 512], strides = [1, 1]} : vector<128x512xf32> to vector<1x512xf32>
    %slice3A_249 = vector.extract_strided_slice %convert_element_type3A_247 {offsets = [0, 0], sizes = [96, 512], strides = [1, 1]} : vector<192x512xf32> to vector<96x512xf32>
    %mul3A_250 = vector.broadcast %slice3A_248 : vector<1x512xf32> to vector<96x512xf32>
    %mul3A_251 = arith.mulf %mul3A_250, %slice3A_249 : vector<96x512xf32>
    %add3A_252 = arith.addf %add3A_240, %mul3A_251 : vector<96x512xf32>
    %slice3A_253 = vector.extract_strided_slice %convert_element_type3A_16 {offsets = [27, 0], sizes = [1, 512], strides = [1, 1]} : vector<128x512xf32> to vector<1x512xf32>
    %slice3A_254 = vector.extract_strided_slice %convert_element_type3A_247 {offsets = [96, 0], sizes = [96, 512], strides = [1, 1]} : vector<192x512xf32> to vector<96x512xf32>
    %mul3A_255 = vector.broadcast %slice3A_253 : vector<1x512xf32> to vector<96x512xf32>
    %mul3A_256 = arith.mulf %mul3A_255, %slice3A_254 : vector<96x512xf32>
    %add3A_257 = arith.addf %add3A_252, %mul3A_256 : vector<96x512xf32>
    %get3A_258 = arith.constant 2688 : index
    %get3A_259 = arith.constant 0 : index
    %get3A_260 = vector.load %arg5[%get3A_258, %get3A_259] : memref<3072x90xbf16, #tpu.memory_space<vmem>>, vector<192x90xbf16>
    %dot_general3A_261 = arith.constant dense<0.000000e+00> : vector<192x512xf32>
    %dot_general3A_262 = tpu.matmul %get3A_260, %convert_element_type3A, %dot_general3A_261 {dimension_numbers = #tpu.dot_dimension_numbers<[1], [0], [0], [1], [0, 0, 1, 1], [], []>, transpose_lhs_hint = false} : vector<192x90xbf16>, vector<90x512xbf16>, vector<192x512xf32> -> vector<192x512xf32>
    %convert_element_type3A_263 = arith.truncf %dot_general3A_262 : vector<192x512xf32> to vector<192x512xbf16>
    %convert_element_type3A_264 = arith.extf %convert_element_type3A_263 : vector<192x512xbf16> to vector<192x512xf32>
    %slice3A_265 = vector.extract_strided_slice %convert_element_type3A_16 {offsets = [28, 0], sizes = [1, 512], strides = [1, 1]} : vector<128x512xf32> to vector<1x512xf32>
    %slice3A_266 = vector.extract_strided_slice %convert_element_type3A_264 {offsets = [0, 0], sizes = [96, 512], strides = [1, 1]} : vector<192x512xf32> to vector<96x512xf32>
    %mul3A_267 = vector.broadcast %slice3A_265 : vector<1x512xf32> to vector<96x512xf32>
    %mul3A_268 = arith.mulf %mul3A_267, %slice3A_266 : vector<96x512xf32>
    %add3A_269 = arith.addf %add3A_257, %mul3A_268 : vector<96x512xf32>
    %slice3A_270 = vector.extract_strided_slice %convert_element_type3A_16 {offsets = [29, 0], sizes = [1, 512], strides = [1, 1]} : vector<128x512xf32> to vector<1x512xf32>
    %slice3A_271 = vector.extract_strided_slice %convert_element_type3A_264 {offsets = [96, 0], sizes = [96, 512], strides = [1, 1]} : vector<192x512xf32> to vector<96x512xf32>
    %mul3A_272 = vector.broadcast %slice3A_270 : vector<1x512xf32> to vector<96x512xf32>
    %mul3A_273 = arith.mulf %mul3A_272, %slice3A_271 : vector<96x512xf32>
    %add3A_274 = arith.addf %add3A_269, %mul3A_273 : vector<96x512xf32>
    %get3A_275 = arith.constant 2880 : index
    %get3A_276 = arith.constant 0 : index
    %get3A_277 = vector.load %arg5[%get3A_275, %get3A_276] : memref<3072x90xbf16, #tpu.memory_space<vmem>>, vector<192x90xbf16>
    %dot_general3A_278 = arith.constant dense<0.000000e+00> : vector<192x512xf32>
    %dot_general3A_279 = tpu.matmul %get3A_277, %convert_element_type3A, %dot_general3A_278 {dimension_numbers = #tpu.dot_dimension_numbers<[1], [0], [0], [1], [0, 0, 1, 1], [], []>, transpose_lhs_hint = false} : vector<192x90xbf16>, vector<90x512xbf16>, vector<192x512xf32> -> vector<192x512xf32>
    %convert_element_type3A_280 = arith.truncf %dot_general3A_279 : vector<192x512xf32> to vector<192x512xbf16>
    %convert_element_type3A_281 = arith.extf %convert_element_type3A_280 : vector<192x512xbf16> to vector<192x512xf32>
    %slice3A_282 = vector.extract_strided_slice %convert_element_type3A_16 {offsets = [30, 0], sizes = [1, 512], strides = [1, 1]} : vector<128x512xf32> to vector<1x512xf32>
    %slice3A_283 = vector.extract_strided_slice %convert_element_type3A_281 {offsets = [0, 0], sizes = [96, 512], strides = [1, 1]} : vector<192x512xf32> to vector<96x512xf32>
    %mul3A_284 = vector.broadcast %slice3A_282 : vector<1x512xf32> to vector<96x512xf32>
    %mul3A_285 = arith.mulf %mul3A_284, %slice3A_283 : vector<96x512xf32>
    %add3A_286 = arith.addf %add3A_274, %mul3A_285 : vector<96x512xf32>
    %slice3A_287 = vector.extract_strided_slice %convert_element_type3A_16 {offsets = [31, 0], sizes = [1, 512], strides = [1, 1]} : vector<128x512xf32> to vector<1x512xf32>
    %slice3A_288 = vector.extract_strided_slice %convert_element_type3A_281 {offsets = [96, 0], sizes = [96, 512], strides = [1, 1]} : vector<192x512xf32> to vector<96x512xf32>
    %mul3A_289 = vector.broadcast %slice3A_287 : vector<1x512xf32> to vector<96x512xf32>
    %mul3A_290 = arith.mulf %mul3A_289, %slice3A_288 : vector<96x512xf32>
    %add3A_291 = arith.addf %add3A_286, %mul3A_290 : vector<96x512xf32>
    %broadcast_in_dim3A = arith.constant 0.000000e+00 : f32
    %broadcast_in_dim3A_292 = vector.broadcast %broadcast_in_dim3A : f32 to vector<32x512xf32>
    %concatenate3A = tpu.concatenate %add3A_291, %broadcast_in_dim3A_292 in 0 : vector<96x512xf32>, vector<32x512xf32> -> vector<128x512xf32>
    %transpose3A_293 = tpu.transpose %concatenate3A, [1, 0] : vector<128x512xf32> -> vector<512x128xf32>
    %swap3A = arith.constant 0 : index
    %swap3A_294 = arith.constant 0 : index
    %swap3A_295 = vector.load %arg7[%swap3A, %swap3A_294] : memref<512x128xf32, #tpu.memory_space<vmem>>, vector<512x128xf32>
    tpu.vector_store %arg7[%swap3A, %swap3A_294], %transpose3A_293 {strides = array<i32>} : memref<512x128xf32, #tpu.memory_space<vmem>>, vector<512x128xf32>,
    return
  }
  func.func @transform_0(%arg0: i32) -> (i32, i32) {
    %c0_i32 = arith.constant 0 : i32
    %c0_i32_0 = arith.constant 0 : i32
    return %c0_i32, %arg0 : i32, i32
  }
  func.func @transform_1(%arg0: i32) -> (i32, i32) {
    %c0_i32 = arith.constant 0 : i32
    %c0_i32_0 = arith.constant 0 : i32
    return %arg0, %c0_i32 : i32, i32
  }
  func.func @transform_2(%arg0: i32) -> (i32, i32) {
    %c0_i32 = arith.constant 0 : i32
    %c0_i32_0 = arith.constant 0 : i32
    %c0_i32_1 = arith.constant 0 : i32
    return %c0_i32, %c0_i32_0 : i32, i32
  }
  func.func @transform_3(%arg0: i32) -> (i32, i32) {
    %c0_i32 = arith.constant 0 : i32
    %c0_i32_0 = arith.constant 0 : i32
    %c0_i32_1 = arith.constant 0 : i32
    return %c0_i32, %c0_i32_0 : i32, i32
  }
  func.func @transform_4(%arg0: i32) -> (i32, i32) {
    %c0_i32 = arith.constant 0 : i32
    %c0_i32_0 = arith.constant 0 : i32
    %c0_i32_1 = arith.constant 0 : i32
    return %c0_i32, %c0_i32_0 : i32, i32
  }
  func.func @transform_5(%arg0: i32) -> (i32, i32) {
    %c0_i32 = arith.constant 0 : i32
    %c0_i32_0 = arith.constant 0 : i32
    %c0_i32_1 = arith.constant 0 : i32
    return %c0_i32, %c0_i32_0 : i32, i32
  }
  func.func @transform_6(%arg0: i32) -> (i32, i32) {
    %c0_i32 = arith.constant 0 : i32
    %c0_i32_0 = arith.constant 0 : i32
    return %arg0, %c0_i32 : i32, i32
  }
}

module attributes {stable_mosaic.version = 14 : i64} {
  func.func @body(%arg0: i32, %arg1: memref<512x128xf32, #tpu.memory_space<vmem>>, %arg2: memref<1x512x128xf32, #tpu.memory_space<vmem>>, %arg3: memref<1x512x128xf32, #tpu.memory_space<vmem>>, %arg4: memref<128x128xf32, #tpu.memory_space<vmem>>, %arg5: memref<1x128xf32, #tpu.memory_space<vmem>>, %arg6: memref<512x128xf32, #tpu.memory_space<vmem>>) attributes {dimension_semantics = [#tpu.dimension_semantics<arbitrary>], iteration_bounds = array<i64: 20>, scalar_prefetch = 0 : i64, scratch_operands = 0 : i64, tpu.core_type = #tpu.core_type<tc>, window_params = [{transform_indices = @transform_0, window_bounds = array<i64: 512, 128>}, {transform_indices = @transform_1, window_bounds = array<i64: 1, 512, 128>}, {transform_indices = @transform_2, window_bounds = array<i64: 1, 512, 128>}, {pipeline_mode = #tpu.pipeline_mode<synchronous>, transform_indices = @transform_3, window_bounds = array<i64: 128, 128>}, {pipeline_mode = #tpu.pipeline_mode<synchronous>, transform_indices = @transform_4, window_bounds = array<i64: 1, 128>}, {transform_indices = @transform_5, window_bounds = array<i64: 512, 128>}]} {
    %get3A = arith.constant 0 : index
    %get3A_0 = arith.constant 0 : index
    %get3A_1 = vector.load %arg1[%get3A, %get3A_0] : memref<512x128xf32, #tpu.memory_space<vmem>>, vector<512x128xf32>
    %get3A_2 = arith.constant 0 : index
    %get3A_3 = arith.constant 0 : index
    %get3A_4 = vector.load %arg4[%get3A_2, %get3A_3] : memref<128x128xf32, #tpu.memory_space<vmem>>, vector<128x128xf32>
    %dot_general3A = arith.constant dense<0.000000e+00> : vector<512x128xf32>
    %dot_general3A_5 = tpu.matmul %get3A_1, %get3A_4, %dot_general3A {dimension_numbers = #tpu.dot_dimension_numbers<[1], [0], [0], [1], [0, 0, 1, 1], [], []>, transpose_lhs_hint = false} : vector<512x128xf32>, vector<128x128xf32>, vector<512x128xf32> -> vector<512x128xf32>
    %get3A_6 = arith.constant 0 : index
    %get3A_7 = arith.constant 0 : index
    %get3A_8 = arith.constant 0 : index
    %get3A_9 = vector.load %arg2[%get3A_6, %get3A_7, %get3A_8] : memref<1x512x128xf32, #tpu.memory_space<vmem>>, vector<1x512x128xf32>
    %get3A_10 = vector.shape_cast %get3A_9 : vector<1x512x128xf32> to vector<512x128xf32>
    %add3A = arith.addf %dot_general3A_5, %get3A_10 : vector<512x128xf32>
    %get3A_11 = arith.constant 0 : index
    %get3A_12 = arith.constant 0 : index
    %get3A_13 = arith.constant 0 : index
    %get3A_14 = vector.load %arg3[%get3A_11, %get3A_12, %get3A_13] : memref<1x512x128xf32, #tpu.memory_space<vmem>>, vector<1x512x128xf32>
    %get3A_15 = vector.shape_cast %get3A_14 : vector<1x512x128xf32> to vector<512x128xf32>
    %add3A_16 = arith.addf %add3A, %get3A_15 : vector<512x128xf32>
    %get3A_17 = arith.constant 0 : index
    %get3A_18 = arith.constant 0 : index
    %get3A_19 = vector.load %arg5[%get3A_17, %get3A_18] : memref<1x128xf32, #tpu.memory_space<vmem>>, vector<1x128xf32>
    %add3A_20 = vector.broadcast %get3A_19 : vector<1x128xf32> to vector<512x128xf32>
    %add3A_21 = arith.addf %add3A_16, %add3A_20 : vector<512x128xf32>
    %max3A = arith.constant 0.000000e+00 : f32
    %max3A_22 = vector.broadcast %max3A : f32 to vector<512x128xf32>
    %max3A_23 = arith.maximumf %add3A_21, %max3A_22 : vector<512x128xf32>
    %swap3A = arith.constant 0 : index
    %swap3A_24 = arith.constant 0 : index
    %swap3A_25 = vector.load %arg6[%swap3A, %swap3A_24] : memref<512x128xf32, #tpu.memory_space<vmem>>, vector<512x128xf32>
    tpu.vector_store %arg6[%swap3A, %swap3A_24], %max3A_23 {strides = array<i32>} : memref<512x128xf32, #tpu.memory_space<vmem>>, vector<512x128xf32>,
    return
  }
  func.func @transform_0(%arg0: i32) -> (i32, i32) {
    %c0_i32 = arith.constant 0 : i32
    %c0_i32_0 = arith.constant 0 : i32
    return %arg0, %c0_i32 : i32, i32
  }
  func.func @transform_1(%arg0: i32) -> (i32, i32, i32) {
    %c0_i32 = arith.constant 0 : i32
    %c0_i32_0 = arith.constant 0 : i32
    %c0_i32_1 = arith.constant 0 : i32
    return %c0_i32, %arg0, %c0_i32_0 : i32, i32, i32
  }
  func.func @transform_2(%arg0: i32) -> (i32, i32, i32) {
    %c1_i32 = arith.constant 1 : i32
    %c0_i32 = arith.constant 0 : i32
    %c0_i32_0 = arith.constant 0 : i32
    return %c1_i32, %arg0, %c0_i32 : i32, i32, i32
  }
  func.func @transform_3(%arg0: i32) -> (i32, i32) {
    %c0_i32 = arith.constant 0 : i32
    %c0_i32_0 = arith.constant 0 : i32
    %c0_i32_1 = arith.constant 0 : i32
    return %c0_i32, %c0_i32_0 : i32, i32
  }
  func.func @transform_4(%arg0: i32) -> (i32, i32) {
    %c0_i32 = arith.constant 0 : i32
    %c0_i32_0 = arith.constant 0 : i32
    %c0_i32_1 = arith.constant 0 : i32
    return %c0_i32, %c0_i32_0 : i32, i32
  }
  func.func @transform_5(%arg0: i32) -> (i32, i32) {
    %c0_i32 = arith.constant 0 : i32
    %c0_i32_0 = arith.constant 0 : i32
    return %arg0, %c0_i32 : i32, i32
  }
}

module attributes {stable_mosaic.version = 14 : i64} {
  func.func @body(%arg0: i32, %arg1: memref<16x512xf32, #tpu.memory_space<vmem>>, %arg2: memref<512x128xf32, #tpu.memory_space<vmem>>, %arg3: memref<90x16xf32, #tpu.memory_space<vmem>>, %arg4: memref<90x1xf32, #tpu.memory_space<vmem>>, %arg5: memref<8640x90xbf16, #tpu.memory_space<vmem>>, %arg6: memref<96x128xf32, #tpu.memory_space<vmem>>, %arg7: memref<512x128xf32, #tpu.memory_space<vmem>>) attributes {dimension_semantics = [#tpu.dimension_semantics<arbitrary>], iteration_bounds = array<i64: 20>, scalar_prefetch = 0 : i64, scratch_operands = 0 : i64, tpu.core_type = #tpu.core_type<tc>, window_params = [{transform_indices = @transform_0, window_bounds = array<i64: 16, 512>}, {transform_indices = @transform_1, window_bounds = array<i64: 512, 128>}, {pipeline_mode = #tpu.pipeline_mode<synchronous>, transform_indices = @transform_2, window_bounds = array<i64: 90, 16>}, {pipeline_mode = #tpu.pipeline_mode<synchronous>, transform_indices = @transform_3, window_bounds = array<i64: 90, 1>}, {pipeline_mode = #tpu.pipeline_mode<synchronous>, transform_indices = @transform_4, window_bounds = array<i64: 8640, 90>}, {pipeline_mode = #tpu.pipeline_mode<synchronous>, transform_indices = @transform_5, window_bounds = array<i64: 96, 128>}, {transform_indices = @transform_6, window_bounds = array<i64: 512, 128>}]} {
    %get3A = arith.constant 0 : index
    %get3A_0 = arith.constant 0 : index
    %get3A_1 = vector.load %arg3[%get3A, %get3A_0] : memref<90x16xf32, #tpu.memory_space<vmem>>, vector<90x16xf32>
    %get3A_2 = arith.constant 0 : index
    %get3A_3 = arith.constant 0 : index
    %get3A_4 = vector.load %arg1[%get3A_2, %get3A_3] : memref<16x512xf32, #tpu.memory_space<vmem>>, vector<16x512xf32>
    %dot_general3A = arith.constant dense<0.000000e+00> : vector<90x512xf32>
    %dot_general3A_5 = tpu.matmul %get3A_1, %get3A_4, %dot_general3A {dimension_numbers = #tpu.dot_dimension_numbers<[1], [0], [0], [1], [0, 0, 1, 1], [], []>, transpose_lhs_hint = false} : vector<90x16xf32>, vector<16x512xf32>, vector<90x512xf32> -> vector<90x512xf32>
    %get3A_6 = arith.constant 0 : index
    %get3A_7 = arith.constant 0 : index
    %get3A_8 = vector.load %arg4[%get3A_6, %get3A_7] : memref<90x1xf32, #tpu.memory_space<vmem>>, vector<90x1xf32>
    %add3A = vector.broadcast %get3A_8 : vector<90x1xf32> to vector<90x512xf32>
    %add3A_9 = arith.addf %dot_general3A_5, %add3A : vector<90x512xf32>
    %max3A = arith.constant 0.000000e+00 : f32
    %max3A_10 = vector.broadcast %max3A : f32 to vector<90x512xf32>
    %max3A_11 = arith.maximumf %add3A_9, %max3A_10 : vector<90x512xf32>
    %convert_element_type3A = arith.truncf %max3A_11 : vector<90x512xf32> to vector<90x512xbf16>
    %get3A_12 = arith.constant 0 : index
    %get3A_13 = arith.constant 0 : index
    %get3A_14 = vector.load %arg2[%get3A_12, %get3A_13] : memref<512x128xf32, #tpu.memory_space<vmem>>, vector<512x128xf32>
    %transpose3A = tpu.transpose %get3A_14, [1, 0] : vector<512x128xf32> -> vector<128x512xf32>
    %convert_element_type3A_15 = arith.truncf %transpose3A : vector<128x512xf32> to vector<128x512xbf16>
    %convert_element_type3A_16 = arith.extf %convert_element_type3A_15 : vector<128x512xbf16> to vector<128x512xf32>
    %get3A_17 = arith.constant 0 : index
    %get3A_18 = arith.constant 0 : index
    %get3A_19 = vector.load %arg6[%get3A_17, %get3A_18] : memref<96x128xf32, #tpu.memory_space<vmem>>, vector<96x128xf32>
    %dot_general3A_20 = arith.constant dense<0.000000e+00> : vector<96x512xf32>
    %dot_general3A_21 = tpu.matmul %get3A_19, %transpose3A, %dot_general3A_20 {dimension_numbers = #tpu.dot_dimension_numbers<[1], [0], [0], [1], [0, 0, 1, 1], [], []>, transpose_lhs_hint = false} : vector<96x128xf32>, vector<128x512xf32>, vector<96x512xf32> -> vector<96x512xf32>
    %get3A_22 = arith.constant 0 : index
    %get3A_23 = arith.constant 0 : index
    %get3A_24 = vector.load %arg5[%get3A_22, %get3A_23] : memref<8640x90xbf16, #tpu.memory_space<vmem>>, vector<192x90xbf16>
    %dot_general3A_25 = arith.constant dense<0.000000e+00> : vector<192x512xf32>
    %dot_general3A_26 = tpu.matmul %get3A_24, %convert_element_type3A, %dot_general3A_25 {dimension_numbers = #tpu.dot_dimension_numbers<[1], [0], [0], [1], [0, 0, 1, 1], [], []>, transpose_lhs_hint = false} : vector<192x90xbf16>, vector<90x512xbf16>, vector<192x512xf32> -> vector<192x512xf32>
    %convert_element_type3A_27 = arith.truncf %dot_general3A_26 : vector<192x512xf32> to vector<192x512xbf16>
    %convert_element_type3A_28 = arith.extf %convert_element_type3A_27 : vector<192x512xbf16> to vector<192x512xf32>
    %slice3A = vector.extract_strided_slice %convert_element_type3A_16 {offsets = [0, 0], sizes = [1, 512], strides = [1, 1]} : vector<128x512xf32> to vector<1x512xf32>
    %slice3A_29 = vector.extract_strided_slice %convert_element_type3A_28 {offsets = [0, 0], sizes = [96, 512], strides = [1, 1]} : vector<192x512xf32> to vector<96x512xf32>
    %mul3A = vector.broadcast %slice3A : vector<1x512xf32> to vector<96x512xf32>
    %mul3A_30 = arith.mulf %mul3A, %slice3A_29 : vector<96x512xf32>
    %add3A_31 = arith.addf %dot_general3A_21, %mul3A_30 : vector<96x512xf32>
    %slice3A_32 = vector.extract_strided_slice %convert_element_type3A_16 {offsets = [1, 0], sizes = [1, 512], strides = [1, 1]} : vector<128x512xf32> to vector<1x512xf32>
    %slice3A_33 = vector.extract_strided_slice %convert_element_type3A_28 {offsets = [96, 0], sizes = [96, 512], strides = [1, 1]} : vector<192x512xf32> to vector<96x512xf32>
    %mul3A_34 = vector.broadcast %slice3A_32 : vector<1x512xf32> to vector<96x512xf32>
    %mul3A_35 = arith.mulf %mul3A_34, %slice3A_33 : vector<96x512xf32>
    %add3A_36 = arith.addf %add3A_31, %mul3A_35 : vector<96x512xf32>
    %get3A_37 = arith.constant 192 : index
    %get3A_38 = arith.constant 0 : index
    %get3A_39 = vector.load %arg5[%get3A_37, %get3A_38] : memref<8640x90xbf16, #tpu.memory_space<vmem>>, vector<192x90xbf16>
    %dot_general3A_40 = arith.constant dense<0.000000e+00> : vector<192x512xf32>
    %dot_general3A_41 = tpu.matmul %get3A_39, %convert_element_type3A, %dot_general3A_40 {dimension_numbers = #tpu.dot_dimension_numbers<[1], [0], [0], [1], [0, 0, 1, 1], [], []>, transpose_lhs_hint = false} : vector<192x90xbf16>, vector<90x512xbf16>, vector<192x512xf32> -> vector<192x512xf32>
    %convert_element_type3A_42 = arith.truncf %dot_general3A_41 : vector<192x512xf32> to vector<192x512xbf16>
    %convert_element_type3A_43 = arith.extf %convert_element_type3A_42 : vector<192x512xbf16> to vector<192x512xf32>
    %slice3A_44 = vector.extract_strided_slice %convert_element_type3A_16 {offsets = [2, 0], sizes = [1, 512], strides = [1, 1]} : vector<128x512xf32> to vector<1x512xf32>
    %slice3A_45 = vector.extract_strided_slice %convert_element_type3A_43 {offsets = [0, 0], sizes = [96, 512], strides = [1, 1]} : vector<192x512xf32> to vector<96x512xf32>
    %mul3A_46 = vector.broadcast %slice3A_44 : vector<1x512xf32> to vector<96x512xf32>
    %mul3A_47 = arith.mulf %mul3A_46, %slice3A_45 : vector<96x512xf32>
    %add3A_48 = arith.addf %add3A_36, %mul3A_47 : vector<96x512xf32>
    %slice3A_49 = vector.extract_strided_slice %convert_element_type3A_16 {offsets = [3, 0], sizes = [1, 512], strides = [1, 1]} : vector<128x512xf32> to vector<1x512xf32>
    %slice3A_50 = vector.extract_strided_slice %convert_element_type3A_43 {offsets = [96, 0], sizes = [96, 512], strides = [1, 1]} : vector<192x512xf32> to vector<96x512xf32>
    %mul3A_51 = vector.broadcast %slice3A_49 : vector<1x512xf32> to vector<96x512xf32>
    %mul3A_52 = arith.mulf %mul3A_51, %slice3A_50 : vector<96x512xf32>
    %add3A_53 = arith.addf %add3A_48, %mul3A_52 : vector<96x512xf32>
    %get3A_54 = arith.constant 384 : index
    %get3A_55 = arith.constant 0 : index
    %get3A_56 = vector.load %arg5[%get3A_54, %get3A_55] : memref<8640x90xbf16, #tpu.memory_space<vmem>>, vector<192x90xbf16>
    %dot_general3A_57 = arith.constant dense<0.000000e+00> : vector<192x512xf32>
    %dot_general3A_58 = tpu.matmul %get3A_56, %convert_element_type3A, %dot_general3A_57 {dimension_numbers = #tpu.dot_dimension_numbers<[1], [0], [0], [1], [0, 0, 1, 1], [], []>, transpose_lhs_hint = false} : vector<192x90xbf16>, vector<90x512xbf16>, vector<192x512xf32> -> vector<192x512xf32>
    %convert_element_type3A_59 = arith.truncf %dot_general3A_58 : vector<192x512xf32> to vector<192x512xbf16>
    %convert_element_type3A_60 = arith.extf %convert_element_type3A_59 : vector<192x512xbf16> to vector<192x512xf32>
    %slice3A_61 = vector.extract_strided_slice %convert_element_type3A_16 {offsets = [4, 0], sizes = [1, 512], strides = [1, 1]} : vector<128x512xf32> to vector<1x512xf32>
    %slice3A_62 = vector.extract_strided_slice %convert_element_type3A_60 {offsets = [0, 0], sizes = [96, 512], strides = [1, 1]} : vector<192x512xf32> to vector<96x512xf32>
    %mul3A_63 = vector.broadcast %slice3A_61 : vector<1x512xf32> to vector<96x512xf32>
    %mul3A_64 = arith.mulf %mul3A_63, %slice3A_62 : vector<96x512xf32>
    %add3A_65 = arith.addf %add3A_53, %mul3A_64 : vector<96x512xf32>
    %slice3A_66 = vector.extract_strided_slice %convert_element_type3A_16 {offsets = [5, 0], sizes = [1, 512], strides = [1, 1]} : vector<128x512xf32> to vector<1x512xf32>
    %slice3A_67 = vector.extract_strided_slice %convert_element_type3A_60 {offsets = [96, 0], sizes = [96, 512], strides = [1, 1]} : vector<192x512xf32> to vector<96x512xf32>
    %mul3A_68 = vector.broadcast %slice3A_66 : vector<1x512xf32> to vector<96x512xf32>
    %mul3A_69 = arith.mulf %mul3A_68, %slice3A_67 : vector<96x512xf32>
    %add3A_70 = arith.addf %add3A_65, %mul3A_69 : vector<96x512xf32>
    %get3A_71 = arith.constant 576 : index
    %get3A_72 = arith.constant 0 : index
    %get3A_73 = vector.load %arg5[%get3A_71, %get3A_72] : memref<8640x90xbf16, #tpu.memory_space<vmem>>, vector<192x90xbf16>
    %dot_general3A_74 = arith.constant dense<0.000000e+00> : vector<192x512xf32>
    %dot_general3A_75 = tpu.matmul %get3A_73, %convert_element_type3A, %dot_general3A_74 {dimension_numbers = #tpu.dot_dimension_numbers<[1], [0], [0], [1], [0, 0, 1, 1], [], []>, transpose_lhs_hint = false} : vector<192x90xbf16>, vector<90x512xbf16>, vector<192x512xf32> -> vector<192x512xf32>
    %convert_element_type3A_76 = arith.truncf %dot_general3A_75 : vector<192x512xf32> to vector<192x512xbf16>
    %convert_element_type3A_77 = arith.extf %convert_element_type3A_76 : vector<192x512xbf16> to vector<192x512xf32>
    %slice3A_78 = vector.extract_strided_slice %convert_element_type3A_16 {offsets = [6, 0], sizes = [1, 512], strides = [1, 1]} : vector<128x512xf32> to vector<1x512xf32>
    %slice3A_79 = vector.extract_strided_slice %convert_element_type3A_77 {offsets = [0, 0], sizes = [96, 512], strides = [1, 1]} : vector<192x512xf32> to vector<96x512xf32>
    %mul3A_80 = vector.broadcast %slice3A_78 : vector<1x512xf32> to vector<96x512xf32>
    %mul3A_81 = arith.mulf %mul3A_80, %slice3A_79 : vector<96x512xf32>
    %add3A_82 = arith.addf %add3A_70, %mul3A_81 : vector<96x512xf32>
    %slice3A_83 = vector.extract_strided_slice %convert_element_type3A_16 {offsets = [7, 0], sizes = [1, 512], strides = [1, 1]} : vector<128x512xf32> to vector<1x512xf32>
    %slice3A_84 = vector.extract_strided_slice %convert_element_type3A_77 {offsets = [96, 0], sizes = [96, 512], strides = [1, 1]} : vector<192x512xf32> to vector<96x512xf32>
    %mul3A_85 = vector.broadcast %slice3A_83 : vector<1x512xf32> to vector<96x512xf32>
    %mul3A_86 = arith.mulf %mul3A_85, %slice3A_84 : vector<96x512xf32>
    %add3A_87 = arith.addf %add3A_82, %mul3A_86 : vector<96x512xf32>
    %get3A_88 = arith.constant 768 : index
    %get3A_89 = arith.constant 0 : index
    %get3A_90 = vector.load %arg5[%get3A_88, %get3A_89] : memref<8640x90xbf16, #tpu.memory_space<vmem>>, vector<192x90xbf16>
    %dot_general3A_91 = arith.constant dense<0.000000e+00> : vector<192x512xf32>
    %dot_general3A_92 = tpu.matmul %get3A_90, %convert_element_type3A, %dot_general3A_91 {dimension_numbers = #tpu.dot_dimension_numbers<[1], [0], [0], [1], [0, 0, 1, 1], [], []>, transpose_lhs_hint = false} : vector<192x90xbf16>, vector<90x512xbf16>, vector<192x512xf32> -> vector<192x512xf32>
    %convert_element_type3A_93 = arith.truncf %dot_general3A_92 : vector<192x512xf32> to vector<192x512xbf16>
    %convert_element_type3A_94 = arith.extf %convert_element_type3A_93 : vector<192x512xbf16> to vector<192x512xf32>
    %slice3A_95 = vector.extract_strided_slice %convert_element_type3A_16 {offsets = [8, 0], sizes = [1, 512], strides = [1, 1]} : vector<128x512xf32> to vector<1x512xf32>
    %slice3A_96 = vector.extract_strided_slice %convert_element_type3A_94 {offsets = [0, 0], sizes = [96, 512], strides = [1, 1]} : vector<192x512xf32> to vector<96x512xf32>
    %mul3A_97 = vector.broadcast %slice3A_95 : vector<1x512xf32> to vector<96x512xf32>
    %mul3A_98 = arith.mulf %mul3A_97, %slice3A_96 : vector<96x512xf32>
    %add3A_99 = arith.addf %add3A_87, %mul3A_98 : vector<96x512xf32>
    %slice3A_100 = vector.extract_strided_slice %convert_element_type3A_16 {offsets = [9, 0], sizes = [1, 512], strides = [1, 1]} : vector<128x512xf32> to vector<1x512xf32>
    %slice3A_101 = vector.extract_strided_slice %convert_element_type3A_94 {offsets = [96, 0], sizes = [96, 512], strides = [1, 1]} : vector<192x512xf32> to vector<96x512xf32>
    %mul3A_102 = vector.broadcast %slice3A_100 : vector<1x512xf32> to vector<96x512xf32>
    %mul3A_103 = arith.mulf %mul3A_102, %slice3A_101 : vector<96x512xf32>
    %add3A_104 = arith.addf %add3A_99, %mul3A_103 : vector<96x512xf32>
    %get3A_105 = arith.constant 960 : index
    %get3A_106 = arith.constant 0 : index
    %get3A_107 = vector.load %arg5[%get3A_105, %get3A_106] : memref<8640x90xbf16, #tpu.memory_space<vmem>>, vector<192x90xbf16>
    %dot_general3A_108 = arith.constant dense<0.000000e+00> : vector<192x512xf32>
    %dot_general3A_109 = tpu.matmul %get3A_107, %convert_element_type3A, %dot_general3A_108 {dimension_numbers = #tpu.dot_dimension_numbers<[1], [0], [0], [1], [0, 0, 1, 1], [], []>, transpose_lhs_hint = false} : vector<192x90xbf16>, vector<90x512xbf16>, vector<192x512xf32> -> vector<192x512xf32>
    %convert_element_type3A_110 = arith.truncf %dot_general3A_109 : vector<192x512xf32> to vector<192x512xbf16>
    %convert_element_type3A_111 = arith.extf %convert_element_type3A_110 : vector<192x512xbf16> to vector<192x512xf32>
    %slice3A_112 = vector.extract_strided_slice %convert_element_type3A_16 {offsets = [10, 0], sizes = [1, 512], strides = [1, 1]} : vector<128x512xf32> to vector<1x512xf32>
    %slice3A_113 = vector.extract_strided_slice %convert_element_type3A_111 {offsets = [0, 0], sizes = [96, 512], strides = [1, 1]} : vector<192x512xf32> to vector<96x512xf32>
    %mul3A_114 = vector.broadcast %slice3A_112 : vector<1x512xf32> to vector<96x512xf32>
    %mul3A_115 = arith.mulf %mul3A_114, %slice3A_113 : vector<96x512xf32>
    %add3A_116 = arith.addf %add3A_104, %mul3A_115 : vector<96x512xf32>
    %slice3A_117 = vector.extract_strided_slice %convert_element_type3A_16 {offsets = [11, 0], sizes = [1, 512], strides = [1, 1]} : vector<128x512xf32> to vector<1x512xf32>
    %slice3A_118 = vector.extract_strided_slice %convert_element_type3A_111 {offsets = [96, 0], sizes = [96, 512], strides = [1, 1]} : vector<192x512xf32> to vector<96x512xf32>
    %mul3A_119 = vector.broadcast %slice3A_117 : vector<1x512xf32> to vector<96x512xf32>
    %mul3A_120 = arith.mulf %mul3A_119, %slice3A_118 : vector<96x512xf32>
    %add3A_121 = arith.addf %add3A_116, %mul3A_120 : vector<96x512xf32>
    %get3A_122 = arith.constant 1152 : index
    %get3A_123 = arith.constant 0 : index
    %get3A_124 = vector.load %arg5[%get3A_122, %get3A_123] : memref<8640x90xbf16, #tpu.memory_space<vmem>>, vector<192x90xbf16>
    %dot_general3A_125 = arith.constant dense<0.000000e+00> : vector<192x512xf32>
    %dot_general3A_126 = tpu.matmul %get3A_124, %convert_element_type3A, %dot_general3A_125 {dimension_numbers = #tpu.dot_dimension_numbers<[1], [0], [0], [1], [0, 0, 1, 1], [], []>, transpose_lhs_hint = false} : vector<192x90xbf16>, vector<90x512xbf16>, vector<192x512xf32> -> vector<192x512xf32>
    %convert_element_type3A_127 = arith.truncf %dot_general3A_126 : vector<192x512xf32> to vector<192x512xbf16>
    %convert_element_type3A_128 = arith.extf %convert_element_type3A_127 : vector<192x512xbf16> to vector<192x512xf32>
    %slice3A_129 = vector.extract_strided_slice %convert_element_type3A_16 {offsets = [12, 0], sizes = [1, 512], strides = [1, 1]} : vector<128x512xf32> to vector<1x512xf32>
    %slice3A_130 = vector.extract_strided_slice %convert_element_type3A_128 {offsets = [0, 0], sizes = [96, 512], strides = [1, 1]} : vector<192x512xf32> to vector<96x512xf32>
    %mul3A_131 = vector.broadcast %slice3A_129 : vector<1x512xf32> to vector<96x512xf32>
    %mul3A_132 = arith.mulf %mul3A_131, %slice3A_130 : vector<96x512xf32>
    %add3A_133 = arith.addf %add3A_121, %mul3A_132 : vector<96x512xf32>
    %slice3A_134 = vector.extract_strided_slice %convert_element_type3A_16 {offsets = [13, 0], sizes = [1, 512], strides = [1, 1]} : vector<128x512xf32> to vector<1x512xf32>
    %slice3A_135 = vector.extract_strided_slice %convert_element_type3A_128 {offsets = [96, 0], sizes = [96, 512], strides = [1, 1]} : vector<192x512xf32> to vector<96x512xf32>
    %mul3A_136 = vector.broadcast %slice3A_134 : vector<1x512xf32> to vector<96x512xf32>
    %mul3A_137 = arith.mulf %mul3A_136, %slice3A_135 : vector<96x512xf32>
    %add3A_138 = arith.addf %add3A_133, %mul3A_137 : vector<96x512xf32>
    %get3A_139 = arith.constant 1344 : index
    %get3A_140 = arith.constant 0 : index
    %get3A_141 = vector.load %arg5[%get3A_139, %get3A_140] : memref<8640x90xbf16, #tpu.memory_space<vmem>>, vector<192x90xbf16>
    %dot_general3A_142 = arith.constant dense<0.000000e+00> : vector<192x512xf32>
    %dot_general3A_143 = tpu.matmul %get3A_141, %convert_element_type3A, %dot_general3A_142 {dimension_numbers = #tpu.dot_dimension_numbers<[1], [0], [0], [1], [0, 0, 1, 1], [], []>, transpose_lhs_hint = false} : vector<192x90xbf16>, vector<90x512xbf16>, vector<192x512xf32> -> vector<192x512xf32>
    %convert_element_type3A_144 = arith.truncf %dot_general3A_143 : vector<192x512xf32> to vector<192x512xbf16>
    %convert_element_type3A_145 = arith.extf %convert_element_type3A_144 : vector<192x512xbf16> to vector<192x512xf32>
    %slice3A_146 = vector.extract_strided_slice %convert_element_type3A_16 {offsets = [14, 0], sizes = [1, 512], strides = [1, 1]} : vector<128x512xf32> to vector<1x512xf32>
    %slice3A_147 = vector.extract_strided_slice %convert_element_type3A_145 {offsets = [0, 0], sizes = [96, 512], strides = [1, 1]} : vector<192x512xf32> to vector<96x512xf32>
    %mul3A_148 = vector.broadcast %slice3A_146 : vector<1x512xf32> to vector<96x512xf32>
    %mul3A_149 = arith.mulf %mul3A_148, %slice3A_147 : vector<96x512xf32>
    %add3A_150 = arith.addf %add3A_138, %mul3A_149 : vector<96x512xf32>
    %slice3A_151 = vector.extract_strided_slice %convert_element_type3A_16 {offsets = [15, 0], sizes = [1, 512], strides = [1, 1]} : vector<128x512xf32> to vector<1x512xf32>
    %slice3A_152 = vector.extract_strided_slice %convert_element_type3A_145 {offsets = [96, 0], sizes = [96, 512], strides = [1, 1]} : vector<192x512xf32> to vector<96x512xf32>
    %mul3A_153 = vector.broadcast %slice3A_151 : vector<1x512xf32> to vector<96x512xf32>
    %mul3A_154 = arith.mulf %mul3A_153, %slice3A_152 : vector<96x512xf32>
    %add3A_155 = arith.addf %add3A_150, %mul3A_154 : vector<96x512xf32>
    %get3A_156 = arith.constant 1536 : index
    %get3A_157 = arith.constant 0 : index
    %get3A_158 = vector.load %arg5[%get3A_156, %get3A_157] : memref<8640x90xbf16, #tpu.memory_space<vmem>>, vector<192x90xbf16>
    %dot_general3A_159 = arith.constant dense<0.000000e+00> : vector<192x512xf32>
    %dot_general3A_160 = tpu.matmul %get3A_158, %convert_element_type3A, %dot_general3A_159 {dimension_numbers = #tpu.dot_dimension_numbers<[1], [0], [0], [1], [0, 0, 1, 1], [], []>, transpose_lhs_hint = false} : vector<192x90xbf16>, vector<90x512xbf16>, vector<192x512xf32> -> vector<192x512xf32>
    %convert_element_type3A_161 = arith.truncf %dot_general3A_160 : vector<192x512xf32> to vector<192x512xbf16>
    %convert_element_type3A_162 = arith.extf %convert_element_type3A_161 : vector<192x512xbf16> to vector<192x512xf32>
    %slice3A_163 = vector.extract_strided_slice %convert_element_type3A_16 {offsets = [16, 0], sizes = [1, 512], strides = [1, 1]} : vector<128x512xf32> to vector<1x512xf32>
    %slice3A_164 = vector.extract_strided_slice %convert_element_type3A_162 {offsets = [0, 0], sizes = [96, 512], strides = [1, 1]} : vector<192x512xf32> to vector<96x512xf32>
    %mul3A_165 = vector.broadcast %slice3A_163 : vector<1x512xf32> to vector<96x512xf32>
    %mul3A_166 = arith.mulf %mul3A_165, %slice3A_164 : vector<96x512xf32>
    %add3A_167 = arith.addf %add3A_155, %mul3A_166 : vector<96x512xf32>
    %slice3A_168 = vector.extract_strided_slice %convert_element_type3A_16 {offsets = [17, 0], sizes = [1, 512], strides = [1, 1]} : vector<128x512xf32> to vector<1x512xf32>
    %slice3A_169 = vector.extract_strided_slice %convert_element_type3A_162 {offsets = [96, 0], sizes = [96, 512], strides = [1, 1]} : vector<192x512xf32> to vector<96x512xf32>
    %mul3A_170 = vector.broadcast %slice3A_168 : vector<1x512xf32> to vector<96x512xf32>
    %mul3A_171 = arith.mulf %mul3A_170, %slice3A_169 : vector<96x512xf32>
    %add3A_172 = arith.addf %add3A_167, %mul3A_171 : vector<96x512xf32>
    %get3A_173 = arith.constant 1728 : index
    %get3A_174 = arith.constant 0 : index
    %get3A_175 = vector.load %arg5[%get3A_173, %get3A_174] : memref<8640x90xbf16, #tpu.memory_space<vmem>>, vector<192x90xbf16>
    %dot_general3A_176 = arith.constant dense<0.000000e+00> : vector<192x512xf32>
    %dot_general3A_177 = tpu.matmul %get3A_175, %convert_element_type3A, %dot_general3A_176 {dimension_numbers = #tpu.dot_dimension_numbers<[1], [0], [0], [1], [0, 0, 1, 1], [], []>, transpose_lhs_hint = false} : vector<192x90xbf16>, vector<90x512xbf16>, vector<192x512xf32> -> vector<192x512xf32>
    %convert_element_type3A_178 = arith.truncf %dot_general3A_177 : vector<192x512xf32> to vector<192x512xbf16>
    %convert_element_type3A_179 = arith.extf %convert_element_type3A_178 : vector<192x512xbf16> to vector<192x512xf32>
    %slice3A_180 = vector.extract_strided_slice %convert_element_type3A_16 {offsets = [18, 0], sizes = [1, 512], strides = [1, 1]} : vector<128x512xf32> to vector<1x512xf32>
    %slice3A_181 = vector.extract_strided_slice %convert_element_type3A_179 {offsets = [0, 0], sizes = [96, 512], strides = [1, 1]} : vector<192x512xf32> to vector<96x512xf32>
    %mul3A_182 = vector.broadcast %slice3A_180 : vector<1x512xf32> to vector<96x512xf32>
    %mul3A_183 = arith.mulf %mul3A_182, %slice3A_181 : vector<96x512xf32>
    %add3A_184 = arith.addf %add3A_172, %mul3A_183 : vector<96x512xf32>
    %slice3A_185 = vector.extract_strided_slice %convert_element_type3A_16 {offsets = [19, 0], sizes = [1, 512], strides = [1, 1]} : vector<128x512xf32> to vector<1x512xf32>
    %slice3A_186 = vector.extract_strided_slice %convert_element_type3A_179 {offsets = [96, 0], sizes = [96, 512], strides = [1, 1]} : vector<192x512xf32> to vector<96x512xf32>
    %mul3A_187 = vector.broadcast %slice3A_185 : vector<1x512xf32> to vector<96x512xf32>
    %mul3A_188 = arith.mulf %mul3A_187, %slice3A_186 : vector<96x512xf32>
    %add3A_189 = arith.addf %add3A_184, %mul3A_188 : vector<96x512xf32>
    %get3A_190 = arith.constant 1920 : index
    %get3A_191 = arith.constant 0 : index
    %get3A_192 = vector.load %arg5[%get3A_190, %get3A_191] : memref<8640x90xbf16, #tpu.memory_space<vmem>>, vector<192x90xbf16>
    %dot_general3A_193 = arith.constant dense<0.000000e+00> : vector<192x512xf32>
    %dot_general3A_194 = tpu.matmul %get3A_192, %convert_element_type3A, %dot_general3A_193 {dimension_numbers = #tpu.dot_dimension_numbers<[1], [0], [0], [1], [0, 0, 1, 1], [], []>, transpose_lhs_hint = false} : vector<192x90xbf16>, vector<90x512xbf16>, vector<192x512xf32> -> vector<192x512xf32>
    %convert_element_type3A_195 = arith.truncf %dot_general3A_194 : vector<192x512xf32> to vector<192x512xbf16>
    %convert_element_type3A_196 = arith.extf %convert_element_type3A_195 : vector<192x512xbf16> to vector<192x512xf32>
    %slice3A_197 = vector.extract_strided_slice %convert_element_type3A_16 {offsets = [20, 0], sizes = [1, 512], strides = [1, 1]} : vector<128x512xf32> to vector<1x512xf32>
    %slice3A_198 = vector.extract_strided_slice %convert_element_type3A_196 {offsets = [0, 0], sizes = [96, 512], strides = [1, 1]} : vector<192x512xf32> to vector<96x512xf32>
    %mul3A_199 = vector.broadcast %slice3A_197 : vector<1x512xf32> to vector<96x512xf32>
    %mul3A_200 = arith.mulf %mul3A_199, %slice3A_198 : vector<96x512xf32>
    %add3A_201 = arith.addf %add3A_189, %mul3A_200 : vector<96x512xf32>
    %slice3A_202 = vector.extract_strided_slice %convert_element_type3A_16 {offsets = [21, 0], sizes = [1, 512], strides = [1, 1]} : vector<128x512xf32> to vector<1x512xf32>
    %slice3A_203 = vector.extract_strided_slice %convert_element_type3A_196 {offsets = [96, 0], sizes = [96, 512], strides = [1, 1]} : vector<192x512xf32> to vector<96x512xf32>
    %mul3A_204 = vector.broadcast %slice3A_202 : vector<1x512xf32> to vector<96x512xf32>
    %mul3A_205 = arith.mulf %mul3A_204, %slice3A_203 : vector<96x512xf32>
    %add3A_206 = arith.addf %add3A_201, %mul3A_205 : vector<96x512xf32>
    %get3A_207 = arith.constant 2112 : index
    %get3A_208 = arith.constant 0 : index
    %get3A_209 = vector.load %arg5[%get3A_207, %get3A_208] : memref<8640x90xbf16, #tpu.memory_space<vmem>>, vector<192x90xbf16>
    %dot_general3A_210 = arith.constant dense<0.000000e+00> : vector<192x512xf32>
    %dot_general3A_211 = tpu.matmul %get3A_209, %convert_element_type3A, %dot_general3A_210 {dimension_numbers = #tpu.dot_dimension_numbers<[1], [0], [0], [1], [0, 0, 1, 1], [], []>, transpose_lhs_hint = false} : vector<192x90xbf16>, vector<90x512xbf16>, vector<192x512xf32> -> vector<192x512xf32>
    %convert_element_type3A_212 = arith.truncf %dot_general3A_211 : vector<192x512xf32> to vector<192x512xbf16>
    %convert_element_type3A_213 = arith.extf %convert_element_type3A_212 : vector<192x512xbf16> to vector<192x512xf32>
    %slice3A_214 = vector.extract_strided_slice %convert_element_type3A_16 {offsets = [22, 0], sizes = [1, 512], strides = [1, 1]} : vector<128x512xf32> to vector<1x512xf32>
    %slice3A_215 = vector.extract_strided_slice %convert_element_type3A_213 {offsets = [0, 0], sizes = [96, 512], strides = [1, 1]} : vector<192x512xf32> to vector<96x512xf32>
    %mul3A_216 = vector.broadcast %slice3A_214 : vector<1x512xf32> to vector<96x512xf32>
    %mul3A_217 = arith.mulf %mul3A_216, %slice3A_215 : vector<96x512xf32>
    %add3A_218 = arith.addf %add3A_206, %mul3A_217 : vector<96x512xf32>
    %slice3A_219 = vector.extract_strided_slice %convert_element_type3A_16 {offsets = [23, 0], sizes = [1, 512], strides = [1, 1]} : vector<128x512xf32> to vector<1x512xf32>
    %slice3A_220 = vector.extract_strided_slice %convert_element_type3A_213 {offsets = [96, 0], sizes = [96, 512], strides = [1, 1]} : vector<192x512xf32> to vector<96x512xf32>
    %mul3A_221 = vector.broadcast %slice3A_219 : vector<1x512xf32> to vector<96x512xf32>
    %mul3A_222 = arith.mulf %mul3A_221, %slice3A_220 : vector<96x512xf32>
    %add3A_223 = arith.addf %add3A_218, %mul3A_222 : vector<96x512xf32>
    %get3A_224 = arith.constant 2304 : index
    %get3A_225 = arith.constant 0 : index
    %get3A_226 = vector.load %arg5[%get3A_224, %get3A_225] : memref<8640x90xbf16, #tpu.memory_space<vmem>>, vector<192x90xbf16>
    %dot_general3A_227 = arith.constant dense<0.000000e+00> : vector<192x512xf32>
    %dot_general3A_228 = tpu.matmul %get3A_226, %convert_element_type3A, %dot_general3A_227 {dimension_numbers = #tpu.dot_dimension_numbers<[1], [0], [0], [1], [0, 0, 1, 1], [], []>, transpose_lhs_hint = false} : vector<192x90xbf16>, vector<90x512xbf16>, vector<192x512xf32> -> vector<192x512xf32>
    %convert_element_type3A_229 = arith.truncf %dot_general3A_228 : vector<192x512xf32> to vector<192x512xbf16>
    %convert_element_type3A_230 = arith.extf %convert_element_type3A_229 : vector<192x512xbf16> to vector<192x512xf32>
    %slice3A_231 = vector.extract_strided_slice %convert_element_type3A_16 {offsets = [24, 0], sizes = [1, 512], strides = [1, 1]} : vector<128x512xf32> to vector<1x512xf32>
    %slice3A_232 = vector.extract_strided_slice %convert_element_type3A_230 {offsets = [0, 0], sizes = [96, 512], strides = [1, 1]} : vector<192x512xf32> to vector<96x512xf32>
    %mul3A_233 = vector.broadcast %slice3A_231 : vector<1x512xf32> to vector<96x512xf32>
    %mul3A_234 = arith.mulf %mul3A_233, %slice3A_232 : vector<96x512xf32>
    %add3A_235 = arith.addf %add3A_223, %mul3A_234 : vector<96x512xf32>
    %slice3A_236 = vector.extract_strided_slice %convert_element_type3A_16 {offsets = [25, 0], sizes = [1, 512], strides = [1, 1]} : vector<128x512xf32> to vector<1x512xf32>
    %slice3A_237 = vector.extract_strided_slice %convert_element_type3A_230 {offsets = [96, 0], sizes = [96, 512], strides = [1, 1]} : vector<192x512xf32> to vector<96x512xf32>
    %mul3A_238 = vector.broadcast %slice3A_236 : vector<1x512xf32> to vector<96x512xf32>
    %mul3A_239 = arith.mulf %mul3A_238, %slice3A_237 : vector<96x512xf32>
    %add3A_240 = arith.addf %add3A_235, %mul3A_239 : vector<96x512xf32>
    %get3A_241 = arith.constant 2496 : index
    %get3A_242 = arith.constant 0 : index
    %get3A_243 = vector.load %arg5[%get3A_241, %get3A_242] : memref<8640x90xbf16, #tpu.memory_space<vmem>>, vector<192x90xbf16>
    %dot_general3A_244 = arith.constant dense<0.000000e+00> : vector<192x512xf32>
    %dot_general3A_245 = tpu.matmul %get3A_243, %convert_element_type3A, %dot_general3A_244 {dimension_numbers = #tpu.dot_dimension_numbers<[1], [0], [0], [1], [0, 0, 1, 1], [], []>, transpose_lhs_hint = false} : vector<192x90xbf16>, vector<90x512xbf16>, vector<192x512xf32> -> vector<192x512xf32>
    %convert_element_type3A_246 = arith.truncf %dot_general3A_245 : vector<192x512xf32> to vector<192x512xbf16>
    %convert_element_type3A_247 = arith.extf %convert_element_type3A_246 : vector<192x512xbf16> to vector<192x512xf32>
    %slice3A_248 = vector.extract_strided_slice %convert_element_type3A_16 {offsets = [26, 0], sizes = [1, 512], strides = [1, 1]} : vector<128x512xf32> to vector<1x512xf32>
    %slice3A_249 = vector.extract_strided_slice %convert_element_type3A_247 {offsets = [0, 0], sizes = [96, 512], strides = [1, 1]} : vector<192x512xf32> to vector<96x512xf32>
    %mul3A_250 = vector.broadcast %slice3A_248 : vector<1x512xf32> to vector<96x512xf32>
    %mul3A_251 = arith.mulf %mul3A_250, %slice3A_249 : vector<96x512xf32>
    %add3A_252 = arith.addf %add3A_240, %mul3A_251 : vector<96x512xf32>
    %slice3A_253 = vector.extract_strided_slice %convert_element_type3A_16 {offsets = [27, 0], sizes = [1, 512], strides = [1, 1]} : vector<128x512xf32> to vector<1x512xf32>
    %slice3A_254 = vector.extract_strided_slice %convert_element_type3A_247 {offsets = [96, 0], sizes = [96, 512], strides = [1, 1]} : vector<192x512xf32> to vector<96x512xf32>
    %mul3A_255 = vector.broadcast %slice3A_253 : vector<1x512xf32> to vector<96x512xf32>
    %mul3A_256 = arith.mulf %mul3A_255, %slice3A_254 : vector<96x512xf32>
    %add3A_257 = arith.addf %add3A_252, %mul3A_256 : vector<96x512xf32>
    %get3A_258 = arith.constant 2688 : index
    %get3A_259 = arith.constant 0 : index
    %get3A_260 = vector.load %arg5[%get3A_258, %get3A_259] : memref<8640x90xbf16, #tpu.memory_space<vmem>>, vector<192x90xbf16>
    %dot_general3A_261 = arith.constant dense<0.000000e+00> : vector<192x512xf32>
    %dot_general3A_262 = tpu.matmul %get3A_260, %convert_element_type3A, %dot_general3A_261 {dimension_numbers = #tpu.dot_dimension_numbers<[1], [0], [0], [1], [0, 0, 1, 1], [], []>, transpose_lhs_hint = false} : vector<192x90xbf16>, vector<90x512xbf16>, vector<192x512xf32> -> vector<192x512xf32>
    %convert_element_type3A_263 = arith.truncf %dot_general3A_262 : vector<192x512xf32> to vector<192x512xbf16>
    %convert_element_type3A_264 = arith.extf %convert_element_type3A_263 : vector<192x512xbf16> to vector<192x512xf32>
    %slice3A_265 = vector.extract_strided_slice %convert_element_type3A_16 {offsets = [28, 0], sizes = [1, 512], strides = [1, 1]} : vector<128x512xf32> to vector<1x512xf32>
    %slice3A_266 = vector.extract_strided_slice %convert_element_type3A_264 {offsets = [0, 0], sizes = [96, 512], strides = [1, 1]} : vector<192x512xf32> to vector<96x512xf32>
    %mul3A_267 = vector.broadcast %slice3A_265 : vector<1x512xf32> to vector<96x512xf32>
    %mul3A_268 = arith.mulf %mul3A_267, %slice3A_266 : vector<96x512xf32>
    %add3A_269 = arith.addf %add3A_257, %mul3A_268 : vector<96x512xf32>
    %slice3A_270 = vector.extract_strided_slice %convert_element_type3A_16 {offsets = [29, 0], sizes = [1, 512], strides = [1, 1]} : vector<128x512xf32> to vector<1x512xf32>
    %slice3A_271 = vector.extract_strided_slice %convert_element_type3A_264 {offsets = [96, 0], sizes = [96, 512], strides = [1, 1]} : vector<192x512xf32> to vector<96x512xf32>
    %mul3A_272 = vector.broadcast %slice3A_270 : vector<1x512xf32> to vector<96x512xf32>
    %mul3A_273 = arith.mulf %mul3A_272, %slice3A_271 : vector<96x512xf32>
    %add3A_274 = arith.addf %add3A_269, %mul3A_273 : vector<96x512xf32>
    %get3A_275 = arith.constant 2880 : index
    %get3A_276 = arith.constant 0 : index
    %get3A_277 = vector.load %arg5[%get3A_275, %get3A_276] : memref<8640x90xbf16, #tpu.memory_space<vmem>>, vector<192x90xbf16>
    %dot_general3A_278 = arith.constant dense<0.000000e+00> : vector<192x512xf32>
    %dot_general3A_279 = tpu.matmul %get3A_277, %convert_element_type3A, %dot_general3A_278 {dimension_numbers = #tpu.dot_dimension_numbers<[1], [0], [0], [1], [0, 0, 1, 1], [], []>, transpose_lhs_hint = false} : vector<192x90xbf16>, vector<90x512xbf16>, vector<192x512xf32> -> vector<192x512xf32>
    %convert_element_type3A_280 = arith.truncf %dot_general3A_279 : vector<192x512xf32> to vector<192x512xbf16>
    %convert_element_type3A_281 = arith.extf %convert_element_type3A_280 : vector<192x512xbf16> to vector<192x512xf32>
    %slice3A_282 = vector.extract_strided_slice %convert_element_type3A_16 {offsets = [30, 0], sizes = [1, 512], strides = [1, 1]} : vector<128x512xf32> to vector<1x512xf32>
    %slice3A_283 = vector.extract_strided_slice %convert_element_type3A_281 {offsets = [0, 0], sizes = [96, 512], strides = [1, 1]} : vector<192x512xf32> to vector<96x512xf32>
    %mul3A_284 = vector.broadcast %slice3A_282 : vector<1x512xf32> to vector<96x512xf32>
    %mul3A_285 = arith.mulf %mul3A_284, %slice3A_283 : vector<96x512xf32>
    %add3A_286 = arith.addf %add3A_274, %mul3A_285 : vector<96x512xf32>
    %slice3A_287 = vector.extract_strided_slice %convert_element_type3A_16 {offsets = [31, 0], sizes = [1, 512], strides = [1, 1]} : vector<128x512xf32> to vector<1x512xf32>
    %slice3A_288 = vector.extract_strided_slice %convert_element_type3A_281 {offsets = [96, 0], sizes = [96, 512], strides = [1, 1]} : vector<192x512xf32> to vector<96x512xf32>
    %mul3A_289 = vector.broadcast %slice3A_287 : vector<1x512xf32> to vector<96x512xf32>
    %mul3A_290 = arith.mulf %mul3A_289, %slice3A_288 : vector<96x512xf32>
    %add3A_291 = arith.addf %add3A_286, %mul3A_290 : vector<96x512xf32>
    %get3A_292 = arith.constant 3072 : index
    %get3A_293 = arith.constant 0 : index
    %get3A_294 = vector.load %arg5[%get3A_292, %get3A_293] : memref<8640x90xbf16, #tpu.memory_space<vmem>>, vector<192x90xbf16>
    %dot_general3A_295 = arith.constant dense<0.000000e+00> : vector<192x512xf32>
    %dot_general3A_296 = tpu.matmul %get3A_294, %convert_element_type3A, %dot_general3A_295 {dimension_numbers = #tpu.dot_dimension_numbers<[1], [0], [0], [1], [0, 0, 1, 1], [], []>, transpose_lhs_hint = false} : vector<192x90xbf16>, vector<90x512xbf16>, vector<192x512xf32> -> vector<192x512xf32>
    %convert_element_type3A_297 = arith.truncf %dot_general3A_296 : vector<192x512xf32> to vector<192x512xbf16>
    %convert_element_type3A_298 = arith.extf %convert_element_type3A_297 : vector<192x512xbf16> to vector<192x512xf32>
    %slice3A_299 = vector.extract_strided_slice %convert_element_type3A_16 {offsets = [32, 0], sizes = [1, 512], strides = [1, 1]} : vector<128x512xf32> to vector<1x512xf32>
    %slice3A_300 = vector.extract_strided_slice %convert_element_type3A_298 {offsets = [0, 0], sizes = [96, 512], strides = [1, 1]} : vector<192x512xf32> to vector<96x512xf32>
    %mul3A_301 = vector.broadcast %slice3A_299 : vector<1x512xf32> to vector<96x512xf32>
    %mul3A_302 = arith.mulf %mul3A_301, %slice3A_300 : vector<96x512xf32>
    %add3A_303 = arith.addf %add3A_291, %mul3A_302 : vector<96x512xf32>
    %slice3A_304 = vector.extract_strided_slice %convert_element_type3A_16 {offsets = [33, 0], sizes = [1, 512], strides = [1, 1]} : vector<128x512xf32> to vector<1x512xf32>
    %slice3A_305 = vector.extract_strided_slice %convert_element_type3A_298 {offsets = [96, 0], sizes = [96, 512], strides = [1, 1]} : vector<192x512xf32> to vector<96x512xf32>
    %mul3A_306 = vector.broadcast %slice3A_304 : vector<1x512xf32> to vector<96x512xf32>
    %mul3A_307 = arith.mulf %mul3A_306, %slice3A_305 : vector<96x512xf32>
    %add3A_308 = arith.addf %add3A_303, %mul3A_307 : vector<96x512xf32>
    %get3A_309 = arith.constant 3264 : index
    %get3A_310 = arith.constant 0 : index
    %get3A_311 = vector.load %arg5[%get3A_309, %get3A_310] : memref<8640x90xbf16, #tpu.memory_space<vmem>>, vector<192x90xbf16>
    %dot_general3A_312 = arith.constant dense<0.000000e+00> : vector<192x512xf32>
    %dot_general3A_313 = tpu.matmul %get3A_311, %convert_element_type3A, %dot_general3A_312 {dimension_numbers = #tpu.dot_dimension_numbers<[1], [0], [0], [1], [0, 0, 1, 1], [], []>, transpose_lhs_hint = false} : vector<192x90xbf16>, vector<90x512xbf16>, vector<192x512xf32> -> vector<192x512xf32>
    %convert_element_type3A_314 = arith.truncf %dot_general3A_313 : vector<192x512xf32> to vector<192x512xbf16>
    %convert_element_type3A_315 = arith.extf %convert_element_type3A_314 : vector<192x512xbf16> to vector<192x512xf32>
    %slice3A_316 = vector.extract_strided_slice %convert_element_type3A_16 {offsets = [34, 0], sizes = [1, 512], strides = [1, 1]} : vector<128x512xf32> to vector<1x512xf32>
    %slice3A_317 = vector.extract_strided_slice %convert_element_type3A_315 {offsets = [0, 0], sizes = [96, 512], strides = [1, 1]} : vector<192x512xf32> to vector<96x512xf32>
    %mul3A_318 = vector.broadcast %slice3A_316 : vector<1x512xf32> to vector<96x512xf32>
    %mul3A_319 = arith.mulf %mul3A_318, %slice3A_317 : vector<96x512xf32>
    %add3A_320 = arith.addf %add3A_308, %mul3A_319 : vector<96x512xf32>
    %slice3A_321 = vector.extract_strided_slice %convert_element_type3A_16 {offsets = [35, 0], sizes = [1, 512], strides = [1, 1]} : vector<128x512xf32> to vector<1x512xf32>
    %slice3A_322 = vector.extract_strided_slice %convert_element_type3A_315 {offsets = [96, 0], sizes = [96, 512], strides = [1, 1]} : vector<192x512xf32> to vector<96x512xf32>
    %mul3A_323 = vector.broadcast %slice3A_321 : vector<1x512xf32> to vector<96x512xf32>
    %mul3A_324 = arith.mulf %mul3A_323, %slice3A_322 : vector<96x512xf32>
    %add3A_325 = arith.addf %add3A_320, %mul3A_324 : vector<96x512xf32>
    %get3A_326 = arith.constant 3456 : index
    %get3A_327 = arith.constant 0 : index
    %get3A_328 = vector.load %arg5[%get3A_326, %get3A_327] : memref<8640x90xbf16, #tpu.memory_space<vmem>>, vector<192x90xbf16>
    %dot_general3A_329 = arith.constant dense<0.000000e+00> : vector<192x512xf32>
    %dot_general3A_330 = tpu.matmul %get3A_328, %convert_element_type3A, %dot_general3A_329 {dimension_numbers = #tpu.dot_dimension_numbers<[1], [0], [0], [1], [0, 0, 1, 1], [], []>, transpose_lhs_hint = false} : vector<192x90xbf16>, vector<90x512xbf16>, vector<192x512xf32> -> vector<192x512xf32>
    %convert_element_type3A_331 = arith.truncf %dot_general3A_330 : vector<192x512xf32> to vector<192x512xbf16>
    %convert_element_type3A_332 = arith.extf %convert_element_type3A_331 : vector<192x512xbf16> to vector<192x512xf32>
    %slice3A_333 = vector.extract_strided_slice %convert_element_type3A_16 {offsets = [36, 0], sizes = [1, 512], strides = [1, 1]} : vector<128x512xf32> to vector<1x512xf32>
    %slice3A_334 = vector.extract_strided_slice %convert_element_type3A_332 {offsets = [0, 0], sizes = [96, 512], strides = [1, 1]} : vector<192x512xf32> to vector<96x512xf32>
    %mul3A_335 = vector.broadcast %slice3A_333 : vector<1x512xf32> to vector<96x512xf32>
    %mul3A_336 = arith.mulf %mul3A_335, %slice3A_334 : vector<96x512xf32>
    %add3A_337 = arith.addf %add3A_325, %mul3A_336 : vector<96x512xf32>
    %slice3A_338 = vector.extract_strided_slice %convert_element_type3A_16 {offsets = [37, 0], sizes = [1, 512], strides = [1, 1]} : vector<128x512xf32> to vector<1x512xf32>
    %slice3A_339 = vector.extract_strided_slice %convert_element_type3A_332 {offsets = [96, 0], sizes = [96, 512], strides = [1, 1]} : vector<192x512xf32> to vector<96x512xf32>
    %mul3A_340 = vector.broadcast %slice3A_338 : vector<1x512xf32> to vector<96x512xf32>
    %mul3A_341 = arith.mulf %mul3A_340, %slice3A_339 : vector<96x512xf32>
    %add3A_342 = arith.addf %add3A_337, %mul3A_341 : vector<96x512xf32>
    %get3A_343 = arith.constant 3648 : index
    %get3A_344 = arith.constant 0 : index
    %get3A_345 = vector.load %arg5[%get3A_343, %get3A_344] : memref<8640x90xbf16, #tpu.memory_space<vmem>>, vector<192x90xbf16>
    %dot_general3A_346 = arith.constant dense<0.000000e+00> : vector<192x512xf32>
    %dot_general3A_347 = tpu.matmul %get3A_345, %convert_element_type3A, %dot_general3A_346 {dimension_numbers = #tpu.dot_dimension_numbers<[1], [0], [0], [1], [0, 0, 1, 1], [], []>, transpose_lhs_hint = false} : vector<192x90xbf16>, vector<90x512xbf16>, vector<192x512xf32> -> vector<192x512xf32>
    %convert_element_type3A_348 = arith.truncf %dot_general3A_347 : vector<192x512xf32> to vector<192x512xbf16>
    %convert_element_type3A_349 = arith.extf %convert_element_type3A_348 : vector<192x512xbf16> to vector<192x512xf32>
    %slice3A_350 = vector.extract_strided_slice %convert_element_type3A_16 {offsets = [38, 0], sizes = [1, 512], strides = [1, 1]} : vector<128x512xf32> to vector<1x512xf32>
    %slice3A_351 = vector.extract_strided_slice %convert_element_type3A_349 {offsets = [0, 0], sizes = [96, 512], strides = [1, 1]} : vector<192x512xf32> to vector<96x512xf32>
    %mul3A_352 = vector.broadcast %slice3A_350 : vector<1x512xf32> to vector<96x512xf32>
    %mul3A_353 = arith.mulf %mul3A_352, %slice3A_351 : vector<96x512xf32>
    %add3A_354 = arith.addf %add3A_342, %mul3A_353 : vector<96x512xf32>
    %slice3A_355 = vector.extract_strided_slice %convert_element_type3A_16 {offsets = [39, 0], sizes = [1, 512], strides = [1, 1]} : vector<128x512xf32> to vector<1x512xf32>
    %slice3A_356 = vector.extract_strided_slice %convert_element_type3A_349 {offsets = [96, 0], sizes = [96, 512], strides = [1, 1]} : vector<192x512xf32> to vector<96x512xf32>
    %mul3A_357 = vector.broadcast %slice3A_355 : vector<1x512xf32> to vector<96x512xf32>
    %mul3A_358 = arith.mulf %mul3A_357, %slice3A_356 : vector<96x512xf32>
    %add3A_359 = arith.addf %add3A_354, %mul3A_358 : vector<96x512xf32>
    %get3A_360 = arith.constant 3840 : index
    %get3A_361 = arith.constant 0 : index
    %get3A_362 = vector.load %arg5[%get3A_360, %get3A_361] : memref<8640x90xbf16, #tpu.memory_space<vmem>>, vector<192x90xbf16>
    %dot_general3A_363 = arith.constant dense<0.000000e+00> : vector<192x512xf32>
    %dot_general3A_364 = tpu.matmul %get3A_362, %convert_element_type3A, %dot_general3A_363 {dimension_numbers = #tpu.dot_dimension_numbers<[1], [0], [0], [1], [0, 0, 1, 1], [], []>, transpose_lhs_hint = false} : vector<192x90xbf16>, vector<90x512xbf16>, vector<192x512xf32> -> vector<192x512xf32>
    %convert_element_type3A_365 = arith.truncf %dot_general3A_364 : vector<192x512xf32> to vector<192x512xbf16>
    %convert_element_type3A_366 = arith.extf %convert_element_type3A_365 : vector<192x512xbf16> to vector<192x512xf32>
    %slice3A_367 = vector.extract_strided_slice %convert_element_type3A_16 {offsets = [40, 0], sizes = [1, 512], strides = [1, 1]} : vector<128x512xf32> to vector<1x512xf32>
    %slice3A_368 = vector.extract_strided_slice %convert_element_type3A_366 {offsets = [0, 0], sizes = [96, 512], strides = [1, 1]} : vector<192x512xf32> to vector<96x512xf32>
    %mul3A_369 = vector.broadcast %slice3A_367 : vector<1x512xf32> to vector<96x512xf32>
    %mul3A_370 = arith.mulf %mul3A_369, %slice3A_368 : vector<96x512xf32>
    %add3A_371 = arith.addf %add3A_359, %mul3A_370 : vector<96x512xf32>
    %slice3A_372 = vector.extract_strided_slice %convert_element_type3A_16 {offsets = [41, 0], sizes = [1, 512], strides = [1, 1]} : vector<128x512xf32> to vector<1x512xf32>
    %slice3A_373 = vector.extract_strided_slice %convert_element_type3A_366 {offsets = [96, 0], sizes = [96, 512], strides = [1, 1]} : vector<192x512xf32> to vector<96x512xf32>
    %mul3A_374 = vector.broadcast %slice3A_372 : vector<1x512xf32> to vector<96x512xf32>
    %mul3A_375 = arith.mulf %mul3A_374, %slice3A_373 : vector<96x512xf32>
    %add3A_376 = arith.addf %add3A_371, %mul3A_375 : vector<96x512xf32>
    %get3A_377 = arith.constant 4032 : index
    %get3A_378 = arith.constant 0 : index
    %get3A_379 = vector.load %arg5[%get3A_377, %get3A_378] : memref<8640x90xbf16, #tpu.memory_space<vmem>>, vector<192x90xbf16>
    %dot_general3A_380 = arith.constant dense<0.000000e+00> : vector<192x512xf32>
    %dot_general3A_381 = tpu.matmul %get3A_379, %convert_element_type3A, %dot_general3A_380 {dimension_numbers = #tpu.dot_dimension_numbers<[1], [0], [0], [1], [0, 0, 1, 1], [], []>, transpose_lhs_hint = false} : vector<192x90xbf16>, vector<90x512xbf16>, vector<192x512xf32> -> vector<192x512xf32>
    %convert_element_type3A_382 = arith.truncf %dot_general3A_381 : vector<192x512xf32> to vector<192x512xbf16>
    %convert_element_type3A_383 = arith.extf %convert_element_type3A_382 : vector<192x512xbf16> to vector<192x512xf32>
    %slice3A_384 = vector.extract_strided_slice %convert_element_type3A_16 {offsets = [42, 0], sizes = [1, 512], strides = [1, 1]} : vector<128x512xf32> to vector<1x512xf32>
    %slice3A_385 = vector.extract_strided_slice %convert_element_type3A_383 {offsets = [0, 0], sizes = [96, 512], strides = [1, 1]} : vector<192x512xf32> to vector<96x512xf32>
    %mul3A_386 = vector.broadcast %slice3A_384 : vector<1x512xf32> to vector<96x512xf32>
    %mul3A_387 = arith.mulf %mul3A_386, %slice3A_385 : vector<96x512xf32>
    %add3A_388 = arith.addf %add3A_376, %mul3A_387 : vector<96x512xf32>
    %slice3A_389 = vector.extract_strided_slice %convert_element_type3A_16 {offsets = [43, 0], sizes = [1, 512], strides = [1, 1]} : vector<128x512xf32> to vector<1x512xf32>
    %slice3A_390 = vector.extract_strided_slice %convert_element_type3A_383 {offsets = [96, 0], sizes = [96, 512], strides = [1, 1]} : vector<192x512xf32> to vector<96x512xf32>
    %mul3A_391 = vector.broadcast %slice3A_389 : vector<1x512xf32> to vector<96x512xf32>
    %mul3A_392 = arith.mulf %mul3A_391, %slice3A_390 : vector<96x512xf32>
    %add3A_393 = arith.addf %add3A_388, %mul3A_392 : vector<96x512xf32>
    %get3A_394 = arith.constant 4224 : index
    %get3A_395 = arith.constant 0 : index
    %get3A_396 = vector.load %arg5[%get3A_394, %get3A_395] : memref<8640x90xbf16, #tpu.memory_space<vmem>>, vector<192x90xbf16>
    %dot_general3A_397 = arith.constant dense<0.000000e+00> : vector<192x512xf32>
    %dot_general3A_398 = tpu.matmul %get3A_396, %convert_element_type3A, %dot_general3A_397 {dimension_numbers = #tpu.dot_dimension_numbers<[1], [0], [0], [1], [0, 0, 1, 1], [], []>, transpose_lhs_hint = false} : vector<192x90xbf16>, vector<90x512xbf16>, vector<192x512xf32> -> vector<192x512xf32>
    %convert_element_type3A_399 = arith.truncf %dot_general3A_398 : vector<192x512xf32> to vector<192x512xbf16>
    %convert_element_type3A_400 = arith.extf %convert_element_type3A_399 : vector<192x512xbf16> to vector<192x512xf32>
    %slice3A_401 = vector.extract_strided_slice %convert_element_type3A_16 {offsets = [44, 0], sizes = [1, 512], strides = [1, 1]} : vector<128x512xf32> to vector<1x512xf32>
    %slice3A_402 = vector.extract_strided_slice %convert_element_type3A_400 {offsets = [0, 0], sizes = [96, 512], strides = [1, 1]} : vector<192x512xf32> to vector<96x512xf32>
    %mul3A_403 = vector.broadcast %slice3A_401 : vector<1x512xf32> to vector<96x512xf32>
    %mul3A_404 = arith.mulf %mul3A_403, %slice3A_402 : vector<96x512xf32>
    %add3A_405 = arith.addf %add3A_393, %mul3A_404 : vector<96x512xf32>
    %slice3A_406 = vector.extract_strided_slice %convert_element_type3A_16 {offsets = [45, 0], sizes = [1, 512], strides = [1, 1]} : vector<128x512xf32> to vector<1x512xf32>
    %slice3A_407 = vector.extract_strided_slice %convert_element_type3A_400 {offsets = [96, 0], sizes = [96, 512], strides = [1, 1]} : vector<192x512xf32> to vector<96x512xf32>
    %mul3A_408 = vector.broadcast %slice3A_406 : vector<1x512xf32> to vector<96x512xf32>
    %mul3A_409 = arith.mulf %mul3A_408, %slice3A_407 : vector<96x512xf32>
    %add3A_410 = arith.addf %add3A_405, %mul3A_409 : vector<96x512xf32>
    %get3A_411 = arith.constant 4416 : index
    %get3A_412 = arith.constant 0 : index
    %get3A_413 = vector.load %arg5[%get3A_411, %get3A_412] : memref<8640x90xbf16, #tpu.memory_space<vmem>>, vector<192x90xbf16>
    %dot_general3A_414 = arith.constant dense<0.000000e+00> : vector<192x512xf32>
    %dot_general3A_415 = tpu.matmul %get3A_413, %convert_element_type3A, %dot_general3A_414 {dimension_numbers = #tpu.dot_dimension_numbers<[1], [0], [0], [1], [0, 0, 1, 1], [], []>, transpose_lhs_hint = false} : vector<192x90xbf16>, vector<90x512xbf16>, vector<192x512xf32> -> vector<192x512xf32>
    %convert_element_type3A_416 = arith.truncf %dot_general3A_415 : vector<192x512xf32> to vector<192x512xbf16>
    %convert_element_type3A_417 = arith.extf %convert_element_type3A_416 : vector<192x512xbf16> to vector<192x512xf32>
    %slice3A_418 = vector.extract_strided_slice %convert_element_type3A_16 {offsets = [46, 0], sizes = [1, 512], strides = [1, 1]} : vector<128x512xf32> to vector<1x512xf32>
    %slice3A_419 = vector.extract_strided_slice %convert_element_type3A_417 {offsets = [0, 0], sizes = [96, 512], strides = [1, 1]} : vector<192x512xf32> to vector<96x512xf32>
    %mul3A_420 = vector.broadcast %slice3A_418 : vector<1x512xf32> to vector<96x512xf32>
    %mul3A_421 = arith.mulf %mul3A_420, %slice3A_419 : vector<96x512xf32>
    %add3A_422 = arith.addf %add3A_410, %mul3A_421 : vector<96x512xf32>
    %slice3A_423 = vector.extract_strided_slice %convert_element_type3A_16 {offsets = [47, 0], sizes = [1, 512], strides = [1, 1]} : vector<128x512xf32> to vector<1x512xf32>
    %slice3A_424 = vector.extract_strided_slice %convert_element_type3A_417 {offsets = [96, 0], sizes = [96, 512], strides = [1, 1]} : vector<192x512xf32> to vector<96x512xf32>
    %mul3A_425 = vector.broadcast %slice3A_423 : vector<1x512xf32> to vector<96x512xf32>
    %mul3A_426 = arith.mulf %mul3A_425, %slice3A_424 : vector<96x512xf32>
    %add3A_427 = arith.addf %add3A_422, %mul3A_426 : vector<96x512xf32>
    %get3A_428 = arith.constant 4608 : index
    %get3A_429 = arith.constant 0 : index
    %get3A_430 = vector.load %arg5[%get3A_428, %get3A_429] : memref<8640x90xbf16, #tpu.memory_space<vmem>>, vector<192x90xbf16>
    %dot_general3A_431 = arith.constant dense<0.000000e+00> : vector<192x512xf32>
    %dot_general3A_432 = tpu.matmul %get3A_430, %convert_element_type3A, %dot_general3A_431 {dimension_numbers = #tpu.dot_dimension_numbers<[1], [0], [0], [1], [0, 0, 1, 1], [], []>, transpose_lhs_hint = false} : vector<192x90xbf16>, vector<90x512xbf16>, vector<192x512xf32> -> vector<192x512xf32>
    %convert_element_type3A_433 = arith.truncf %dot_general3A_432 : vector<192x512xf32> to vector<192x512xbf16>
    %convert_element_type3A_434 = arith.extf %convert_element_type3A_433 : vector<192x512xbf16> to vector<192x512xf32>
    %slice3A_435 = vector.extract_strided_slice %convert_element_type3A_16 {offsets = [48, 0], sizes = [1, 512], strides = [1, 1]} : vector<128x512xf32> to vector<1x512xf32>
    %slice3A_436 = vector.extract_strided_slice %convert_element_type3A_434 {offsets = [0, 0], sizes = [96, 512], strides = [1, 1]} : vector<192x512xf32> to vector<96x512xf32>
    %mul3A_437 = vector.broadcast %slice3A_435 : vector<1x512xf32> to vector<96x512xf32>
    %mul3A_438 = arith.mulf %mul3A_437, %slice3A_436 : vector<96x512xf32>
    %add3A_439 = arith.addf %add3A_427, %mul3A_438 : vector<96x512xf32>
    %slice3A_440 = vector.extract_strided_slice %convert_element_type3A_16 {offsets = [49, 0], sizes = [1, 512], strides = [1, 1]} : vector<128x512xf32> to vector<1x512xf32>
    %slice3A_441 = vector.extract_strided_slice %convert_element_type3A_434 {offsets = [96, 0], sizes = [96, 512], strides = [1, 1]} : vector<192x512xf32> to vector<96x512xf32>
    %mul3A_442 = vector.broadcast %slice3A_440 : vector<1x512xf32> to vector<96x512xf32>
    %mul3A_443 = arith.mulf %mul3A_442, %slice3A_441 : vector<96x512xf32>
    %add3A_444 = arith.addf %add3A_439, %mul3A_443 : vector<96x512xf32>
    %get3A_445 = arith.constant 4800 : index
    %get3A_446 = arith.constant 0 : index
    %get3A_447 = vector.load %arg5[%get3A_445, %get3A_446] : memref<8640x90xbf16, #tpu.memory_space<vmem>>, vector<192x90xbf16>
    %dot_general3A_448 = arith.constant dense<0.000000e+00> : vector<192x512xf32>
    %dot_general3A_449 = tpu.matmul %get3A_447, %convert_element_type3A, %dot_general3A_448 {dimension_numbers = #tpu.dot_dimension_numbers<[1], [0], [0], [1], [0, 0, 1, 1], [], []>, transpose_lhs_hint = false} : vector<192x90xbf16>, vector<90x512xbf16>, vector<192x512xf32> -> vector<192x512xf32>
    %convert_element_type3A_450 = arith.truncf %dot_general3A_449 : vector<192x512xf32> to vector<192x512xbf16>
    %convert_element_type3A_451 = arith.extf %convert_element_type3A_450 : vector<192x512xbf16> to vector<192x512xf32>
    %slice3A_452 = vector.extract_strided_slice %convert_element_type3A_16 {offsets = [50, 0], sizes = [1, 512], strides = [1, 1]} : vector<128x512xf32> to vector<1x512xf32>
    %slice3A_453 = vector.extract_strided_slice %convert_element_type3A_451 {offsets = [0, 0], sizes = [96, 512], strides = [1, 1]} : vector<192x512xf32> to vector<96x512xf32>
    %mul3A_454 = vector.broadcast %slice3A_452 : vector<1x512xf32> to vector<96x512xf32>
    %mul3A_455 = arith.mulf %mul3A_454, %slice3A_453 : vector<96x512xf32>
    %add3A_456 = arith.addf %add3A_444, %mul3A_455 : vector<96x512xf32>
    %slice3A_457 = vector.extract_strided_slice %convert_element_type3A_16 {offsets = [51, 0], sizes = [1, 512], strides = [1, 1]} : vector<128x512xf32> to vector<1x512xf32>
    %slice3A_458 = vector.extract_strided_slice %convert_element_type3A_451 {offsets = [96, 0], sizes = [96, 512], strides = [1, 1]} : vector<192x512xf32> to vector<96x512xf32>
    %mul3A_459 = vector.broadcast %slice3A_457 : vector<1x512xf32> to vector<96x512xf32>
    %mul3A_460 = arith.mulf %mul3A_459, %slice3A_458 : vector<96x512xf32>
    %add3A_461 = arith.addf %add3A_456, %mul3A_460 : vector<96x512xf32>
    %get3A_462 = arith.constant 4992 : index
    %get3A_463 = arith.constant 0 : index
    %get3A_464 = vector.load %arg5[%get3A_462, %get3A_463] : memref<8640x90xbf16, #tpu.memory_space<vmem>>, vector<192x90xbf16>
    %dot_general3A_465 = arith.constant dense<0.000000e+00> : vector<192x512xf32>
    %dot_general3A_466 = tpu.matmul %get3A_464, %convert_element_type3A, %dot_general3A_465 {dimension_numbers = #tpu.dot_dimension_numbers<[1], [0], [0], [1], [0, 0, 1, 1], [], []>, transpose_lhs_hint = false} : vector<192x90xbf16>, vector<90x512xbf16>, vector<192x512xf32> -> vector<192x512xf32>
    %convert_element_type3A_467 = arith.truncf %dot_general3A_466 : vector<192x512xf32> to vector<192x512xbf16>
    %convert_element_type3A_468 = arith.extf %convert_element_type3A_467 : vector<192x512xbf16> to vector<192x512xf32>
    %slice3A_469 = vector.extract_strided_slice %convert_element_type3A_16 {offsets = [52, 0], sizes = [1, 512], strides = [1, 1]} : vector<128x512xf32> to vector<1x512xf32>
    %slice3A_470 = vector.extract_strided_slice %convert_element_type3A_468 {offsets = [0, 0], sizes = [96, 512], strides = [1, 1]} : vector<192x512xf32> to vector<96x512xf32>
    %mul3A_471 = vector.broadcast %slice3A_469 : vector<1x512xf32> to vector<96x512xf32>
    %mul3A_472 = arith.mulf %mul3A_471, %slice3A_470 : vector<96x512xf32>
    %add3A_473 = arith.addf %add3A_461, %mul3A_472 : vector<96x512xf32>
    %slice3A_474 = vector.extract_strided_slice %convert_element_type3A_16 {offsets = [53, 0], sizes = [1, 512], strides = [1, 1]} : vector<128x512xf32> to vector<1x512xf32>
    %slice3A_475 = vector.extract_strided_slice %convert_element_type3A_468 {offsets = [96, 0], sizes = [96, 512], strides = [1, 1]} : vector<192x512xf32> to vector<96x512xf32>
    %mul3A_476 = vector.broadcast %slice3A_474 : vector<1x512xf32> to vector<96x512xf32>
    %mul3A_477 = arith.mulf %mul3A_476, %slice3A_475 : vector<96x512xf32>
    %add3A_478 = arith.addf %add3A_473, %mul3A_477 : vector<96x512xf32>
    %get3A_479 = arith.constant 5184 : index
    %get3A_480 = arith.constant 0 : index
    %get3A_481 = vector.load %arg5[%get3A_479, %get3A_480] : memref<8640x90xbf16, #tpu.memory_space<vmem>>, vector<192x90xbf16>
    %dot_general3A_482 = arith.constant dense<0.000000e+00> : vector<192x512xf32>
    %dot_general3A_483 = tpu.matmul %get3A_481, %convert_element_type3A, %dot_general3A_482 {dimension_numbers = #tpu.dot_dimension_numbers<[1], [0], [0], [1], [0, 0, 1, 1], [], []>, transpose_lhs_hint = false} : vector<192x90xbf16>, vector<90x512xbf16>, vector<192x512xf32> -> vector<192x512xf32>
    %convert_element_type3A_484 = arith.truncf %dot_general3A_483 : vector<192x512xf32> to vector<192x512xbf16>
    %convert_element_type3A_485 = arith.extf %convert_element_type3A_484 : vector<192x512xbf16> to vector<192x512xf32>
    %slice3A_486 = vector.extract_strided_slice %convert_element_type3A_16 {offsets = [54, 0], sizes = [1, 512], strides = [1, 1]} : vector<128x512xf32> to vector<1x512xf32>
    %slice3A_487 = vector.extract_strided_slice %convert_element_type3A_485 {offsets = [0, 0], sizes = [96, 512], strides = [1, 1]} : vector<192x512xf32> to vector<96x512xf32>
    %mul3A_488 = vector.broadcast %slice3A_486 : vector<1x512xf32> to vector<96x512xf32>
    %mul3A_489 = arith.mulf %mul3A_488, %slice3A_487 : vector<96x512xf32>
    %add3A_490 = arith.addf %add3A_478, %mul3A_489 : vector<96x512xf32>
    %slice3A_491 = vector.extract_strided_slice %convert_element_type3A_16 {offsets = [55, 0], sizes = [1, 512], strides = [1, 1]} : vector<128x512xf32> to vector<1x512xf32>
    %slice3A_492 = vector.extract_strided_slice %convert_element_type3A_485 {offsets = [96, 0], sizes = [96, 512], strides = [1, 1]} : vector<192x512xf32> to vector<96x512xf32>
    %mul3A_493 = vector.broadcast %slice3A_491 : vector<1x512xf32> to vector<96x512xf32>
    %mul3A_494 = arith.mulf %mul3A_493, %slice3A_492 : vector<96x512xf32>
    %add3A_495 = arith.addf %add3A_490, %mul3A_494 : vector<96x512xf32>
    %get3A_496 = arith.constant 5376 : index
    %get3A_497 = arith.constant 0 : index
    %get3A_498 = vector.load %arg5[%get3A_496, %get3A_497] : memref<8640x90xbf16, #tpu.memory_space<vmem>>, vector<192x90xbf16>
    %dot_general3A_499 = arith.constant dense<0.000000e+00> : vector<192x512xf32>
    %dot_general3A_500 = tpu.matmul %get3A_498, %convert_element_type3A, %dot_general3A_499 {dimension_numbers = #tpu.dot_dimension_numbers<[1], [0], [0], [1], [0, 0, 1, 1], [], []>, transpose_lhs_hint = false} : vector<192x90xbf16>, vector<90x512xbf16>, vector<192x512xf32> -> vector<192x512xf32>
    %convert_element_type3A_501 = arith.truncf %dot_general3A_500 : vector<192x512xf32> to vector<192x512xbf16>
    %convert_element_type3A_502 = arith.extf %convert_element_type3A_501 : vector<192x512xbf16> to vector<192x512xf32>
    %slice3A_503 = vector.extract_strided_slice %convert_element_type3A_16 {offsets = [56, 0], sizes = [1, 512], strides = [1, 1]} : vector<128x512xf32> to vector<1x512xf32>
    %slice3A_504 = vector.extract_strided_slice %convert_element_type3A_502 {offsets = [0, 0], sizes = [96, 512], strides = [1, 1]} : vector<192x512xf32> to vector<96x512xf32>
    %mul3A_505 = vector.broadcast %slice3A_503 : vector<1x512xf32> to vector<96x512xf32>
    %mul3A_506 = arith.mulf %mul3A_505, %slice3A_504 : vector<96x512xf32>
    %add3A_507 = arith.addf %add3A_495, %mul3A_506 : vector<96x512xf32>
    %slice3A_508 = vector.extract_strided_slice %convert_element_type3A_16 {offsets = [57, 0], sizes = [1, 512], strides = [1, 1]} : vector<128x512xf32> to vector<1x512xf32>
    %slice3A_509 = vector.extract_strided_slice %convert_element_type3A_502 {offsets = [96, 0], sizes = [96, 512], strides = [1, 1]} : vector<192x512xf32> to vector<96x512xf32>
    %mul3A_510 = vector.broadcast %slice3A_508 : vector<1x512xf32> to vector<96x512xf32>
    %mul3A_511 = arith.mulf %mul3A_510, %slice3A_509 : vector<96x512xf32>
    %add3A_512 = arith.addf %add3A_507, %mul3A_511 : vector<96x512xf32>
    %get3A_513 = arith.constant 5568 : index
    %get3A_514 = arith.constant 0 : index
    %get3A_515 = vector.load %arg5[%get3A_513, %get3A_514] : memref<8640x90xbf16, #tpu.memory_space<vmem>>, vector<192x90xbf16>
    %dot_general3A_516 = arith.constant dense<0.000000e+00> : vector<192x512xf32>
    %dot_general3A_517 = tpu.matmul %get3A_515, %convert_element_type3A, %dot_general3A_516 {dimension_numbers = #tpu.dot_dimension_numbers<[1], [0], [0], [1], [0, 0, 1, 1], [], []>, transpose_lhs_hint = false} : vector<192x90xbf16>, vector<90x512xbf16>, vector<192x512xf32> -> vector<192x512xf32>
    %convert_element_type3A_518 = arith.truncf %dot_general3A_517 : vector<192x512xf32> to vector<192x512xbf16>
    %convert_element_type3A_519 = arith.extf %convert_element_type3A_518 : vector<192x512xbf16> to vector<192x512xf32>
    %slice3A_520 = vector.extract_strided_slice %convert_element_type3A_16 {offsets = [58, 0], sizes = [1, 512], strides = [1, 1]} : vector<128x512xf32> to vector<1x512xf32>
    %slice3A_521 = vector.extract_strided_slice %convert_element_type3A_519 {offsets = [0, 0], sizes = [96, 512], strides = [1, 1]} : vector<192x512xf32> to vector<96x512xf32>
    %mul3A_522 = vector.broadcast %slice3A_520 : vector<1x512xf32> to vector<96x512xf32>
    %mul3A_523 = arith.mulf %mul3A_522, %slice3A_521 : vector<96x512xf32>
    %add3A_524 = arith.addf %add3A_512, %mul3A_523 : vector<96x512xf32>
    %slice3A_525 = vector.extract_strided_slice %convert_element_type3A_16 {offsets = [59, 0], sizes = [1, 512], strides = [1, 1]} : vector<128x512xf32> to vector<1x512xf32>
    %slice3A_526 = vector.extract_strided_slice %convert_element_type3A_519 {offsets = [96, 0], sizes = [96, 512], strides = [1, 1]} : vector<192x512xf32> to vector<96x512xf32>
    %mul3A_527 = vector.broadcast %slice3A_525 : vector<1x512xf32> to vector<96x512xf32>
    %mul3A_528 = arith.mulf %mul3A_527, %slice3A_526 : vector<96x512xf32>
    %add3A_529 = arith.addf %add3A_524, %mul3A_528 : vector<96x512xf32>
    %get3A_530 = arith.constant 5760 : index
    %get3A_531 = arith.constant 0 : index
    %get3A_532 = vector.load %arg5[%get3A_530, %get3A_531] : memref<8640x90xbf16, #tpu.memory_space<vmem>>, vector<192x90xbf16>
    %dot_general3A_533 = arith.constant dense<0.000000e+00> : vector<192x512xf32>
    %dot_general3A_534 = tpu.matmul %get3A_532, %convert_element_type3A, %dot_general3A_533 {dimension_numbers = #tpu.dot_dimension_numbers<[1], [0], [0], [1], [0, 0, 1, 1], [], []>, transpose_lhs_hint = false} : vector<192x90xbf16>, vector<90x512xbf16>, vector<192x512xf32> -> vector<192x512xf32>
    %convert_element_type3A_535 = arith.truncf %dot_general3A_534 : vector<192x512xf32> to vector<192x512xbf16>
    %convert_element_type3A_536 = arith.extf %convert_element_type3A_535 : vector<192x512xbf16> to vector<192x512xf32>
    %slice3A_537 = vector.extract_strided_slice %convert_element_type3A_16 {offsets = [60, 0], sizes = [1, 512], strides = [1, 1]} : vector<128x512xf32> to vector<1x512xf32>
    %slice3A_538 = vector.extract_strided_slice %convert_element_type3A_536 {offsets = [0, 0], sizes = [96, 512], strides = [1, 1]} : vector<192x512xf32> to vector<96x512xf32>
    %mul3A_539 = vector.broadcast %slice3A_537 : vector<1x512xf32> to vector<96x512xf32>
    %mul3A_540 = arith.mulf %mul3A_539, %slice3A_538 : vector<96x512xf32>
    %add3A_541 = arith.addf %add3A_529, %mul3A_540 : vector<96x512xf32>
    %slice3A_542 = vector.extract_strided_slice %convert_element_type3A_16 {offsets = [61, 0], sizes = [1, 512], strides = [1, 1]} : vector<128x512xf32> to vector<1x512xf32>
    %slice3A_543 = vector.extract_strided_slice %convert_element_type3A_536 {offsets = [96, 0], sizes = [96, 512], strides = [1, 1]} : vector<192x512xf32> to vector<96x512xf32>
    %mul3A_544 = vector.broadcast %slice3A_542 : vector<1x512xf32> to vector<96x512xf32>
    %mul3A_545 = arith.mulf %mul3A_544, %slice3A_543 : vector<96x512xf32>
    %add3A_546 = arith.addf %add3A_541, %mul3A_545 : vector<96x512xf32>
    %get3A_547 = arith.constant 5952 : index
    %get3A_548 = arith.constant 0 : index
    %get3A_549 = vector.load %arg5[%get3A_547, %get3A_548] : memref<8640x90xbf16, #tpu.memory_space<vmem>>, vector<192x90xbf16>
    %dot_general3A_550 = arith.constant dense<0.000000e+00> : vector<192x512xf32>
    %dot_general3A_551 = tpu.matmul %get3A_549, %convert_element_type3A, %dot_general3A_550 {dimension_numbers = #tpu.dot_dimension_numbers<[1], [0], [0], [1], [0, 0, 1, 1], [], []>, transpose_lhs_hint = false} : vector<192x90xbf16>, vector<90x512xbf16>, vector<192x512xf32> -> vector<192x512xf32>
    %convert_element_type3A_552 = arith.truncf %dot_general3A_551 : vector<192x512xf32> to vector<192x512xbf16>
    %convert_element_type3A_553 = arith.extf %convert_element_type3A_552 : vector<192x512xbf16> to vector<192x512xf32>
    %slice3A_554 = vector.extract_strided_slice %convert_element_type3A_16 {offsets = [62, 0], sizes = [1, 512], strides = [1, 1]} : vector<128x512xf32> to vector<1x512xf32>
    %slice3A_555 = vector.extract_strided_slice %convert_element_type3A_553 {offsets = [0, 0], sizes = [96, 512], strides = [1, 1]} : vector<192x512xf32> to vector<96x512xf32>
    %mul3A_556 = vector.broadcast %slice3A_554 : vector<1x512xf32> to vector<96x512xf32>
    %mul3A_557 = arith.mulf %mul3A_556, %slice3A_555 : vector<96x512xf32>
    %add3A_558 = arith.addf %add3A_546, %mul3A_557 : vector<96x512xf32>
    %slice3A_559 = vector.extract_strided_slice %convert_element_type3A_16 {offsets = [63, 0], sizes = [1, 512], strides = [1, 1]} : vector<128x512xf32> to vector<1x512xf32>
    %slice3A_560 = vector.extract_strided_slice %convert_element_type3A_553 {offsets = [96, 0], sizes = [96, 512], strides = [1, 1]} : vector<192x512xf32> to vector<96x512xf32>
    %mul3A_561 = vector.broadcast %slice3A_559 : vector<1x512xf32> to vector<96x512xf32>
    %mul3A_562 = arith.mulf %mul3A_561, %slice3A_560 : vector<96x512xf32>
    %add3A_563 = arith.addf %add3A_558, %mul3A_562 : vector<96x512xf32>
    %get3A_564 = arith.constant 6144 : index
    %get3A_565 = arith.constant 0 : index
    %get3A_566 = vector.load %arg5[%get3A_564, %get3A_565] : memref<8640x90xbf16, #tpu.memory_space<vmem>>, vector<192x90xbf16>
    %dot_general3A_567 = arith.constant dense<0.000000e+00> : vector<192x512xf32>
    %dot_general3A_568 = tpu.matmul %get3A_566, %convert_element_type3A, %dot_general3A_567 {dimension_numbers = #tpu.dot_dimension_numbers<[1], [0], [0], [1], [0, 0, 1, 1], [], []>, transpose_lhs_hint = false} : vector<192x90xbf16>, vector<90x512xbf16>, vector<192x512xf32> -> vector<192x512xf32>
    %convert_element_type3A_569 = arith.truncf %dot_general3A_568 : vector<192x512xf32> to vector<192x512xbf16>
    %convert_element_type3A_570 = arith.extf %convert_element_type3A_569 : vector<192x512xbf16> to vector<192x512xf32>
    %slice3A_571 = vector.extract_strided_slice %convert_element_type3A_16 {offsets = [64, 0], sizes = [1, 512], strides = [1, 1]} : vector<128x512xf32> to vector<1x512xf32>
    %slice3A_572 = vector.extract_strided_slice %convert_element_type3A_570 {offsets = [0, 0], sizes = [96, 512], strides = [1, 1]} : vector<192x512xf32> to vector<96x512xf32>
    %mul3A_573 = vector.broadcast %slice3A_571 : vector<1x512xf32> to vector<96x512xf32>
    %mul3A_574 = arith.mulf %mul3A_573, %slice3A_572 : vector<96x512xf32>
    %add3A_575 = arith.addf %add3A_563, %mul3A_574 : vector<96x512xf32>
    %slice3A_576 = vector.extract_strided_slice %convert_element_type3A_16 {offsets = [65, 0], sizes = [1, 512], strides = [1, 1]} : vector<128x512xf32> to vector<1x512xf32>
    %slice3A_577 = vector.extract_strided_slice %convert_element_type3A_570 {offsets = [96, 0], sizes = [96, 512], strides = [1, 1]} : vector<192x512xf32> to vector<96x512xf32>
    %mul3A_578 = vector.broadcast %slice3A_576 : vector<1x512xf32> to vector<96x512xf32>
    %mul3A_579 = arith.mulf %mul3A_578, %slice3A_577 : vector<96x512xf32>
    %add3A_580 = arith.addf %add3A_575, %mul3A_579 : vector<96x512xf32>
    %get3A_581 = arith.constant 6336 : index
    %get3A_582 = arith.constant 0 : index
    %get3A_583 = vector.load %arg5[%get3A_581, %get3A_582] : memref<8640x90xbf16, #tpu.memory_space<vmem>>, vector<192x90xbf16>
    %dot_general3A_584 = arith.constant dense<0.000000e+00> : vector<192x512xf32>
    %dot_general3A_585 = tpu.matmul %get3A_583, %convert_element_type3A, %dot_general3A_584 {dimension_numbers = #tpu.dot_dimension_numbers<[1], [0], [0], [1], [0, 0, 1, 1], [], []>, transpose_lhs_hint = false} : vector<192x90xbf16>, vector<90x512xbf16>, vector<192x512xf32> -> vector<192x512xf32>
    %convert_element_type3A_586 = arith.truncf %dot_general3A_585 : vector<192x512xf32> to vector<192x512xbf16>
    %convert_element_type3A_587 = arith.extf %convert_element_type3A_586 : vector<192x512xbf16> to vector<192x512xf32>
    %slice3A_588 = vector.extract_strided_slice %convert_element_type3A_16 {offsets = [66, 0], sizes = [1, 512], strides = [1, 1]} : vector<128x512xf32> to vector<1x512xf32>
    %slice3A_589 = vector.extract_strided_slice %convert_element_type3A_587 {offsets = [0, 0], sizes = [96, 512], strides = [1, 1]} : vector<192x512xf32> to vector<96x512xf32>
    %mul3A_590 = vector.broadcast %slice3A_588 : vector<1x512xf32> to vector<96x512xf32>
    %mul3A_591 = arith.mulf %mul3A_590, %slice3A_589 : vector<96x512xf32>
    %add3A_592 = arith.addf %add3A_580, %mul3A_591 : vector<96x512xf32>
    %slice3A_593 = vector.extract_strided_slice %convert_element_type3A_16 {offsets = [67, 0], sizes = [1, 512], strides = [1, 1]} : vector<128x512xf32> to vector<1x512xf32>
    %slice3A_594 = vector.extract_strided_slice %convert_element_type3A_587 {offsets = [96, 0], sizes = [96, 512], strides = [1, 1]} : vector<192x512xf32> to vector<96x512xf32>
    %mul3A_595 = vector.broadcast %slice3A_593 : vector<1x512xf32> to vector<96x512xf32>
    %mul3A_596 = arith.mulf %mul3A_595, %slice3A_594 : vector<96x512xf32>
    %add3A_597 = arith.addf %add3A_592, %mul3A_596 : vector<96x512xf32>
    %get3A_598 = arith.constant 6528 : index
    %get3A_599 = arith.constant 0 : index
    %get3A_600 = vector.load %arg5[%get3A_598, %get3A_599] : memref<8640x90xbf16, #tpu.memory_space<vmem>>, vector<192x90xbf16>
    %dot_general3A_601 = arith.constant dense<0.000000e+00> : vector<192x512xf32>
    %dot_general3A_602 = tpu.matmul %get3A_600, %convert_element_type3A, %dot_general3A_601 {dimension_numbers = #tpu.dot_dimension_numbers<[1], [0], [0], [1], [0, 0, 1, 1], [], []>, transpose_lhs_hint = false} : vector<192x90xbf16>, vector<90x512xbf16>, vector<192x512xf32> -> vector<192x512xf32>
    %convert_element_type3A_603 = arith.truncf %dot_general3A_602 : vector<192x512xf32> to vector<192x512xbf16>
    %convert_element_type3A_604 = arith.extf %convert_element_type3A_603 : vector<192x512xbf16> to vector<192x512xf32>
    %slice3A_605 = vector.extract_strided_slice %convert_element_type3A_16 {offsets = [68, 0], sizes = [1, 512], strides = [1, 1]} : vector<128x512xf32> to vector<1x512xf32>
    %slice3A_606 = vector.extract_strided_slice %convert_element_type3A_604 {offsets = [0, 0], sizes = [96, 512], strides = [1, 1]} : vector<192x512xf32> to vector<96x512xf32>
    %mul3A_607 = vector.broadcast %slice3A_605 : vector<1x512xf32> to vector<96x512xf32>
    %mul3A_608 = arith.mulf %mul3A_607, %slice3A_606 : vector<96x512xf32>
    %add3A_609 = arith.addf %add3A_597, %mul3A_608 : vector<96x512xf32>
    %slice3A_610 = vector.extract_strided_slice %convert_element_type3A_16 {offsets = [69, 0], sizes = [1, 512], strides = [1, 1]} : vector<128x512xf32> to vector<1x512xf32>
    %slice3A_611 = vector.extract_strided_slice %convert_element_type3A_604 {offsets = [96, 0], sizes = [96, 512], strides = [1, 1]} : vector<192x512xf32> to vector<96x512xf32>
    %mul3A_612 = vector.broadcast %slice3A_610 : vector<1x512xf32> to vector<96x512xf32>
    %mul3A_613 = arith.mulf %mul3A_612, %slice3A_611 : vector<96x512xf32>
    %add3A_614 = arith.addf %add3A_609, %mul3A_613 : vector<96x512xf32>
    %get3A_615 = arith.constant 6720 : index
    %get3A_616 = arith.constant 0 : index
    %get3A_617 = vector.load %arg5[%get3A_615, %get3A_616] : memref<8640x90xbf16, #tpu.memory_space<vmem>>, vector<192x90xbf16>
    %dot_general3A_618 = arith.constant dense<0.000000e+00> : vector<192x512xf32>
    %dot_general3A_619 = tpu.matmul %get3A_617, %convert_element_type3A, %dot_general3A_618 {dimension_numbers = #tpu.dot_dimension_numbers<[1], [0], [0], [1], [0, 0, 1, 1], [], []>, transpose_lhs_hint = false} : vector<192x90xbf16>, vector<90x512xbf16>, vector<192x512xf32> -> vector<192x512xf32>
    %convert_element_type3A_620 = arith.truncf %dot_general3A_619 : vector<192x512xf32> to vector<192x512xbf16>
    %convert_element_type3A_621 = arith.extf %convert_element_type3A_620 : vector<192x512xbf16> to vector<192x512xf32>
    %slice3A_622 = vector.extract_strided_slice %convert_element_type3A_16 {offsets = [70, 0], sizes = [1, 512], strides = [1, 1]} : vector<128x512xf32> to vector<1x512xf32>
    %slice3A_623 = vector.extract_strided_slice %convert_element_type3A_621 {offsets = [0, 0], sizes = [96, 512], strides = [1, 1]} : vector<192x512xf32> to vector<96x512xf32>
    %mul3A_624 = vector.broadcast %slice3A_622 : vector<1x512xf32> to vector<96x512xf32>
    %mul3A_625 = arith.mulf %mul3A_624, %slice3A_623 : vector<96x512xf32>
    %add3A_626 = arith.addf %add3A_614, %mul3A_625 : vector<96x512xf32>
    %slice3A_627 = vector.extract_strided_slice %convert_element_type3A_16 {offsets = [71, 0], sizes = [1, 512], strides = [1, 1]} : vector<128x512xf32> to vector<1x512xf32>
    %slice3A_628 = vector.extract_strided_slice %convert_element_type3A_621 {offsets = [96, 0], sizes = [96, 512], strides = [1, 1]} : vector<192x512xf32> to vector<96x512xf32>
    %mul3A_629 = vector.broadcast %slice3A_627 : vector<1x512xf32> to vector<96x512xf32>
    %mul3A_630 = arith.mulf %mul3A_629, %slice3A_628 : vector<96x512xf32>
    %add3A_631 = arith.addf %add3A_626, %mul3A_630 : vector<96x512xf32>
    %get3A_632 = arith.constant 6912 : index
    %get3A_633 = arith.constant 0 : index
    %get3A_634 = vector.load %arg5[%get3A_632, %get3A_633] : memref<8640x90xbf16, #tpu.memory_space<vmem>>, vector<192x90xbf16>
    %dot_general3A_635 = arith.constant dense<0.000000e+00> : vector<192x512xf32>
    %dot_general3A_636 = tpu.matmul %get3A_634, %convert_element_type3A, %dot_general3A_635 {dimension_numbers = #tpu.dot_dimension_numbers<[1], [0], [0], [1], [0, 0, 1, 1], [], []>, transpose_lhs_hint = false} : vector<192x90xbf16>, vector<90x512xbf16>, vector<192x512xf32> -> vector<192x512xf32>
    %convert_element_type3A_637 = arith.truncf %dot_general3A_636 : vector<192x512xf32> to vector<192x512xbf16>
    %convert_element_type3A_638 = arith.extf %convert_element_type3A_637 : vector<192x512xbf16> to vector<192x512xf32>
    %slice3A_639 = vector.extract_strided_slice %convert_element_type3A_16 {offsets = [72, 0], sizes = [1, 512], strides = [1, 1]} : vector<128x512xf32> to vector<1x512xf32>
    %slice3A_640 = vector.extract_strided_slice %convert_element_type3A_638 {offsets = [0, 0], sizes = [96, 512], strides = [1, 1]} : vector<192x512xf32> to vector<96x512xf32>
    %mul3A_641 = vector.broadcast %slice3A_639 : vector<1x512xf32> to vector<96x512xf32>
    %mul3A_642 = arith.mulf %mul3A_641, %slice3A_640 : vector<96x512xf32>
    %add3A_643 = arith.addf %add3A_631, %mul3A_642 : vector<96x512xf32>
    %slice3A_644 = vector.extract_strided_slice %convert_element_type3A_16 {offsets = [73, 0], sizes = [1, 512], strides = [1, 1]} : vector<128x512xf32> to vector<1x512xf32>
    %slice3A_645 = vector.extract_strided_slice %convert_element_type3A_638 {offsets = [96, 0], sizes = [96, 512], strides = [1, 1]} : vector<192x512xf32> to vector<96x512xf32>
    %mul3A_646 = vector.broadcast %slice3A_644 : vector<1x512xf32> to vector<96x512xf32>
    %mul3A_647 = arith.mulf %mul3A_646, %slice3A_645 : vector<96x512xf32>
    %add3A_648 = arith.addf %add3A_643, %mul3A_647 : vector<96x512xf32>
    %get3A_649 = arith.constant 7104 : index
    %get3A_650 = arith.constant 0 : index
    %get3A_651 = vector.load %arg5[%get3A_649, %get3A_650] : memref<8640x90xbf16, #tpu.memory_space<vmem>>, vector<192x90xbf16>
    %dot_general3A_652 = arith.constant dense<0.000000e+00> : vector<192x512xf32>
    %dot_general3A_653 = tpu.matmul %get3A_651, %convert_element_type3A, %dot_general3A_652 {dimension_numbers = #tpu.dot_dimension_numbers<[1], [0], [0], [1], [0, 0, 1, 1], [], []>, transpose_lhs_hint = false} : vector<192x90xbf16>, vector<90x512xbf16>, vector<192x512xf32> -> vector<192x512xf32>
    %convert_element_type3A_654 = arith.truncf %dot_general3A_653 : vector<192x512xf32> to vector<192x512xbf16>
    %convert_element_type3A_655 = arith.extf %convert_element_type3A_654 : vector<192x512xbf16> to vector<192x512xf32>
    %slice3A_656 = vector.extract_strided_slice %convert_element_type3A_16 {offsets = [74, 0], sizes = [1, 512], strides = [1, 1]} : vector<128x512xf32> to vector<1x512xf32>
    %slice3A_657 = vector.extract_strided_slice %convert_element_type3A_655 {offsets = [0, 0], sizes = [96, 512], strides = [1, 1]} : vector<192x512xf32> to vector<96x512xf32>
    %mul3A_658 = vector.broadcast %slice3A_656 : vector<1x512xf32> to vector<96x512xf32>
    %mul3A_659 = arith.mulf %mul3A_658, %slice3A_657 : vector<96x512xf32>
    %add3A_660 = arith.addf %add3A_648, %mul3A_659 : vector<96x512xf32>
    %slice3A_661 = vector.extract_strided_slice %convert_element_type3A_16 {offsets = [75, 0], sizes = [1, 512], strides = [1, 1]} : vector<128x512xf32> to vector<1x512xf32>
    %slice3A_662 = vector.extract_strided_slice %convert_element_type3A_655 {offsets = [96, 0], sizes = [96, 512], strides = [1, 1]} : vector<192x512xf32> to vector<96x512xf32>
    %mul3A_663 = vector.broadcast %slice3A_661 : vector<1x512xf32> to vector<96x512xf32>
    %mul3A_664 = arith.mulf %mul3A_663, %slice3A_662 : vector<96x512xf32>
    %add3A_665 = arith.addf %add3A_660, %mul3A_664 : vector<96x512xf32>
    %get3A_666 = arith.constant 7296 : index
    %get3A_667 = arith.constant 0 : index
    %get3A_668 = vector.load %arg5[%get3A_666, %get3A_667] : memref<8640x90xbf16, #tpu.memory_space<vmem>>, vector<192x90xbf16>
    %dot_general3A_669 = arith.constant dense<0.000000e+00> : vector<192x512xf32>
    %dot_general3A_670 = tpu.matmul %get3A_668, %convert_element_type3A, %dot_general3A_669 {dimension_numbers = #tpu.dot_dimension_numbers<[1], [0], [0], [1], [0, 0, 1, 1], [], []>, transpose_lhs_hint = false} : vector<192x90xbf16>, vector<90x512xbf16>, vector<192x512xf32> -> vector<192x512xf32>
    %convert_element_type3A_671 = arith.truncf %dot_general3A_670 : vector<192x512xf32> to vector<192x512xbf16>
    %convert_element_type3A_672 = arith.extf %convert_element_type3A_671 : vector<192x512xbf16> to vector<192x512xf32>
    %slice3A_673 = vector.extract_strided_slice %convert_element_type3A_16 {offsets = [76, 0], sizes = [1, 512], strides = [1, 1]} : vector<128x512xf32> to vector<1x512xf32>
    %slice3A_674 = vector.extract_strided_slice %convert_element_type3A_672 {offsets = [0, 0], sizes = [96, 512], strides = [1, 1]} : vector<192x512xf32> to vector<96x512xf32>
    %mul3A_675 = vector.broadcast %slice3A_673 : vector<1x512xf32> to vector<96x512xf32>
    %mul3A_676 = arith.mulf %mul3A_675, %slice3A_674 : vector<96x512xf32>
    %add3A_677 = arith.addf %add3A_665, %mul3A_676 : vector<96x512xf32>
    %slice3A_678 = vector.extract_strided_slice %convert_element_type3A_16 {offsets = [77, 0], sizes = [1, 512], strides = [1, 1]} : vector<128x512xf32> to vector<1x512xf32>
    %slice3A_679 = vector.extract_strided_slice %convert_element_type3A_672 {offsets = [96, 0], sizes = [96, 512], strides = [1, 1]} : vector<192x512xf32> to vector<96x512xf32>
    %mul3A_680 = vector.broadcast %slice3A_678 : vector<1x512xf32> to vector<96x512xf32>
    %mul3A_681 = arith.mulf %mul3A_680, %slice3A_679 : vector<96x512xf32>
    %add3A_682 = arith.addf %add3A_677, %mul3A_681 : vector<96x512xf32>
    %get3A_683 = arith.constant 7488 : index
    %get3A_684 = arith.constant 0 : index
    %get3A_685 = vector.load %arg5[%get3A_683, %get3A_684] : memref<8640x90xbf16, #tpu.memory_space<vmem>>, vector<192x90xbf16>
    %dot_general3A_686 = arith.constant dense<0.000000e+00> : vector<192x512xf32>
    %dot_general3A_687 = tpu.matmul %get3A_685, %convert_element_type3A, %dot_general3A_686 {dimension_numbers = #tpu.dot_dimension_numbers<[1], [0], [0], [1], [0, 0, 1, 1], [], []>, transpose_lhs_hint = false} : vector<192x90xbf16>, vector<90x512xbf16>, vector<192x512xf32> -> vector<192x512xf32>
    %convert_element_type3A_688 = arith.truncf %dot_general3A_687 : vector<192x512xf32> to vector<192x512xbf16>
    %convert_element_type3A_689 = arith.extf %convert_element_type3A_688 : vector<192x512xbf16> to vector<192x512xf32>
    %slice3A_690 = vector.extract_strided_slice %convert_element_type3A_16 {offsets = [78, 0], sizes = [1, 512], strides = [1, 1]} : vector<128x512xf32> to vector<1x512xf32>
    %slice3A_691 = vector.extract_strided_slice %convert_element_type3A_689 {offsets = [0, 0], sizes = [96, 512], strides = [1, 1]} : vector<192x512xf32> to vector<96x512xf32>
    %mul3A_692 = vector.broadcast %slice3A_690 : vector<1x512xf32> to vector<96x512xf32>
    %mul3A_693 = arith.mulf %mul3A_692, %slice3A_691 : vector<96x512xf32>
    %add3A_694 = arith.addf %add3A_682, %mul3A_693 : vector<96x512xf32>
    %slice3A_695 = vector.extract_strided_slice %convert_element_type3A_16 {offsets = [79, 0], sizes = [1, 512], strides = [1, 1]} : vector<128x512xf32> to vector<1x512xf32>
    %slice3A_696 = vector.extract_strided_slice %convert_element_type3A_689 {offsets = [96, 0], sizes = [96, 512], strides = [1, 1]} : vector<192x512xf32> to vector<96x512xf32>
    %mul3A_697 = vector.broadcast %slice3A_695 : vector<1x512xf32> to vector<96x512xf32>
    %mul3A_698 = arith.mulf %mul3A_697, %slice3A_696 : vector<96x512xf32>
    %add3A_699 = arith.addf %add3A_694, %mul3A_698 : vector<96x512xf32>
    %get3A_700 = arith.constant 7680 : index
    %get3A_701 = arith.constant 0 : index
    %get3A_702 = vector.load %arg5[%get3A_700, %get3A_701] : memref<8640x90xbf16, #tpu.memory_space<vmem>>, vector<192x90xbf16>
    %dot_general3A_703 = arith.constant dense<0.000000e+00> : vector<192x512xf32>
    %dot_general3A_704 = tpu.matmul %get3A_702, %convert_element_type3A, %dot_general3A_703 {dimension_numbers = #tpu.dot_dimension_numbers<[1], [0], [0], [1], [0, 0, 1, 1], [], []>, transpose_lhs_hint = false} : vector<192x90xbf16>, vector<90x512xbf16>, vector<192x512xf32> -> vector<192x512xf32>
    %convert_element_type3A_705 = arith.truncf %dot_general3A_704 : vector<192x512xf32> to vector<192x512xbf16>
    %convert_element_type3A_706 = arith.extf %convert_element_type3A_705 : vector<192x512xbf16> to vector<192x512xf32>
    %slice3A_707 = vector.extract_strided_slice %convert_element_type3A_16 {offsets = [80, 0], sizes = [1, 512], strides = [1, 1]} : vector<128x512xf32> to vector<1x512xf32>
    %slice3A_708 = vector.extract_strided_slice %convert_element_type3A_706 {offsets = [0, 0], sizes = [96, 512], strides = [1, 1]} : vector<192x512xf32> to vector<96x512xf32>
    %mul3A_709 = vector.broadcast %slice3A_707 : vector<1x512xf32> to vector<96x512xf32>
    %mul3A_710 = arith.mulf %mul3A_709, %slice3A_708 : vector<96x512xf32>
    %add3A_711 = arith.addf %add3A_699, %mul3A_710 : vector<96x512xf32>
    %slice3A_712 = vector.extract_strided_slice %convert_element_type3A_16 {offsets = [81, 0], sizes = [1, 512], strides = [1, 1]} : vector<128x512xf32> to vector<1x512xf32>
    %slice3A_713 = vector.extract_strided_slice %convert_element_type3A_706 {offsets = [96, 0], sizes = [96, 512], strides = [1, 1]} : vector<192x512xf32> to vector<96x512xf32>
    %mul3A_714 = vector.broadcast %slice3A_712 : vector<1x512xf32> to vector<96x512xf32>
    %mul3A_715 = arith.mulf %mul3A_714, %slice3A_713 : vector<96x512xf32>
    %add3A_716 = arith.addf %add3A_711, %mul3A_715 : vector<96x512xf32>
    %get3A_717 = arith.constant 7872 : index
    %get3A_718 = arith.constant 0 : index
    %get3A_719 = vector.load %arg5[%get3A_717, %get3A_718] : memref<8640x90xbf16, #tpu.memory_space<vmem>>, vector<192x90xbf16>
    %dot_general3A_720 = arith.constant dense<0.000000e+00> : vector<192x512xf32>
    %dot_general3A_721 = tpu.matmul %get3A_719, %convert_element_type3A, %dot_general3A_720 {dimension_numbers = #tpu.dot_dimension_numbers<[1], [0], [0], [1], [0, 0, 1, 1], [], []>, transpose_lhs_hint = false} : vector<192x90xbf16>, vector<90x512xbf16>, vector<192x512xf32> -> vector<192x512xf32>
    %convert_element_type3A_722 = arith.truncf %dot_general3A_721 : vector<192x512xf32> to vector<192x512xbf16>
    %convert_element_type3A_723 = arith.extf %convert_element_type3A_722 : vector<192x512xbf16> to vector<192x512xf32>
    %slice3A_724 = vector.extract_strided_slice %convert_element_type3A_16 {offsets = [82, 0], sizes = [1, 512], strides = [1, 1]} : vector<128x512xf32> to vector<1x512xf32>
    %slice3A_725 = vector.extract_strided_slice %convert_element_type3A_723 {offsets = [0, 0], sizes = [96, 512], strides = [1, 1]} : vector<192x512xf32> to vector<96x512xf32>
    %mul3A_726 = vector.broadcast %slice3A_724 : vector<1x512xf32> to vector<96x512xf32>
    %mul3A_727 = arith.mulf %mul3A_726, %slice3A_725 : vector<96x512xf32>
    %add3A_728 = arith.addf %add3A_716, %mul3A_727 : vector<96x512xf32>
    %slice3A_729 = vector.extract_strided_slice %convert_element_type3A_16 {offsets = [83, 0], sizes = [1, 512], strides = [1, 1]} : vector<128x512xf32> to vector<1x512xf32>
    %slice3A_730 = vector.extract_strided_slice %convert_element_type3A_723 {offsets = [96, 0], sizes = [96, 512], strides = [1, 1]} : vector<192x512xf32> to vector<96x512xf32>
    %mul3A_731 = vector.broadcast %slice3A_729 : vector<1x512xf32> to vector<96x512xf32>
    %mul3A_732 = arith.mulf %mul3A_731, %slice3A_730 : vector<96x512xf32>
    %add3A_733 = arith.addf %add3A_728, %mul3A_732 : vector<96x512xf32>
    %get3A_734 = arith.constant 8064 : index
    %get3A_735 = arith.constant 0 : index
    %get3A_736 = vector.load %arg5[%get3A_734, %get3A_735] : memref<8640x90xbf16, #tpu.memory_space<vmem>>, vector<192x90xbf16>
    %dot_general3A_737 = arith.constant dense<0.000000e+00> : vector<192x512xf32>
    %dot_general3A_738 = tpu.matmul %get3A_736, %convert_element_type3A, %dot_general3A_737 {dimension_numbers = #tpu.dot_dimension_numbers<[1], [0], [0], [1], [0, 0, 1, 1], [], []>, transpose_lhs_hint = false} : vector<192x90xbf16>, vector<90x512xbf16>, vector<192x512xf32> -> vector<192x512xf32>
    %convert_element_type3A_739 = arith.truncf %dot_general3A_738 : vector<192x512xf32> to vector<192x512xbf16>
    %convert_element_type3A_740 = arith.extf %convert_element_type3A_739 : vector<192x512xbf16> to vector<192x512xf32>
    %slice3A_741 = vector.extract_strided_slice %convert_element_type3A_16 {offsets = [84, 0], sizes = [1, 512], strides = [1, 1]} : vector<128x512xf32> to vector<1x512xf32>
    %slice3A_742 = vector.extract_strided_slice %convert_element_type3A_740 {offsets = [0, 0], sizes = [96, 512], strides = [1, 1]} : vector<192x512xf32> to vector<96x512xf32>
    %mul3A_743 = vector.broadcast %slice3A_741 : vector<1x512xf32> to vector<96x512xf32>
    %mul3A_744 = arith.mulf %mul3A_743, %slice3A_742 : vector<96x512xf32>
    %add3A_745 = arith.addf %add3A_733, %mul3A_744 : vector<96x512xf32>
    %slice3A_746 = vector.extract_strided_slice %convert_element_type3A_16 {offsets = [85, 0], sizes = [1, 512], strides = [1, 1]} : vector<128x512xf32> to vector<1x512xf32>
    %slice3A_747 = vector.extract_strided_slice %convert_element_type3A_740 {offsets = [96, 0], sizes = [96, 512], strides = [1, 1]} : vector<192x512xf32> to vector<96x512xf32>
    %mul3A_748 = vector.broadcast %slice3A_746 : vector<1x512xf32> to vector<96x512xf32>
    %mul3A_749 = arith.mulf %mul3A_748, %slice3A_747 : vector<96x512xf32>
    %add3A_750 = arith.addf %add3A_745, %mul3A_749 : vector<96x512xf32>
    %get3A_751 = arith.constant 8256 : index
    %get3A_752 = arith.constant 0 : index
    %get3A_753 = vector.load %arg5[%get3A_751, %get3A_752] : memref<8640x90xbf16, #tpu.memory_space<vmem>>, vector<192x90xbf16>
    %dot_general3A_754 = arith.constant dense<0.000000e+00> : vector<192x512xf32>
    %dot_general3A_755 = tpu.matmul %get3A_753, %convert_element_type3A, %dot_general3A_754 {dimension_numbers = #tpu.dot_dimension_numbers<[1], [0], [0], [1], [0, 0, 1, 1], [], []>, transpose_lhs_hint = false} : vector<192x90xbf16>, vector<90x512xbf16>, vector<192x512xf32> -> vector<192x512xf32>
    %convert_element_type3A_756 = arith.truncf %dot_general3A_755 : vector<192x512xf32> to vector<192x512xbf16>
    %convert_element_type3A_757 = arith.extf %convert_element_type3A_756 : vector<192x512xbf16> to vector<192x512xf32>
    %slice3A_758 = vector.extract_strided_slice %convert_element_type3A_16 {offsets = [86, 0], sizes = [1, 512], strides = [1, 1]} : vector<128x512xf32> to vector<1x512xf32>
    %slice3A_759 = vector.extract_strided_slice %convert_element_type3A_757 {offsets = [0, 0], sizes = [96, 512], strides = [1, 1]} : vector<192x512xf32> to vector<96x512xf32>
    %mul3A_760 = vector.broadcast %slice3A_758 : vector<1x512xf32> to vector<96x512xf32>
    %mul3A_761 = arith.mulf %mul3A_760, %slice3A_759 : vector<96x512xf32>
    %add3A_762 = arith.addf %add3A_750, %mul3A_761 : vector<96x512xf32>
    %slice3A_763 = vector.extract_strided_slice %convert_element_type3A_16 {offsets = [87, 0], sizes = [1, 512], strides = [1, 1]} : vector<128x512xf32> to vector<1x512xf32>
    %slice3A_764 = vector.extract_strided_slice %convert_element_type3A_757 {offsets = [96, 0], sizes = [96, 512], strides = [1, 1]} : vector<192x512xf32> to vector<96x512xf32>
    %mul3A_765 = vector.broadcast %slice3A_763 : vector<1x512xf32> to vector<96x512xf32>
    %mul3A_766 = arith.mulf %mul3A_765, %slice3A_764 : vector<96x512xf32>
    %add3A_767 = arith.addf %add3A_762, %mul3A_766 : vector<96x512xf32>
    %get3A_768 = arith.constant 8448 : index
    %get3A_769 = arith.constant 0 : index
    %get3A_770 = vector.load %arg5[%get3A_768, %get3A_769] : memref<8640x90xbf16, #tpu.memory_space<vmem>>, vector<192x90xbf16>
    %dot_general3A_771 = arith.constant dense<0.000000e+00> : vector<192x512xf32>
    %dot_general3A_772 = tpu.matmul %get3A_770, %convert_element_type3A, %dot_general3A_771 {dimension_numbers = #tpu.dot_dimension_numbers<[1], [0], [0], [1], [0, 0, 1, 1], [], []>, transpose_lhs_hint = false} : vector<192x90xbf16>, vector<90x512xbf16>, vector<192x512xf32> -> vector<192x512xf32>
    %convert_element_type3A_773 = arith.truncf %dot_general3A_772 : vector<192x512xf32> to vector<192x512xbf16>
    %convert_element_type3A_774 = arith.extf %convert_element_type3A_773 : vector<192x512xbf16> to vector<192x512xf32>
    %slice3A_775 = vector.extract_strided_slice %convert_element_type3A_16 {offsets = [88, 0], sizes = [1, 512], strides = [1, 1]} : vector<128x512xf32> to vector<1x512xf32>
    %slice3A_776 = vector.extract_strided_slice %convert_element_type3A_774 {offsets = [0, 0], sizes = [96, 512], strides = [1, 1]} : vector<192x512xf32> to vector<96x512xf32>
    %mul3A_777 = vector.broadcast %slice3A_775 : vector<1x512xf32> to vector<96x512xf32>
    %mul3A_778 = arith.mulf %mul3A_777, %slice3A_776 : vector<96x512xf32>
    %add3A_779 = arith.addf %add3A_767, %mul3A_778 : vector<96x512xf32>
    %slice3A_780 = vector.extract_strided_slice %convert_element_type3A_16 {offsets = [89, 0], sizes = [1, 512], strides = [1, 1]} : vector<128x512xf32> to vector<1x512xf32>
    %slice3A_781 = vector.extract_strided_slice %convert_element_type3A_774 {offsets = [96, 0], sizes = [96, 512], strides = [1, 1]} : vector<192x512xf32> to vector<96x512xf32>
    %mul3A_782 = vector.broadcast %slice3A_780 : vector<1x512xf32> to vector<96x512xf32>
    %mul3A_783 = arith.mulf %mul3A_782, %slice3A_781 : vector<96x512xf32>
    %add3A_784 = arith.addf %add3A_779, %mul3A_783 : vector<96x512xf32>
    %broadcast_in_dim3A = arith.constant 0.000000e+00 : f32
    %broadcast_in_dim3A_785 = vector.broadcast %broadcast_in_dim3A : f32 to vector<32x512xf32>
    %concatenate3A = tpu.concatenate %add3A_784, %broadcast_in_dim3A_785 in 0 : vector<96x512xf32>, vector<32x512xf32> -> vector<128x512xf32>
    %transpose3A_786 = tpu.transpose %concatenate3A, [1, 0] : vector<128x512xf32> -> vector<512x128xf32>
    %swap3A = arith.constant 0 : index
    %swap3A_787 = arith.constant 0 : index
    %swap3A_788 = vector.load %arg7[%swap3A, %swap3A_787] : memref<512x128xf32, #tpu.memory_space<vmem>>, vector<512x128xf32>
    tpu.vector_store %arg7[%swap3A, %swap3A_787], %transpose3A_786 {strides = array<i32>} : memref<512x128xf32, #tpu.memory_space<vmem>>, vector<512x128xf32>,
    return
  }
  func.func @transform_0(%arg0: i32) -> (i32, i32) {
    %c0_i32 = arith.constant 0 : i32
    %c0_i32_0 = arith.constant 0 : i32
    return %c0_i32, %arg0 : i32, i32
  }
  func.func @transform_1(%arg0: i32) -> (i32, i32) {
    %c0_i32 = arith.constant 0 : i32
    %c0_i32_0 = arith.constant 0 : i32
    return %arg0, %c0_i32 : i32, i32
  }
  func.func @transform_2(%arg0: i32) -> (i32, i32) {
    %c0_i32 = arith.constant 0 : i32
    %c0_i32_0 = arith.constant 0 : i32
    %c0_i32_1 = arith.constant 0 : i32
    return %c0_i32, %c0_i32_0 : i32, i32
  }
  func.func @transform_3(%arg0: i32) -> (i32, i32) {
    %c0_i32 = arith.constant 0 : i32
    %c0_i32_0 = arith.constant 0 : i32
    %c0_i32_1 = arith.constant 0 : i32
    return %c0_i32, %c0_i32_0 : i32, i32
  }
  func.func @transform_4(%arg0: i32) -> (i32, i32) {
    %c0_i32 = arith.constant 0 : i32
    %c0_i32_0 = arith.constant 0 : i32
    %c0_i32_1 = arith.constant 0 : i32
    return %c0_i32, %c0_i32_0 : i32, i32
  }
  func.func @transform_5(%arg0: i32) -> (i32, i32) {
    %c0_i32 = arith.constant 0 : i32
    %c0_i32_0 = arith.constant 0 : i32
    %c0_i32_1 = arith.constant 0 : i32
    return %c0_i32, %c0_i32_0 : i32, i32
  }
  func.func @transform_6(%arg0: i32) -> (i32, i32) {
    %c0_i32 = arith.constant 0 : i32
    %c0_i32_0 = arith.constant 0 : i32
    return %arg0, %c0_i32 : i32, i32
  }
}

module attributes {stable_mosaic.version = 14 : i64} {
  func.func @body(%arg0: i32, %arg1: memref<16x512xf32, #tpu.memory_space<vmem>>, %arg2: memref<512x128xf32, #tpu.memory_space<vmem>>, %arg3: memref<90x16xf32, #tpu.memory_space<vmem>>, %arg4: memref<90x1xf32, #tpu.memory_space<vmem>>, %arg5: memref<4320x90xbf16, #tpu.memory_space<vmem>>, %arg6: memref<48x128xf32, #tpu.memory_space<vmem>>, %arg7: memref<512x128xf32, #tpu.memory_space<vmem>>) attributes {dimension_semantics = [#tpu.dimension_semantics<arbitrary>], iteration_bounds = array<i64: 20>, scalar_prefetch = 0 : i64, scratch_operands = 0 : i64, tpu.core_type = #tpu.core_type<tc>, window_params = [{transform_indices = @transform_0, window_bounds = array<i64: 16, 512>}, {transform_indices = @transform_1, window_bounds = array<i64: 512, 128>}, {pipeline_mode = #tpu.pipeline_mode<synchronous>, transform_indices = @transform_2, window_bounds = array<i64: 90, 16>}, {pipeline_mode = #tpu.pipeline_mode<synchronous>, transform_indices = @transform_3, window_bounds = array<i64: 90, 1>}, {pipeline_mode = #tpu.pipeline_mode<synchronous>, transform_indices = @transform_4, window_bounds = array<i64: 4320, 90>}, {pipeline_mode = #tpu.pipeline_mode<synchronous>, transform_indices = @transform_5, window_bounds = array<i64: 48, 128>}, {transform_indices = @transform_6, window_bounds = array<i64: 512, 128>}]} {
    %get3A = arith.constant 0 : index
    %get3A_0 = arith.constant 0 : index
    %get3A_1 = vector.load %arg3[%get3A, %get3A_0] : memref<90x16xf32, #tpu.memory_space<vmem>>, vector<90x16xf32>
    %get3A_2 = arith.constant 0 : index
    %get3A_3 = arith.constant 0 : index
    %get3A_4 = vector.load %arg1[%get3A_2, %get3A_3] : memref<16x512xf32, #tpu.memory_space<vmem>>, vector<16x512xf32>
    %dot_general3A = arith.constant dense<0.000000e+00> : vector<90x512xf32>
    %dot_general3A_5 = tpu.matmul %get3A_1, %get3A_4, %dot_general3A {dimension_numbers = #tpu.dot_dimension_numbers<[1], [0], [0], [1], [0, 0, 1, 1], [], []>, transpose_lhs_hint = false} : vector<90x16xf32>, vector<16x512xf32>, vector<90x512xf32> -> vector<90x512xf32>
    %get3A_6 = arith.constant 0 : index
    %get3A_7 = arith.constant 0 : index
    %get3A_8 = vector.load %arg4[%get3A_6, %get3A_7] : memref<90x1xf32, #tpu.memory_space<vmem>>, vector<90x1xf32>
    %add3A = vector.broadcast %get3A_8 : vector<90x1xf32> to vector<90x512xf32>
    %add3A_9 = arith.addf %dot_general3A_5, %add3A : vector<90x512xf32>
    %max3A = arith.constant 0.000000e+00 : f32
    %max3A_10 = vector.broadcast %max3A : f32 to vector<90x512xf32>
    %max3A_11 = arith.maximumf %add3A_9, %max3A_10 : vector<90x512xf32>
    %convert_element_type3A = arith.truncf %max3A_11 : vector<90x512xf32> to vector<90x512xbf16>
    %get3A_12 = arith.constant 0 : index
    %get3A_13 = arith.constant 0 : index
    %get3A_14 = vector.load %arg2[%get3A_12, %get3A_13] : memref<512x128xf32, #tpu.memory_space<vmem>>, vector<512x128xf32>
    %transpose3A = tpu.transpose %get3A_14, [1, 0] : vector<512x128xf32> -> vector<128x512xf32>
    %convert_element_type3A_15 = arith.truncf %transpose3A : vector<128x512xf32> to vector<128x512xbf16>
    %convert_element_type3A_16 = arith.extf %convert_element_type3A_15 : vector<128x512xbf16> to vector<128x512xf32>
    %get3A_17 = arith.constant 0 : index
    %get3A_18 = arith.constant 0 : index
    %get3A_19 = vector.load %arg6[%get3A_17, %get3A_18] : memref<48x128xf32, #tpu.memory_space<vmem>>, vector<48x128xf32>
    %dot_general3A_20 = arith.constant dense<0.000000e+00> : vector<48x512xf32>
    %dot_general3A_21 = tpu.matmul %get3A_19, %transpose3A, %dot_general3A_20 {dimension_numbers = #tpu.dot_dimension_numbers<[1], [0], [0], [1], [0, 0, 1, 1], [], []>, transpose_lhs_hint = false} : vector<48x128xf32>, vector<128x512xf32>, vector<48x512xf32> -> vector<48x512xf32>
    %get3A_22 = arith.constant 0 : index
    %get3A_23 = arith.constant 0 : index
    %get3A_24 = vector.load %arg5[%get3A_22, %get3A_23] : memref<4320x90xbf16, #tpu.memory_space<vmem>>, vector<96x90xbf16>
    %dot_general3A_25 = arith.constant dense<0.000000e+00> : vector<96x512xf32>
    %dot_general3A_26 = tpu.matmul %get3A_24, %convert_element_type3A, %dot_general3A_25 {dimension_numbers = #tpu.dot_dimension_numbers<[1], [0], [0], [1], [0, 0, 1, 1], [], []>, transpose_lhs_hint = false} : vector<96x90xbf16>, vector<90x512xbf16>, vector<96x512xf32> -> vector<96x512xf32>
    %convert_element_type3A_27 = arith.truncf %dot_general3A_26 : vector<96x512xf32> to vector<96x512xbf16>
    %convert_element_type3A_28 = arith.extf %convert_element_type3A_27 : vector<96x512xbf16> to vector<96x512xf32>
    %slice3A = vector.extract_strided_slice %convert_element_type3A_16 {offsets = [0, 0], sizes = [1, 512], strides = [1, 1]} : vector<128x512xf32> to vector<1x512xf32>
    %slice3A_29 = vector.extract_strided_slice %convert_element_type3A_28 {offsets = [0, 0], sizes = [48, 512], strides = [1, 1]} : vector<96x512xf32> to vector<48x512xf32>
    %mul3A = vector.broadcast %slice3A : vector<1x512xf32> to vector<48x512xf32>
    %mul3A_30 = arith.mulf %mul3A, %slice3A_29 : vector<48x512xf32>
    %add3A_31 = arith.addf %dot_general3A_21, %mul3A_30 : vector<48x512xf32>
    %slice3A_32 = vector.extract_strided_slice %convert_element_type3A_16 {offsets = [1, 0], sizes = [1, 512], strides = [1, 1]} : vector<128x512xf32> to vector<1x512xf32>
    %slice3A_33 = vector.extract_strided_slice %convert_element_type3A_28 {offsets = [48, 0], sizes = [48, 512], strides = [1, 1]} : vector<96x512xf32> to vector<48x512xf32>
    %mul3A_34 = vector.broadcast %slice3A_32 : vector<1x512xf32> to vector<48x512xf32>
    %mul3A_35 = arith.mulf %mul3A_34, %slice3A_33 : vector<48x512xf32>
    %add3A_36 = arith.addf %add3A_31, %mul3A_35 : vector<48x512xf32>
    %get3A_37 = arith.constant 96 : index
    %get3A_38 = arith.constant 0 : index
    %get3A_39 = vector.load %arg5[%get3A_37, %get3A_38] : memref<4320x90xbf16, #tpu.memory_space<vmem>>, vector<96x90xbf16>
    %dot_general3A_40 = arith.constant dense<0.000000e+00> : vector<96x512xf32>
    %dot_general3A_41 = tpu.matmul %get3A_39, %convert_element_type3A, %dot_general3A_40 {dimension_numbers = #tpu.dot_dimension_numbers<[1], [0], [0], [1], [0, 0, 1, 1], [], []>, transpose_lhs_hint = false} : vector<96x90xbf16>, vector<90x512xbf16>, vector<96x512xf32> -> vector<96x512xf32>
    %convert_element_type3A_42 = arith.truncf %dot_general3A_41 : vector<96x512xf32> to vector<96x512xbf16>
    %convert_element_type3A_43 = arith.extf %convert_element_type3A_42 : vector<96x512xbf16> to vector<96x512xf32>
    %slice3A_44 = vector.extract_strided_slice %convert_element_type3A_16 {offsets = [2, 0], sizes = [1, 512], strides = [1, 1]} : vector<128x512xf32> to vector<1x512xf32>
    %slice3A_45 = vector.extract_strided_slice %convert_element_type3A_43 {offsets = [0, 0], sizes = [48, 512], strides = [1, 1]} : vector<96x512xf32> to vector<48x512xf32>
    %mul3A_46 = vector.broadcast %slice3A_44 : vector<1x512xf32> to vector<48x512xf32>
    %mul3A_47 = arith.mulf %mul3A_46, %slice3A_45 : vector<48x512xf32>
    %add3A_48 = arith.addf %add3A_36, %mul3A_47 : vector<48x512xf32>
    %slice3A_49 = vector.extract_strided_slice %convert_element_type3A_16 {offsets = [3, 0], sizes = [1, 512], strides = [1, 1]} : vector<128x512xf32> to vector<1x512xf32>
    %slice3A_50 = vector.extract_strided_slice %convert_element_type3A_43 {offsets = [48, 0], sizes = [48, 512], strides = [1, 1]} : vector<96x512xf32> to vector<48x512xf32>
    %mul3A_51 = vector.broadcast %slice3A_49 : vector<1x512xf32> to vector<48x512xf32>
    %mul3A_52 = arith.mulf %mul3A_51, %slice3A_50 : vector<48x512xf32>
    %add3A_53 = arith.addf %add3A_48, %mul3A_52 : vector<48x512xf32>
    %get3A_54 = arith.constant 192 : index
    %get3A_55 = arith.constant 0 : index
    %get3A_56 = vector.load %arg5[%get3A_54, %get3A_55] : memref<4320x90xbf16, #tpu.memory_space<vmem>>, vector<96x90xbf16>
    %dot_general3A_57 = arith.constant dense<0.000000e+00> : vector<96x512xf32>
    %dot_general3A_58 = tpu.matmul %get3A_56, %convert_element_type3A, %dot_general3A_57 {dimension_numbers = #tpu.dot_dimension_numbers<[1], [0], [0], [1], [0, 0, 1, 1], [], []>, transpose_lhs_hint = false} : vector<96x90xbf16>, vector<90x512xbf16>, vector<96x512xf32> -> vector<96x512xf32>
    %convert_element_type3A_59 = arith.truncf %dot_general3A_58 : vector<96x512xf32> to vector<96x512xbf16>
    %convert_element_type3A_60 = arith.extf %convert_element_type3A_59 : vector<96x512xbf16> to vector<96x512xf32>
    %slice3A_61 = vector.extract_strided_slice %convert_element_type3A_16 {offsets = [4, 0], sizes = [1, 512], strides = [1, 1]} : vector<128x512xf32> to vector<1x512xf32>
    %slice3A_62 = vector.extract_strided_slice %convert_element_type3A_60 {offsets = [0, 0], sizes = [48, 512], strides = [1, 1]} : vector<96x512xf32> to vector<48x512xf32>
    %mul3A_63 = vector.broadcast %slice3A_61 : vector<1x512xf32> to vector<48x512xf32>
    %mul3A_64 = arith.mulf %mul3A_63, %slice3A_62 : vector<48x512xf32>
    %add3A_65 = arith.addf %add3A_53, %mul3A_64 : vector<48x512xf32>
    %slice3A_66 = vector.extract_strided_slice %convert_element_type3A_16 {offsets = [5, 0], sizes = [1, 512], strides = [1, 1]} : vector<128x512xf32> to vector<1x512xf32>
    %slice3A_67 = vector.extract_strided_slice %convert_element_type3A_60 {offsets = [48, 0], sizes = [48, 512], strides = [1, 1]} : vector<96x512xf32> to vector<48x512xf32>
    %mul3A_68 = vector.broadcast %slice3A_66 : vector<1x512xf32> to vector<48x512xf32>
    %mul3A_69 = arith.mulf %mul3A_68, %slice3A_67 : vector<48x512xf32>
    %add3A_70 = arith.addf %add3A_65, %mul3A_69 : vector<48x512xf32>
    %get3A_71 = arith.constant 288 : index
    %get3A_72 = arith.constant 0 : index
    %get3A_73 = vector.load %arg5[%get3A_71, %get3A_72] : memref<4320x90xbf16, #tpu.memory_space<vmem>>, vector<96x90xbf16>
    %dot_general3A_74 = arith.constant dense<0.000000e+00> : vector<96x512xf32>
    %dot_general3A_75 = tpu.matmul %get3A_73, %convert_element_type3A, %dot_general3A_74 {dimension_numbers = #tpu.dot_dimension_numbers<[1], [0], [0], [1], [0, 0, 1, 1], [], []>, transpose_lhs_hint = false} : vector<96x90xbf16>, vector<90x512xbf16>, vector<96x512xf32> -> vector<96x512xf32>
    %convert_element_type3A_76 = arith.truncf %dot_general3A_75 : vector<96x512xf32> to vector<96x512xbf16>
    %convert_element_type3A_77 = arith.extf %convert_element_type3A_76 : vector<96x512xbf16> to vector<96x512xf32>
    %slice3A_78 = vector.extract_strided_slice %convert_element_type3A_16 {offsets = [6, 0], sizes = [1, 512], strides = [1, 1]} : vector<128x512xf32> to vector<1x512xf32>
    %slice3A_79 = vector.extract_strided_slice %convert_element_type3A_77 {offsets = [0, 0], sizes = [48, 512], strides = [1, 1]} : vector<96x512xf32> to vector<48x512xf32>
    %mul3A_80 = vector.broadcast %slice3A_78 : vector<1x512xf32> to vector<48x512xf32>
    %mul3A_81 = arith.mulf %mul3A_80, %slice3A_79 : vector<48x512xf32>
    %add3A_82 = arith.addf %add3A_70, %mul3A_81 : vector<48x512xf32>
    %slice3A_83 = vector.extract_strided_slice %convert_element_type3A_16 {offsets = [7, 0], sizes = [1, 512], strides = [1, 1]} : vector<128x512xf32> to vector<1x512xf32>
    %slice3A_84 = vector.extract_strided_slice %convert_element_type3A_77 {offsets = [48, 0], sizes = [48, 512], strides = [1, 1]} : vector<96x512xf32> to vector<48x512xf32>
    %mul3A_85 = vector.broadcast %slice3A_83 : vector<1x512xf32> to vector<48x512xf32>
    %mul3A_86 = arith.mulf %mul3A_85, %slice3A_84 : vector<48x512xf32>
    %add3A_87 = arith.addf %add3A_82, %mul3A_86 : vector<48x512xf32>
    %get3A_88 = arith.constant 384 : index
    %get3A_89 = arith.constant 0 : index
    %get3A_90 = vector.load %arg5[%get3A_88, %get3A_89] : memref<4320x90xbf16, #tpu.memory_space<vmem>>, vector<96x90xbf16>
    %dot_general3A_91 = arith.constant dense<0.000000e+00> : vector<96x512xf32>
    %dot_general3A_92 = tpu.matmul %get3A_90, %convert_element_type3A, %dot_general3A_91 {dimension_numbers = #tpu.dot_dimension_numbers<[1], [0], [0], [1], [0, 0, 1, 1], [], []>, transpose_lhs_hint = false} : vector<96x90xbf16>, vector<90x512xbf16>, vector<96x512xf32> -> vector<96x512xf32>
    %convert_element_type3A_93 = arith.truncf %dot_general3A_92 : vector<96x512xf32> to vector<96x512xbf16>
    %convert_element_type3A_94 = arith.extf %convert_element_type3A_93 : vector<96x512xbf16> to vector<96x512xf32>
    %slice3A_95 = vector.extract_strided_slice %convert_element_type3A_16 {offsets = [8, 0], sizes = [1, 512], strides = [1, 1]} : vector<128x512xf32> to vector<1x512xf32>
    %slice3A_96 = vector.extract_strided_slice %convert_element_type3A_94 {offsets = [0, 0], sizes = [48, 512], strides = [1, 1]} : vector<96x512xf32> to vector<48x512xf32>
    %mul3A_97 = vector.broadcast %slice3A_95 : vector<1x512xf32> to vector<48x512xf32>
    %mul3A_98 = arith.mulf %mul3A_97, %slice3A_96 : vector<48x512xf32>
    %add3A_99 = arith.addf %add3A_87, %mul3A_98 : vector<48x512xf32>
    %slice3A_100 = vector.extract_strided_slice %convert_element_type3A_16 {offsets = [9, 0], sizes = [1, 512], strides = [1, 1]} : vector<128x512xf32> to vector<1x512xf32>
    %slice3A_101 = vector.extract_strided_slice %convert_element_type3A_94 {offsets = [48, 0], sizes = [48, 512], strides = [1, 1]} : vector<96x512xf32> to vector<48x512xf32>
    %mul3A_102 = vector.broadcast %slice3A_100 : vector<1x512xf32> to vector<48x512xf32>
    %mul3A_103 = arith.mulf %mul3A_102, %slice3A_101 : vector<48x512xf32>
    %add3A_104 = arith.addf %add3A_99, %mul3A_103 : vector<48x512xf32>
    %get3A_105 = arith.constant 480 : index
    %get3A_106 = arith.constant 0 : index
    %get3A_107 = vector.load %arg5[%get3A_105, %get3A_106] : memref<4320x90xbf16, #tpu.memory_space<vmem>>, vector<96x90xbf16>
    %dot_general3A_108 = arith.constant dense<0.000000e+00> : vector<96x512xf32>
    %dot_general3A_109 = tpu.matmul %get3A_107, %convert_element_type3A, %dot_general3A_108 {dimension_numbers = #tpu.dot_dimension_numbers<[1], [0], [0], [1], [0, 0, 1, 1], [], []>, transpose_lhs_hint = false} : vector<96x90xbf16>, vector<90x512xbf16>, vector<96x512xf32> -> vector<96x512xf32>
    %convert_element_type3A_110 = arith.truncf %dot_general3A_109 : vector<96x512xf32> to vector<96x512xbf16>
    %convert_element_type3A_111 = arith.extf %convert_element_type3A_110 : vector<96x512xbf16> to vector<96x512xf32>
    %slice3A_112 = vector.extract_strided_slice %convert_element_type3A_16 {offsets = [10, 0], sizes = [1, 512], strides = [1, 1]} : vector<128x512xf32> to vector<1x512xf32>
    %slice3A_113 = vector.extract_strided_slice %convert_element_type3A_111 {offsets = [0, 0], sizes = [48, 512], strides = [1, 1]} : vector<96x512xf32> to vector<48x512xf32>
    %mul3A_114 = vector.broadcast %slice3A_112 : vector<1x512xf32> to vector<48x512xf32>
    %mul3A_115 = arith.mulf %mul3A_114, %slice3A_113 : vector<48x512xf32>
    %add3A_116 = arith.addf %add3A_104, %mul3A_115 : vector<48x512xf32>
    %slice3A_117 = vector.extract_strided_slice %convert_element_type3A_16 {offsets = [11, 0], sizes = [1, 512], strides = [1, 1]} : vector<128x512xf32> to vector<1x512xf32>
    %slice3A_118 = vector.extract_strided_slice %convert_element_type3A_111 {offsets = [48, 0], sizes = [48, 512], strides = [1, 1]} : vector<96x512xf32> to vector<48x512xf32>
    %mul3A_119 = vector.broadcast %slice3A_117 : vector<1x512xf32> to vector<48x512xf32>
    %mul3A_120 = arith.mulf %mul3A_119, %slice3A_118 : vector<48x512xf32>
    %add3A_121 = arith.addf %add3A_116, %mul3A_120 : vector<48x512xf32>
    %get3A_122 = arith.constant 576 : index
    %get3A_123 = arith.constant 0 : index
    %get3A_124 = vector.load %arg5[%get3A_122, %get3A_123] : memref<4320x90xbf16, #tpu.memory_space<vmem>>, vector<96x90xbf16>
    %dot_general3A_125 = arith.constant dense<0.000000e+00> : vector<96x512xf32>
    %dot_general3A_126 = tpu.matmul %get3A_124, %convert_element_type3A, %dot_general3A_125 {dimension_numbers = #tpu.dot_dimension_numbers<[1], [0], [0], [1], [0, 0, 1, 1], [], []>, transpose_lhs_hint = false} : vector<96x90xbf16>, vector<90x512xbf16>, vector<96x512xf32> -> vector<96x512xf32>
    %convert_element_type3A_127 = arith.truncf %dot_general3A_126 : vector<96x512xf32> to vector<96x512xbf16>
    %convert_element_type3A_128 = arith.extf %convert_element_type3A_127 : vector<96x512xbf16> to vector<96x512xf32>
    %slice3A_129 = vector.extract_strided_slice %convert_element_type3A_16 {offsets = [12, 0], sizes = [1, 512], strides = [1, 1]} : vector<128x512xf32> to vector<1x512xf32>
    %slice3A_130 = vector.extract_strided_slice %convert_element_type3A_128 {offsets = [0, 0], sizes = [48, 512], strides = [1, 1]} : vector<96x512xf32> to vector<48x512xf32>
    %mul3A_131 = vector.broadcast %slice3A_129 : vector<1x512xf32> to vector<48x512xf32>
    %mul3A_132 = arith.mulf %mul3A_131, %slice3A_130 : vector<48x512xf32>
    %add3A_133 = arith.addf %add3A_121, %mul3A_132 : vector<48x512xf32>
    %slice3A_134 = vector.extract_strided_slice %convert_element_type3A_16 {offsets = [13, 0], sizes = [1, 512], strides = [1, 1]} : vector<128x512xf32> to vector<1x512xf32>
    %slice3A_135 = vector.extract_strided_slice %convert_element_type3A_128 {offsets = [48, 0], sizes = [48, 512], strides = [1, 1]} : vector<96x512xf32> to vector<48x512xf32>
    %mul3A_136 = vector.broadcast %slice3A_134 : vector<1x512xf32> to vector<48x512xf32>
    %mul3A_137 = arith.mulf %mul3A_136, %slice3A_135 : vector<48x512xf32>
    %add3A_138 = arith.addf %add3A_133, %mul3A_137 : vector<48x512xf32>
    %get3A_139 = arith.constant 672 : index
    %get3A_140 = arith.constant 0 : index
    %get3A_141 = vector.load %arg5[%get3A_139, %get3A_140] : memref<4320x90xbf16, #tpu.memory_space<vmem>>, vector<96x90xbf16>
    %dot_general3A_142 = arith.constant dense<0.000000e+00> : vector<96x512xf32>
    %dot_general3A_143 = tpu.matmul %get3A_141, %convert_element_type3A, %dot_general3A_142 {dimension_numbers = #tpu.dot_dimension_numbers<[1], [0], [0], [1], [0, 0, 1, 1], [], []>, transpose_lhs_hint = false} : vector<96x90xbf16>, vector<90x512xbf16>, vector<96x512xf32> -> vector<96x512xf32>
    %convert_element_type3A_144 = arith.truncf %dot_general3A_143 : vector<96x512xf32> to vector<96x512xbf16>
    %convert_element_type3A_145 = arith.extf %convert_element_type3A_144 : vector<96x512xbf16> to vector<96x512xf32>
    %slice3A_146 = vector.extract_strided_slice %convert_element_type3A_16 {offsets = [14, 0], sizes = [1, 512], strides = [1, 1]} : vector<128x512xf32> to vector<1x512xf32>
    %slice3A_147 = vector.extract_strided_slice %convert_element_type3A_145 {offsets = [0, 0], sizes = [48, 512], strides = [1, 1]} : vector<96x512xf32> to vector<48x512xf32>
    %mul3A_148 = vector.broadcast %slice3A_146 : vector<1x512xf32> to vector<48x512xf32>
    %mul3A_149 = arith.mulf %mul3A_148, %slice3A_147 : vector<48x512xf32>
    %add3A_150 = arith.addf %add3A_138, %mul3A_149 : vector<48x512xf32>
    %slice3A_151 = vector.extract_strided_slice %convert_element_type3A_16 {offsets = [15, 0], sizes = [1, 512], strides = [1, 1]} : vector<128x512xf32> to vector<1x512xf32>
    %slice3A_152 = vector.extract_strided_slice %convert_element_type3A_145 {offsets = [48, 0], sizes = [48, 512], strides = [1, 1]} : vector<96x512xf32> to vector<48x512xf32>
    %mul3A_153 = vector.broadcast %slice3A_151 : vector<1x512xf32> to vector<48x512xf32>
    %mul3A_154 = arith.mulf %mul3A_153, %slice3A_152 : vector<48x512xf32>
    %add3A_155 = arith.addf %add3A_150, %mul3A_154 : vector<48x512xf32>
    %get3A_156 = arith.constant 768 : index
    %get3A_157 = arith.constant 0 : index
    %get3A_158 = vector.load %arg5[%get3A_156, %get3A_157] : memref<4320x90xbf16, #tpu.memory_space<vmem>>, vector<96x90xbf16>
    %dot_general3A_159 = arith.constant dense<0.000000e+00> : vector<96x512xf32>
    %dot_general3A_160 = tpu.matmul %get3A_158, %convert_element_type3A, %dot_general3A_159 {dimension_numbers = #tpu.dot_dimension_numbers<[1], [0], [0], [1], [0, 0, 1, 1], [], []>, transpose_lhs_hint = false} : vector<96x90xbf16>, vector<90x512xbf16>, vector<96x512xf32> -> vector<96x512xf32>
    %convert_element_type3A_161 = arith.truncf %dot_general3A_160 : vector<96x512xf32> to vector<96x512xbf16>
    %convert_element_type3A_162 = arith.extf %convert_element_type3A_161 : vector<96x512xbf16> to vector<96x512xf32>
    %slice3A_163 = vector.extract_strided_slice %convert_element_type3A_16 {offsets = [16, 0], sizes = [1, 512], strides = [1, 1]} : vector<128x512xf32> to vector<1x512xf32>
    %slice3A_164 = vector.extract_strided_slice %convert_element_type3A_162 {offsets = [0, 0], sizes = [48, 512], strides = [1, 1]} : vector<96x512xf32> to vector<48x512xf32>
    %mul3A_165 = vector.broadcast %slice3A_163 : vector<1x512xf32> to vector<48x512xf32>
    %mul3A_166 = arith.mulf %mul3A_165, %slice3A_164 : vector<48x512xf32>
    %add3A_167 = arith.addf %add3A_155, %mul3A_166 : vector<48x512xf32>
    %slice3A_168 = vector.extract_strided_slice %convert_element_type3A_16 {offsets = [17, 0], sizes = [1, 512], strides = [1, 1]} : vector<128x512xf32> to vector<1x512xf32>
    %slice3A_169 = vector.extract_strided_slice %convert_element_type3A_162 {offsets = [48, 0], sizes = [48, 512], strides = [1, 1]} : vector<96x512xf32> to vector<48x512xf32>
    %mul3A_170 = vector.broadcast %slice3A_168 : vector<1x512xf32> to vector<48x512xf32>
    %mul3A_171 = arith.mulf %mul3A_170, %slice3A_169 : vector<48x512xf32>
    %add3A_172 = arith.addf %add3A_167, %mul3A_171 : vector<48x512xf32>
    %get3A_173 = arith.constant 864 : index
    %get3A_174 = arith.constant 0 : index
    %get3A_175 = vector.load %arg5[%get3A_173, %get3A_174] : memref<4320x90xbf16, #tpu.memory_space<vmem>>, vector<96x90xbf16>
    %dot_general3A_176 = arith.constant dense<0.000000e+00> : vector<96x512xf32>
    %dot_general3A_177 = tpu.matmul %get3A_175, %convert_element_type3A, %dot_general3A_176 {dimension_numbers = #tpu.dot_dimension_numbers<[1], [0], [0], [1], [0, 0, 1, 1], [], []>, transpose_lhs_hint = false} : vector<96x90xbf16>, vector<90x512xbf16>, vector<96x512xf32> -> vector<96x512xf32>
    %convert_element_type3A_178 = arith.truncf %dot_general3A_177 : vector<96x512xf32> to vector<96x512xbf16>
    %convert_element_type3A_179 = arith.extf %convert_element_type3A_178 : vector<96x512xbf16> to vector<96x512xf32>
    %slice3A_180 = vector.extract_strided_slice %convert_element_type3A_16 {offsets = [18, 0], sizes = [1, 512], strides = [1, 1]} : vector<128x512xf32> to vector<1x512xf32>
    %slice3A_181 = vector.extract_strided_slice %convert_element_type3A_179 {offsets = [0, 0], sizes = [48, 512], strides = [1, 1]} : vector<96x512xf32> to vector<48x512xf32>
    %mul3A_182 = vector.broadcast %slice3A_180 : vector<1x512xf32> to vector<48x512xf32>
    %mul3A_183 = arith.mulf %mul3A_182, %slice3A_181 : vector<48x512xf32>
    %add3A_184 = arith.addf %add3A_172, %mul3A_183 : vector<48x512xf32>
    %slice3A_185 = vector.extract_strided_slice %convert_element_type3A_16 {offsets = [19, 0], sizes = [1, 512], strides = [1, 1]} : vector<128x512xf32> to vector<1x512xf32>
    %slice3A_186 = vector.extract_strided_slice %convert_element_type3A_179 {offsets = [48, 0], sizes = [48, 512], strides = [1, 1]} : vector<96x512xf32> to vector<48x512xf32>
    %mul3A_187 = vector.broadcast %slice3A_185 : vector<1x512xf32> to vector<48x512xf32>
    %mul3A_188 = arith.mulf %mul3A_187, %slice3A_186 : vector<48x512xf32>
    %add3A_189 = arith.addf %add3A_184, %mul3A_188 : vector<48x512xf32>
    %get3A_190 = arith.constant 960 : index
    %get3A_191 = arith.constant 0 : index
    %get3A_192 = vector.load %arg5[%get3A_190, %get3A_191] : memref<4320x90xbf16, #tpu.memory_space<vmem>>, vector<96x90xbf16>
    %dot_general3A_193 = arith.constant dense<0.000000e+00> : vector<96x512xf32>
    %dot_general3A_194 = tpu.matmul %get3A_192, %convert_element_type3A, %dot_general3A_193 {dimension_numbers = #tpu.dot_dimension_numbers<[1], [0], [0], [1], [0, 0, 1, 1], [], []>, transpose_lhs_hint = false} : vector<96x90xbf16>, vector<90x512xbf16>, vector<96x512xf32> -> vector<96x512xf32>
    %convert_element_type3A_195 = arith.truncf %dot_general3A_194 : vector<96x512xf32> to vector<96x512xbf16>
    %convert_element_type3A_196 = arith.extf %convert_element_type3A_195 : vector<96x512xbf16> to vector<96x512xf32>
    %slice3A_197 = vector.extract_strided_slice %convert_element_type3A_16 {offsets = [20, 0], sizes = [1, 512], strides = [1, 1]} : vector<128x512xf32> to vector<1x512xf32>
    %slice3A_198 = vector.extract_strided_slice %convert_element_type3A_196 {offsets = [0, 0], sizes = [48, 512], strides = [1, 1]} : vector<96x512xf32> to vector<48x512xf32>
    %mul3A_199 = vector.broadcast %slice3A_197 : vector<1x512xf32> to vector<48x512xf32>
    %mul3A_200 = arith.mulf %mul3A_199, %slice3A_198 : vector<48x512xf32>
    %add3A_201 = arith.addf %add3A_189, %mul3A_200 : vector<48x512xf32>
    %slice3A_202 = vector.extract_strided_slice %convert_element_type3A_16 {offsets = [21, 0], sizes = [1, 512], strides = [1, 1]} : vector<128x512xf32> to vector<1x512xf32>
    %slice3A_203 = vector.extract_strided_slice %convert_element_type3A_196 {offsets = [48, 0], sizes = [48, 512], strides = [1, 1]} : vector<96x512xf32> to vector<48x512xf32>
    %mul3A_204 = vector.broadcast %slice3A_202 : vector<1x512xf32> to vector<48x512xf32>
    %mul3A_205 = arith.mulf %mul3A_204, %slice3A_203 : vector<48x512xf32>
    %add3A_206 = arith.addf %add3A_201, %mul3A_205 : vector<48x512xf32>
    %get3A_207 = arith.constant 1056 : index
    %get3A_208 = arith.constant 0 : index
    %get3A_209 = vector.load %arg5[%get3A_207, %get3A_208] : memref<4320x90xbf16, #tpu.memory_space<vmem>>, vector<96x90xbf16>
    %dot_general3A_210 = arith.constant dense<0.000000e+00> : vector<96x512xf32>
    %dot_general3A_211 = tpu.matmul %get3A_209, %convert_element_type3A, %dot_general3A_210 {dimension_numbers = #tpu.dot_dimension_numbers<[1], [0], [0], [1], [0, 0, 1, 1], [], []>, transpose_lhs_hint = false} : vector<96x90xbf16>, vector<90x512xbf16>, vector<96x512xf32> -> vector<96x512xf32>
    %convert_element_type3A_212 = arith.truncf %dot_general3A_211 : vector<96x512xf32> to vector<96x512xbf16>
    %convert_element_type3A_213 = arith.extf %convert_element_type3A_212 : vector<96x512xbf16> to vector<96x512xf32>
    %slice3A_214 = vector.extract_strided_slice %convert_element_type3A_16 {offsets = [22, 0], sizes = [1, 512], strides = [1, 1]} : vector<128x512xf32> to vector<1x512xf32>
    %slice3A_215 = vector.extract_strided_slice %convert_element_type3A_213 {offsets = [0, 0], sizes = [48, 512], strides = [1, 1]} : vector<96x512xf32> to vector<48x512xf32>
    %mul3A_216 = vector.broadcast %slice3A_214 : vector<1x512xf32> to vector<48x512xf32>
    %mul3A_217 = arith.mulf %mul3A_216, %slice3A_215 : vector<48x512xf32>
    %add3A_218 = arith.addf %add3A_206, %mul3A_217 : vector<48x512xf32>
    %slice3A_219 = vector.extract_strided_slice %convert_element_type3A_16 {offsets = [23, 0], sizes = [1, 512], strides = [1, 1]} : vector<128x512xf32> to vector<1x512xf32>
    %slice3A_220 = vector.extract_strided_slice %convert_element_type3A_213 {offsets = [48, 0], sizes = [48, 512], strides = [1, 1]} : vector<96x512xf32> to vector<48x512xf32>
    %mul3A_221 = vector.broadcast %slice3A_219 : vector<1x512xf32> to vector<48x512xf32>
    %mul3A_222 = arith.mulf %mul3A_221, %slice3A_220 : vector<48x512xf32>
    %add3A_223 = arith.addf %add3A_218, %mul3A_222 : vector<48x512xf32>
    %get3A_224 = arith.constant 1152 : index
    %get3A_225 = arith.constant 0 : index
    %get3A_226 = vector.load %arg5[%get3A_224, %get3A_225] : memref<4320x90xbf16, #tpu.memory_space<vmem>>, vector<96x90xbf16>
    %dot_general3A_227 = arith.constant dense<0.000000e+00> : vector<96x512xf32>
    %dot_general3A_228 = tpu.matmul %get3A_226, %convert_element_type3A, %dot_general3A_227 {dimension_numbers = #tpu.dot_dimension_numbers<[1], [0], [0], [1], [0, 0, 1, 1], [], []>, transpose_lhs_hint = false} : vector<96x90xbf16>, vector<90x512xbf16>, vector<96x512xf32> -> vector<96x512xf32>
    %convert_element_type3A_229 = arith.truncf %dot_general3A_228 : vector<96x512xf32> to vector<96x512xbf16>
    %convert_element_type3A_230 = arith.extf %convert_element_type3A_229 : vector<96x512xbf16> to vector<96x512xf32>
    %slice3A_231 = vector.extract_strided_slice %convert_element_type3A_16 {offsets = [24, 0], sizes = [1, 512], strides = [1, 1]} : vector<128x512xf32> to vector<1x512xf32>
    %slice3A_232 = vector.extract_strided_slice %convert_element_type3A_230 {offsets = [0, 0], sizes = [48, 512], strides = [1, 1]} : vector<96x512xf32> to vector<48x512xf32>
    %mul3A_233 = vector.broadcast %slice3A_231 : vector<1x512xf32> to vector<48x512xf32>
    %mul3A_234 = arith.mulf %mul3A_233, %slice3A_232 : vector<48x512xf32>
    %add3A_235 = arith.addf %add3A_223, %mul3A_234 : vector<48x512xf32>
    %slice3A_236 = vector.extract_strided_slice %convert_element_type3A_16 {offsets = [25, 0], sizes = [1, 512], strides = [1, 1]} : vector<128x512xf32> to vector<1x512xf32>
    %slice3A_237 = vector.extract_strided_slice %convert_element_type3A_230 {offsets = [48, 0], sizes = [48, 512], strides = [1, 1]} : vector<96x512xf32> to vector<48x512xf32>
    %mul3A_238 = vector.broadcast %slice3A_236 : vector<1x512xf32> to vector<48x512xf32>
    %mul3A_239 = arith.mulf %mul3A_238, %slice3A_237 : vector<48x512xf32>
    %add3A_240 = arith.addf %add3A_235, %mul3A_239 : vector<48x512xf32>
    %get3A_241 = arith.constant 1248 : index
    %get3A_242 = arith.constant 0 : index
    %get3A_243 = vector.load %arg5[%get3A_241, %get3A_242] : memref<4320x90xbf16, #tpu.memory_space<vmem>>, vector<96x90xbf16>
    %dot_general3A_244 = arith.constant dense<0.000000e+00> : vector<96x512xf32>
    %dot_general3A_245 = tpu.matmul %get3A_243, %convert_element_type3A, %dot_general3A_244 {dimension_numbers = #tpu.dot_dimension_numbers<[1], [0], [0], [1], [0, 0, 1, 1], [], []>, transpose_lhs_hint = false} : vector<96x90xbf16>, vector<90x512xbf16>, vector<96x512xf32> -> vector<96x512xf32>
    %convert_element_type3A_246 = arith.truncf %dot_general3A_245 : vector<96x512xf32> to vector<96x512xbf16>
    %convert_element_type3A_247 = arith.extf %convert_element_type3A_246 : vector<96x512xbf16> to vector<96x512xf32>
    %slice3A_248 = vector.extract_strided_slice %convert_element_type3A_16 {offsets = [26, 0], sizes = [1, 512], strides = [1, 1]} : vector<128x512xf32> to vector<1x512xf32>
    %slice3A_249 = vector.extract_strided_slice %convert_element_type3A_247 {offsets = [0, 0], sizes = [48, 512], strides = [1, 1]} : vector<96x512xf32> to vector<48x512xf32>
    %mul3A_250 = vector.broadcast %slice3A_248 : vector<1x512xf32> to vector<48x512xf32>
    %mul3A_251 = arith.mulf %mul3A_250, %slice3A_249 : vector<48x512xf32>
    %add3A_252 = arith.addf %add3A_240, %mul3A_251 : vector<48x512xf32>
    %slice3A_253 = vector.extract_strided_slice %convert_element_type3A_16 {offsets = [27, 0], sizes = [1, 512], strides = [1, 1]} : vector<128x512xf32> to vector<1x512xf32>
    %slice3A_254 = vector.extract_strided_slice %convert_element_type3A_247 {offsets = [48, 0], sizes = [48, 512], strides = [1, 1]} : vector<96x512xf32> to vector<48x512xf32>
    %mul3A_255 = vector.broadcast %slice3A_253 : vector<1x512xf32> to vector<48x512xf32>
    %mul3A_256 = arith.mulf %mul3A_255, %slice3A_254 : vector<48x512xf32>
    %add3A_257 = arith.addf %add3A_252, %mul3A_256 : vector<48x512xf32>
    %get3A_258 = arith.constant 1344 : index
    %get3A_259 = arith.constant 0 : index
    %get3A_260 = vector.load %arg5[%get3A_258, %get3A_259] : memref<4320x90xbf16, #tpu.memory_space<vmem>>, vector<96x90xbf16>
    %dot_general3A_261 = arith.constant dense<0.000000e+00> : vector<96x512xf32>
    %dot_general3A_262 = tpu.matmul %get3A_260, %convert_element_type3A, %dot_general3A_261 {dimension_numbers = #tpu.dot_dimension_numbers<[1], [0], [0], [1], [0, 0, 1, 1], [], []>, transpose_lhs_hint = false} : vector<96x90xbf16>, vector<90x512xbf16>, vector<96x512xf32> -> vector<96x512xf32>
    %convert_element_type3A_263 = arith.truncf %dot_general3A_262 : vector<96x512xf32> to vector<96x512xbf16>
    %convert_element_type3A_264 = arith.extf %convert_element_type3A_263 : vector<96x512xbf16> to vector<96x512xf32>
    %slice3A_265 = vector.extract_strided_slice %convert_element_type3A_16 {offsets = [28, 0], sizes = [1, 512], strides = [1, 1]} : vector<128x512xf32> to vector<1x512xf32>
    %slice3A_266 = vector.extract_strided_slice %convert_element_type3A_264 {offsets = [0, 0], sizes = [48, 512], strides = [1, 1]} : vector<96x512xf32> to vector<48x512xf32>
    %mul3A_267 = vector.broadcast %slice3A_265 : vector<1x512xf32> to vector<48x512xf32>
    %mul3A_268 = arith.mulf %mul3A_267, %slice3A_266 : vector<48x512xf32>
    %add3A_269 = arith.addf %add3A_257, %mul3A_268 : vector<48x512xf32>
    %slice3A_270 = vector.extract_strided_slice %convert_element_type3A_16 {offsets = [29, 0], sizes = [1, 512], strides = [1, 1]} : vector<128x512xf32> to vector<1x512xf32>
    %slice3A_271 = vector.extract_strided_slice %convert_element_type3A_264 {offsets = [48, 0], sizes = [48, 512], strides = [1, 1]} : vector<96x512xf32> to vector<48x512xf32>
    %mul3A_272 = vector.broadcast %slice3A_270 : vector<1x512xf32> to vector<48x512xf32>
    %mul3A_273 = arith.mulf %mul3A_272, %slice3A_271 : vector<48x512xf32>
    %add3A_274 = arith.addf %add3A_269, %mul3A_273 : vector<48x512xf32>
    %get3A_275 = arith.constant 1440 : index
    %get3A_276 = arith.constant 0 : index
    %get3A_277 = vector.load %arg5[%get3A_275, %get3A_276] : memref<4320x90xbf16, #tpu.memory_space<vmem>>, vector<96x90xbf16>
    %dot_general3A_278 = arith.constant dense<0.000000e+00> : vector<96x512xf32>
    %dot_general3A_279 = tpu.matmul %get3A_277, %convert_element_type3A, %dot_general3A_278 {dimension_numbers = #tpu.dot_dimension_numbers<[1], [0], [0], [1], [0, 0, 1, 1], [], []>, transpose_lhs_hint = false} : vector<96x90xbf16>, vector<90x512xbf16>, vector<96x512xf32> -> vector<96x512xf32>
    %convert_element_type3A_280 = arith.truncf %dot_general3A_279 : vector<96x512xf32> to vector<96x512xbf16>
    %convert_element_type3A_281 = arith.extf %convert_element_type3A_280 : vector<96x512xbf16> to vector<96x512xf32>
    %slice3A_282 = vector.extract_strided_slice %convert_element_type3A_16 {offsets = [30, 0], sizes = [1, 512], strides = [1, 1]} : vector<128x512xf32> to vector<1x512xf32>
    %slice3A_283 = vector.extract_strided_slice %convert_element_type3A_281 {offsets = [0, 0], sizes = [48, 512], strides = [1, 1]} : vector<96x512xf32> to vector<48x512xf32>
    %mul3A_284 = vector.broadcast %slice3A_282 : vector<1x512xf32> to vector<48x512xf32>
    %mul3A_285 = arith.mulf %mul3A_284, %slice3A_283 : vector<48x512xf32>
    %add3A_286 = arith.addf %add3A_274, %mul3A_285 : vector<48x512xf32>
    %slice3A_287 = vector.extract_strided_slice %convert_element_type3A_16 {offsets = [31, 0], sizes = [1, 512], strides = [1, 1]} : vector<128x512xf32> to vector<1x512xf32>
    %slice3A_288 = vector.extract_strided_slice %convert_element_type3A_281 {offsets = [48, 0], sizes = [48, 512], strides = [1, 1]} : vector<96x512xf32> to vector<48x512xf32>
    %mul3A_289 = vector.broadcast %slice3A_287 : vector<1x512xf32> to vector<48x512xf32>
    %mul3A_290 = arith.mulf %mul3A_289, %slice3A_288 : vector<48x512xf32>
    %add3A_291 = arith.addf %add3A_286, %mul3A_290 : vector<48x512xf32>
    %get3A_292 = arith.constant 1536 : index
    %get3A_293 = arith.constant 0 : index
    %get3A_294 = vector.load %arg5[%get3A_292, %get3A_293] : memref<4320x90xbf16, #tpu.memory_space<vmem>>, vector<96x90xbf16>
    %dot_general3A_295 = arith.constant dense<0.000000e+00> : vector<96x512xf32>
    %dot_general3A_296 = tpu.matmul %get3A_294, %convert_element_type3A, %dot_general3A_295 {dimension_numbers = #tpu.dot_dimension_numbers<[1], [0], [0], [1], [0, 0, 1, 1], [], []>, transpose_lhs_hint = false} : vector<96x90xbf16>, vector<90x512xbf16>, vector<96x512xf32> -> vector<96x512xf32>
    %convert_element_type3A_297 = arith.truncf %dot_general3A_296 : vector<96x512xf32> to vector<96x512xbf16>
    %convert_element_type3A_298 = arith.extf %convert_element_type3A_297 : vector<96x512xbf16> to vector<96x512xf32>
    %slice3A_299 = vector.extract_strided_slice %convert_element_type3A_16 {offsets = [32, 0], sizes = [1, 512], strides = [1, 1]} : vector<128x512xf32> to vector<1x512xf32>
    %slice3A_300 = vector.extract_strided_slice %convert_element_type3A_298 {offsets = [0, 0], sizes = [48, 512], strides = [1, 1]} : vector<96x512xf32> to vector<48x512xf32>
    %mul3A_301 = vector.broadcast %slice3A_299 : vector<1x512xf32> to vector<48x512xf32>
    %mul3A_302 = arith.mulf %mul3A_301, %slice3A_300 : vector<48x512xf32>
    %add3A_303 = arith.addf %add3A_291, %mul3A_302 : vector<48x512xf32>
    %slice3A_304 = vector.extract_strided_slice %convert_element_type3A_16 {offsets = [33, 0], sizes = [1, 512], strides = [1, 1]} : vector<128x512xf32> to vector<1x512xf32>
    %slice3A_305 = vector.extract_strided_slice %convert_element_type3A_298 {offsets = [48, 0], sizes = [48, 512], strides = [1, 1]} : vector<96x512xf32> to vector<48x512xf32>
    %mul3A_306 = vector.broadcast %slice3A_304 : vector<1x512xf32> to vector<48x512xf32>
    %mul3A_307 = arith.mulf %mul3A_306, %slice3A_305 : vector<48x512xf32>
    %add3A_308 = arith.addf %add3A_303, %mul3A_307 : vector<48x512xf32>
    %get3A_309 = arith.constant 1632 : index
    %get3A_310 = arith.constant 0 : index
    %get3A_311 = vector.load %arg5[%get3A_309, %get3A_310] : memref<4320x90xbf16, #tpu.memory_space<vmem>>, vector<96x90xbf16>
    %dot_general3A_312 = arith.constant dense<0.000000e+00> : vector<96x512xf32>
    %dot_general3A_313 = tpu.matmul %get3A_311, %convert_element_type3A, %dot_general3A_312 {dimension_numbers = #tpu.dot_dimension_numbers<[1], [0], [0], [1], [0, 0, 1, 1], [], []>, transpose_lhs_hint = false} : vector<96x90xbf16>, vector<90x512xbf16>, vector<96x512xf32> -> vector<96x512xf32>
    %convert_element_type3A_314 = arith.truncf %dot_general3A_313 : vector<96x512xf32> to vector<96x512xbf16>
    %convert_element_type3A_315 = arith.extf %convert_element_type3A_314 : vector<96x512xbf16> to vector<96x512xf32>
    %slice3A_316 = vector.extract_strided_slice %convert_element_type3A_16 {offsets = [34, 0], sizes = [1, 512], strides = [1, 1]} : vector<128x512xf32> to vector<1x512xf32>
    %slice3A_317 = vector.extract_strided_slice %convert_element_type3A_315 {offsets = [0, 0], sizes = [48, 512], strides = [1, 1]} : vector<96x512xf32> to vector<48x512xf32>
    %mul3A_318 = vector.broadcast %slice3A_316 : vector<1x512xf32> to vector<48x512xf32>
    %mul3A_319 = arith.mulf %mul3A_318, %slice3A_317 : vector<48x512xf32>
    %add3A_320 = arith.addf %add3A_308, %mul3A_319 : vector<48x512xf32>
    %slice3A_321 = vector.extract_strided_slice %convert_element_type3A_16 {offsets = [35, 0], sizes = [1, 512], strides = [1, 1]} : vector<128x512xf32> to vector<1x512xf32>
    %slice3A_322 = vector.extract_strided_slice %convert_element_type3A_315 {offsets = [48, 0], sizes = [48, 512], strides = [1, 1]} : vector<96x512xf32> to vector<48x512xf32>
    %mul3A_323 = vector.broadcast %slice3A_321 : vector<1x512xf32> to vector<48x512xf32>
    %mul3A_324 = arith.mulf %mul3A_323, %slice3A_322 : vector<48x512xf32>
    %add3A_325 = arith.addf %add3A_320, %mul3A_324 : vector<48x512xf32>
    %get3A_326 = arith.constant 1728 : index
    %get3A_327 = arith.constant 0 : index
    %get3A_328 = vector.load %arg5[%get3A_326, %get3A_327] : memref<4320x90xbf16, #tpu.memory_space<vmem>>, vector<96x90xbf16>
    %dot_general3A_329 = arith.constant dense<0.000000e+00> : vector<96x512xf32>
    %dot_general3A_330 = tpu.matmul %get3A_328, %convert_element_type3A, %dot_general3A_329 {dimension_numbers = #tpu.dot_dimension_numbers<[1], [0], [0], [1], [0, 0, 1, 1], [], []>, transpose_lhs_hint = false} : vector<96x90xbf16>, vector<90x512xbf16>, vector<96x512xf32> -> vector<96x512xf32>
    %convert_element_type3A_331 = arith.truncf %dot_general3A_330 : vector<96x512xf32> to vector<96x512xbf16>
    %convert_element_type3A_332 = arith.extf %convert_element_type3A_331 : vector<96x512xbf16> to vector<96x512xf32>
    %slice3A_333 = vector.extract_strided_slice %convert_element_type3A_16 {offsets = [36, 0], sizes = [1, 512], strides = [1, 1]} : vector<128x512xf32> to vector<1x512xf32>
    %slice3A_334 = vector.extract_strided_slice %convert_element_type3A_332 {offsets = [0, 0], sizes = [48, 512], strides = [1, 1]} : vector<96x512xf32> to vector<48x512xf32>
    %mul3A_335 = vector.broadcast %slice3A_333 : vector<1x512xf32> to vector<48x512xf32>
    %mul3A_336 = arith.mulf %mul3A_335, %slice3A_334 : vector<48x512xf32>
    %add3A_337 = arith.addf %add3A_325, %mul3A_336 : vector<48x512xf32>
    %slice3A_338 = vector.extract_strided_slice %convert_element_type3A_16 {offsets = [37, 0], sizes = [1, 512], strides = [1, 1]} : vector<128x512xf32> to vector<1x512xf32>
    %slice3A_339 = vector.extract_strided_slice %convert_element_type3A_332 {offsets = [48, 0], sizes = [48, 512], strides = [1, 1]} : vector<96x512xf32> to vector<48x512xf32>
    %mul3A_340 = vector.broadcast %slice3A_338 : vector<1x512xf32> to vector<48x512xf32>
    %mul3A_341 = arith.mulf %mul3A_340, %slice3A_339 : vector<48x512xf32>
    %add3A_342 = arith.addf %add3A_337, %mul3A_341 : vector<48x512xf32>
    %get3A_343 = arith.constant 1824 : index
    %get3A_344 = arith.constant 0 : index
    %get3A_345 = vector.load %arg5[%get3A_343, %get3A_344] : memref<4320x90xbf16, #tpu.memory_space<vmem>>, vector<96x90xbf16>
    %dot_general3A_346 = arith.constant dense<0.000000e+00> : vector<96x512xf32>
    %dot_general3A_347 = tpu.matmul %get3A_345, %convert_element_type3A, %dot_general3A_346 {dimension_numbers = #tpu.dot_dimension_numbers<[1], [0], [0], [1], [0, 0, 1, 1], [], []>, transpose_lhs_hint = false} : vector<96x90xbf16>, vector<90x512xbf16>, vector<96x512xf32> -> vector<96x512xf32>
    %convert_element_type3A_348 = arith.truncf %dot_general3A_347 : vector<96x512xf32> to vector<96x512xbf16>
    %convert_element_type3A_349 = arith.extf %convert_element_type3A_348 : vector<96x512xbf16> to vector<96x512xf32>
    %slice3A_350 = vector.extract_strided_slice %convert_element_type3A_16 {offsets = [38, 0], sizes = [1, 512], strides = [1, 1]} : vector<128x512xf32> to vector<1x512xf32>
    %slice3A_351 = vector.extract_strided_slice %convert_element_type3A_349 {offsets = [0, 0], sizes = [48, 512], strides = [1, 1]} : vector<96x512xf32> to vector<48x512xf32>
    %mul3A_352 = vector.broadcast %slice3A_350 : vector<1x512xf32> to vector<48x512xf32>
    %mul3A_353 = arith.mulf %mul3A_352, %slice3A_351 : vector<48x512xf32>
    %add3A_354 = arith.addf %add3A_342, %mul3A_353 : vector<48x512xf32>
    %slice3A_355 = vector.extract_strided_slice %convert_element_type3A_16 {offsets = [39, 0], sizes = [1, 512], strides = [1, 1]} : vector<128x512xf32> to vector<1x512xf32>
    %slice3A_356 = vector.extract_strided_slice %convert_element_type3A_349 {offsets = [48, 0], sizes = [48, 512], strides = [1, 1]} : vector<96x512xf32> to vector<48x512xf32>
    %mul3A_357 = vector.broadcast %slice3A_355 : vector<1x512xf32> to vector<48x512xf32>
    %mul3A_358 = arith.mulf %mul3A_357, %slice3A_356 : vector<48x512xf32>
    %add3A_359 = arith.addf %add3A_354, %mul3A_358 : vector<48x512xf32>
    %get3A_360 = arith.constant 1920 : index
    %get3A_361 = arith.constant 0 : index
    %get3A_362 = vector.load %arg5[%get3A_360, %get3A_361] : memref<4320x90xbf16, #tpu.memory_space<vmem>>, vector<96x90xbf16>
    %dot_general3A_363 = arith.constant dense<0.000000e+00> : vector<96x512xf32>
    %dot_general3A_364 = tpu.matmul %get3A_362, %convert_element_type3A, %dot_general3A_363 {dimension_numbers = #tpu.dot_dimension_numbers<[1], [0], [0], [1], [0, 0, 1, 1], [], []>, transpose_lhs_hint = false} : vector<96x90xbf16>, vector<90x512xbf16>, vector<96x512xf32> -> vector<96x512xf32>
    %convert_element_type3A_365 = arith.truncf %dot_general3A_364 : vector<96x512xf32> to vector<96x512xbf16>
    %convert_element_type3A_366 = arith.extf %convert_element_type3A_365 : vector<96x512xbf16> to vector<96x512xf32>
    %slice3A_367 = vector.extract_strided_slice %convert_element_type3A_16 {offsets = [40, 0], sizes = [1, 512], strides = [1, 1]} : vector<128x512xf32> to vector<1x512xf32>
    %slice3A_368 = vector.extract_strided_slice %convert_element_type3A_366 {offsets = [0, 0], sizes = [48, 512], strides = [1, 1]} : vector<96x512xf32> to vector<48x512xf32>
    %mul3A_369 = vector.broadcast %slice3A_367 : vector<1x512xf32> to vector<48x512xf32>
    %mul3A_370 = arith.mulf %mul3A_369, %slice3A_368 : vector<48x512xf32>
    %add3A_371 = arith.addf %add3A_359, %mul3A_370 : vector<48x512xf32>
    %slice3A_372 = vector.extract_strided_slice %convert_element_type3A_16 {offsets = [41, 0], sizes = [1, 512], strides = [1, 1]} : vector<128x512xf32> to vector<1x512xf32>
    %slice3A_373 = vector.extract_strided_slice %convert_element_type3A_366 {offsets = [48, 0], sizes = [48, 512], strides = [1, 1]} : vector<96x512xf32> to vector<48x512xf32>
    %mul3A_374 = vector.broadcast %slice3A_372 : vector<1x512xf32> to vector<48x512xf32>
    %mul3A_375 = arith.mulf %mul3A_374, %slice3A_373 : vector<48x512xf32>
    %add3A_376 = arith.addf %add3A_371, %mul3A_375 : vector<48x512xf32>
    %get3A_377 = arith.constant 2016 : index
    %get3A_378 = arith.constant 0 : index
    %get3A_379 = vector.load %arg5[%get3A_377, %get3A_378] : memref<4320x90xbf16, #tpu.memory_space<vmem>>, vector<96x90xbf16>
    %dot_general3A_380 = arith.constant dense<0.000000e+00> : vector<96x512xf32>
    %dot_general3A_381 = tpu.matmul %get3A_379, %convert_element_type3A, %dot_general3A_380 {dimension_numbers = #tpu.dot_dimension_numbers<[1], [0], [0], [1], [0, 0, 1, 1], [], []>, transpose_lhs_hint = false} : vector<96x90xbf16>, vector<90x512xbf16>, vector<96x512xf32> -> vector<96x512xf32>
    %convert_element_type3A_382 = arith.truncf %dot_general3A_381 : vector<96x512xf32> to vector<96x512xbf16>
    %convert_element_type3A_383 = arith.extf %convert_element_type3A_382 : vector<96x512xbf16> to vector<96x512xf32>
    %slice3A_384 = vector.extract_strided_slice %convert_element_type3A_16 {offsets = [42, 0], sizes = [1, 512], strides = [1, 1]} : vector<128x512xf32> to vector<1x512xf32>
    %slice3A_385 = vector.extract_strided_slice %convert_element_type3A_383 {offsets = [0, 0], sizes = [48, 512], strides = [1, 1]} : vector<96x512xf32> to vector<48x512xf32>
    %mul3A_386 = vector.broadcast %slice3A_384 : vector<1x512xf32> to vector<48x512xf32>
    %mul3A_387 = arith.mulf %mul3A_386, %slice3A_385 : vector<48x512xf32>
    %add3A_388 = arith.addf %add3A_376, %mul3A_387 : vector<48x512xf32>
    %slice3A_389 = vector.extract_strided_slice %convert_element_type3A_16 {offsets = [43, 0], sizes = [1, 512], strides = [1, 1]} : vector<128x512xf32> to vector<1x512xf32>
    %slice3A_390 = vector.extract_strided_slice %convert_element_type3A_383 {offsets = [48, 0], sizes = [48, 512], strides = [1, 1]} : vector<96x512xf32> to vector<48x512xf32>
    %mul3A_391 = vector.broadcast %slice3A_389 : vector<1x512xf32> to vector<48x512xf32>
    %mul3A_392 = arith.mulf %mul3A_391, %slice3A_390 : vector<48x512xf32>
    %add3A_393 = arith.addf %add3A_388, %mul3A_392 : vector<48x512xf32>
    %get3A_394 = arith.constant 2112 : index
    %get3A_395 = arith.constant 0 : index
    %get3A_396 = vector.load %arg5[%get3A_394, %get3A_395] : memref<4320x90xbf16, #tpu.memory_space<vmem>>, vector<96x90xbf16>
    %dot_general3A_397 = arith.constant dense<0.000000e+00> : vector<96x512xf32>
    %dot_general3A_398 = tpu.matmul %get3A_396, %convert_element_type3A, %dot_general3A_397 {dimension_numbers = #tpu.dot_dimension_numbers<[1], [0], [0], [1], [0, 0, 1, 1], [], []>, transpose_lhs_hint = false} : vector<96x90xbf16>, vector<90x512xbf16>, vector<96x512xf32> -> vector<96x512xf32>
    %convert_element_type3A_399 = arith.truncf %dot_general3A_398 : vector<96x512xf32> to vector<96x512xbf16>
    %convert_element_type3A_400 = arith.extf %convert_element_type3A_399 : vector<96x512xbf16> to vector<96x512xf32>
    %slice3A_401 = vector.extract_strided_slice %convert_element_type3A_16 {offsets = [44, 0], sizes = [1, 512], strides = [1, 1]} : vector<128x512xf32> to vector<1x512xf32>
    %slice3A_402 = vector.extract_strided_slice %convert_element_type3A_400 {offsets = [0, 0], sizes = [48, 512], strides = [1, 1]} : vector<96x512xf32> to vector<48x512xf32>
    %mul3A_403 = vector.broadcast %slice3A_401 : vector<1x512xf32> to vector<48x512xf32>
    %mul3A_404 = arith.mulf %mul3A_403, %slice3A_402 : vector<48x512xf32>
    %add3A_405 = arith.addf %add3A_393, %mul3A_404 : vector<48x512xf32>
    %slice3A_406 = vector.extract_strided_slice %convert_element_type3A_16 {offsets = [45, 0], sizes = [1, 512], strides = [1, 1]} : vector<128x512xf32> to vector<1x512xf32>
    %slice3A_407 = vector.extract_strided_slice %convert_element_type3A_400 {offsets = [48, 0], sizes = [48, 512], strides = [1, 1]} : vector<96x512xf32> to vector<48x512xf32>
    %mul3A_408 = vector.broadcast %slice3A_406 : vector<1x512xf32> to vector<48x512xf32>
    %mul3A_409 = arith.mulf %mul3A_408, %slice3A_407 : vector<48x512xf32>
    %add3A_410 = arith.addf %add3A_405, %mul3A_409 : vector<48x512xf32>
    %get3A_411 = arith.constant 2208 : index
    %get3A_412 = arith.constant 0 : index
    %get3A_413 = vector.load %arg5[%get3A_411, %get3A_412] : memref<4320x90xbf16, #tpu.memory_space<vmem>>, vector<96x90xbf16>
    %dot_general3A_414 = arith.constant dense<0.000000e+00> : vector<96x512xf32>
    %dot_general3A_415 = tpu.matmul %get3A_413, %convert_element_type3A, %dot_general3A_414 {dimension_numbers = #tpu.dot_dimension_numbers<[1], [0], [0], [1], [0, 0, 1, 1], [], []>, transpose_lhs_hint = false} : vector<96x90xbf16>, vector<90x512xbf16>, vector<96x512xf32> -> vector<96x512xf32>
    %convert_element_type3A_416 = arith.truncf %dot_general3A_415 : vector<96x512xf32> to vector<96x512xbf16>
    %convert_element_type3A_417 = arith.extf %convert_element_type3A_416 : vector<96x512xbf16> to vector<96x512xf32>
    %slice3A_418 = vector.extract_strided_slice %convert_element_type3A_16 {offsets = [46, 0], sizes = [1, 512], strides = [1, 1]} : vector<128x512xf32> to vector<1x512xf32>
    %slice3A_419 = vector.extract_strided_slice %convert_element_type3A_417 {offsets = [0, 0], sizes = [48, 512], strides = [1, 1]} : vector<96x512xf32> to vector<48x512xf32>
    %mul3A_420 = vector.broadcast %slice3A_418 : vector<1x512xf32> to vector<48x512xf32>
    %mul3A_421 = arith.mulf %mul3A_420, %slice3A_419 : vector<48x512xf32>
    %add3A_422 = arith.addf %add3A_410, %mul3A_421 : vector<48x512xf32>
    %slice3A_423 = vector.extract_strided_slice %convert_element_type3A_16 {offsets = [47, 0], sizes = [1, 512], strides = [1, 1]} : vector<128x512xf32> to vector<1x512xf32>
    %slice3A_424 = vector.extract_strided_slice %convert_element_type3A_417 {offsets = [48, 0], sizes = [48, 512], strides = [1, 1]} : vector<96x512xf32> to vector<48x512xf32>
    %mul3A_425 = vector.broadcast %slice3A_423 : vector<1x512xf32> to vector<48x512xf32>
    %mul3A_426 = arith.mulf %mul3A_425, %slice3A_424 : vector<48x512xf32>
    %add3A_427 = arith.addf %add3A_422, %mul3A_426 : vector<48x512xf32>
    %get3A_428 = arith.constant 2304 : index
    %get3A_429 = arith.constant 0 : index
    %get3A_430 = vector.load %arg5[%get3A_428, %get3A_429] : memref<4320x90xbf16, #tpu.memory_space<vmem>>, vector<96x90xbf16>
    %dot_general3A_431 = arith.constant dense<0.000000e+00> : vector<96x512xf32>
    %dot_general3A_432 = tpu.matmul %get3A_430, %convert_element_type3A, %dot_general3A_431 {dimension_numbers = #tpu.dot_dimension_numbers<[1], [0], [0], [1], [0, 0, 1, 1], [], []>, transpose_lhs_hint = false} : vector<96x90xbf16>, vector<90x512xbf16>, vector<96x512xf32> -> vector<96x512xf32>
    %convert_element_type3A_433 = arith.truncf %dot_general3A_432 : vector<96x512xf32> to vector<96x512xbf16>
    %convert_element_type3A_434 = arith.extf %convert_element_type3A_433 : vector<96x512xbf16> to vector<96x512xf32>
    %slice3A_435 = vector.extract_strided_slice %convert_element_type3A_16 {offsets = [48, 0], sizes = [1, 512], strides = [1, 1]} : vector<128x512xf32> to vector<1x512xf32>
    %slice3A_436 = vector.extract_strided_slice %convert_element_type3A_434 {offsets = [0, 0], sizes = [48, 512], strides = [1, 1]} : vector<96x512xf32> to vector<48x512xf32>
    %mul3A_437 = vector.broadcast %slice3A_435 : vector<1x512xf32> to vector<48x512xf32>
    %mul3A_438 = arith.mulf %mul3A_437, %slice3A_436 : vector<48x512xf32>
    %add3A_439 = arith.addf %add3A_427, %mul3A_438 : vector<48x512xf32>
    %slice3A_440 = vector.extract_strided_slice %convert_element_type3A_16 {offsets = [49, 0], sizes = [1, 512], strides = [1, 1]} : vector<128x512xf32> to vector<1x512xf32>
    %slice3A_441 = vector.extract_strided_slice %convert_element_type3A_434 {offsets = [48, 0], sizes = [48, 512], strides = [1, 1]} : vector<96x512xf32> to vector<48x512xf32>
    %mul3A_442 = vector.broadcast %slice3A_440 : vector<1x512xf32> to vector<48x512xf32>
    %mul3A_443 = arith.mulf %mul3A_442, %slice3A_441 : vector<48x512xf32>
    %add3A_444 = arith.addf %add3A_439, %mul3A_443 : vector<48x512xf32>
    %get3A_445 = arith.constant 2400 : index
    %get3A_446 = arith.constant 0 : index
    %get3A_447 = vector.load %arg5[%get3A_445, %get3A_446] : memref<4320x90xbf16, #tpu.memory_space<vmem>>, vector<96x90xbf16>
    %dot_general3A_448 = arith.constant dense<0.000000e+00> : vector<96x512xf32>
    %dot_general3A_449 = tpu.matmul %get3A_447, %convert_element_type3A, %dot_general3A_448 {dimension_numbers = #tpu.dot_dimension_numbers<[1], [0], [0], [1], [0, 0, 1, 1], [], []>, transpose_lhs_hint = false} : vector<96x90xbf16>, vector<90x512xbf16>, vector<96x512xf32> -> vector<96x512xf32>
    %convert_element_type3A_450 = arith.truncf %dot_general3A_449 : vector<96x512xf32> to vector<96x512xbf16>
    %convert_element_type3A_451 = arith.extf %convert_element_type3A_450 : vector<96x512xbf16> to vector<96x512xf32>
    %slice3A_452 = vector.extract_strided_slice %convert_element_type3A_16 {offsets = [50, 0], sizes = [1, 512], strides = [1, 1]} : vector<128x512xf32> to vector<1x512xf32>
    %slice3A_453 = vector.extract_strided_slice %convert_element_type3A_451 {offsets = [0, 0], sizes = [48, 512], strides = [1, 1]} : vector<96x512xf32> to vector<48x512xf32>
    %mul3A_454 = vector.broadcast %slice3A_452 : vector<1x512xf32> to vector<48x512xf32>
    %mul3A_455 = arith.mulf %mul3A_454, %slice3A_453 : vector<48x512xf32>
    %add3A_456 = arith.addf %add3A_444, %mul3A_455 : vector<48x512xf32>
    %slice3A_457 = vector.extract_strided_slice %convert_element_type3A_16 {offsets = [51, 0], sizes = [1, 512], strides = [1, 1]} : vector<128x512xf32> to vector<1x512xf32>
    %slice3A_458 = vector.extract_strided_slice %convert_element_type3A_451 {offsets = [48, 0], sizes = [48, 512], strides = [1, 1]} : vector<96x512xf32> to vector<48x512xf32>
    %mul3A_459 = vector.broadcast %slice3A_457 : vector<1x512xf32> to vector<48x512xf32>
    %mul3A_460 = arith.mulf %mul3A_459, %slice3A_458 : vector<48x512xf32>
    %add3A_461 = arith.addf %add3A_456, %mul3A_460 : vector<48x512xf32>
    %get3A_462 = arith.constant 2496 : index
    %get3A_463 = arith.constant 0 : index
    %get3A_464 = vector.load %arg5[%get3A_462, %get3A_463] : memref<4320x90xbf16, #tpu.memory_space<vmem>>, vector<96x90xbf16>
    %dot_general3A_465 = arith.constant dense<0.000000e+00> : vector<96x512xf32>
    %dot_general3A_466 = tpu.matmul %get3A_464, %convert_element_type3A, %dot_general3A_465 {dimension_numbers = #tpu.dot_dimension_numbers<[1], [0], [0], [1], [0, 0, 1, 1], [], []>, transpose_lhs_hint = false} : vector<96x90xbf16>, vector<90x512xbf16>, vector<96x512xf32> -> vector<96x512xf32>
    %convert_element_type3A_467 = arith.truncf %dot_general3A_466 : vector<96x512xf32> to vector<96x512xbf16>
    %convert_element_type3A_468 = arith.extf %convert_element_type3A_467 : vector<96x512xbf16> to vector<96x512xf32>
    %slice3A_469 = vector.extract_strided_slice %convert_element_type3A_16 {offsets = [52, 0], sizes = [1, 512], strides = [1, 1]} : vector<128x512xf32> to vector<1x512xf32>
    %slice3A_470 = vector.extract_strided_slice %convert_element_type3A_468 {offsets = [0, 0], sizes = [48, 512], strides = [1, 1]} : vector<96x512xf32> to vector<48x512xf32>
    %mul3A_471 = vector.broadcast %slice3A_469 : vector<1x512xf32> to vector<48x512xf32>
    %mul3A_472 = arith.mulf %mul3A_471, %slice3A_470 : vector<48x512xf32>
    %add3A_473 = arith.addf %add3A_461, %mul3A_472 : vector<48x512xf32>
    %slice3A_474 = vector.extract_strided_slice %convert_element_type3A_16 {offsets = [53, 0], sizes = [1, 512], strides = [1, 1]} : vector<128x512xf32> to vector<1x512xf32>
    %slice3A_475 = vector.extract_strided_slice %convert_element_type3A_468 {offsets = [48, 0], sizes = [48, 512], strides = [1, 1]} : vector<96x512xf32> to vector<48x512xf32>
    %mul3A_476 = vector.broadcast %slice3A_474 : vector<1x512xf32> to vector<48x512xf32>
    %mul3A_477 = arith.mulf %mul3A_476, %slice3A_475 : vector<48x512xf32>
    %add3A_478 = arith.addf %add3A_473, %mul3A_477 : vector<48x512xf32>
    %get3A_479 = arith.constant 2592 : index
    %get3A_480 = arith.constant 0 : index
    %get3A_481 = vector.load %arg5[%get3A_479, %get3A_480] : memref<4320x90xbf16, #tpu.memory_space<vmem>>, vector<96x90xbf16>
    %dot_general3A_482 = arith.constant dense<0.000000e+00> : vector<96x512xf32>
    %dot_general3A_483 = tpu.matmul %get3A_481, %convert_element_type3A, %dot_general3A_482 {dimension_numbers = #tpu.dot_dimension_numbers<[1], [0], [0], [1], [0, 0, 1, 1], [], []>, transpose_lhs_hint = false} : vector<96x90xbf16>, vector<90x512xbf16>, vector<96x512xf32> -> vector<96x512xf32>
    %convert_element_type3A_484 = arith.truncf %dot_general3A_483 : vector<96x512xf32> to vector<96x512xbf16>
    %convert_element_type3A_485 = arith.extf %convert_element_type3A_484 : vector<96x512xbf16> to vector<96x512xf32>
    %slice3A_486 = vector.extract_strided_slice %convert_element_type3A_16 {offsets = [54, 0], sizes = [1, 512], strides = [1, 1]} : vector<128x512xf32> to vector<1x512xf32>
    %slice3A_487 = vector.extract_strided_slice %convert_element_type3A_485 {offsets = [0, 0], sizes = [48, 512], strides = [1, 1]} : vector<96x512xf32> to vector<48x512xf32>
    %mul3A_488 = vector.broadcast %slice3A_486 : vector<1x512xf32> to vector<48x512xf32>
    %mul3A_489 = arith.mulf %mul3A_488, %slice3A_487 : vector<48x512xf32>
    %add3A_490 = arith.addf %add3A_478, %mul3A_489 : vector<48x512xf32>
    %slice3A_491 = vector.extract_strided_slice %convert_element_type3A_16 {offsets = [55, 0], sizes = [1, 512], strides = [1, 1]} : vector<128x512xf32> to vector<1x512xf32>
    %slice3A_492 = vector.extract_strided_slice %convert_element_type3A_485 {offsets = [48, 0], sizes = [48, 512], strides = [1, 1]} : vector<96x512xf32> to vector<48x512xf32>
    %mul3A_493 = vector.broadcast %slice3A_491 : vector<1x512xf32> to vector<48x512xf32>
    %mul3A_494 = arith.mulf %mul3A_493, %slice3A_492 : vector<48x512xf32>
    %add3A_495 = arith.addf %add3A_490, %mul3A_494 : vector<48x512xf32>
    %get3A_496 = arith.constant 2688 : index
    %get3A_497 = arith.constant 0 : index
    %get3A_498 = vector.load %arg5[%get3A_496, %get3A_497] : memref<4320x90xbf16, #tpu.memory_space<vmem>>, vector<96x90xbf16>
    %dot_general3A_499 = arith.constant dense<0.000000e+00> : vector<96x512xf32>
    %dot_general3A_500 = tpu.matmul %get3A_498, %convert_element_type3A, %dot_general3A_499 {dimension_numbers = #tpu.dot_dimension_numbers<[1], [0], [0], [1], [0, 0, 1, 1], [], []>, transpose_lhs_hint = false} : vector<96x90xbf16>, vector<90x512xbf16>, vector<96x512xf32> -> vector<96x512xf32>
    %convert_element_type3A_501 = arith.truncf %dot_general3A_500 : vector<96x512xf32> to vector<96x512xbf16>
    %convert_element_type3A_502 = arith.extf %convert_element_type3A_501 : vector<96x512xbf16> to vector<96x512xf32>
    %slice3A_503 = vector.extract_strided_slice %convert_element_type3A_16 {offsets = [56, 0], sizes = [1, 512], strides = [1, 1]} : vector<128x512xf32> to vector<1x512xf32>
    %slice3A_504 = vector.extract_strided_slice %convert_element_type3A_502 {offsets = [0, 0], sizes = [48, 512], strides = [1, 1]} : vector<96x512xf32> to vector<48x512xf32>
    %mul3A_505 = vector.broadcast %slice3A_503 : vector<1x512xf32> to vector<48x512xf32>
    %mul3A_506 = arith.mulf %mul3A_505, %slice3A_504 : vector<48x512xf32>
    %add3A_507 = arith.addf %add3A_495, %mul3A_506 : vector<48x512xf32>
    %slice3A_508 = vector.extract_strided_slice %convert_element_type3A_16 {offsets = [57, 0], sizes = [1, 512], strides = [1, 1]} : vector<128x512xf32> to vector<1x512xf32>
    %slice3A_509 = vector.extract_strided_slice %convert_element_type3A_502 {offsets = [48, 0], sizes = [48, 512], strides = [1, 1]} : vector<96x512xf32> to vector<48x512xf32>
    %mul3A_510 = vector.broadcast %slice3A_508 : vector<1x512xf32> to vector<48x512xf32>
    %mul3A_511 = arith.mulf %mul3A_510, %slice3A_509 : vector<48x512xf32>
    %add3A_512 = arith.addf %add3A_507, %mul3A_511 : vector<48x512xf32>
    %get3A_513 = arith.constant 2784 : index
    %get3A_514 = arith.constant 0 : index
    %get3A_515 = vector.load %arg5[%get3A_513, %get3A_514] : memref<4320x90xbf16, #tpu.memory_space<vmem>>, vector<96x90xbf16>
    %dot_general3A_516 = arith.constant dense<0.000000e+00> : vector<96x512xf32>
    %dot_general3A_517 = tpu.matmul %get3A_515, %convert_element_type3A, %dot_general3A_516 {dimension_numbers = #tpu.dot_dimension_numbers<[1], [0], [0], [1], [0, 0, 1, 1], [], []>, transpose_lhs_hint = false} : vector<96x90xbf16>, vector<90x512xbf16>, vector<96x512xf32> -> vector<96x512xf32>
    %convert_element_type3A_518 = arith.truncf %dot_general3A_517 : vector<96x512xf32> to vector<96x512xbf16>
    %convert_element_type3A_519 = arith.extf %convert_element_type3A_518 : vector<96x512xbf16> to vector<96x512xf32>
    %slice3A_520 = vector.extract_strided_slice %convert_element_type3A_16 {offsets = [58, 0], sizes = [1, 512], strides = [1, 1]} : vector<128x512xf32> to vector<1x512xf32>
    %slice3A_521 = vector.extract_strided_slice %convert_element_type3A_519 {offsets = [0, 0], sizes = [48, 512], strides = [1, 1]} : vector<96x512xf32> to vector<48x512xf32>
    %mul3A_522 = vector.broadcast %slice3A_520 : vector<1x512xf32> to vector<48x512xf32>
    %mul3A_523 = arith.mulf %mul3A_522, %slice3A_521 : vector<48x512xf32>
    %add3A_524 = arith.addf %add3A_512, %mul3A_523 : vector<48x512xf32>
    %slice3A_525 = vector.extract_strided_slice %convert_element_type3A_16 {offsets = [59, 0], sizes = [1, 512], strides = [1, 1]} : vector<128x512xf32> to vector<1x512xf32>
    %slice3A_526 = vector.extract_strided_slice %convert_element_type3A_519 {offsets = [48, 0], sizes = [48, 512], strides = [1, 1]} : vector<96x512xf32> to vector<48x512xf32>
    %mul3A_527 = vector.broadcast %slice3A_525 : vector<1x512xf32> to vector<48x512xf32>
    %mul3A_528 = arith.mulf %mul3A_527, %slice3A_526 : vector<48x512xf32>
    %add3A_529 = arith.addf %add3A_524, %mul3A_528 : vector<48x512xf32>
    %get3A_530 = arith.constant 2880 : index
    %get3A_531 = arith.constant 0 : index
    %get3A_532 = vector.load %arg5[%get3A_530, %get3A_531] : memref<4320x90xbf16, #tpu.memory_space<vmem>>, vector<96x90xbf16>
    %dot_general3A_533 = arith.constant dense<0.000000e+00> : vector<96x512xf32>
    %dot_general3A_534 = tpu.matmul %get3A_532, %convert_element_type3A, %dot_general3A_533 {dimension_numbers = #tpu.dot_dimension_numbers<[1], [0], [0], [1], [0, 0, 1, 1], [], []>, transpose_lhs_hint = false} : vector<96x90xbf16>, vector<90x512xbf16>, vector<96x512xf32> -> vector<96x512xf32>
    %convert_element_type3A_535 = arith.truncf %dot_general3A_534 : vector<96x512xf32> to vector<96x512xbf16>
    %convert_element_type3A_536 = arith.extf %convert_element_type3A_535 : vector<96x512xbf16> to vector<96x512xf32>
    %slice3A_537 = vector.extract_strided_slice %convert_element_type3A_16 {offsets = [60, 0], sizes = [1, 512], strides = [1, 1]} : vector<128x512xf32> to vector<1x512xf32>
    %slice3A_538 = vector.extract_strided_slice %convert_element_type3A_536 {offsets = [0, 0], sizes = [48, 512], strides = [1, 1]} : vector<96x512xf32> to vector<48x512xf32>
    %mul3A_539 = vector.broadcast %slice3A_537 : vector<1x512xf32> to vector<48x512xf32>
    %mul3A_540 = arith.mulf %mul3A_539, %slice3A_538 : vector<48x512xf32>
    %add3A_541 = arith.addf %add3A_529, %mul3A_540 : vector<48x512xf32>
    %slice3A_542 = vector.extract_strided_slice %convert_element_type3A_16 {offsets = [61, 0], sizes = [1, 512], strides = [1, 1]} : vector<128x512xf32> to vector<1x512xf32>
    %slice3A_543 = vector.extract_strided_slice %convert_element_type3A_536 {offsets = [48, 0], sizes = [48, 512], strides = [1, 1]} : vector<96x512xf32> to vector<48x512xf32>
    %mul3A_544 = vector.broadcast %slice3A_542 : vector<1x512xf32> to vector<48x512xf32>
    %mul3A_545 = arith.mulf %mul3A_544, %slice3A_543 : vector<48x512xf32>
    %add3A_546 = arith.addf %add3A_541, %mul3A_545 : vector<48x512xf32>
    %get3A_547 = arith.constant 2976 : index
    %get3A_548 = arith.constant 0 : index
    %get3A_549 = vector.load %arg5[%get3A_547, %get3A_548] : memref<4320x90xbf16, #tpu.memory_space<vmem>>, vector<96x90xbf16>
    %dot_general3A_550 = arith.constant dense<0.000000e+00> : vector<96x512xf32>
    %dot_general3A_551 = tpu.matmul %get3A_549, %convert_element_type3A, %dot_general3A_550 {dimension_numbers = #tpu.dot_dimension_numbers<[1], [0], [0], [1], [0, 0, 1, 1], [], []>, transpose_lhs_hint = false} : vector<96x90xbf16>, vector<90x512xbf16>, vector<96x512xf32> -> vector<96x512xf32>
    %convert_element_type3A_552 = arith.truncf %dot_general3A_551 : vector<96x512xf32> to vector<96x512xbf16>
    %convert_element_type3A_553 = arith.extf %convert_element_type3A_552 : vector<96x512xbf16> to vector<96x512xf32>
    %slice3A_554 = vector.extract_strided_slice %convert_element_type3A_16 {offsets = [62, 0], sizes = [1, 512], strides = [1, 1]} : vector<128x512xf32> to vector<1x512xf32>
    %slice3A_555 = vector.extract_strided_slice %convert_element_type3A_553 {offsets = [0, 0], sizes = [48, 512], strides = [1, 1]} : vector<96x512xf32> to vector<48x512xf32>
    %mul3A_556 = vector.broadcast %slice3A_554 : vector<1x512xf32> to vector<48x512xf32>
    %mul3A_557 = arith.mulf %mul3A_556, %slice3A_555 : vector<48x512xf32>
    %add3A_558 = arith.addf %add3A_546, %mul3A_557 : vector<48x512xf32>
    %slice3A_559 = vector.extract_strided_slice %convert_element_type3A_16 {offsets = [63, 0], sizes = [1, 512], strides = [1, 1]} : vector<128x512xf32> to vector<1x512xf32>
    %slice3A_560 = vector.extract_strided_slice %convert_element_type3A_553 {offsets = [48, 0], sizes = [48, 512], strides = [1, 1]} : vector<96x512xf32> to vector<48x512xf32>
    %mul3A_561 = vector.broadcast %slice3A_559 : vector<1x512xf32> to vector<48x512xf32>
    %mul3A_562 = arith.mulf %mul3A_561, %slice3A_560 : vector<48x512xf32>
    %add3A_563 = arith.addf %add3A_558, %mul3A_562 : vector<48x512xf32>
    %get3A_564 = arith.constant 3072 : index
    %get3A_565 = arith.constant 0 : index
    %get3A_566 = vector.load %arg5[%get3A_564, %get3A_565] : memref<4320x90xbf16, #tpu.memory_space<vmem>>, vector<96x90xbf16>
    %dot_general3A_567 = arith.constant dense<0.000000e+00> : vector<96x512xf32>
    %dot_general3A_568 = tpu.matmul %get3A_566, %convert_element_type3A, %dot_general3A_567 {dimension_numbers = #tpu.dot_dimension_numbers<[1], [0], [0], [1], [0, 0, 1, 1], [], []>, transpose_lhs_hint = false} : vector<96x90xbf16>, vector<90x512xbf16>, vector<96x512xf32> -> vector<96x512xf32>
    %convert_element_type3A_569 = arith.truncf %dot_general3A_568 : vector<96x512xf32> to vector<96x512xbf16>
    %convert_element_type3A_570 = arith.extf %convert_element_type3A_569 : vector<96x512xbf16> to vector<96x512xf32>
    %slice3A_571 = vector.extract_strided_slice %convert_element_type3A_16 {offsets = [64, 0], sizes = [1, 512], strides = [1, 1]} : vector<128x512xf32> to vector<1x512xf32>
    %slice3A_572 = vector.extract_strided_slice %convert_element_type3A_570 {offsets = [0, 0], sizes = [48, 512], strides = [1, 1]} : vector<96x512xf32> to vector<48x512xf32>
    %mul3A_573 = vector.broadcast %slice3A_571 : vector<1x512xf32> to vector<48x512xf32>
    %mul3A_574 = arith.mulf %mul3A_573, %slice3A_572 : vector<48x512xf32>
    %add3A_575 = arith.addf %add3A_563, %mul3A_574 : vector<48x512xf32>
    %slice3A_576 = vector.extract_strided_slice %convert_element_type3A_16 {offsets = [65, 0], sizes = [1, 512], strides = [1, 1]} : vector<128x512xf32> to vector<1x512xf32>
    %slice3A_577 = vector.extract_strided_slice %convert_element_type3A_570 {offsets = [48, 0], sizes = [48, 512], strides = [1, 1]} : vector<96x512xf32> to vector<48x512xf32>
    %mul3A_578 = vector.broadcast %slice3A_576 : vector<1x512xf32> to vector<48x512xf32>
    %mul3A_579 = arith.mulf %mul3A_578, %slice3A_577 : vector<48x512xf32>
    %add3A_580 = arith.addf %add3A_575, %mul3A_579 : vector<48x512xf32>
    %get3A_581 = arith.constant 3168 : index
    %get3A_582 = arith.constant 0 : index
    %get3A_583 = vector.load %arg5[%get3A_581, %get3A_582] : memref<4320x90xbf16, #tpu.memory_space<vmem>>, vector<96x90xbf16>
    %dot_general3A_584 = arith.constant dense<0.000000e+00> : vector<96x512xf32>
    %dot_general3A_585 = tpu.matmul %get3A_583, %convert_element_type3A, %dot_general3A_584 {dimension_numbers = #tpu.dot_dimension_numbers<[1], [0], [0], [1], [0, 0, 1, 1], [], []>, transpose_lhs_hint = false} : vector<96x90xbf16>, vector<90x512xbf16>, vector<96x512xf32> -> vector<96x512xf32>
    %convert_element_type3A_586 = arith.truncf %dot_general3A_585 : vector<96x512xf32> to vector<96x512xbf16>
    %convert_element_type3A_587 = arith.extf %convert_element_type3A_586 : vector<96x512xbf16> to vector<96x512xf32>
    %slice3A_588 = vector.extract_strided_slice %convert_element_type3A_16 {offsets = [66, 0], sizes = [1, 512], strides = [1, 1]} : vector<128x512xf32> to vector<1x512xf32>
    %slice3A_589 = vector.extract_strided_slice %convert_element_type3A_587 {offsets = [0, 0], sizes = [48, 512], strides = [1, 1]} : vector<96x512xf32> to vector<48x512xf32>
    %mul3A_590 = vector.broadcast %slice3A_588 : vector<1x512xf32> to vector<48x512xf32>
    %mul3A_591 = arith.mulf %mul3A_590, %slice3A_589 : vector<48x512xf32>
    %add3A_592 = arith.addf %add3A_580, %mul3A_591 : vector<48x512xf32>
    %slice3A_593 = vector.extract_strided_slice %convert_element_type3A_16 {offsets = [67, 0], sizes = [1, 512], strides = [1, 1]} : vector<128x512xf32> to vector<1x512xf32>
    %slice3A_594 = vector.extract_strided_slice %convert_element_type3A_587 {offsets = [48, 0], sizes = [48, 512], strides = [1, 1]} : vector<96x512xf32> to vector<48x512xf32>
    %mul3A_595 = vector.broadcast %slice3A_593 : vector<1x512xf32> to vector<48x512xf32>
    %mul3A_596 = arith.mulf %mul3A_595, %slice3A_594 : vector<48x512xf32>
    %add3A_597 = arith.addf %add3A_592, %mul3A_596 : vector<48x512xf32>
    %get3A_598 = arith.constant 3264 : index
    %get3A_599 = arith.constant 0 : index
    %get3A_600 = vector.load %arg5[%get3A_598, %get3A_599] : memref<4320x90xbf16, #tpu.memory_space<vmem>>, vector<96x90xbf16>
    %dot_general3A_601 = arith.constant dense<0.000000e+00> : vector<96x512xf32>
    %dot_general3A_602 = tpu.matmul %get3A_600, %convert_element_type3A, %dot_general3A_601 {dimension_numbers = #tpu.dot_dimension_numbers<[1], [0], [0], [1], [0, 0, 1, 1], [], []>, transpose_lhs_hint = false} : vector<96x90xbf16>, vector<90x512xbf16>, vector<96x512xf32> -> vector<96x512xf32>
    %convert_element_type3A_603 = arith.truncf %dot_general3A_602 : vector<96x512xf32> to vector<96x512xbf16>
    %convert_element_type3A_604 = arith.extf %convert_element_type3A_603 : vector<96x512xbf16> to vector<96x512xf32>
    %slice3A_605 = vector.extract_strided_slice %convert_element_type3A_16 {offsets = [68, 0], sizes = [1, 512], strides = [1, 1]} : vector<128x512xf32> to vector<1x512xf32>
    %slice3A_606 = vector.extract_strided_slice %convert_element_type3A_604 {offsets = [0, 0], sizes = [48, 512], strides = [1, 1]} : vector<96x512xf32> to vector<48x512xf32>
    %mul3A_607 = vector.broadcast %slice3A_605 : vector<1x512xf32> to vector<48x512xf32>
    %mul3A_608 = arith.mulf %mul3A_607, %slice3A_606 : vector<48x512xf32>
    %add3A_609 = arith.addf %add3A_597, %mul3A_608 : vector<48x512xf32>
    %slice3A_610 = vector.extract_strided_slice %convert_element_type3A_16 {offsets = [69, 0], sizes = [1, 512], strides = [1, 1]} : vector<128x512xf32> to vector<1x512xf32>
    %slice3A_611 = vector.extract_strided_slice %convert_element_type3A_604 {offsets = [48, 0], sizes = [48, 512], strides = [1, 1]} : vector<96x512xf32> to vector<48x512xf32>
    %mul3A_612 = vector.broadcast %slice3A_610 : vector<1x512xf32> to vector<48x512xf32>
    %mul3A_613 = arith.mulf %mul3A_612, %slice3A_611 : vector<48x512xf32>
    %add3A_614 = arith.addf %add3A_609, %mul3A_613 : vector<48x512xf32>
    %get3A_615 = arith.constant 3360 : index
    %get3A_616 = arith.constant 0 : index
    %get3A_617 = vector.load %arg5[%get3A_615, %get3A_616] : memref<4320x90xbf16, #tpu.memory_space<vmem>>, vector<96x90xbf16>
    %dot_general3A_618 = arith.constant dense<0.000000e+00> : vector<96x512xf32>
    %dot_general3A_619 = tpu.matmul %get3A_617, %convert_element_type3A, %dot_general3A_618 {dimension_numbers = #tpu.dot_dimension_numbers<[1], [0], [0], [1], [0, 0, 1, 1], [], []>, transpose_lhs_hint = false} : vector<96x90xbf16>, vector<90x512xbf16>, vector<96x512xf32> -> vector<96x512xf32>
    %convert_element_type3A_620 = arith.truncf %dot_general3A_619 : vector<96x512xf32> to vector<96x512xbf16>
    %convert_element_type3A_621 = arith.extf %convert_element_type3A_620 : vector<96x512xbf16> to vector<96x512xf32>
    %slice3A_622 = vector.extract_strided_slice %convert_element_type3A_16 {offsets = [70, 0], sizes = [1, 512], strides = [1, 1]} : vector<128x512xf32> to vector<1x512xf32>
    %slice3A_623 = vector.extract_strided_slice %convert_element_type3A_621 {offsets = [0, 0], sizes = [48, 512], strides = [1, 1]} : vector<96x512xf32> to vector<48x512xf32>
    %mul3A_624 = vector.broadcast %slice3A_622 : vector<1x512xf32> to vector<48x512xf32>
    %mul3A_625 = arith.mulf %mul3A_624, %slice3A_623 : vector<48x512xf32>
    %add3A_626 = arith.addf %add3A_614, %mul3A_625 : vector<48x512xf32>
    %slice3A_627 = vector.extract_strided_slice %convert_element_type3A_16 {offsets = [71, 0], sizes = [1, 512], strides = [1, 1]} : vector<128x512xf32> to vector<1x512xf32>
    %slice3A_628 = vector.extract_strided_slice %convert_element_type3A_621 {offsets = [48, 0], sizes = [48, 512], strides = [1, 1]} : vector<96x512xf32> to vector<48x512xf32>
    %mul3A_629 = vector.broadcast %slice3A_627 : vector<1x512xf32> to vector<48x512xf32>
    %mul3A_630 = arith.mulf %mul3A_629, %slice3A_628 : vector<48x512xf32>
    %add3A_631 = arith.addf %add3A_626, %mul3A_630 : vector<48x512xf32>
    %get3A_632 = arith.constant 3456 : index
    %get3A_633 = arith.constant 0 : index
    %get3A_634 = vector.load %arg5[%get3A_632, %get3A_633] : memref<4320x90xbf16, #tpu.memory_space<vmem>>, vector<96x90xbf16>
    %dot_general3A_635 = arith.constant dense<0.000000e+00> : vector<96x512xf32>
    %dot_general3A_636 = tpu.matmul %get3A_634, %convert_element_type3A, %dot_general3A_635 {dimension_numbers = #tpu.dot_dimension_numbers<[1], [0], [0], [1], [0, 0, 1, 1], [], []>, transpose_lhs_hint = false} : vector<96x90xbf16>, vector<90x512xbf16>, vector<96x512xf32> -> vector<96x512xf32>
    %convert_element_type3A_637 = arith.truncf %dot_general3A_636 : vector<96x512xf32> to vector<96x512xbf16>
    %convert_element_type3A_638 = arith.extf %convert_element_type3A_637 : vector<96x512xbf16> to vector<96x512xf32>
    %slice3A_639 = vector.extract_strided_slice %convert_element_type3A_16 {offsets = [72, 0], sizes = [1, 512], strides = [1, 1]} : vector<128x512xf32> to vector<1x512xf32>
    %slice3A_640 = vector.extract_strided_slice %convert_element_type3A_638 {offsets = [0, 0], sizes = [48, 512], strides = [1, 1]} : vector<96x512xf32> to vector<48x512xf32>
    %mul3A_641 = vector.broadcast %slice3A_639 : vector<1x512xf32> to vector<48x512xf32>
    %mul3A_642 = arith.mulf %mul3A_641, %slice3A_640 : vector<48x512xf32>
    %add3A_643 = arith.addf %add3A_631, %mul3A_642 : vector<48x512xf32>
    %slice3A_644 = vector.extract_strided_slice %convert_element_type3A_16 {offsets = [73, 0], sizes = [1, 512], strides = [1, 1]} : vector<128x512xf32> to vector<1x512xf32>
    %slice3A_645 = vector.extract_strided_slice %convert_element_type3A_638 {offsets = [48, 0], sizes = [48, 512], strides = [1, 1]} : vector<96x512xf32> to vector<48x512xf32>
    %mul3A_646 = vector.broadcast %slice3A_644 : vector<1x512xf32> to vector<48x512xf32>
    %mul3A_647 = arith.mulf %mul3A_646, %slice3A_645 : vector<48x512xf32>
    %add3A_648 = arith.addf %add3A_643, %mul3A_647 : vector<48x512xf32>
    %get3A_649 = arith.constant 3552 : index
    %get3A_650 = arith.constant 0 : index
    %get3A_651 = vector.load %arg5[%get3A_649, %get3A_650] : memref<4320x90xbf16, #tpu.memory_space<vmem>>, vector<96x90xbf16>
    %dot_general3A_652 = arith.constant dense<0.000000e+00> : vector<96x512xf32>
    %dot_general3A_653 = tpu.matmul %get3A_651, %convert_element_type3A, %dot_general3A_652 {dimension_numbers = #tpu.dot_dimension_numbers<[1], [0], [0], [1], [0, 0, 1, 1], [], []>, transpose_lhs_hint = false} : vector<96x90xbf16>, vector<90x512xbf16>, vector<96x512xf32> -> vector<96x512xf32>
    %convert_element_type3A_654 = arith.truncf %dot_general3A_653 : vector<96x512xf32> to vector<96x512xbf16>
    %convert_element_type3A_655 = arith.extf %convert_element_type3A_654 : vector<96x512xbf16> to vector<96x512xf32>
    %slice3A_656 = vector.extract_strided_slice %convert_element_type3A_16 {offsets = [74, 0], sizes = [1, 512], strides = [1, 1]} : vector<128x512xf32> to vector<1x512xf32>
    %slice3A_657 = vector.extract_strided_slice %convert_element_type3A_655 {offsets = [0, 0], sizes = [48, 512], strides = [1, 1]} : vector<96x512xf32> to vector<48x512xf32>
    %mul3A_658 = vector.broadcast %slice3A_656 : vector<1x512xf32> to vector<48x512xf32>
    %mul3A_659 = arith.mulf %mul3A_658, %slice3A_657 : vector<48x512xf32>
    %add3A_660 = arith.addf %add3A_648, %mul3A_659 : vector<48x512xf32>
    %slice3A_661 = vector.extract_strided_slice %convert_element_type3A_16 {offsets = [75, 0], sizes = [1, 512], strides = [1, 1]} : vector<128x512xf32> to vector<1x512xf32>
    %slice3A_662 = vector.extract_strided_slice %convert_element_type3A_655 {offsets = [48, 0], sizes = [48, 512], strides = [1, 1]} : vector<96x512xf32> to vector<48x512xf32>
    %mul3A_663 = vector.broadcast %slice3A_661 : vector<1x512xf32> to vector<48x512xf32>
    %mul3A_664 = arith.mulf %mul3A_663, %slice3A_662 : vector<48x512xf32>
    %add3A_665 = arith.addf %add3A_660, %mul3A_664 : vector<48x512xf32>
    %get3A_666 = arith.constant 3648 : index
    %get3A_667 = arith.constant 0 : index
    %get3A_668 = vector.load %arg5[%get3A_666, %get3A_667] : memref<4320x90xbf16, #tpu.memory_space<vmem>>, vector<96x90xbf16>
    %dot_general3A_669 = arith.constant dense<0.000000e+00> : vector<96x512xf32>
    %dot_general3A_670 = tpu.matmul %get3A_668, %convert_element_type3A, %dot_general3A_669 {dimension_numbers = #tpu.dot_dimension_numbers<[1], [0], [0], [1], [0, 0, 1, 1], [], []>, transpose_lhs_hint = false} : vector<96x90xbf16>, vector<90x512xbf16>, vector<96x512xf32> -> vector<96x512xf32>
    %convert_element_type3A_671 = arith.truncf %dot_general3A_670 : vector<96x512xf32> to vector<96x512xbf16>
    %convert_element_type3A_672 = arith.extf %convert_element_type3A_671 : vector<96x512xbf16> to vector<96x512xf32>
    %slice3A_673 = vector.extract_strided_slice %convert_element_type3A_16 {offsets = [76, 0], sizes = [1, 512], strides = [1, 1]} : vector<128x512xf32> to vector<1x512xf32>
    %slice3A_674 = vector.extract_strided_slice %convert_element_type3A_672 {offsets = [0, 0], sizes = [48, 512], strides = [1, 1]} : vector<96x512xf32> to vector<48x512xf32>
    %mul3A_675 = vector.broadcast %slice3A_673 : vector<1x512xf32> to vector<48x512xf32>
    %mul3A_676 = arith.mulf %mul3A_675, %slice3A_674 : vector<48x512xf32>
    %add3A_677 = arith.addf %add3A_665, %mul3A_676 : vector<48x512xf32>
    %slice3A_678 = vector.extract_strided_slice %convert_element_type3A_16 {offsets = [77, 0], sizes = [1, 512], strides = [1, 1]} : vector<128x512xf32> to vector<1x512xf32>
    %slice3A_679 = vector.extract_strided_slice %convert_element_type3A_672 {offsets = [48, 0], sizes = [48, 512], strides = [1, 1]} : vector<96x512xf32> to vector<48x512xf32>
    %mul3A_680 = vector.broadcast %slice3A_678 : vector<1x512xf32> to vector<48x512xf32>
    %mul3A_681 = arith.mulf %mul3A_680, %slice3A_679 : vector<48x512xf32>
    %add3A_682 = arith.addf %add3A_677, %mul3A_681 : vector<48x512xf32>
    %get3A_683 = arith.constant 3744 : index
    %get3A_684 = arith.constant 0 : index
    %get3A_685 = vector.load %arg5[%get3A_683, %get3A_684] : memref<4320x90xbf16, #tpu.memory_space<vmem>>, vector<96x90xbf16>
    %dot_general3A_686 = arith.constant dense<0.000000e+00> : vector<96x512xf32>
    %dot_general3A_687 = tpu.matmul %get3A_685, %convert_element_type3A, %dot_general3A_686 {dimension_numbers = #tpu.dot_dimension_numbers<[1], [0], [0], [1], [0, 0, 1, 1], [], []>, transpose_lhs_hint = false} : vector<96x90xbf16>, vector<90x512xbf16>, vector<96x512xf32> -> vector<96x512xf32>
    %convert_element_type3A_688 = arith.truncf %dot_general3A_687 : vector<96x512xf32> to vector<96x512xbf16>
    %convert_element_type3A_689 = arith.extf %convert_element_type3A_688 : vector<96x512xbf16> to vector<96x512xf32>
    %slice3A_690 = vector.extract_strided_slice %convert_element_type3A_16 {offsets = [78, 0], sizes = [1, 512], strides = [1, 1]} : vector<128x512xf32> to vector<1x512xf32>
    %slice3A_691 = vector.extract_strided_slice %convert_element_type3A_689 {offsets = [0, 0], sizes = [48, 512], strides = [1, 1]} : vector<96x512xf32> to vector<48x512xf32>
    %mul3A_692 = vector.broadcast %slice3A_690 : vector<1x512xf32> to vector<48x512xf32>
    %mul3A_693 = arith.mulf %mul3A_692, %slice3A_691 : vector<48x512xf32>
    %add3A_694 = arith.addf %add3A_682, %mul3A_693 : vector<48x512xf32>
    %slice3A_695 = vector.extract_strided_slice %convert_element_type3A_16 {offsets = [79, 0], sizes = [1, 512], strides = [1, 1]} : vector<128x512xf32> to vector<1x512xf32>
    %slice3A_696 = vector.extract_strided_slice %convert_element_type3A_689 {offsets = [48, 0], sizes = [48, 512], strides = [1, 1]} : vector<96x512xf32> to vector<48x512xf32>
    %mul3A_697 = vector.broadcast %slice3A_695 : vector<1x512xf32> to vector<48x512xf32>
    %mul3A_698 = arith.mulf %mul3A_697, %slice3A_696 : vector<48x512xf32>
    %add3A_699 = arith.addf %add3A_694, %mul3A_698 : vector<48x512xf32>
    %get3A_700 = arith.constant 3840 : index
    %get3A_701 = arith.constant 0 : index
    %get3A_702 = vector.load %arg5[%get3A_700, %get3A_701] : memref<4320x90xbf16, #tpu.memory_space<vmem>>, vector<96x90xbf16>
    %dot_general3A_703 = arith.constant dense<0.000000e+00> : vector<96x512xf32>
    %dot_general3A_704 = tpu.matmul %get3A_702, %convert_element_type3A, %dot_general3A_703 {dimension_numbers = #tpu.dot_dimension_numbers<[1], [0], [0], [1], [0, 0, 1, 1], [], []>, transpose_lhs_hint = false} : vector<96x90xbf16>, vector<90x512xbf16>, vector<96x512xf32> -> vector<96x512xf32>
    %convert_element_type3A_705 = arith.truncf %dot_general3A_704 : vector<96x512xf32> to vector<96x512xbf16>
    %convert_element_type3A_706 = arith.extf %convert_element_type3A_705 : vector<96x512xbf16> to vector<96x512xf32>
    %slice3A_707 = vector.extract_strided_slice %convert_element_type3A_16 {offsets = [80, 0], sizes = [1, 512], strides = [1, 1]} : vector<128x512xf32> to vector<1x512xf32>
    %slice3A_708 = vector.extract_strided_slice %convert_element_type3A_706 {offsets = [0, 0], sizes = [48, 512], strides = [1, 1]} : vector<96x512xf32> to vector<48x512xf32>
    %mul3A_709 = vector.broadcast %slice3A_707 : vector<1x512xf32> to vector<48x512xf32>
    %mul3A_710 = arith.mulf %mul3A_709, %slice3A_708 : vector<48x512xf32>
    %add3A_711 = arith.addf %add3A_699, %mul3A_710 : vector<48x512xf32>
    %slice3A_712 = vector.extract_strided_slice %convert_element_type3A_16 {offsets = [81, 0], sizes = [1, 512], strides = [1, 1]} : vector<128x512xf32> to vector<1x512xf32>
    %slice3A_713 = vector.extract_strided_slice %convert_element_type3A_706 {offsets = [48, 0], sizes = [48, 512], strides = [1, 1]} : vector<96x512xf32> to vector<48x512xf32>
    %mul3A_714 = vector.broadcast %slice3A_712 : vector<1x512xf32> to vector<48x512xf32>
    %mul3A_715 = arith.mulf %mul3A_714, %slice3A_713 : vector<48x512xf32>
    %add3A_716 = arith.addf %add3A_711, %mul3A_715 : vector<48x512xf32>
    %get3A_717 = arith.constant 3936 : index
    %get3A_718 = arith.constant 0 : index
    %get3A_719 = vector.load %arg5[%get3A_717, %get3A_718] : memref<4320x90xbf16, #tpu.memory_space<vmem>>, vector<96x90xbf16>
    %dot_general3A_720 = arith.constant dense<0.000000e+00> : vector<96x512xf32>
    %dot_general3A_721 = tpu.matmul %get3A_719, %convert_element_type3A, %dot_general3A_720 {dimension_numbers = #tpu.dot_dimension_numbers<[1], [0], [0], [1], [0, 0, 1, 1], [], []>, transpose_lhs_hint = false} : vector<96x90xbf16>, vector<90x512xbf16>, vector<96x512xf32> -> vector<96x512xf32>
    %convert_element_type3A_722 = arith.truncf %dot_general3A_721 : vector<96x512xf32> to vector<96x512xbf16>
    %convert_element_type3A_723 = arith.extf %convert_element_type3A_722 : vector<96x512xbf16> to vector<96x512xf32>
    %slice3A_724 = vector.extract_strided_slice %convert_element_type3A_16 {offsets = [82, 0], sizes = [1, 512], strides = [1, 1]} : vector<128x512xf32> to vector<1x512xf32>
    %slice3A_725 = vector.extract_strided_slice %convert_element_type3A_723 {offsets = [0, 0], sizes = [48, 512], strides = [1, 1]} : vector<96x512xf32> to vector<48x512xf32>
    %mul3A_726 = vector.broadcast %slice3A_724 : vector<1x512xf32> to vector<48x512xf32>
    %mul3A_727 = arith.mulf %mul3A_726, %slice3A_725 : vector<48x512xf32>
    %add3A_728 = arith.addf %add3A_716, %mul3A_727 : vector<48x512xf32>
    %slice3A_729 = vector.extract_strided_slice %convert_element_type3A_16 {offsets = [83, 0], sizes = [1, 512], strides = [1, 1]} : vector<128x512xf32> to vector<1x512xf32>
    %slice3A_730 = vector.extract_strided_slice %convert_element_type3A_723 {offsets = [48, 0], sizes = [48, 512], strides = [1, 1]} : vector<96x512xf32> to vector<48x512xf32>
    %mul3A_731 = vector.broadcast %slice3A_729 : vector<1x512xf32> to vector<48x512xf32>
    %mul3A_732 = arith.mulf %mul3A_731, %slice3A_730 : vector<48x512xf32>
    %add3A_733 = arith.addf %add3A_728, %mul3A_732 : vector<48x512xf32>
    %get3A_734 = arith.constant 4032 : index
    %get3A_735 = arith.constant 0 : index
    %get3A_736 = vector.load %arg5[%get3A_734, %get3A_735] : memref<4320x90xbf16, #tpu.memory_space<vmem>>, vector<96x90xbf16>
    %dot_general3A_737 = arith.constant dense<0.000000e+00> : vector<96x512xf32>
    %dot_general3A_738 = tpu.matmul %get3A_736, %convert_element_type3A, %dot_general3A_737 {dimension_numbers = #tpu.dot_dimension_numbers<[1], [0], [0], [1], [0, 0, 1, 1], [], []>, transpose_lhs_hint = false} : vector<96x90xbf16>, vector<90x512xbf16>, vector<96x512xf32> -> vector<96x512xf32>
    %convert_element_type3A_739 = arith.truncf %dot_general3A_738 : vector<96x512xf32> to vector<96x512xbf16>
    %convert_element_type3A_740 = arith.extf %convert_element_type3A_739 : vector<96x512xbf16> to vector<96x512xf32>
    %slice3A_741 = vector.extract_strided_slice %convert_element_type3A_16 {offsets = [84, 0], sizes = [1, 512], strides = [1, 1]} : vector<128x512xf32> to vector<1x512xf32>
    %slice3A_742 = vector.extract_strided_slice %convert_element_type3A_740 {offsets = [0, 0], sizes = [48, 512], strides = [1, 1]} : vector<96x512xf32> to vector<48x512xf32>
    %mul3A_743 = vector.broadcast %slice3A_741 : vector<1x512xf32> to vector<48x512xf32>
    %mul3A_744 = arith.mulf %mul3A_743, %slice3A_742 : vector<48x512xf32>
    %add3A_745 = arith.addf %add3A_733, %mul3A_744 : vector<48x512xf32>
    %slice3A_746 = vector.extract_strided_slice %convert_element_type3A_16 {offsets = [85, 0], sizes = [1, 512], strides = [1, 1]} : vector<128x512xf32> to vector<1x512xf32>
    %slice3A_747 = vector.extract_strided_slice %convert_element_type3A_740 {offsets = [48, 0], sizes = [48, 512], strides = [1, 1]} : vector<96x512xf32> to vector<48x512xf32>
    %mul3A_748 = vector.broadcast %slice3A_746 : vector<1x512xf32> to vector<48x512xf32>
    %mul3A_749 = arith.mulf %mul3A_748, %slice3A_747 : vector<48x512xf32>
    %add3A_750 = arith.addf %add3A_745, %mul3A_749 : vector<48x512xf32>
    %get3A_751 = arith.constant 4128 : index
    %get3A_752 = arith.constant 0 : index
    %get3A_753 = vector.load %arg5[%get3A_751, %get3A_752] : memref<4320x90xbf16, #tpu.memory_space<vmem>>, vector<96x90xbf16>
    %dot_general3A_754 = arith.constant dense<0.000000e+00> : vector<96x512xf32>
    %dot_general3A_755 = tpu.matmul %get3A_753, %convert_element_type3A, %dot_general3A_754 {dimension_numbers = #tpu.dot_dimension_numbers<[1], [0], [0], [1], [0, 0, 1, 1], [], []>, transpose_lhs_hint = false} : vector<96x90xbf16>, vector<90x512xbf16>, vector<96x512xf32> -> vector<96x512xf32>
    %convert_element_type3A_756 = arith.truncf %dot_general3A_755 : vector<96x512xf32> to vector<96x512xbf16>
    %convert_element_type3A_757 = arith.extf %convert_element_type3A_756 : vector<96x512xbf16> to vector<96x512xf32>
    %slice3A_758 = vector.extract_strided_slice %convert_element_type3A_16 {offsets = [86, 0], sizes = [1, 512], strides = [1, 1]} : vector<128x512xf32> to vector<1x512xf32>
    %slice3A_759 = vector.extract_strided_slice %convert_element_type3A_757 {offsets = [0, 0], sizes = [48, 512], strides = [1, 1]} : vector<96x512xf32> to vector<48x512xf32>
    %mul3A_760 = vector.broadcast %slice3A_758 : vector<1x512xf32> to vector<48x512xf32>
    %mul3A_761 = arith.mulf %mul3A_760, %slice3A_759 : vector<48x512xf32>
    %add3A_762 = arith.addf %add3A_750, %mul3A_761 : vector<48x512xf32>
    %slice3A_763 = vector.extract_strided_slice %convert_element_type3A_16 {offsets = [87, 0], sizes = [1, 512], strides = [1, 1]} : vector<128x512xf32> to vector<1x512xf32>
    %slice3A_764 = vector.extract_strided_slice %convert_element_type3A_757 {offsets = [48, 0], sizes = [48, 512], strides = [1, 1]} : vector<96x512xf32> to vector<48x512xf32>
    %mul3A_765 = vector.broadcast %slice3A_763 : vector<1x512xf32> to vector<48x512xf32>
    %mul3A_766 = arith.mulf %mul3A_765, %slice3A_764 : vector<48x512xf32>
    %add3A_767 = arith.addf %add3A_762, %mul3A_766 : vector<48x512xf32>
    %get3A_768 = arith.constant 4224 : index
    %get3A_769 = arith.constant 0 : index
    %get3A_770 = vector.load %arg5[%get3A_768, %get3A_769] : memref<4320x90xbf16, #tpu.memory_space<vmem>>, vector<96x90xbf16>
    %dot_general3A_771 = arith.constant dense<0.000000e+00> : vector<96x512xf32>
    %dot_general3A_772 = tpu.matmul %get3A_770, %convert_element_type3A, %dot_general3A_771 {dimension_numbers = #tpu.dot_dimension_numbers<[1], [0], [0], [1], [0, 0, 1, 1], [], []>, transpose_lhs_hint = false} : vector<96x90xbf16>, vector<90x512xbf16>, vector<96x512xf32> -> vector<96x512xf32>
    %convert_element_type3A_773 = arith.truncf %dot_general3A_772 : vector<96x512xf32> to vector<96x512xbf16>
    %convert_element_type3A_774 = arith.extf %convert_element_type3A_773 : vector<96x512xbf16> to vector<96x512xf32>
    %slice3A_775 = vector.extract_strided_slice %convert_element_type3A_16 {offsets = [88, 0], sizes = [1, 512], strides = [1, 1]} : vector<128x512xf32> to vector<1x512xf32>
    %slice3A_776 = vector.extract_strided_slice %convert_element_type3A_774 {offsets = [0, 0], sizes = [48, 512], strides = [1, 1]} : vector<96x512xf32> to vector<48x512xf32>
    %mul3A_777 = vector.broadcast %slice3A_775 : vector<1x512xf32> to vector<48x512xf32>
    %mul3A_778 = arith.mulf %mul3A_777, %slice3A_776 : vector<48x512xf32>
    %add3A_779 = arith.addf %add3A_767, %mul3A_778 : vector<48x512xf32>
    %slice3A_780 = vector.extract_strided_slice %convert_element_type3A_16 {offsets = [89, 0], sizes = [1, 512], strides = [1, 1]} : vector<128x512xf32> to vector<1x512xf32>
    %slice3A_781 = vector.extract_strided_slice %convert_element_type3A_774 {offsets = [48, 0], sizes = [48, 512], strides = [1, 1]} : vector<96x512xf32> to vector<48x512xf32>
    %mul3A_782 = vector.broadcast %slice3A_780 : vector<1x512xf32> to vector<48x512xf32>
    %mul3A_783 = arith.mulf %mul3A_782, %slice3A_781 : vector<48x512xf32>
    %add3A_784 = arith.addf %add3A_779, %mul3A_783 : vector<48x512xf32>
    %broadcast_in_dim3A = arith.constant 0.000000e+00 : f32
    %broadcast_in_dim3A_785 = vector.broadcast %broadcast_in_dim3A : f32 to vector<80x512xf32>
    %concatenate3A = tpu.concatenate %add3A_784, %broadcast_in_dim3A_785 in 0 : vector<48x512xf32>, vector<80x512xf32> -> vector<128x512xf32>
    %transpose3A_786 = tpu.transpose %concatenate3A, [1, 0] : vector<128x512xf32> -> vector<512x128xf32>
    %swap3A = arith.constant 0 : index
    %swap3A_787 = arith.constant 0 : index
    %swap3A_788 = vector.load %arg7[%swap3A, %swap3A_787] : memref<512x128xf32, #tpu.memory_space<vmem>>, vector<512x128xf32>
    tpu.vector_store %arg7[%swap3A, %swap3A_787], %transpose3A_786 {strides = array<i32>} : memref<512x128xf32, #tpu.memory_space<vmem>>, vector<512x128xf32>,
    return
  }
  func.func @transform_0(%arg0: i32) -> (i32, i32) {
    %c0_i32 = arith.constant 0 : i32
    %c0_i32_0 = arith.constant 0 : i32
    return %c0_i32, %arg0 : i32, i32
  }
  func.func @transform_1(%arg0: i32) -> (i32, i32) {
    %c0_i32 = arith.constant 0 : i32
    %c0_i32_0 = arith.constant 0 : i32
    return %arg0, %c0_i32 : i32, i32
  }
  func.func @transform_2(%arg0: i32) -> (i32, i32) {
    %c0_i32 = arith.constant 0 : i32
    %c0_i32_0 = arith.constant 0 : i32
    %c0_i32_1 = arith.constant 0 : i32
    return %c0_i32, %c0_i32_0 : i32, i32
  }
  func.func @transform_3(%arg0: i32) -> (i32, i32) {
    %c0_i32 = arith.constant 0 : i32
    %c0_i32_0 = arith.constant 0 : i32
    %c0_i32_1 = arith.constant 0 : i32
    return %c0_i32, %c0_i32_0 : i32, i32
  }
  func.func @transform_4(%arg0: i32) -> (i32, i32) {
    %c0_i32 = arith.constant 0 : i32
    %c0_i32_0 = arith.constant 0 : i32
    %c0_i32_1 = arith.constant 0 : i32
    return %c0_i32, %c0_i32_0 : i32, i32
  }
  func.func @transform_5(%arg0: i32) -> (i32, i32) {
    %c0_i32 = arith.constant 0 : i32
    %c0_i32_0 = arith.constant 0 : i32
    %c0_i32_1 = arith.constant 0 : i32
    return %c0_i32, %c0_i32_0 : i32, i32
  }
  func.func @transform_6(%arg0: i32) -> (i32, i32) {
    %c0_i32 = arith.constant 0 : i32
    %c0_i32_0 = arith.constant 0 : i32
    return %arg0, %c0_i32 : i32, i32
  }
}

module attributes {stable_mosaic.version = 14 : i64} {
  func.func @body(%arg0: i32, %arg1: memref<512x128xf32, #tpu.memory_space<vmem>>, %arg2: memref<1x512x128xf32, #tpu.memory_space<vmem>>, %arg3: memref<1x512x128xf32, #tpu.memory_space<vmem>>, %arg4: memref<128x128xf32, #tpu.memory_space<vmem>>, %arg5: memref<1x128xf32, #tpu.memory_space<vmem>>, %arg6: memref<1x512xi32, #tpu.memory_space<vmem>>, %arg7: memref<128x96xf32, #tpu.memory_space<vmem>>, %arg8: memref<1x96xf32, #tpu.memory_space<vmem>>, %arg9: memref<96x128xf32, #tpu.memory_space<vmem>>, %arg10: memref<1x128xf32, #tpu.memory_space<vmem>>, %arg11: memref<64x128xf32, #tpu.memory_space<vmem>>, %arg12: memref<64x128xf32, #tpu.memory_space<vmem>>) attributes {dimension_semantics = [#tpu.dimension_semantics<arbitrary>], iteration_bounds = array<i64: 20>, scalar_prefetch = 0 : i64, scratch_operands = 1 : i64, tpu.core_type = #tpu.core_type<tc>, window_params = [{transform_indices = @transform_0, window_bounds = array<i64: 512, 128>}, {transform_indices = @transform_1, window_bounds = array<i64: 1, 512, 128>}, {transform_indices = @transform_2, window_bounds = array<i64: 1, 512, 128>}, {pipeline_mode = #tpu.pipeline_mode<synchronous>, transform_indices = @transform_3, window_bounds = array<i64: 128, 128>}, {pipeline_mode = #tpu.pipeline_mode<synchronous>, transform_indices = @transform_4, window_bounds = array<i64: 1, 128>}, {transform_indices = @transform_5, window_bounds = array<i64: 1, 512>}, {pipeline_mode = #tpu.pipeline_mode<synchronous>, transform_indices = @transform_6, window_bounds = array<i64: 128, 96>}, {pipeline_mode = #tpu.pipeline_mode<synchronous>, transform_indices = @transform_7, window_bounds = array<i64: 1, 96>}, {pipeline_mode = #tpu.pipeline_mode<synchronous>, transform_indices = @transform_8, window_bounds = array<i64: 96, 128>}, {pipeline_mode = #tpu.pipeline_mode<synchronous>, transform_indices = @transform_9, window_bounds = array<i64: 1, 128>}, {pipeline_mode = #tpu.pipeline_mode<synchronous>, transform_indices = @transform_10, window_bounds = array<i64: 64, 128>}]} {
    %get3A = arith.constant 0 : index
    %get3A_0 = arith.constant 0 : index
    %get3A_1 = vector.load %arg1[%get3A, %get3A_0] : memref<512x128xf32, #tpu.memory_space<vmem>>, vector<512x128xf32>
    %get3A_2 = arith.constant 0 : index
    %get3A_3 = arith.constant 0 : index
    %get3A_4 = vector.load %arg4[%get3A_2, %get3A_3] : memref<128x128xf32, #tpu.memory_space<vmem>>, vector<128x128xf32>
    %dot_general3A = arith.constant dense<0.000000e+00> : vector<512x128xf32>
    %dot_general3A_5 = tpu.matmul %get3A_1, %get3A_4, %dot_general3A {dimension_numbers = #tpu.dot_dimension_numbers<[1], [0], [0], [1], [0, 0, 1, 1], [], []>, transpose_lhs_hint = false} : vector<512x128xf32>, vector<128x128xf32>, vector<512x128xf32> -> vector<512x128xf32>
    %get3A_6 = arith.constant 0 : index
    %get3A_7 = arith.constant 0 : index
    %get3A_8 = arith.constant 0 : index
    %get3A_9 = vector.load %arg2[%get3A_6, %get3A_7, %get3A_8] : memref<1x512x128xf32, #tpu.memory_space<vmem>>, vector<1x512x128xf32>
    %get3A_10 = vector.shape_cast %get3A_9 : vector<1x512x128xf32> to vector<512x128xf32>
    %add3A = arith.addf %dot_general3A_5, %get3A_10 : vector<512x128xf32>
    %get3A_11 = arith.constant 0 : index
    %get3A_12 = arith.constant 0 : index
    %get3A_13 = arith.constant 0 : index
    %get3A_14 = vector.load %arg3[%get3A_11, %get3A_12, %get3A_13] : memref<1x512x128xf32, #tpu.memory_space<vmem>>, vector<1x512x128xf32>
    %get3A_15 = vector.shape_cast %get3A_14 : vector<1x512x128xf32> to vector<512x128xf32>
    %add3A_16 = arith.addf %add3A, %get3A_15 : vector<512x128xf32>
    %get3A_17 = arith.constant 0 : index
    %get3A_18 = arith.constant 0 : index
    %get3A_19 = vector.load %arg5[%get3A_17, %get3A_18] : memref<1x128xf32, #tpu.memory_space<vmem>>, vector<1x128xf32>
    %add3A_20 = vector.broadcast %get3A_19 : vector<1x128xf32> to vector<512x128xf32>
    %add3A_21 = arith.addf %add3A_16, %add3A_20 : vector<512x128xf32>
    %max3A = arith.constant 0.000000e+00 : f32
    %max3A_22 = vector.broadcast %max3A : f32 to vector<512x128xf32>
    %max3A_23 = arith.maximumf %add3A_21, %max3A_22 : vector<512x128xf32>
    %get3A_24 = arith.constant 0 : index
    %get3A_25 = arith.constant 0 : index
    %get3A_26 = vector.load %arg6[%get3A_24, %get3A_25] : memref<1x512xi32, #tpu.memory_space<vmem>>, vector<1x512xi32>
    %iota3A = tpu.iota {dimensions = array<i32: 0>} : vector<64x512xi32>
    %eq3A = vector.broadcast %get3A_26 : vector<1x512xi32> to vector<64x512xi32>
    %eq3A_27 = arith.cmpi eq, %iota3A, %eq3A : vector<64x512xi32>
    %convert_element_type3A = arith.extui %eq3A_27 : vector<64x512xi1> to vector<64x512xi32>
    %convert_element_type3A_28 = arith.sitofp %convert_element_type3A : vector<64x512xi32> to vector<64x512xf32>
    %dot_general3A_29 = arith.constant dense<0.000000e+00> : vector<64x128xf32>
    %dot_general3A_30 = tpu.matmul %convert_element_type3A_28, %max3A_23, %dot_general3A_29 {dimension_numbers = #tpu.dot_dimension_numbers<[1], [0], [0], [1], [0, 0, 1, 1], [], []>, precision = #tpu.contract_precision<fp32>, transpose_lhs_hint = false} : vector<64x512xf32>, vector<512x128xf32>, vector<64x128xf32> -> vector<64x128xf32>
    %eq3A_31 = arith.constant 0 : i32
    %eq3A_32 = arith.cmpi eq, %arg0, %eq3A_31 : i32
    %convert_element_type3A_33 = arith.extui %eq3A_32 : i1 to i32
    %cond3A = arith.constant 0 : i32
    %cond3A_34 = arith.cmpi ne, %convert_element_type3A_33, %cond3A : i32
    scf.if %cond3A_34 {
      %swap3A = arith.constant 0 : index
      %swap3A_44 = arith.constant 0 : index
      %swap3A_45 = vector.load %arg12[%swap3A, %swap3A_44] : memref<64x128xf32, #tpu.memory_space<vmem>>, vector<64x128xf32>
      tpu.vector_store %arg12[%swap3A, %swap3A_44], %dot_general3A_30 {strides = array<i32>} : memref<64x128xf32, #tpu.memory_space<vmem>>, vector<64x128xf32>,
    } else {
    }
    %gt3A = arith.constant 0 : i32
    %gt3A_35 = arith.cmpi sgt, %arg0, %gt3A : i32
    %convert_element_type3A_36 = arith.extui %gt3A_35 : i1 to i32
    %cond3A_37 = arith.constant 0 : i32
    %cond3A_38 = arith.cmpi ne, %convert_element_type3A_36, %cond3A_37 : i32
    scf.if %cond3A_38 {
      %get3A_44 = arith.constant 0 : index
      %get3A_45 = arith.constant 0 : index
      %get3A_46 = vector.load %arg12[%get3A_44, %get3A_45] : memref<64x128xf32, #tpu.memory_space<vmem>>, vector<64x128xf32>
      %add3A_47 = arith.addf %get3A_46, %dot_general3A_30 : vector<64x128xf32>
      %swap3A = arith.constant 0 : index
      %swap3A_48 = arith.constant 0 : index
      %swap3A_49 = vector.load %arg12[%swap3A, %swap3A_48] : memref<64x128xf32, #tpu.memory_space<vmem>>, vector<64x128xf32>
      tpu.vector_store %arg12[%swap3A, %swap3A_48], %add3A_47 {strides = array<i32>} : memref<64x128xf32, #tpu.memory_space<vmem>>, vector<64x128xf32>,
    } else {
    }
    %eq3A_39 = arith.constant 19 : i32
    %eq3A_40 = arith.cmpi eq, %arg0, %eq3A_39 : i32
    %convert_element_type3A_41 = arith.extui %eq3A_40 : i1 to i32
    %cond3A_42 = arith.constant 0 : i32
    %cond3A_43 = arith.cmpi ne, %convert_element_type3A_41, %cond3A_42 : i32
    scf.if %cond3A_43 {
      %get3A_44 = arith.constant 0 : index
      %get3A_45 = arith.constant 0 : index
      %get3A_46 = vector.load %arg12[%get3A_44, %get3A_45] : memref<64x128xf32, #tpu.memory_space<vmem>>, vector<64x128xf32>
      %get3A_47 = arith.constant 0 : index
      %get3A_48 = arith.constant 0 : index
      %get3A_49 = vector.load %arg7[%get3A_47, %get3A_48] : memref<128x96xf32, #tpu.memory_space<vmem>>, vector<128x96xf32>
      %dot_general3A_50 = arith.constant dense<0.000000e+00> : vector<64x96xf32>
      %dot_general3A_51 = tpu.matmul %get3A_46, %get3A_49, %dot_general3A_50 {dimension_numbers = #tpu.dot_dimension_numbers<[1], [0], [0], [1], [0, 0, 1, 1], [], []>, transpose_lhs_hint = false} : vector<64x128xf32>, vector<128x96xf32>, vector<64x96xf32> -> vector<64x96xf32>
      %get3A_52 = arith.constant 0 : index
      %get3A_53 = arith.constant 0 : index
      %get3A_54 = vector.load %arg8[%get3A_52, %get3A_53] : memref<1x96xf32, #tpu.memory_space<vmem>>, vector<1x96xf32>
      %add3A_55 = vector.broadcast %get3A_54 : vector<1x96xf32> to vector<64x96xf32>
      %add3A_56 = arith.addf %dot_general3A_51, %add3A_55 : vector<64x96xf32>
      %max3A_57 = arith.constant 0.000000e+00 : f32
      %max3A_58 = vector.broadcast %max3A_57 : f32 to vector<64x96xf32>
      %max3A_59 = arith.maximumf %add3A_56, %max3A_58 : vector<64x96xf32>
      %get3A_60 = arith.constant 0 : index
      %get3A_61 = arith.constant 0 : index
      %get3A_62 = vector.load %arg9[%get3A_60, %get3A_61] : memref<96x128xf32, #tpu.memory_space<vmem>>, vector<96x128xf32>
      %dot_general3A_63 = arith.constant dense<0.000000e+00> : vector<64x128xf32>
      %dot_general3A_64 = tpu.matmul %max3A_59, %get3A_62, %dot_general3A_63 {dimension_numbers = #tpu.dot_dimension_numbers<[1], [0], [0], [1], [0, 0, 1, 1], [], []>, transpose_lhs_hint = false} : vector<64x96xf32>, vector<96x128xf32>, vector<64x128xf32> -> vector<64x128xf32>
      %get3A_65 = arith.constant 0 : index
      %get3A_66 = arith.constant 0 : index
      %get3A_67 = vector.load %arg10[%get3A_65, %get3A_66] : memref<1x128xf32, #tpu.memory_space<vmem>>, vector<1x128xf32>
      %add3A_68 = vector.broadcast %get3A_67 : vector<1x128xf32> to vector<64x128xf32>
      %add3A_69 = arith.addf %dot_general3A_64, %add3A_68 : vector<64x128xf32>
      %swap3A = arith.constant 0 : index
      %swap3A_70 = arith.constant 0 : index
      %swap3A_71 = vector.load %arg11[%swap3A, %swap3A_70] : memref<64x128xf32, #tpu.memory_space<vmem>>, vector<64x128xf32>
      tpu.vector_store %arg11[%swap3A, %swap3A_70], %add3A_69 {strides = array<i32>} : memref<64x128xf32, #tpu.memory_space<vmem>>, vector<64x128xf32>,
    } else {
    }
    return
  }
  func.func @transform_0(%arg0: i32) -> (i32, i32) {
    %c0_i32 = arith.constant 0 : i32
    %c0_i32_0 = arith.constant 0 : i32
    return %arg0, %c0_i32 : i32, i32
  }
  func.func @transform_1(%arg0: i32) -> (i32, i32, i32) {
    %c0_i32 = arith.constant 0 : i32
    %c0_i32_0 = arith.constant 0 : i32
    %c0_i32_1 = arith.constant 0 : i32
    return %c0_i32, %arg0, %c0_i32_0 : i32, i32, i32
  }
  func.func @transform_2(%arg0: i32) -> (i32, i32, i32) {
    %c1_i32 = arith.constant 1 : i32
    %c0_i32 = arith.constant 0 : i32
    %c0_i32_0 = arith.constant 0 : i32
    return %c1_i32, %arg0, %c0_i32 : i32, i32, i32
  }
  func.func @transform_3(%arg0: i32) -> (i32, i32) {
    %c0_i32 = arith.constant 0 : i32
    %c0_i32_0 = arith.constant 0 : i32
    %c0_i32_1 = arith.constant 0 : i32
    return %c0_i32, %c0_i32_0 : i32, i32
  }
  func.func @transform_4(%arg0: i32) -> (i32, i32) {
    %c0_i32 = arith.constant 0 : i32
    %c0_i32_0 = arith.constant 0 : i32
    %c0_i32_1 = arith.constant 0 : i32
    return %c0_i32, %c0_i32_0 : i32, i32
  }
  func.func @transform_5(%arg0: i32) -> (i32, i32) {
    %c0_i32 = arith.constant 0 : i32
    %c0_i32_0 = arith.constant 0 : i32
    return %c0_i32, %arg0 : i32, i32
  }
  func.func @transform_6(%arg0: i32) -> (i32, i32) {
    %c0_i32 = arith.constant 0 : i32
    %c0_i32_0 = arith.constant 0 : i32
    %c0_i32_1 = arith.constant 0 : i32
    return %c0_i32, %c0_i32_0 : i32, i32
  }
  func.func @transform_7(%arg0: i32) -> (i32, i32) {
    %c0_i32 = arith.constant 0 : i32
    %c0_i32_0 = arith.constant 0 : i32
    %c0_i32_1 = arith.constant 0 : i32
    return %c0_i32, %c0_i32_0 : i32, i32
  }
  func.func @transform_8(%arg0: i32) -> (i32, i32) {
    %c0_i32 = arith.constant 0 : i32
    %c0_i32_0 = arith.constant 0 : i32
    %c0_i32_1 = arith.constant 0 : i32
    return %c0_i32, %c0_i32_0 : i32, i32
  }
  func.func @transform_9(%arg0: i32) -> (i32, i32) {
    %c0_i32 = arith.constant 0 : i32
    %c0_i32_0 = arith.constant 0 : i32
    %c0_i32_1 = arith.constant 0 : i32
    return %c0_i32, %c0_i32_0 : i32, i32
  }
  func.func @transform_10(%arg0: i32) -> (i32, i32) {
    %c0_i32 = arith.constant 0 : i32
    %c0_i32_0 = arith.constant 0 : i32
    %c0_i32_1 = arith.constant 0 : i32
    return %c0_i32, %c0_i32_0 : i32, i32
  }
}

</mosaic_0001>

<sc_bundles>
// kernel: kernel.14.cloned.1.call-start
scs
__scs_entry_jumppad:
0x0: {  	(pc) =	sbr.rel $0x88, $3  }
0x1: {  	(tag) =	ssettag $0x0;
	lr =	simm.s32 $0x1  }
0x2: {  	[smem:$0x3F86] =	sst lr;
	_ =	strace $0xD0000000  }
0x3: {  	_ = 	snop  }
0x4: {  	_ = 	snop  }
0x5: {  	_ = 	snop  }
0x6: {  	_ = 	snop  }
0x7: {  	_ = 	snop  }
__scs_overlays_trampoline_lowered:
0x8: {  	[smem:$0x3F95] =	sst s0  }
0x9: {  	[smem:$0x3F96] =	sst s1  }
0xa: {  	[smem:$0x3F97] =	sst s2  }
0xb: {  	[smem:$0x3F98] =	sst s3  }
0xc: {  	[smem:$0x3F99] =	sst s4  }
0xd: {  	[smem:$0x3F9A] =	sst s5  }
0xe: {  	[smem:$0x3F9B] =	sst s6  }
0xf: {  	[smem:$0x3F9C] =	sst s7  }
0x10: {  	[smem:$0x3F9D] =	sst s8  }
0x11: {  	[smem:$0x3F9E] =	sst s9;
	s0 =	simm.s32 @!p0 $0x0  }
0x12: {  	s1 =	sld [smem:$0x3F84];
	s0 =	simm.s32 @p0 $0x1  }
0x13: {  	[smem:$0x3F9F] =	sst s0;
	s0 =	simm.s32 @!p1 $0x0  }
0x14: {  	s2 =	sld [smem:$0x3F83];
	s0 =	simm.s32 @p1 $0x1  }
0x15: {  	[smem:$0x3FA0] =	sst s0;
	s0 =	simm.s32 @!p2 $0x0  }
0x16: {  	s3 =	sld [smem:$0x3FDB];
	s0 =	simm.s32 @p2 $0x1  }
0x17: {  	s4 =	simm.s32 $0x1BF5;
	[smem:$0x3FA2] =	sst s0  }
0x18: {  	s0 =	sld [smem:$0x3F85];
	_ =	swait.ge [sflag:s4], $0x0  }
0x19: {  	s7 =	sld [smem:$0x3F86]  }
0x1a: {  	s8 =	sadd.s32 $0xFFFFE003, lr  }
0x1b: {  	s9 =	sadd.s32 $0xFFFFFEF7, lr;
	s5 =	simm.s32 $0xFFFFFFFF;
	p2 =	slt.u32 s8, $0xFFFFF086  }
0x1c: {  	p1 =	slt.u32 s9, $0xF7A;
	s5 =	simm.s32 @!p2 $0x0  }
0x1d: {  	s5 =	simm.s32 @p1 $0x1;
	p0 =	seq.s32 s7, s2  }
0x1e: {  	s7 =	smul.u32 @!p0 $0xF7A, s2;
	p2 =	seq.s32 @!p0 s5, $0x0  }
0x1f: {  	s9 =	smul.u32 $0xF7A, s1;
	s8 =	simm.s32 @!p0 $0x1BF5;
	p2 =	por !p2, p0  }
0x20: {  	[sflag:s8] =	ssyncset.s32 @!p0 $0xFFFFF086;
	s6 =	sadd.s32 @!p0 s3, s7;
	s7 =	simm.s32 @!p0 $0x108  }
0x21: {  	s3 =	sadd.s32 s3, s9;
	s6 =	sadd.s32 @!p0 $0x88, s6;
	s7 =	simm.s32 @p2 $0x1082  }
0x22: {  	[simem:s7], [sflag:s8] =	dma.local @!p0 [hbm:s6], $0xF7A  }
0x23: {  	s9 =	sor.u32 $0xD0000000, s2;
	s6 =	simm.s32 $0x108;
	_ =	swait.ge @!p0 [sflag:s8], $0x0  }
0x24: {  	s3 =	sadd.s32 $0x88, s3;
	s6 =	simm.s32 @!p1 $0x1082;
	[sflag:s4] =	ssyncset.s32 $0xFFFFF086  }
0x25: {  	[simem:s6], [sflag:s4] =	dma.local [hbm:s3], $0xF7A  }
0x26: {  	[smem:$0x3F86] =	sst s1;
	(tag) =	ssettag s2;
	_ =	strace s9  }
0x27: {  	s1 =	sld [smem:$0x3F96]  }
0x28: {  	s2 =	sld [smem:$0x3F97]  }
0x29: {  	s4 =	sld [smem:$0x3F99]  }
0x2a: {  	p0 =	seq.s32 s5, $0x0;
	s5 =	sld [smem:$0x3F9A]  }
0x2b: {  	s6 =	sld [smem:$0x3F9B]  }
0x2c: {  	s7 =	sld [smem:$0x3F9C]  }
0x2d: {  	s3 =	simm.s32 $0x108;
	s8 =	sld [smem:$0x3F9D]  }
0x2e: {  	s3 =	simm.s32 @!p0 $0x1082;
	s9 =	sld [smem:$0x3F9E]  }
0x2f: {  	lr =	sadd.s32 s0, s3;
	s0 =	sld [smem:$0x3F95]  }
0x30: {  	s3 =	sld [smem:$0x3F98]  }
0x31: {  	[smem:$0x3FA1] =	sst s10  }
0x32: {  	s10 =	sld [smem:$0x3F9F];
	_ =	sdelay $0x3  }
0x33: {  	p0 =	seq.s32 s10, $0x1;
	s10 =	sld [smem:$0x3FA1];
	_ =	sdelay $0x3  }
0x34: {  	[smem:$0x3FA1] =	sst s10  }
0x35: {  	s10 =	sld [smem:$0x3FA0];
	_ =	sdelay $0x3  }
0x36: {  	p1 =	seq.s32 s10, $0x1;
	s10 =	sld [smem:$0x3FA1];
	_ =	sdelay $0x3  }
0x37: {  	[smem:$0x3FA1] =	sst s10  }
0x38: {  	s10 =	sld [smem:$0x3FA2]  }
0x39: {  	_ = 	snop;
	(pc) =	sbr.ind lr, $3  }
0x3a: {  	_ = 	snop  }
0x3b: {  	_ = 	snop  }
0x3c: {  	p2 =	seq.s32 s10, $0x1;
	s10 =	sld [smem:$0x3FA1]  }
0x3d: {  	_ =	shalt  }
0x3e: {  	_ =	shalt  }
0x3f: {  	_ =	shalt  }
0x40: {  	_ =	shalt  }
0x41: {  	_ =	shalt  }
0x42: {  	_ =	shalt  }
0x43: {  	_ =	shalt  }
0x44: {  	_ =	shalt  }
0x45: {  	_ =	shalt  }
0x46: {  	_ =	shalt  }
0x47: {  	_ =	shalt  }
0x48: {  	_ =	shalt  }
0x49: {  	_ =	shalt  }
0x4a: {  	_ =	shalt  }
0x4b: {  	_ =	shalt  }
0x4c: {  	_ =	shalt  }
0x4d: {  	_ =	shalt  }
0x4e: {  	_ =	shalt  }
0x4f: {  	_ =	shalt  }
0x50: {  	_ =	shalt  }
0x51: {  	_ =	shalt  }
0x52: {  	_ =	shalt  }
0x53: {  	_ =	shalt  }
0x54: {  	_ =	shalt  }
0x55: {  	_ =	shalt  }
0x56: {  	_ =	shalt  }
0x57: {  	_ =	shalt  }
0x58: {  	_ =	shalt  }
0x59: {  	_ =	shalt  }
0x5a: {  	_ =	shalt  }
0x5b: {  	_ =	shalt  }
0x5c: {  	_ =	shalt  }
0x5d: {  	_ =	shalt  }
0x5e: {  	_ =	shalt  }
0x5f: {  	_ =	shalt  }
0x60: {  	_ =	shalt  }
0x61: {  	_ =	shalt  }
0x62: {  	_ =	shalt  }
0x63: {  	_ =	shalt  }
0x64: {  	_ =	shalt  }
0x65: {  	_ =	shalt  }
0x66: {  	_ =	shalt  }
0x67: {  	_ =	shalt  }
0x68: {  	_ =	shalt  }
0x69: {  	_ =	shalt  }
0x6a: {  	_ =	shalt  }
0x6b: {  	_ =	shalt  }
0x6c: {  	_ =	shalt  }
0x6d: {  	_ =	shalt  }
0x6e: {  	_ =	shalt  }
0x6f: {  	_ =	shalt  }
0x70: {  	_ =	shalt  }
0x71: {  	_ =	shalt  }
0x72: {  	_ =	shalt  }
0x73: {  	_ =	shalt  }
0x74: {  	_ =	shalt  }
0x75: {  	_ =	shalt  }
0x76: {  	_ =	shalt  }
0x77: {  	_ =	shalt  }
0x78: {  	_ =	shalt  }
0x79: {  	_ =	shalt  }
0x7a: {  	_ =	shalt  }
0x7b: {  	_ =	shalt  }
0x7c: {  	_ =	shalt  }
0x7d: {  	_ =	shalt  }
0x7e: {  	_ =	shalt  }
0x7f: {  	_ =	shalt  }
0x80: {  	_ =	shalt  }
0x81: {  	_ =	shalt  }
0x82: {  	_ =	shalt  }
0x83: {  	_ =	shalt  }
0x84: {  	_ =	shalt  }
0x85: {  	_ =	shalt  }
0x86: {  	_ =	shalt  }
0x87: {  	_ =	shalt  }
.Lfunc_end0:
.L_simem_size_0:
called_computation_lowered:
.L_overlay_start_0:
0x88: {  	s2 =	sld [smem:$0x3FD9]  }
0x89: {  	s3 =	sld [smem:$0x3FFE];
	_ =	sdelay $0x1  }
0x8a: {  	s1 =	srdreg.scid  }
0x8b: {  	s0 =	sand.u32 $0x1, s1  }
0x8c: {  	s16 =	sshll.u32 s0, $0xA;
	s2 =	sadd.s32 s3, s2  }
0x8d: {  	s2 =	sadd.s32 s2, s16  }
0x8e: {  	[smem:$0x3FAD] =	sst s2  }
0x8f: {  	_ = 	snop  }
0x90: {  	(tm) =	ssettm $0x1  }
0x91: {  	s17 =	sld [smem:$0x3FFB];
	_ =	sdelay $0x3  }
0x92: {  	_ =	strace s17  }
0x93: {  	s2 =	sld [smem:$0x3FFC];
	_ =	sdelay $0x3  }
0x94: {  	_ =	strace s2  }
0x95: {  	s2 =	sld [smem:$0x3FFD];
	_ =	sdelay $0x3  }
0x96: {  	_ =	strace s2  }
0x97: {  	_ =	strace $0x8FFFFFFF  }
0x98: {  	s18 =	sld [smem:$0x3FDB];
	_ =	sdelay $0x1  }
0x99: {  	s19 =	simm.s32 $_scs_section_size  }
0x9a: {  	s4 =	simm.s32 $_size__tile_overlayer_lowered;
	s5 =	simm.s32 $_tile_overlayer_lowered  }
0x9b: {  	s22 =	simm.s32 $0x1BFF;
	s21 =	sshll.u32 s5, $0x1;
	s2 =	sadd.s32 s19, s18  }
0x9c: {  	s6 =	simm.s32 $0x0;
	s20 =	sshll.u32 s4, $0x1;
	s4 =	sadd.s32 s21, s2  }
0x9d: {  	[timem:s6], [sflag:s22] =	dma.local [hbm:s4], s20  }
0x9e: {  	_ =	swait.ge [sflag:s22], s20  }
0x9f: {  	s3 =	ssub.s32 $0x0, s20;
	[sflag:s22] =	ssyncset.done $0x0  }
0xa0: {  	[sflag:s22] =	ssyncadd.s32 s3;
	_ =	sdelay $0x1  }
0xa1: {  	s23 =	simm.s32 $0x1B8B  }
0xa2: {  	_ =	swait.ge [sflag:s23], $0x1  }
0xa3: {  	[sflag:s23] =	ssyncset.done $0x0  }
0xa4: {  	s25 =	simm.s32 $0x1B8E;
	s24 =	sld [smem:$0x3FFE];
	[sflag:s23] =	ssyncadd.s32 $0xFFFFFFFF  }
0xa5: {  	s26 =	simm.s32 $execute0_lowered;
	[smem:$0x3FD2] =	sst s25  }
0xa6: {  	s4 =	sshll.u32 s26, $0x1;
	_ =	strace $0x80000046;
	[dreg:$0x1] =	wrdreg $0xFFFFFFFF  }
0xa7: {  	s28 =	simm.s32 $_size_execute0_lowered;
	s2 =	sadd.s32 s2, s4;
	[dreg:$0x0] =	wrdreg $0x0  }
0xa8: {  	s4 =	sshll.u32 s28, $0x1;
	[dreg:$0x2] =	wrdreg s2  }
0xa9: {  	[dreg:$0x3] =	wrdreg s4  }
0xaa: {  	[dreg:$0x4] =	wrdreg $0xC0  }
0xab: {  	_ =	task [dreg:s6], $0x5FFFF  }
0xac: {  	[dreg:$0x1] =	wrdreg $0xFFFFFFFF  }
0xad: {  	[dreg:$0x0] =	wrdreg $0x60  }
0xae: {  	[dreg:$0x2] =	wrdreg s24  }
0xaf: {  	[dreg:$0x3] =	wrdreg $0x9  }
0xb0: {  	_ =	task.clear_ibuf [dreg:s6], $0x4FFFF;
	_ =	strace $0x90000046  }
0xb1: {  	s29 =	simm.s32 $0x9;
	_ =	strace $0x80000048  }
0xb2: {  	_ =	swait.ge [sflag:s29], $0x1  }
0xb3: {  	[sflag:s29] =	ssyncadd.s32 $0xFFFFFFFF  }
0xb4: {  	_ =	strace $0x90000048  }
0xb5: {  	_ =	sfence  }
0xb6: {  	s30 =	sld [smem:$0x0];
	_ =	sdelay $0x2  }
0xb7: {  	s31 =	sshll.u32 s1, $0xD;
	s1 =	sshrl.u32 s1, $0x2  }
0xb8: {  	s3 =	sand.u32 $0x4000, s31;
	s1 =	sadd.s32 s1, s30  }
0xb9: {  	s0 =	sor.u32 s3, s0;
	s1 =	sshll.u32 s1, $0x11  }
0xba: {  	s0 =	sor.u32 s1, s0  }
0xbb: {  	s0 =	sadd.s32 $0x8F2B, s0  }
0xbc: {  	[sflag:s0] =	ssyncadd.remote.s32 $0x1  }
0xbd: {  	_ =	sfence.sel $0xFFFF  }
0xbe: {  	[dreg:$0x0] =	wrdreg $0xFFFFFFFF;
	(pc) =	sbr.abs _section_cstart, $3  }
0xbf: {  	[dreg:$0x1] =	wrdreg $0xFFFFFFFF  }
0xc0: {  	_ =	task.clear_ibuf [dreg:s6], $0x2FFFF;
	_ =	strace $0x9FFFFFFF  }
0xc1: {  	(tm) =	ssettm $0x7FFFFFFF  }
tec
execute0_lowered:
.L_overlay_start_1:
0x0: {  	(tag) =	ssettag $0x1  }
0x1: {  	s1 =	srdreg.scid;
	s0 =	stileid.u32  }
0x2: {  	s14 =	sand.u32 $0x1, s1;
	s29 =	sshll.u32 s0, $0x1  }
0x3: {  	s15 =	sor.u32 s14, s29  }
0x4: {  	s16 =	rddreg [dreg:$0x0];
	s3 =	smul.u32 $0x28, s15  }
0x5: {  	s2 =	simm.s32 $0x0;
	s1 =	rddreg [dreg:$0x1]  }
0x6: {  	[smem:$0x7FF] =	sst s2;
	s3 =	sadd.s32 s3, s16  }
0x7: {  	_ =	strace $0x80000047;
	s4 =	sadd.s32 $0x6C00, s3;
	s3 =	simm.s32 $0x2  }
0x8: {  	[tilespmem:s2], [sflag:$0x2] =	stream.linear.gather [hbm4b:s4+s2], $0x140, $0x38;
	[tilespmem:$0xA180] =	vst v63  }
0x9: {  	_ =	swait.ge [sflag:s3], $0x140  }
0xa: {  	s6 =	simm.s32 $0x50;
	[sflag:s3] =	ssyncset.done $0x0  }
0xb: {  	s7 =	simm.s32 $0x180;
	s5 =	sadd.s32 $0x7200, s16;
	[sflag:s3] =	ssyncadd.s32 $0xFFFFFEC0  }
0xc: {  	[tilespmem:s7], [sflag:$0x1] =	stream.indirect.gather [hbm4b:s5+s6], $0x80, s2, s6, $0xb8;
	[tilespmem:$0xA180] =	vst v63  }
0xd: {  	s8 =	simm.s32 $0x2980  }
0xe: {  	[tilespmem:s8], [sflag:$0x1] =	stream.indirect.gather [hbm4b:s5+s6], $0x80, s6, s6, $0xb8;
	[tilespmem:$0xA180] =	vst v63  }
0xf: {  	s9 =	simm.s32 $0xA0;
	s10 =	simm.s32 $0x5180  }
0x10: {  	[tilespmem:s10], [sflag:$0x1] =	stream.indirect.gather [hbm4b:s5+s6], $0x80, s9, s6, $0xb8;
	[tilespmem:$0xA180] =	vst v63  }
0x11: {  	s11 =	simm.s32 $0xF0;
	s12 =	simm.s32 $0x7980;
	s13 =	simm.s32 $0x1  }
0x12: {  	[tilespmem:s12], [sflag:$0x1] =	stream.indirect.gather [hbm4b:s5+s6], $0x80, s11, s6, $0xb8;
	[tilespmem:$0xA180] =	vst v63  }
0x13: {  	_ =	swait.ge [sflag:s13], $0x2800  }
0x14: {  	[sflag:s13] =	ssyncset.done $0x0  }
0x15: {  	[sflag:s13] =	ssyncadd.s32 $0xFFFFD800  }
0x16: {  	_ =	swait.ge [sflag:s13], $0x2800  }
0x17: {  	[sflag:s13] =	ssyncset.done $0x0  }
0x18: {  	s14 =	ssub.s32 $0x2, s14;
	[sflag:s13] =	ssyncadd.s32 $0xFFFFD800  }
0x19: {  	s17 =	sshrl.u32 s14, $0x1;
	_ =	swait.ge [sflag:s13], $0x2800  }
0x1a: {  	s30 =	ssub.s32 s14, s17;
	[sflag:s13] =	ssyncset.done $0x0  }
0x1b: {  	s15 =	smul.u32 $0x1400, s15;
	s31 =	smax.u32 s30, $0x1;
	[sflag:s13] =	ssyncadd.s32 $0xFFFFD800  }
0x1c: {  	p0 =	sne.s32 s31, $0x1;
	_ =	swait.ge [sflag:s13], $0x2800  }
.Ltmp0:
0x1d: {  	s15 =	sadd.s32 s15, s16;
	[sflag:s13] =	ssyncset.done $0x0;
	(pc) =	sbr.rel @!p0 .LBB2_2-.Ltmp0, $4  }
0x1e: {  	s14 =	sadd.s32 $0x2F200, s15;
	[sflag:s13] =	ssyncadd.s32 $0xFFFFD800  }
0x1f: {  	[hbm4b:s14+s2] =	stream.linear.scatter [tilespmem:s7], [sflag:$0x2], $0xA000, $0x38;
	[tilespmem:$0xA180] =	vst v63  }
0x20: {  	_ =	swait.ge [sflag:s3], $0xA000  }
0x21: {  	s15 =	sadd.s32 $0xFFFFFFFF, s31;
	[sflag:s3] =	ssyncset.done $0x0  }
.LBB2_1:
0x22: {  	p0 =	sne.s32 s15, $0x1;
	s15 =	sadd.s32 $0xFFFFFFFF, s15;
	[sflag:s3] =	ssyncadd.s32 $0xFFFF6000  }
0x23: {  	[tilespmem:s2], [sflag:$0x2] =	stream.linear.gather [hbm4b:s4+s2], $0x140, $0x38;
	[tilespmem:$0xA180] =	vst v63  }
0x24: {  	_ =	swait.ge [sflag:s3], $0x140  }
0x25: {  	[sflag:s3] =	ssyncset.done $0x0  }
0x26: {  	[sflag:s3] =	ssyncadd.s32 $0xFFFFFEC0  }
0x27: {  	[tilespmem:s7], [sflag:$0x1] =	stream.indirect.gather [hbm4b:s5+s6], $0x80, s2, s6, $0xb8;
	[tilespmem:$0xA180] =	vst v63  }
0x28: {  	_ = 	snop  }
0x29: {  	[tilespmem:s8], [sflag:$0x1] =	stream.indirect.gather [hbm4b:s5+s6], $0x80, s6, s6, $0xb8;
	[tilespmem:$0xA180] =	vst v63  }
0x2a: {  	_ = 	snop  }
0x2b: {  	[tilespmem:s10], [sflag:$0x1] =	stream.indirect.gather [hbm4b:s5+s6], $0x80, s9, s6, $0xb8;
	[tilespmem:$0xA180] =	vst v63  }
0x2c: {  	_ = 	snop  }
0x2d: {  	[tilespmem:s12], [sflag:$0x1] =	stream.indirect.gather [hbm4b:s5+s6], $0x80, s11, s6, $0xb8;
	[tilespmem:$0xA180] =	vst v63  }
0x2e: {  	_ =	swait.ge [sflag:s13], $0x2800  }
0x2f: {  	[sflag:s13] =	ssyncset.done $0x0  }
0x30: {  	[sflag:s13] =	ssyncadd.s32 $0xFFFFD800  }
0x31: {  	_ =	swait.ge [sflag:s13], $0x2800  }
0x32: {  	[sflag:s13] =	ssyncset.done $0x0  }
0x33: {  	[sflag:s13] =	ssyncadd.s32 $0xFFFFD800  }
0x34: {  	_ =	swait.ge [sflag:s13], $0x2800  }
0x35: {  	[sflag:s13] =	ssyncset.done $0x0  }
0x36: {  	[sflag:s13] =	ssyncadd.s32 $0xFFFFD800  }
0x37: {  	_ =	swait.ge [sflag:s13], $0x2800  }
.Ltmp1:
0x38: {  	[sflag:s13] =	ssyncset.done $0x0;
	(pc) =	sbr.rel @p0 .LBB2_1-.Ltmp1, $4  }
0x39: {  	[sflag:s13] =	ssyncadd.s32 $0xFFFFD800  }
0x3a: {  	[hbm4b:s14+s2] =	stream.linear.scatter [tilespmem:s7], [sflag:$0x2], $0xA000, $0x38;
	[tilespmem:$0xA180] =	vst v63  }
0x3b: {  	_ =	swait.ge [sflag:s3], $0xA000  }
0x3c: {  	[sflag:s3] =	ssyncset.done $0x0  }
.LBB2_2:
0x3d: {  	[sflag:s3] =	ssyncadd.s32 $0xFFFF6000  }
0x3e: {  	_ =	sfence.sel $0x180000  }
0x3f: {  	[bflag:$0x0] =	sbarrier.arrive $0xFFFF  }
0x40: {  	p0 =	sne.s32 s0, $0x0;
	_ =	strace $0x90000047  }
0x41: {  	s0 =	sadd.s32 @!p0 $0x100000, s1;
	[bflag:$0x2] =	sbarrier.arrive $0xFFFF  }
0x42: {  	[sflag:s0] =	ssyncadd.tile.s32 @!p0 $0x1;
	_ =	shalt  }
.Lfunc_end2:
_tile_overlayer_lowered:
.L_overlay_start_2:
0x43: {  	(tag) =	ssettag $0x2  }
0x44: {  	s0 =	rddreg [dreg:$0x0];
	s2 =	stileid.u32  }
0x45: {  	s1 =	rddreg [dreg:$0x1];
	p0 =	sne.s32 s2, $0x0  }
0x46: {  	s3 =	rddreg [dreg:$0x2];
	[bflag:$0x3] =	sbarrier.arrive $0xFFFF;
	s2 =	simm.s32 @!p0 $0x1C02  }
0x47: {  	[timem:s3], [sflag:s2] =	dma.local @!p0 [hbm:s0], s1  }
0x48: {  	s0 =	simm.s32 @!p0 $0x2  }
0x49: {  	_ =	swait.ge @!p0 [sflag:s0], s1  }
0x4a: {  	s1 =	ssub.s32 @!p0 $0x0, s1;
	[sflag:s0] =	ssyncset.done @!p0 $0x0  }
0x4b: {  	[sflag:s0] =	ssyncadd.s32 @!p0 s1  }
0x4c: {  	[bflag:$0x3] =	sbarrier.arrive $0xFFFF  }
0x4d: {  	_ =	shalt  }

// kernel: kernel.17.cloned.1.call-start
scs
__scs_entry_jumppad:
0x0: {  	(pc) =	sbr.rel $0x88, $3  }
0x1: {  	(tag) =	ssettag $0x0;
	lr =	simm.s32 $0x1  }
0x2: {  	[smem:$0x3F86] =	sst lr;
	_ =	strace $0xD0000000  }
0x3: {  	_ = 	snop  }
0x4: {  	_ = 	snop  }
0x5: {  	_ = 	snop  }
0x6: {  	_ = 	snop  }
0x7: {  	_ = 	snop  }
__scs_overlays_trampoline_lowered:
0x8: {  	[smem:$0x3F95] =	sst s0  }
0x9: {  	[smem:$0x3F96] =	sst s1  }
0xa: {  	[smem:$0x3F97] =	sst s2  }
0xb: {  	[smem:$0x3F98] =	sst s3  }
0xc: {  	[smem:$0x3F99] =	sst s4  }
0xd: {  	[smem:$0x3F9A] =	sst s5  }
0xe: {  	[smem:$0x3F9B] =	sst s6  }
0xf: {  	[smem:$0x3F9C] =	sst s7  }
0x10: {  	[smem:$0x3F9D] =	sst s8  }
0x11: {  	[smem:$0x3F9E] =	sst s9;
	s0 =	simm.s32 @!p0 $0x0  }
0x12: {  	s1 =	sld [smem:$0x3F84];
	s0 =	simm.s32 @p0 $0x1  }
0x13: {  	[smem:$0x3F9F] =	sst s0;
	s0 =	simm.s32 @!p1 $0x0  }
0x14: {  	s2 =	sld [smem:$0x3F83];
	s0 =	simm.s32 @p1 $0x1  }
0x15: {  	[smem:$0x3FA0] =	sst s0;
	s0 =	simm.s32 @!p2 $0x0  }
0x16: {  	s3 =	sld [smem:$0x3FDB];
	s0 =	simm.s32 @p2 $0x1  }
0x17: {  	s4 =	simm.s32 $0x1BF5;
	[smem:$0x3FA2] =	sst s0  }
0x18: {  	s0 =	sld [smem:$0x3F85];
	_ =	swait.ge [sflag:s4], $0x0  }
0x19: {  	s7 =	sld [smem:$0x3F86]  }
0x1a: {  	s8 =	sadd.s32 $0xFFFFE003, lr  }
0x1b: {  	s9 =	sadd.s32 $0xFFFFFEF7, lr;
	s5 =	simm.s32 $0xFFFFFFFF;
	p2 =	slt.u32 s8, $0xFFFFF086  }
0x1c: {  	p1 =	slt.u32 s9, $0xF7A;
	s5 =	simm.s32 @!p2 $0x0  }
0x1d: {  	s5 =	simm.s32 @p1 $0x1;
	p0 =	seq.s32 s7, s2  }
0x1e: {  	s7 =	smul.u32 @!p0 $0xF7A, s2;
	p2 =	seq.s32 @!p0 s5, $0x0  }
0x1f: {  	s9 =	smul.u32 $0xF7A, s1;
	s8 =	simm.s32 @!p0 $0x1BF5;
	p2 =	por !p2, p0  }
0x20: {  	[sflag:s8] =	ssyncset.s32 @!p0 $0xFFFFF086;
	s6 =	sadd.s32 @!p0 s3, s7;
	s7 =	simm.s32 @!p0 $0x108  }
0x21: {  	s3 =	sadd.s32 s3, s9;
	s6 =	sadd.s32 @!p0 $0x88, s6;
	s7 =	simm.s32 @p2 $0x1082  }
0x22: {  	[simem:s7], [sflag:s8] =	dma.local @!p0 [hbm:s6], $0xF7A  }
0x23: {  	s9 =	sor.u32 $0xD0000000, s2;
	s6 =	simm.s32 $0x108;
	_ =	swait.ge @!p0 [sflag:s8], $0x0  }
0x24: {  	s3 =	sadd.s32 $0x88, s3;
	s6 =	simm.s32 @!p1 $0x1082;
	[sflag:s4] =	ssyncset.s32 $0xFFFFF086  }
0x25: {  	[simem:s6], [sflag:s4] =	dma.local [hbm:s3], $0xF7A  }
0x26: {  	[smem:$0x3F86] =	sst s1;
	(tag) =	ssettag s2;
	_ =	strace s9  }
0x27: {  	s1 =	sld [smem:$0x3F96]  }
0x28: {  	s2 =	sld [smem:$0x3F97]  }
0x29: {  	s4 =	sld [smem:$0x3F99]  }
0x2a: {  	p0 =	seq.s32 s5, $0x0;
	s5 =	sld [smem:$0x3F9A]  }
0x2b: {  	s6 =	sld [smem:$0x3F9B]  }
0x2c: {  	s7 =	sld [smem:$0x3F9C]  }
0x2d: {  	s3 =	simm.s32 $0x108;
	s8 =	sld [smem:$0x3F9D]  }
0x2e: {  	s3 =	simm.s32 @!p0 $0x1082;
	s9 =	sld [smem:$0x3F9E]  }
0x2f: {  	lr =	sadd.s32 s0, s3;
	s0 =	sld [smem:$0x3F95]  }
0x30: {  	s3 =	sld [smem:$0x3F98]  }
0x31: {  	[smem:$0x3FA1] =	sst s10  }
0x32: {  	s10 =	sld [smem:$0x3F9F];
	_ =	sdelay $0x3  }
0x33: {  	p0 =	seq.s32 s10, $0x1;
	s10 =	sld [smem:$0x3FA1];
	_ =	sdelay $0x3  }
0x34: {  	[smem:$0x3FA1] =	sst s10  }
0x35: {  	s10 =	sld [smem:$0x3FA0];
	_ =	sdelay $0x3  }
0x36: {  	p1 =	seq.s32 s10, $0x1;
	s10 =	sld [smem:$0x3FA1];
	_ =	sdelay $0x3  }
0x37: {  	[smem:$0x3FA1] =	sst s10  }
0x38: {  	s10 =	sld [smem:$0x3FA2]  }
0x39: {  	_ = 	snop;
	(pc) =	sbr.ind lr, $3  }
0x3a: {  	_ = 	snop  }
0x3b: {  	_ = 	snop  }
0x3c: {  	p2 =	seq.s32 s10, $0x1;
	s10 =	sld [smem:$0x3FA1]  }
0x3d: {  	_ =	shalt  }
0x3e: {  	_ =	shalt  }
0x3f: {  	_ =	shalt  }
0x40: {  	_ =	shalt  }
0x41: {  	_ =	shalt  }
0x42: {  	_ =	shalt  }
0x43: {  	_ =	shalt  }
0x44: {  	_ =	shalt  }
0x45: {  	_ =	shalt  }
0x46: {  	_ =	shalt  }
0x47: {  	_ =	shalt  }
0x48: {  	_ =	shalt  }
0x49: {  	_ =	shalt  }
0x4a: {  	_ =	shalt  }
0x4b: {  	_ =	shalt  }
0x4c: {  	_ =	shalt  }
0x4d: {  	_ =	shalt  }
0x4e: {  	_ =	shalt  }
0x4f: {  	_ =	shalt  }
0x50: {  	_ =	shalt  }
0x51: {  	_ =	shalt  }
0x52: {  	_ =	shalt  }
0x53: {  	_ =	shalt  }
0x54: {  	_ =	shalt  }
0x55: {  	_ =	shalt  }
0x56: {  	_ =	shalt  }
0x57: {  	_ =	shalt  }
0x58: {  	_ =	shalt  }
0x59: {  	_ =	shalt  }
0x5a: {  	_ =	shalt  }
0x5b: {  	_ =	shalt  }
0x5c: {  	_ =	shalt  }
0x5d: {  	_ =	shalt  }
0x5e: {  	_ =	shalt  }
0x5f: {  	_ =	shalt  }
0x60: {  	_ =	shalt  }
0x61: {  	_ =	shalt  }
0x62: {  	_ =	shalt  }
0x63: {  	_ =	shalt  }
0x64: {  	_ =	shalt  }
0x65: {  	_ =	shalt  }
0x66: {  	_ =	shalt  }
0x67: {  	_ =	shalt  }
0x68: {  	_ =	shalt  }
0x69: {  	_ =	shalt  }
0x6a: {  	_ =	shalt  }
0x6b: {  	_ =	shalt  }
0x6c: {  	_ =	shalt  }
0x6d: {  	_ =	shalt  }
0x6e: {  	_ =	shalt  }
0x6f: {  	_ =	shalt  }
0x70: {  	_ =	shalt  }
0x71: {  	_ =	shalt  }
0x72: {  	_ =	shalt  }
0x73: {  	_ =	shalt  }
0x74: {  	_ =	shalt  }
0x75: {  	_ =	shalt  }
0x76: {  	_ =	shalt  }
0x77: {  	_ =	shalt  }
0x78: {  	_ =	shalt  }
0x79: {  	_ =	shalt  }
0x7a: {  	_ =	shalt  }
0x7b: {  	_ =	shalt  }
0x7c: {  	_ =	shalt  }
0x7d: {  	_ =	shalt  }
0x7e: {  	_ =	shalt  }
0x7f: {  	_ =	shalt  }
0x80: {  	_ =	shalt  }
0x81: {  	_ =	shalt  }
0x82: {  	_ =	shalt  }
0x83: {  	_ =	shalt  }
0x84: {  	_ =	shalt  }
0x85: {  	_ =	shalt  }
0x86: {  	_ =	shalt  }
0x87: {  	_ =	shalt  }
.Lfunc_end0:
.L_simem_size_0:
called_computation.1_lowered:
.L_overlay_start_0:
0x88: {  	s2 =	sld [smem:$0x3FD9]  }
0x89: {  	s3 =	sld [smem:$0x3FFE];
	_ =	sdelay $0x1  }
0x8a: {  	s1 =	srdreg.scid  }
0x8b: {  	s0 =	sand.u32 $0x1, s1  }
0x8c: {  	s16 =	sshll.u32 s0, $0xA;
	s2 =	sadd.s32 s3, s2  }
0x8d: {  	s2 =	sadd.s32 s2, s16  }
0x8e: {  	[smem:$0x3FAD] =	sst s2  }
0x8f: {  	_ = 	snop  }
0x90: {  	(tm) =	ssettm $0x1  }
0x91: {  	s17 =	sld [smem:$0x3FFB];
	_ =	sdelay $0x3  }
0x92: {  	_ =	strace s17  }
0x93: {  	s2 =	sld [smem:$0x3FFC];
	_ =	sdelay $0x3  }
0x94: {  	_ =	strace s2  }
0x95: {  	s2 =	sld [smem:$0x3FFD];
	_ =	sdelay $0x3  }
0x96: {  	_ =	strace s2  }
0x97: {  	_ =	strace $0x8FFFFFFF  }
0x98: {  	s18 =	sld [smem:$0x3FDB];
	_ =	sdelay $0x1  }
0x99: {  	s19 =	simm.s32 $_scs_section_size  }
0x9a: {  	s4 =	simm.s32 $_size__tile_overlayer_lowered;
	s5 =	simm.s32 $_tile_overlayer_lowered  }
0x9b: {  	s22 =	simm.s32 $0x1BFF;
	s21 =	sshll.u32 s5, $0x1;
	s2 =	sadd.s32 s19, s18  }
0x9c: {  	s6 =	simm.s32 $0x0;
	s20 =	sshll.u32 s4, $0x1;
	s4 =	sadd.s32 s21, s2  }
0x9d: {  	[timem:s6], [sflag:s22] =	dma.local [hbm:s4], s20  }
0x9e: {  	_ =	swait.ge [sflag:s22], s20  }
0x9f: {  	s3 =	ssub.s32 $0x0, s20;
	[sflag:s22] =	ssyncset.done $0x0  }
0xa0: {  	[sflag:s22] =	ssyncadd.s32 s3;
	_ =	sdelay $0x1  }
0xa1: {  	s23 =	simm.s32 $0x1B8B  }
0xa2: {  	_ =	swait.ge [sflag:s23], $0x1  }
0xa3: {  	[sflag:s23] =	ssyncset.done $0x0  }
0xa4: {  	s25 =	simm.s32 $0x1B8E;
	s24 =	sld [smem:$0x3FFE];
	[sflag:s23] =	ssyncadd.s32 $0xFFFFFFFF  }
0xa5: {  	s26 =	simm.s32 $execute0_lowered;
	[smem:$0x3FD2] =	sst s25  }
0xa6: {  	s4 =	sshll.u32 s26, $0x1;
	_ =	strace $0x80000049;
	[dreg:$0x1] =	wrdreg $0xFFFFFFFF  }
0xa7: {  	s28 =	simm.s32 $_size_execute0_lowered;
	s2 =	sadd.s32 s2, s4;
	[dreg:$0x0] =	wrdreg $0x0  }
0xa8: {  	s4 =	sshll.u32 s28, $0x1;
	[dreg:$0x2] =	wrdreg s2  }
0xa9: {  	[dreg:$0x3] =	wrdreg s4  }
0xaa: {  	[dreg:$0x4] =	wrdreg $0xC0  }
0xab: {  	_ =	task [dreg:s6], $0x5FFFF  }
0xac: {  	[dreg:$0x1] =	wrdreg $0xFFFFFFFF  }
0xad: {  	[dreg:$0x0] =	wrdreg $0x60  }
0xae: {  	[dreg:$0x2] =	wrdreg s24  }
0xaf: {  	[dreg:$0x3] =	wrdreg $0xA2000  }
0xb0: {  	[dreg:$0x4] =	wrdreg $0x9  }
0xb1: {  	_ =	task.clear_ibuf [dreg:s6], $0x5FFFF;
	_ =	strace $0x90000049  }
0xb2: {  	s29 =	simm.s32 $0x9;
	_ =	strace $0x8000004B  }
0xb3: {  	_ =	swait.ge [sflag:s29], $0x1  }
0xb4: {  	[sflag:s29] =	ssyncadd.s32 $0xFFFFFFFF  }
0xb5: {  	_ =	strace $0x9000004B  }
0xb6: {  	_ =	sfence  }
0xb7: {  	s30 =	sld [smem:$0x0];
	_ =	sdelay $0x2  }
0xb8: {  	s31 =	sshll.u32 s1, $0xD;
	s1 =	sshrl.u32 s1, $0x2  }
0xb9: {  	s3 =	sand.u32 $0x4000, s31;
	s1 =	sadd.s32 s1, s30  }
0xba: {  	s0 =	sor.u32 s3, s0;
	s1 =	sshll.u32 s1, $0x11  }
0xbb: {  	s0 =	sor.u32 s1, s0  }
0xbc: {  	s0 =	sadd.s32 $0x8F2B, s0  }
0xbd: {  	[sflag:s0] =	ssyncadd.remote.s32 $0x1  }
0xbe: {  	_ =	sfence.sel $0xFFFF  }
0xbf: {  	[dreg:$0x0] =	wrdreg $0xFFFFFFFF;
	(pc) =	sbr.abs _section_cstart, $3  }
0xc0: {  	[dreg:$0x1] =	wrdreg $0xFFFFFFFF  }
0xc1: {  	_ =	task.clear_ibuf [dreg:s6], $0x2FFFF;
	_ =	strace $0x9FFFFFFF  }
0xc2: {  	(tm) =	ssettm $0x7FFFFFFF  }
0xc3: {  	_ =	shalt  }
tec
execute0_lowered:
.L_overlay_start_1:
0x0: {  	(tag) =	ssettag $0x1  }
0x1: {  	s20 =	rddreg [dreg:$0x0]  }
0x2: {  	s2 =	rddreg [dreg:$0x1]  }
0x3: {  	s0 =	rddreg [dreg:$0x2]  }
0x4: {  	s4 =	srdreg.scid;
	s1 =	stileid.u32  }
0x5: {  	s3 =	simm.s32 $0x0;
	s21 =	sand.u32 $0x1, s4;
	s30 =	sshll.u32 s1, $0x1  }
0x6: {  	[smem:$0x7FF] =	sst s3;
	s5 =	smul.u32 $0x50000, s1;
	s4 =	sor.u32 s21, s30  }
0x7: {  	s22 =	sshll.u32 s1, $0x6;
	s9 =	smul.u32 $0x1400, s4;
	s4 =	sshll.u32 s4, $0x6  }
0x8: {  	_ =	strace $0x8000004A;
	s5 =	sshrl.u32 s5, $0x2;
	s6 =	sadd.s32 s4, s20  }
0x9: {  	s4 =	sadd.s32 $0x57A00, s20;
	s7 =	sadd.s32 s5, s2;
	s5 =	sor.u32 $0x1C01, s22  }
0xa: {  	s6 =	sadd.s32 $0x57200, s6;
	s8 =	sshrl.u32 s7, $0x3;
	s7 =	simm.s32 $0x3  }
0xb: {  	[spmem:s8], [sflag:s5] =	dma.local [hbm:s4], $0x2800  }
0xc: {  	[tilespmem:s3], [sflag:$0x3] =	stream.linear.gather [hbm4b:s6+s3], $0x200, $0x38;
	[tilespmem:$0x1E200] =	vst v63  }
0xd: {  	_ =	swait.ge [sflag:s7], $0x200  }
0xe: {  	s9 =	sadd.s32 s9, s20;
	[sflag:s7] =	ssyncset.done $0x0  }
0xf: {  	s10 =	simm.s32 $0x200;
	s9 =	sadd.s32 $0x2F200, s9;
	[sflag:s7] =	ssyncadd.s32 $0xFFFFFE00  }
0x10: {  	[tilespmem:s10], [sflag:$0x3] =	stream.linear.gather [hbm4b:s9+s3], $0xA000, $0x38;
	[tilespmem:$0x1E200] =	vst v63  }
0x11: {  	_ =	swait.ge [sflag:s7], $0xA000  }
0x12: {  	[sflag:s7] =	ssyncset.done $0x0  }
0x13: {  	s11 =	simm.s32 $0x1;
	[sflag:s7] =	ssyncadd.s32 $0xFFFF6000  }
0x14: {  	_ =	swait.ge [sflag:s11], $0x2800  }
0x15: {  	[sflag:s11] =	ssyncset.done $0x0  }
0x16: {  	[sflag:s11] =	ssyncadd.s32 $0xFFFFD800  }
0x17: {  	s12 =	simm.s32 $0x50;
	[bflag:$0x0] =	sbarrier.arrive $0xFFFF  }
0x18: {  	[spmem:s2] =	stream.indirect.scatter.add.f32 [tilespmem:s10], [sflag:$0x2], $0x80, s3, s12, $0xb8;
	[tilespmem:$0x1E200] =	vst v63  }
0x19: {  	s13 =	simm.s32 $0x80;
	s14 =	simm.s32 $0x2A00  }
0x1a: {  	[spmem:s2] =	stream.indirect.scatter.add.f32 [tilespmem:s14], [sflag:$0x2], $0x80, s13, s12, $0xb8;
	[tilespmem:$0x1E200] =	vst v63  }
0x1b: {  	s15 =	simm.s32 $0x100;
	s16 =	simm.s32 $0x5200  }
0x1c: {  	[spmem:s2] =	stream.indirect.scatter.add.f32 [tilespmem:s16], [sflag:$0x2], $0x80, s15, s12, $0xb8;
	[tilespmem:$0x1E200] =	vst v63  }
0x1d: {  	s17 =	simm.s32 $0x180;
	s18 =	simm.s32 $0x7A00;
	s19 =	simm.s32 $0x2  }
0x1e: {  	[spmem:s2] =	stream.indirect.scatter.add.f32 [tilespmem:s18], [sflag:$0x2], $0x80, s17, s12, $0xb8;
	[tilespmem:$0x1E200] =	vst v63  }
0x1f: {  	_ =	swait.ge [sflag:s19], $0x2800  }
0x20: {  	[sflag:s19] =	ssyncset.done $0x0  }
0x21: {  	[sflag:s19] =	ssyncadd.s32 $0xFFFFD800  }
0x22: {  	_ =	swait.ge [sflag:s19], $0x2800  }
0x23: {  	s24 =	smul.u32 $0x14000, s1;
	[sflag:s19] =	ssyncset.done $0x0  }
0x24: {  	s23 =	smul.u32 $0x140000, s21;
	[sflag:s19] =	ssyncadd.s32 $0xFFFFD800  }
0x25: {  	s21 =	ssub.s32 $0x2, s21;
	_ =	swait.ge [sflag:s19], $0x2800  }
0x26: {  	s31 =	sshrl.u32 s21, $0x1;
	s23 =	sadd.s32 s24, s23;
	[sflag:s19] =	ssyncset.done $0x0  }
0x27: {  	s21 =	ssub.s32 s21, s31;
	s23 =	sshrl.u32 s23, $0x3;
	[sflag:s19] =	ssyncadd.s32 $0xFFFFD800  }
0x28: {  	s20 =	sadd.s32 s23, s20;
	s23 =	smax.u32 s21, $0x1;
	_ =	swait.ge [sflag:s19], $0x2800  }
0x29: {  	p0 =	sne.s32 s23, $0x1;
	[sflag:s19] =	ssyncset.done $0x0  }
.Ltmp0:
0x2a: {  	[sflag:s19] =	ssyncadd.s32 $0xFFFFD800;
	(pc) =	sbr.rel @!p0 .LBB2_2-.Ltmp0, $4  }
0x2b: {  	s21 =	sor.u32 $0x1C03, s22;
	s20 =	sadd.s32 $0x5A200, s20;
	[bflag:$0x0] =	sbarrier.arrive $0xFFFF  }
0x2c: {  	[hbm:s20], [sflag:s21] =	dma.local [spmem:s8], $0x2800  }
0x2d: {  	_ =	swait.ge [sflag:s7], $0x2800  }
0x2e: {  	s22 =	sadd.s32 $0xFFFFFFFF, s23;
	[sflag:s7] =	ssyncset.done $0x0  }
.LBB2_1:
0x2f: {  	p0 =	sne.s32 s22, $0x1;
	s22 =	sadd.s32 $0xFFFFFFFF, s22;
	[sflag:s7] =	ssyncadd.s32 $0xFFFFD800  }
0x30: {  	[spmem:s8], [sflag:s5] =	dma.local [hbm:s4], $0x2800  }
0x31: {  	[tilespmem:s3], [sflag:$0x3] =	stream.linear.gather [hbm4b:s6+s3], $0x200, $0x38;
	[tilespmem:$0x1E200] =	vst v63  }
0x32: {  	_ =	swait.ge [sflag:s7], $0x200  }
0x33: {  	[sflag:s7] =	ssyncset.done $0x0  }
0x34: {  	[sflag:s7] =	ssyncadd.s32 $0xFFFFFE00  }
0x35: {  	[tilespmem:s10], [sflag:$0x3] =	stream.linear.gather [hbm4b:s9+s3], $0xA000, $0x38;
	[tilespmem:$0x1E200] =	vst v63  }
0x36: {  	_ =	swait.ge [sflag:s7], $0xA000  }
0x37: {  	[sflag:s7] =	ssyncset.done $0x0  }
0x38: {  	[sflag:s7] =	ssyncadd.s32 $0xFFFF6000  }
0x39: {  	_ =	swait.ge [sflag:s11], $0x2800  }
0x3a: {  	[sflag:s11] =	ssyncset.done $0x0  }
0x3b: {  	[sflag:s11] =	ssyncadd.s32 $0xFFFFD800  }
0x3c: {  	[bflag:$0x0] =	sbarrier.arrive $0xFFFF  }
0x3d: {  	[spmem:s2] =	stream.indirect.scatter.add.f32 [tilespmem:s10], [sflag:$0x2], $0x80, s3, s12, $0xb8;
	[tilespmem:$0x1E200] =	vst v63  }
0x3e: {  	_ = 	snop  }
0x3f: {  	[spmem:s2] =	stream.indirect.scatter.add.f32 [tilespmem:s14], [sflag:$0x2], $0x80, s13, s12, $0xb8;
	[tilespmem:$0x1E200] =	vst v63  }
0x40: {  	_ = 	snop  }
0x41: {  	[spmem:s2] =	stream.indirect.scatter.add.f32 [tilespmem:s16], [sflag:$0x2], $0x80, s15, s12, $0xb8;
	[tilespmem:$0x1E200] =	vst v63  }
0x42: {  	_ = 	snop  }
0x43: {  	[spmem:s2] =	stream.indirect.scatter.add.f32 [tilespmem:s18], [sflag:$0x2], $0x80, s17, s12, $0xb8;
	[tilespmem:$0x1E200] =	vst v63  }
0x44: {  	_ =	swait.ge [sflag:s19], $0x2800  }
0x45: {  	[sflag:s19] =	ssyncset.done $0x0  }
0x46: {  	[sflag:s19] =	ssyncadd.s32 $0xFFFFD800  }
0x47: {  	_ =	swait.ge [sflag:s19], $0x2800  }
0x48: {  	[sflag:s19] =	ssyncset.done $0x0  }
0x49: {  	[sflag:s19] =	ssyncadd.s32 $0xFFFFD800  }
0x4a: {  	_ =	swait.ge [sflag:s19], $0x2800  }
0x4b: {  	[sflag:s19] =	ssyncset.done $0x0  }
0x4c: {  	[sflag:s19] =	ssyncadd.s32 $0xFFFFD800  }
0x4d: {  	_ =	swait.ge [sflag:s19], $0x2800  }
0x4e: {  	[sflag:s19] =	ssyncset.done $0x0  }
.Ltmp1:
0x4f: {  	[sflag:s19] =	ssyncadd.s32 $0xFFFFD800;
	(pc) =	sbr.rel @p0 .LBB2_1-.Ltmp1, $4  }
0x50: {  	[bflag:$0x0] =	sbarrier.arrive $0xFFFF  }
0x51: {  	[hbm:s20], [sflag:s21] =	dma.local [spmem:s8], $0x2800  }
0x52: {  	_ =	swait.ge [sflag:s7], $0x2800  }
0x53: {  	[sflag:s7] =	ssyncset.done $0x0  }
.LBB2_2:
0x54: {  	[sflag:s7] =	ssyncadd.s32 $0xFFFFD800  }
0x55: {  	_ =	sfence.sel $0x180000  }
0x56: {  	[bflag:$0x0] =	sbarrier.arrive $0xFFFF  }
0x57: {  	p0 =	sne.s32 s1, $0x0;
	_ =	strace $0x9000004A  }
0x58: {  	s0 =	sadd.s32 @!p0 $0x100000, s0;
	[bflag:$0x2] =	sbarrier.arrive $0xFFFF  }
0x59: {  	[sflag:s0] =	ssyncadd.tile.s32 @!p0 $0x1;
	_ =	shalt  }
.Lfunc_end2:
_tile_overlayer_lowered:
.L_overlay_start_2:
0x5a: {  	(tag) =	ssettag $0x2  }
0x5b: {  	s0 =	rddreg [dreg:$0x0];
	s2 =	stileid.u32  }
0x5c: {  	s1 =	rddreg [dreg:$0x1];
	p0 =	sne.s32 s2, $0x0  }
0x5d: {  	s3 =	rddreg [dreg:$0x2];
	[bflag:$0x3] =	sbarrier.arrive $0xFFFF;
	s2 =	simm.s32 @!p0 $0x1C03  }
0x5e: {  	[timem:s3], [sflag:s2] =	dma.local @!p0 [hbm:s0], s1  }
0x5f: {  	s0 =	simm.s32 @!p0 $0x3  }
0x60: {  	_ =	swait.ge @!p0 [sflag:s0], s1  }
0x61: {  	s1 =	ssub.s32 @!p0 $0x0, s1;
	[sflag:s0] =	ssyncset.done @!p0 $0x0  }
0x62: {  	[sflag:s0] =	ssyncadd.s32 @!p0 s1  }
0x63: {  	[bflag:$0x3] =	sbarrier.arrive $0xFFFF  }
0x64: {  	_ =	shalt  }

// kernel: kernel.20.cloned.1.call-start
scs
__scs_entry_jumppad:
0x0: {  	(pc) =	sbr.rel $0x88, $3  }
0x1: {  	(tag) =	ssettag $0x0;
	lr =	simm.s32 $0x1  }
0x2: {  	[smem:$0x3F86] =	sst lr;
	_ =	strace $0xD0000000  }
0x3: {  	_ = 	snop  }
0x4: {  	_ = 	snop  }
0x5: {  	_ = 	snop  }
0x6: {  	_ = 	snop  }
0x7: {  	_ = 	snop  }
__scs_overlays_trampoline_lowered:
0x8: {  	[smem:$0x3F95] =	sst s0  }
0x9: {  	[smem:$0x3F96] =	sst s1  }
0xa: {  	[smem:$0x3F97] =	sst s2  }
0xb: {  	[smem:$0x3F98] =	sst s3  }
0xc: {  	[smem:$0x3F99] =	sst s4  }
0xd: {  	[smem:$0x3F9A] =	sst s5  }
0xe: {  	[smem:$0x3F9B] =	sst s6  }
0xf: {  	[smem:$0x3F9C] =	sst s7  }
0x10: {  	[smem:$0x3F9D] =	sst s8  }
0x11: {  	[smem:$0x3F9E] =	sst s9;
	s0 =	simm.s32 @!p0 $0x0  }
0x12: {  	s1 =	sld [smem:$0x3F84];
	s0 =	simm.s32 @p0 $0x1  }
0x13: {  	[smem:$0x3F9F] =	sst s0;
	s0 =	simm.s32 @!p1 $0x0  }
0x14: {  	s2 =	sld [smem:$0x3F83];
	s0 =	simm.s32 @p1 $0x1  }
0x15: {  	[smem:$0x3FA0] =	sst s0;
	s0 =	simm.s32 @!p2 $0x0  }
0x16: {  	s3 =	sld [smem:$0x3FDB];
	s0 =	simm.s32 @p2 $0x1  }
0x17: {  	s4 =	simm.s32 $0x1BF5;
	[smem:$0x3FA2] =	sst s0  }
0x18: {  	s0 =	sld [smem:$0x3F85];
	_ =	swait.ge [sflag:s4], $0x0  }
0x19: {  	s7 =	sld [smem:$0x3F86]  }
0x1a: {  	s8 =	sadd.s32 $0xFFFFE003, lr  }
0x1b: {  	s9 =	sadd.s32 $0xFFFFFEF7, lr;
	s5 =	simm.s32 $0xFFFFFFFF;
	p2 =	slt.u32 s8, $0xFFFFF086  }
0x1c: {  	p1 =	slt.u32 s9, $0xF7A;
	s5 =	simm.s32 @!p2 $0x0  }
0x1d: {  	s5 =	simm.s32 @p1 $0x1;
	p0 =	seq.s32 s7, s2  }
0x1e: {  	s7 =	smul.u32 @!p0 $0xF7A, s2;
	p2 =	seq.s32 @!p0 s5, $0x0  }
0x1f: {  	s9 =	smul.u32 $0xF7A, s1;
	s8 =	simm.s32 @!p0 $0x1BF5;
	p2 =	por !p2, p0  }
0x20: {  	[sflag:s8] =	ssyncset.s32 @!p0 $0xFFFFF086;
	s6 =	sadd.s32 @!p0 s3, s7;
	s7 =	simm.s32 @!p0 $0x108  }
0x21: {  	s3 =	sadd.s32 s3, s9;
	s6 =	sadd.s32 @!p0 $0x88, s6;
	s7 =	simm.s32 @p2 $0x1082  }
0x22: {  	[simem:s7], [sflag:s8] =	dma.local @!p0 [hbm:s6], $0xF7A  }
0x23: {  	s9 =	sor.u32 $0xD0000000, s2;
	s6 =	simm.s32 $0x108;
	_ =	swait.ge @!p0 [sflag:s8], $0x0  }
0x24: {  	s3 =	sadd.s32 $0x88, s3;
	s6 =	simm.s32 @!p1 $0x1082;
	[sflag:s4] =	ssyncset.s32 $0xFFFFF086  }
0x25: {  	[simem:s6], [sflag:s4] =	dma.local [hbm:s3], $0xF7A  }
0x26: {  	[smem:$0x3F86] =	sst s1;
	(tag) =	ssettag s2;
	_ =	strace s9  }
0x27: {  	s1 =	sld [smem:$0x3F96]  }
0x28: {  	s2 =	sld [smem:$0x3F97]  }
0x29: {  	s4 =	sld [smem:$0x3F99]  }
0x2a: {  	p0 =	seq.s32 s5, $0x0;
	s5 =	sld [smem:$0x3F9A]  }
0x2b: {  	s6 =	sld [smem:$0x3F9B]  }
0x2c: {  	s7 =	sld [smem:$0x3F9C]  }
0x2d: {  	s3 =	simm.s32 $0x108;
	s8 =	sld [smem:$0x3F9D]  }
0x2e: {  	s3 =	simm.s32 @!p0 $0x1082;
	s9 =	sld [smem:$0x3F9E]  }
0x2f: {  	lr =	sadd.s32 s0, s3;
	s0 =	sld [smem:$0x3F95]  }
0x30: {  	s3 =	sld [smem:$0x3F98]  }
0x31: {  	[smem:$0x3FA1] =	sst s10  }
0x32: {  	s10 =	sld [smem:$0x3F9F];
	_ =	sdelay $0x3  }
0x33: {  	p0 =	seq.s32 s10, $0x1;
	s10 =	sld [smem:$0x3FA1];
	_ =	sdelay $0x3  }
0x34: {  	[smem:$0x3FA1] =	sst s10  }
0x35: {  	s10 =	sld [smem:$0x3FA0];
	_ =	sdelay $0x3  }
0x36: {  	p1 =	seq.s32 s10, $0x1;
	s10 =	sld [smem:$0x3FA1];
	_ =	sdelay $0x3  }
0x37: {  	[smem:$0x3FA1] =	sst s10  }
0x38: {  	s10 =	sld [smem:$0x3FA2]  }
0x39: {  	_ = 	snop;
	(pc) =	sbr.ind lr, $3  }
0x3a: {  	_ = 	snop  }
0x3b: {  	_ = 	snop  }
0x3c: {  	p2 =	seq.s32 s10, $0x1;
	s10 =	sld [smem:$0x3FA1]  }
0x3d: {  	_ =	shalt  }
0x3e: {  	_ =	shalt  }
0x3f: {  	_ =	shalt  }
0x40: {  	_ =	shalt  }
0x41: {  	_ =	shalt  }
0x42: {  	_ =	shalt  }
0x43: {  	_ =	shalt  }
0x44: {  	_ =	shalt  }
0x45: {  	_ =	shalt  }
0x46: {  	_ =	shalt  }
0x47: {  	_ =	shalt  }
0x48: {  	_ =	shalt  }
0x49: {  	_ =	shalt  }
0x4a: {  	_ =	shalt  }
0x4b: {  	_ =	shalt  }
0x4c: {  	_ =	shalt  }
0x4d: {  	_ =	shalt  }
0x4e: {  	_ =	shalt  }
0x4f: {  	_ =	shalt  }
0x50: {  	_ =	shalt  }
0x51: {  	_ =	shalt  }
0x52: {  	_ =	shalt  }
0x53: {  	_ =	shalt  }
0x54: {  	_ =	shalt  }
0x55: {  	_ =	shalt  }
0x56: {  	_ =	shalt  }
0x57: {  	_ =	shalt  }
0x58: {  	_ =	shalt  }
0x59: {  	_ =	shalt  }
0x5a: {  	_ =	shalt  }
0x5b: {  	_ =	shalt  }
0x5c: {  	_ =	shalt  }
0x5d: {  	_ =	shalt  }
0x5e: {  	_ =	shalt  }
0x5f: {  	_ =	shalt  }
0x60: {  	_ =	shalt  }
0x61: {  	_ =	shalt  }
0x62: {  	_ =	shalt  }
0x63: {  	_ =	shalt  }
0x64: {  	_ =	shalt  }
0x65: {  	_ =	shalt  }
0x66: {  	_ =	shalt  }
0x67: {  	_ =	shalt  }
0x68: {  	_ =	shalt  }
0x69: {  	_ =	shalt  }
0x6a: {  	_ =	shalt  }
0x6b: {  	_ =	shalt  }
0x6c: {  	_ =	shalt  }
0x6d: {  	_ =	shalt  }
0x6e: {  	_ =	shalt  }
0x6f: {  	_ =	shalt  }
0x70: {  	_ =	shalt  }
0x71: {  	_ =	shalt  }
0x72: {  	_ =	shalt  }
0x73: {  	_ =	shalt  }
0x74: {  	_ =	shalt  }
0x75: {  	_ =	shalt  }
0x76: {  	_ =	shalt  }
0x77: {  	_ =	shalt  }
0x78: {  	_ =	shalt  }
0x79: {  	_ =	shalt  }
0x7a: {  	_ =	shalt  }
0x7b: {  	_ =	shalt  }
0x7c: {  	_ =	shalt  }
0x7d: {  	_ =	shalt  }
0x7e: {  	_ =	shalt  }
0x7f: {  	_ =	shalt  }
0x80: {  	_ =	shalt  }
0x81: {  	_ =	shalt  }
0x82: {  	_ =	shalt  }
0x83: {  	_ =	shalt  }
0x84: {  	_ =	shalt  }
0x85: {  	_ =	shalt  }
0x86: {  	_ =	shalt  }
0x87: {  	_ =	shalt  }
.Lfunc_end0:
.L_simem_size_0:
called_computation.2_lowered:
.L_overlay_start_0:
0x88: {  	s2 =	sld [smem:$0x3FD9]  }
0x89: {  	s3 =	sld [smem:$0x3FFE];
	_ =	sdelay $0x1  }
0x8a: {  	s1 =	srdreg.scid  }
0x8b: {  	s0 =	sand.u32 $0x1, s1  }
0x8c: {  	s16 =	sshll.u32 s0, $0xA;
	s2 =	sadd.s32 s3, s2  }
0x8d: {  	s2 =	sadd.s32 s2, s16  }
0x8e: {  	[smem:$0x3FAD] =	sst s2  }
0x8f: {  	_ = 	snop  }
0x90: {  	(tm) =	ssettm $0x1  }
0x91: {  	s17 =	sld [smem:$0x3FFB];
	_ =	sdelay $0x3  }
0x92: {  	_ =	strace s17  }
0x93: {  	s2 =	sld [smem:$0x3FFC];
	_ =	sdelay $0x3  }
0x94: {  	_ =	strace s2  }
0x95: {  	s2 =	sld [smem:$0x3FFD];
	_ =	sdelay $0x3  }
0x96: {  	_ =	strace s2  }
0x97: {  	_ =	strace $0x8FFFFFFF  }
0x98: {  	s18 =	sld [smem:$0x3FDB];
	_ =	sdelay $0x1  }
0x99: {  	s19 =	simm.s32 $_scs_section_size  }
0x9a: {  	s4 =	simm.s32 $_size__tile_overlayer_lowered;
	s5 =	simm.s32 $_tile_overlayer_lowered  }
0x9b: {  	s22 =	simm.s32 $0x1BFF;
	s21 =	sshll.u32 s5, $0x1;
	s2 =	sadd.s32 s19, s18  }
0x9c: {  	s6 =	simm.s32 $0x0;
	s20 =	sshll.u32 s4, $0x1;
	s4 =	sadd.s32 s21, s2  }
0x9d: {  	[timem:s6], [sflag:s22] =	dma.local [hbm:s4], s20  }
0x9e: {  	_ =	swait.ge [sflag:s22], s20  }
0x9f: {  	s3 =	ssub.s32 $0x0, s20;
	[sflag:s22] =	ssyncset.done $0x0  }
0xa0: {  	[sflag:s22] =	ssyncadd.s32 s3;
	_ =	sdelay $0x1  }
0xa1: {  	s23 =	simm.s32 $0x1B8B  }
0xa2: {  	_ =	swait.ge [sflag:s23], $0x1  }
0xa3: {  	[sflag:s23] =	ssyncset.done $0x0  }
0xa4: {  	s25 =	simm.s32 $0x1B8E;
	s24 =	sld [smem:$0x3FFE];
	[sflag:s23] =	ssyncadd.s32 $0xFFFFFFFF  }
0xa5: {  	s26 =	simm.s32 $execute0_lowered;
	[smem:$0x3FD2] =	sst s25  }
0xa6: {  	s4 =	sshll.u32 s26, $0x1;
	_ =	strace $0x8000004C;
	[dreg:$0x1] =	wrdreg $0xFFFFFFFF  }
0xa7: {  	s28 =	simm.s32 $_size_execute0_lowered;
	s2 =	sadd.s32 s2, s4;
	[dreg:$0x0] =	wrdreg $0x0  }
0xa8: {  	s4 =	sshll.u32 s28, $0x1;
	[dreg:$0x2] =	wrdreg s2  }
0xa9: {  	[dreg:$0x3] =	wrdreg s4  }
0xaa: {  	[dreg:$0x4] =	wrdreg $0xC0  }
0xab: {  	_ =	task [dreg:s6], $0x5FFFF  }
0xac: {  	[dreg:$0x1] =	wrdreg $0xFFFFFFFF  }
0xad: {  	[dreg:$0x0] =	wrdreg $0x60  }
0xae: {  	[dreg:$0x2] =	wrdreg s24  }
0xaf: {  	[dreg:$0x3] =	wrdreg $0x9  }
0xb0: {  	_ =	task.clear_ibuf [dreg:s6], $0x4FFFF;
	_ =	strace $0x9000004C  }
0xb1: {  	s29 =	simm.s32 $0x9;
	_ =	strace $0x8000004E  }
0xb2: {  	_ =	swait.ge [sflag:s29], $0x1  }
0xb3: {  	[sflag:s29] =	ssyncadd.s32 $0xFFFFFFFF  }
0xb4: {  	_ =	strace $0x9000004E  }
0xb5: {  	_ =	sfence  }
0xb6: {  	s30 =	sld [smem:$0x0];
	_ =	sdelay $0x2  }
0xb7: {  	s31 =	sshll.u32 s1, $0xD;
	s1 =	sshrl.u32 s1, $0x2  }
0xb8: {  	s3 =	sand.u32 $0x4000, s31;
	s1 =	sadd.s32 s1, s30  }
0xb9: {  	s0 =	sor.u32 s3, s0;
	s1 =	sshll.u32 s1, $0x11  }
0xba: {  	s0 =	sor.u32 s1, s0  }
0xbb: {  	s0 =	sadd.s32 $0x8F2B, s0  }
0xbc: {  	[sflag:s0] =	ssyncadd.remote.s32 $0x1  }
0xbd: {  	_ =	sfence.sel $0xFFFF  }
0xbe: {  	[dreg:$0x0] =	wrdreg $0xFFFFFFFF;
	(pc) =	sbr.abs _section_cstart, $3  }
0xbf: {  	[dreg:$0x1] =	wrdreg $0xFFFFFFFF  }
0xc0: {  	_ =	task.clear_ibuf [dreg:s6], $0x2FFFF;
	_ =	strace $0x9FFFFFFF  }
0xc1: {  	(tm) =	ssettm $0x7FFFFFFF  }
tec
execute0_lowered:
.L_overlay_start_1:
0x0: {  	(tag) =	ssettag $0x1  }
0x1: {  	s1 =	srdreg.scid;
	s0 =	stileid.u32  }
0x2: {  	s14 =	sand.u32 $0x1, s1;
	s29 =	sshll.u32 s0, $0x1  }
0x3: {  	s15 =	sor.u32 s14, s29  }
0x4: {  	s16 =	rddreg [dreg:$0x0];
	s3 =	smul.u32 $0x28, s15  }
0x5: {  	s2 =	simm.s32 $0x0;
	s1 =	rddreg [dreg:$0x1]  }
0x6: {  	[smem:$0x7FF] =	sst s2;
	s3 =	sadd.s32 s3, s16  }
0x7: {  	_ =	strace $0x8000004D;
	s4 =	sadd.s32 $0x6C00, s3;
	s3 =	simm.s32 $0x2  }
0x8: {  	[tilespmem:s2], [sflag:$0x2] =	stream.linear.gather [hbm4b:s4+s2], $0x140, $0x38;
	[tilespmem:$0xA180] =	vst v63  }
0x9: {  	_ =	swait.ge [sflag:s3], $0x140  }
0xa: {  	s6 =	simm.s32 $0x50;
	[sflag:s3] =	ssyncset.done $0x0  }
0xb: {  	s7 =	simm.s32 $0x180;
	s5 =	sadd.s32 $0x7200, s16;
	[sflag:s3] =	ssyncadd.s32 $0xFFFFFEC0  }
0xc: {  	[tilespmem:s7], [sflag:$0x1] =	stream.indirect.gather [hbm4b:s5+s6], $0x80, s2, s6, $0xb8;
	[tilespmem:$0xA180] =	vst v63  }
0xd: {  	s8 =	simm.s32 $0x2980  }
0xe: {  	[tilespmem:s8], [sflag:$0x1] =	stream.indirect.gather [hbm4b:s5+s6], $0x80, s6, s6, $0xb8;
	[tilespmem:$0xA180] =	vst v63  }
0xf: {  	s9 =	simm.s32 $0xA0;
	s10 =	simm.s32 $0x5180  }
0x10: {  	[tilespmem:s10], [sflag:$0x1] =	stream.indirect.gather [hbm4b:s5+s6], $0x80, s9, s6, $0xb8;
	[tilespmem:$0xA180] =	vst v63  }
0x11: {  	s11 =	simm.s32 $0xF0;
	s12 =	simm.s32 $0x7980;
	s13 =	simm.s32 $0x1  }
0x12: {  	[tilespmem:s12], [sflag:$0x1] =	stream.indirect.gather [hbm4b:s5+s6], $0x80, s11, s6, $0xb8;
	[tilespmem:$0xA180] =	vst v63  }
0x13: {  	_ =	swait.ge [sflag:s13], $0x2800  }
0x14: {  	[sflag:s13] =	ssyncset.done $0x0  }
0x15: {  	[sflag:s13] =	ssyncadd.s32 $0xFFFFD800  }
0x16: {  	_ =	swait.ge [sflag:s13], $0x2800  }
0x17: {  	[sflag:s13] =	ssyncset.done $0x0  }
0x18: {  	s14 =	ssub.s32 $0x2, s14;
	[sflag:s13] =	ssyncadd.s32 $0xFFFFD800  }
0x19: {  	s17 =	sshrl.u32 s14, $0x1;
	_ =	swait.ge [sflag:s13], $0x2800  }
0x1a: {  	s30 =	ssub.s32 s14, s17;
	[sflag:s13] =	ssyncset.done $0x0  }
0x1b: {  	s15 =	smul.u32 $0x1400, s15;
	s31 =	smax.u32 s30, $0x1;
	[sflag:s13] =	ssyncadd.s32 $0xFFFFD800  }
0x1c: {  	p0 =	sne.s32 s31, $0x1;
	_ =	swait.ge [sflag:s13], $0x2800  }
.Ltmp0:
0x1d: {  	s15 =	sadd.s32 s15, s16;
	[sflag:s13] =	ssyncset.done $0x0;
	(pc) =	sbr.rel @!p0 .LBB2_2-.Ltmp0, $4  }
0x1e: {  	s14 =	sadd.s32 $0x2F200, s15;
	[sflag:s13] =	ssyncadd.s32 $0xFFFFD800  }
0x1f: {  	[hbm4b:s14+s2] =	stream.linear.scatter [tilespmem:s7], [sflag:$0x2], $0xA000, $0x38;
	[tilespmem:$0xA180] =	vst v63  }
0x20: {  	_ =	swait.ge [sflag:s3], $0xA000  }
0x21: {  	s15 =	sadd.s32 $0xFFFFFFFF, s31;
	[sflag:s3] =	ssyncset.done $0x0  }
.LBB2_1:
0x22: {  	p0 =	sne.s32 s15, $0x1;
	s15 =	sadd.s32 $0xFFFFFFFF, s15;
	[sflag:s3] =	ssyncadd.s32 $0xFFFF6000  }
0x23: {  	[tilespmem:s2], [sflag:$0x2] =	stream.linear.gather [hbm4b:s4+s2], $0x140, $0x38;
	[tilespmem:$0xA180] =	vst v63  }
0x24: {  	_ =	swait.ge [sflag:s3], $0x140  }
0x25: {  	[sflag:s3] =	ssyncset.done $0x0  }
0x26: {  	[sflag:s3] =	ssyncadd.s32 $0xFFFFFEC0  }
0x27: {  	[tilespmem:s7], [sflag:$0x1] =	stream.indirect.gather [hbm4b:s5+s6], $0x80, s2, s6, $0xb8;
	[tilespmem:$0xA180] =	vst v63  }
0x28: {  	_ = 	snop  }
0x29: {  	[tilespmem:s8], [sflag:$0x1] =	stream.indirect.gather [hbm4b:s5+s6], $0x80, s6, s6, $0xb8;
	[tilespmem:$0xA180] =	vst v63  }
0x2a: {  	_ = 	snop  }
0x2b: {  	[tilespmem:s10], [sflag:$0x1] =	stream.indirect.gather [hbm4b:s5+s6], $0x80, s9, s6, $0xb8;
	[tilespmem:$0xA180] =	vst v63  }
0x2c: {  	_ = 	snop  }
0x2d: {  	[tilespmem:s12], [sflag:$0x1] =	stream.indirect.gather [hbm4b:s5+s6], $0x80, s11, s6, $0xb8;
	[tilespmem:$0xA180] =	vst v63  }
0x2e: {  	_ =	swait.ge [sflag:s13], $0x2800  }
0x2f: {  	[sflag:s13] =	ssyncset.done $0x0  }
0x30: {  	[sflag:s13] =	ssyncadd.s32 $0xFFFFD800  }
0x31: {  	_ =	swait.ge [sflag:s13], $0x2800  }
0x32: {  	[sflag:s13] =	ssyncset.done $0x0  }
0x33: {  	[sflag:s13] =	ssyncadd.s32 $0xFFFFD800  }
0x34: {  	_ =	swait.ge [sflag:s13], $0x2800  }
0x35: {  	[sflag:s13] =	ssyncset.done $0x0  }
0x36: {  	[sflag:s13] =	ssyncadd.s32 $0xFFFFD800  }
0x37: {  	_ =	swait.ge [sflag:s13], $0x2800  }
.Ltmp1:
0x38: {  	[sflag:s13] =	ssyncset.done $0x0;
	(pc) =	sbr.rel @p0 .LBB2_1-.Ltmp1, $4  }
0x39: {  	[sflag:s13] =	ssyncadd.s32 $0xFFFFD800  }
0x3a: {  	[hbm4b:s14+s2] =	stream.linear.scatter [tilespmem:s7], [sflag:$0x2], $0xA000, $0x38;
	[tilespmem:$0xA180] =	vst v63  }
0x3b: {  	_ =	swait.ge [sflag:s3], $0xA000  }
0x3c: {  	[sflag:s3] =	ssyncset.done $0x0  }
.LBB2_2:
0x3d: {  	[sflag:s3] =	ssyncadd.s32 $0xFFFF6000  }
0x3e: {  	_ =	sfence.sel $0x180000  }
0x3f: {  	[bflag:$0x0] =	sbarrier.arrive $0xFFFF  }
0x40: {  	p0 =	sne.s32 s0, $0x0;
	_ =	strace $0x9000004D  }
0x41: {  	s0 =	sadd.s32 @!p0 $0x100000, s1;
	[bflag:$0x2] =	sbarrier.arrive $0xFFFF  }
0x42: {  	[sflag:s0] =	ssyncadd.tile.s32 @!p0 $0x1;
	_ =	shalt  }
.Lfunc_end2:
_tile_overlayer_lowered:
.L_overlay_start_2:
0x43: {  	(tag) =	ssettag $0x2  }
0x44: {  	s0 =	rddreg [dreg:$0x0];
	s2 =	stileid.u32  }
0x45: {  	s1 =	rddreg [dreg:$0x1];
	p0 =	sne.s32 s2, $0x0  }
0x46: {  	s3 =	rddreg [dreg:$0x2];
	[bflag:$0x3] =	sbarrier.arrive $0xFFFF;
	s2 =	simm.s32 @!p0 $0x1C02  }
0x47: {  	[timem:s3], [sflag:s2] =	dma.local @!p0 [hbm:s0], s1  }
0x48: {  	s0 =	simm.s32 @!p0 $0x2  }
0x49: {  	_ =	swait.ge @!p0 [sflag:s0], s1  }
0x4a: {  	s1 =	ssub.s32 @!p0 $0x0, s1;
	[sflag:s0] =	ssyncset.done @!p0 $0x0  }
0x4b: {  	[sflag:s0] =	ssyncadd.s32 @!p0 s1  }
0x4c: {  	[bflag:$0x3] =	sbarrier.arrive $0xFFFF  }
0x4d: {  	_ =	shalt  }

// kernel: kernel.23.cloned.1.call-start
scs
__scs_entry_jumppad:
0x0: {  	(pc) =	sbr.rel $0x88, $3  }
0x1: {  	(tag) =	ssettag $0x0;
	lr =	simm.s32 $0x1  }
0x2: {  	[smem:$0x3F86] =	sst lr;
	_ =	strace $0xD0000000  }
0x3: {  	_ = 	snop  }
0x4: {  	_ = 	snop  }
0x5: {  	_ = 	snop  }
0x6: {  	_ = 	snop  }
0x7: {  	_ = 	snop  }
__scs_overlays_trampoline_lowered:
0x8: {  	[smem:$0x3F95] =	sst s0  }
0x9: {  	[smem:$0x3F96] =	sst s1  }
0xa: {  	[smem:$0x3F97] =	sst s2  }
0xb: {  	[smem:$0x3F98] =	sst s3  }
0xc: {  	[smem:$0x3F99] =	sst s4  }
0xd: {  	[smem:$0x3F9A] =	sst s5  }
0xe: {  	[smem:$0x3F9B] =	sst s6  }
0xf: {  	[smem:$0x3F9C] =	sst s7  }
0x10: {  	[smem:$0x3F9D] =	sst s8  }
0x11: {  	[smem:$0x3F9E] =	sst s9;
	s0 =	simm.s32 @!p0 $0x0  }
0x12: {  	s1 =	sld [smem:$0x3F84];
	s0 =	simm.s32 @p0 $0x1  }
0x13: {  	[smem:$0x3F9F] =	sst s0;
	s0 =	simm.s32 @!p1 $0x0  }
0x14: {  	s2 =	sld [smem:$0x3F83];
	s0 =	simm.s32 @p1 $0x1  }
0x15: {  	[smem:$0x3FA0] =	sst s0;
	s0 =	simm.s32 @!p2 $0x0  }
0x16: {  	s3 =	sld [smem:$0x3FDB];
	s0 =	simm.s32 @p2 $0x1  }
0x17: {  	s4 =	simm.s32 $0x1BF5;
	[smem:$0x3FA2] =	sst s0  }
0x18: {  	s0 =	sld [smem:$0x3F85];
	_ =	swait.ge [sflag:s4], $0x0  }
0x19: {  	s7 =	sld [smem:$0x3F86]  }
0x1a: {  	s8 =	sadd.s32 $0xFFFFE003, lr  }
0x1b: {  	s9 =	sadd.s32 $0xFFFFFEF7, lr;
	s5 =	simm.s32 $0xFFFFFFFF;
	p2 =	slt.u32 s8, $0xFFFFF086  }
0x1c: {  	p1 =	slt.u32 s9, $0xF7A;
	s5 =	simm.s32 @!p2 $0x0  }
0x1d: {  	s5 =	simm.s32 @p1 $0x1;
	p0 =	seq.s32 s7, s2  }
0x1e: {  	s7 =	smul.u32 @!p0 $0xF7A, s2;
	p2 =	seq.s32 @!p0 s5, $0x0  }
0x1f: {  	s9 =	smul.u32 $0xF7A, s1;
	s8 =	simm.s32 @!p0 $0x1BF5;
	p2 =	por !p2, p0  }
0x20: {  	[sflag:s8] =	ssyncset.s32 @!p0 $0xFFFFF086;
	s6 =	sadd.s32 @!p0 s3, s7;
	s7 =	simm.s32 @!p0 $0x108  }
0x21: {  	s3 =	sadd.s32 s3, s9;
	s6 =	sadd.s32 @!p0 $0x88, s6;
	s7 =	simm.s32 @p2 $0x1082  }
0x22: {  	[simem:s7], [sflag:s8] =	dma.local @!p0 [hbm:s6], $0xF7A  }
0x23: {  	s9 =	sor.u32 $0xD0000000, s2;
	s6 =	simm.s32 $0x108;
	_ =	swait.ge @!p0 [sflag:s8], $0x0  }
0x24: {  	s3 =	sadd.s32 $0x88, s3;
	s6 =	simm.s32 @!p1 $0x1082;
	[sflag:s4] =	ssyncset.s32 $0xFFFFF086  }
0x25: {  	[simem:s6], [sflag:s4] =	dma.local [hbm:s3], $0xF7A  }
0x26: {  	[smem:$0x3F86] =	sst s1;
	(tag) =	ssettag s2;
	_ =	strace s9  }
0x27: {  	s1 =	sld [smem:$0x3F96]  }
0x28: {  	s2 =	sld [smem:$0x3F97]  }
0x29: {  	s4 =	sld [smem:$0x3F99]  }
0x2a: {  	p0 =	seq.s32 s5, $0x0;
	s5 =	sld [smem:$0x3F9A]  }
0x2b: {  	s6 =	sld [smem:$0x3F9B]  }
0x2c: {  	s7 =	sld [smem:$0x3F9C]  }
0x2d: {  	s3 =	simm.s32 $0x108;
	s8 =	sld [smem:$0x3F9D]  }
0x2e: {  	s3 =	simm.s32 @!p0 $0x1082;
	s9 =	sld [smem:$0x3F9E]  }
0x2f: {  	lr =	sadd.s32 s0, s3;
	s0 =	sld [smem:$0x3F95]  }
0x30: {  	s3 =	sld [smem:$0x3F98]  }
0x31: {  	[smem:$0x3FA1] =	sst s10  }
0x32: {  	s10 =	sld [smem:$0x3F9F];
	_ =	sdelay $0x3  }
0x33: {  	p0 =	seq.s32 s10, $0x1;
	s10 =	sld [smem:$0x3FA1];
	_ =	sdelay $0x3  }
0x34: {  	[smem:$0x3FA1] =	sst s10  }
0x35: {  	s10 =	sld [smem:$0x3FA0];
	_ =	sdelay $0x3  }
0x36: {  	p1 =	seq.s32 s10, $0x1;
	s10 =	sld [smem:$0x3FA1];
	_ =	sdelay $0x3  }
0x37: {  	[smem:$0x3FA1] =	sst s10  }
0x38: {  	s10 =	sld [smem:$0x3FA2]  }
0x39: {  	_ = 	snop;
	(pc) =	sbr.ind lr, $3  }
0x3a: {  	_ = 	snop  }
0x3b: {  	_ = 	snop  }
0x3c: {  	p2 =	seq.s32 s10, $0x1;
	s10 =	sld [smem:$0x3FA1]  }
0x3d: {  	_ =	shalt  }
0x3e: {  	_ =	shalt  }
0x3f: {  	_ =	shalt  }
0x40: {  	_ =	shalt  }
0x41: {  	_ =	shalt  }
0x42: {  	_ =	shalt  }
0x43: {  	_ =	shalt  }
0x44: {  	_ =	shalt  }
0x45: {  	_ =	shalt  }
0x46: {  	_ =	shalt  }
0x47: {  	_ =	shalt  }
0x48: {  	_ =	shalt  }
0x49: {  	_ =	shalt  }
0x4a: {  	_ =	shalt  }
0x4b: {  	_ =	shalt  }
0x4c: {  	_ =	shalt  }
0x4d: {  	_ =	shalt  }
0x4e: {  	_ =	shalt  }
0x4f: {  	_ =	shalt  }
0x50: {  	_ =	shalt  }
0x51: {  	_ =	shalt  }
0x52: {  	_ =	shalt  }
0x53: {  	_ =	shalt  }
0x54: {  	_ =	shalt  }
0x55: {  	_ =	shalt  }
0x56: {  	_ =	shalt  }
0x57: {  	_ =	shalt  }
0x58: {  	_ =	shalt  }
0x59: {  	_ =	shalt  }
0x5a: {  	_ =	shalt  }
0x5b: {  	_ =	shalt  }
0x5c: {  	_ =	shalt  }
0x5d: {  	_ =	shalt  }
0x5e: {  	_ =	shalt  }
0x5f: {  	_ =	shalt  }
0x60: {  	_ =	shalt  }
0x61: {  	_ =	shalt  }
0x62: {  	_ =	shalt  }
0x63: {  	_ =	shalt  }
0x64: {  	_ =	shalt  }
0x65: {  	_ =	shalt  }
0x66: {  	_ =	shalt  }
0x67: {  	_ =	shalt  }
0x68: {  	_ =	shalt  }
0x69: {  	_ =	shalt  }
0x6a: {  	_ =	shalt  }
0x6b: {  	_ =	shalt  }
0x6c: {  	_ =	shalt  }
0x6d: {  	_ =	shalt  }
0x6e: {  	_ =	shalt  }
0x6f: {  	_ =	shalt  }
0x70: {  	_ =	shalt  }
0x71: {  	_ =	shalt  }
0x72: {  	_ =	shalt  }
0x73: {  	_ =	shalt  }
0x74: {  	_ =	shalt  }
0x75: {  	_ =	shalt  }
0x76: {  	_ =	shalt  }
0x77: {  	_ =	shalt  }
0x78: {  	_ =	shalt  }
0x79: {  	_ =	shalt  }
0x7a: {  	_ =	shalt  }
0x7b: {  	_ =	shalt  }
0x7c: {  	_ =	shalt  }
0x7d: {  	_ =	shalt  }
0x7e: {  	_ =	shalt  }
0x7f: {  	_ =	shalt  }
0x80: {  	_ =	shalt  }
0x81: {  	_ =	shalt  }
0x82: {  	_ =	shalt  }
0x83: {  	_ =	shalt  }
0x84: {  	_ =	shalt  }
0x85: {  	_ =	shalt  }
0x86: {  	_ =	shalt  }
0x87: {  	_ =	shalt  }
.Lfunc_end0:
.L_simem_size_0:
called_computation.3_lowered:
.L_overlay_start_0:
0x88: {  	s2 =	sld [smem:$0x3FD9]  }
0x89: {  	s3 =	sld [smem:$0x3FFE];
	_ =	sdelay $0x1  }
0x8a: {  	s1 =	srdreg.scid  }
0x8b: {  	s0 =	sand.u32 $0x1, s1  }
0x8c: {  	s16 =	sshll.u32 s0, $0xA;
	s2 =	sadd.s32 s3, s2  }
0x8d: {  	s2 =	sadd.s32 s2, s16  }
0x8e: {  	[smem:$0x3FAD] =	sst s2  }
0x8f: {  	_ = 	snop  }
0x90: {  	(tm) =	ssettm $0x1  }
0x91: {  	s17 =	sld [smem:$0x3FFB];
	_ =	sdelay $0x3  }
0x92: {  	_ =	strace s17  }
0x93: {  	s2 =	sld [smem:$0x3FFC];
	_ =	sdelay $0x3  }
0x94: {  	_ =	strace s2  }
0x95: {  	s2 =	sld [smem:$0x3FFD];
	_ =	sdelay $0x3  }
0x96: {  	_ =	strace s2  }
0x97: {  	_ =	strace $0x8FFFFFFF  }
0x98: {  	s18 =	sld [smem:$0x3FDB];
	_ =	sdelay $0x1  }
0x99: {  	s19 =	simm.s32 $_scs_section_size  }
0x9a: {  	s4 =	simm.s32 $_size__tile_overlayer_lowered;
	s5 =	simm.s32 $_tile_overlayer_lowered  }
0x9b: {  	s22 =	simm.s32 $0x1BFF;
	s21 =	sshll.u32 s5, $0x1;
	s2 =	sadd.s32 s19, s18  }
0x9c: {  	s6 =	simm.s32 $0x0;
	s20 =	sshll.u32 s4, $0x1;
	s4 =	sadd.s32 s21, s2  }
0x9d: {  	[timem:s6], [sflag:s22] =	dma.local [hbm:s4], s20  }
0x9e: {  	_ =	swait.ge [sflag:s22], s20  }
0x9f: {  	s3 =	ssub.s32 $0x0, s20;
	[sflag:s22] =	ssyncset.done $0x0  }
0xa0: {  	[sflag:s22] =	ssyncadd.s32 s3;
	_ =	sdelay $0x1  }
0xa1: {  	s23 =	simm.s32 $0x1B8B  }
0xa2: {  	_ =	swait.ge [sflag:s23], $0x1  }
0xa3: {  	[sflag:s23] =	ssyncset.done $0x0  }
0xa4: {  	s25 =	simm.s32 $0x1B8E;
	s24 =	sld [smem:$0x3FFE];
	[sflag:s23] =	ssyncadd.s32 $0xFFFFFFFF  }
0xa5: {  	s26 =	simm.s32 $execute0_lowered;
	[smem:$0x3FD2] =	sst s25  }
0xa6: {  	s4 =	sshll.u32 s26, $0x1;
	_ =	strace $0x8000004F;
	[dreg:$0x1] =	wrdreg $0xFFFFFFFF  }
0xa7: {  	s28 =	simm.s32 $_size_execute0_lowered;
	s2 =	sadd.s32 s2, s4;
	[dreg:$0x0] =	wrdreg $0x0  }
0xa8: {  	s4 =	sshll.u32 s28, $0x1;
	[dreg:$0x2] =	wrdreg s2  }
0xa9: {  	[dreg:$0x3] =	wrdreg s4  }
0xaa: {  	[dreg:$0x4] =	wrdreg $0xC0  }
0xab: {  	_ =	task [dreg:s6], $0x5FFFF  }
0xac: {  	[dreg:$0x1] =	wrdreg $0xFFFFFFFF  }
0xad: {  	[dreg:$0x0] =	wrdreg $0x60  }
0xae: {  	[dreg:$0x2] =	wrdreg s24  }
0xaf: {  	[dreg:$0x3] =	wrdreg $0xA2000  }
0xb0: {  	[dreg:$0x4] =	wrdreg $0x9  }
0xb1: {  	_ =	task.clear_ibuf [dreg:s6], $0x5FFFF;
	_ =	strace $0x9000004F  }
0xb2: {  	s29 =	simm.s32 $0x9;
	_ =	strace $0x80000051  }
0xb3: {  	_ =	swait.ge [sflag:s29], $0x1  }
0xb4: {  	[sflag:s29] =	ssyncadd.s32 $0xFFFFFFFF  }
0xb5: {  	_ =	strace $0x90000051  }
0xb6: {  	_ =	sfence  }
0xb7: {  	s30 =	sld [smem:$0x0];
	_ =	sdelay $0x2  }
0xb8: {  	s31 =	sshll.u32 s1, $0xD;
	s1 =	sshrl.u32 s1, $0x2  }
0xb9: {  	s3 =	sand.u32 $0x4000, s31;
	s1 =	sadd.s32 s1, s30  }
0xba: {  	s0 =	sor.u32 s3, s0;
	s1 =	sshll.u32 s1, $0x11  }
0xbb: {  	s0 =	sor.u32 s1, s0  }
0xbc: {  	s0 =	sadd.s32 $0x8F2B, s0  }
0xbd: {  	[sflag:s0] =	ssyncadd.remote.s32 $0x1  }
0xbe: {  	_ =	sfence.sel $0xFFFF  }
0xbf: {  	[dreg:$0x0] =	wrdreg $0xFFFFFFFF;
	(pc) =	sbr.abs _section_cstart, $3  }
0xc0: {  	[dreg:$0x1] =	wrdreg $0xFFFFFFFF  }
0xc1: {  	_ =	task.clear_ibuf [dreg:s6], $0x2FFFF;
	_ =	strace $0x9FFFFFFF  }
0xc2: {  	(tm) =	ssettm $0x7FFFFFFF  }
0xc3: {  	_ =	shalt  }
tec
execute0_lowered:
.L_overlay_start_1:
0x0: {  	(tag) =	ssettag $0x1  }
0x1: {  	s20 =	rddreg [dreg:$0x0]  }
0x2: {  	s2 =	rddreg [dreg:$0x1]  }
0x3: {  	s0 =	rddreg [dreg:$0x2]  }
0x4: {  	s4 =	srdreg.scid;
	s1 =	stileid.u32  }
0x5: {  	s3 =	simm.s32 $0x0;
	s21 =	sand.u32 $0x1, s4;
	s30 =	sshll.u32 s1, $0x1  }
0x6: {  	[smem:$0x7FF] =	sst s3;
	s5 =	smul.u32 $0x50000, s1;
	s4 =	sor.u32 s21, s30  }
0x7: {  	s22 =	sshll.u32 s1, $0x6;
	s9 =	smul.u32 $0x1400, s4;
	s4 =	sshll.u32 s4, $0x6  }
0x8: {  	_ =	strace $0x80000050;
	s5 =	sshrl.u32 s5, $0x2;
	s6 =	sadd.s32 s4, s20  }
0x9: {  	s4 =	sadd.s32 $0x57A00, s20;
	s7 =	sadd.s32 s5, s2;
	s5 =	sor.u32 $0x1C01, s22  }
0xa: {  	s6 =	sadd.s32 $0x57200, s6;
	s8 =	sshrl.u32 s7, $0x3;
	s7 =	simm.s32 $0x3  }
0xb: {  	[spmem:s8], [sflag:s5] =	dma.local [hbm:s4], $0x2800  }
0xc: {  	[tilespmem:s3], [sflag:$0x3] =	stream.linear.gather [hbm4b:s6+s3], $0x200, $0x38;
	[tilespmem:$0x1E200] =	vst v63  }
0xd: {  	_ =	swait.ge [sflag:s7], $0x200  }
0xe: {  	s9 =	sadd.s32 s9, s20;
	[sflag:s7] =	ssyncset.done $0x0  }
0xf: {  	s10 =	simm.s32 $0x200;
	s9 =	sadd.s32 $0x2F200, s9;
	[sflag:s7] =	ssyncadd.s32 $0xFFFFFE00  }
0x10: {  	[tilespmem:s10], [sflag:$0x3] =	stream.linear.gather [hbm4b:s9+s3], $0xA000, $0x38;
	[tilespmem:$0x1E200] =	vst v63  }
0x11: {  	_ =	swait.ge [sflag:s7], $0xA000  }
0x12: {  	[sflag:s7] =	ssyncset.done $0x0  }
0x13: {  	s11 =	simm.s32 $0x1;
	[sflag:s7] =	ssyncadd.s32 $0xFFFF6000  }
0x14: {  	_ =	swait.ge [sflag:s11], $0x2800  }
0x15: {  	[sflag:s11] =	ssyncset.done $0x0  }
0x16: {  	[sflag:s11] =	ssyncadd.s32 $0xFFFFD800  }
0x17: {  	s12 =	simm.s32 $0x50;
	[bflag:$0x0] =	sbarrier.arrive $0xFFFF  }
0x18: {  	[spmem:s2] =	stream.indirect.scatter.add.f32 [tilespmem:s10], [sflag:$0x2], $0x80, s3, s12, $0xb8;
	[tilespmem:$0x1E200] =	vst v63  }
0x19: {  	s13 =	simm.s32 $0x80;
	s14 =	simm.s32 $0x2A00  }
0x1a: {  	[spmem:s2] =	stream.indirect.scatter.add.f32 [tilespmem:s14], [sflag:$0x2], $0x80, s13, s12, $0xb8;
	[tilespmem:$0x1E200] =	vst v63  }
0x1b: {  	s15 =	simm.s32 $0x100;
	s16 =	simm.s32 $0x5200  }
0x1c: {  	[spmem:s2] =	stream.indirect.scatter.add.f32 [tilespmem:s16], [sflag:$0x2], $0x80, s15, s12, $0xb8;
	[tilespmem:$0x1E200] =	vst v63  }
0x1d: {  	s17 =	simm.s32 $0x180;
	s18 =	simm.s32 $0x7A00;
	s19 =	simm.s32 $0x2  }
0x1e: {  	[spmem:s2] =	stream.indirect.scatter.add.f32 [tilespmem:s18], [sflag:$0x2], $0x80, s17, s12, $0xb8;
	[tilespmem:$0x1E200] =	vst v63  }
0x1f: {  	_ =	swait.ge [sflag:s19], $0x2800  }
0x20: {  	[sflag:s19] =	ssyncset.done $0x0  }
0x21: {  	[sflag:s19] =	ssyncadd.s32 $0xFFFFD800  }
0x22: {  	_ =	swait.ge [sflag:s19], $0x2800  }
0x23: {  	s24 =	smul.u32 $0x14000, s1;
	[sflag:s19] =	ssyncset.done $0x0  }
0x24: {  	s23 =	smul.u32 $0x140000, s21;
	[sflag:s19] =	ssyncadd.s32 $0xFFFFD800  }
0x25: {  	s21 =	ssub.s32 $0x2, s21;
	_ =	swait.ge [sflag:s19], $0x2800  }
0x26: {  	s31 =	sshrl.u32 s21, $0x1;
	s23 =	sadd.s32 s24, s23;
	[sflag:s19] =	ssyncset.done $0x0  }
0x27: {  	s21 =	ssub.s32 s21, s31;
	s23 =	sshrl.u32 s23, $0x3;
	[sflag:s19] =	ssyncadd.s32 $0xFFFFD800  }
0x28: {  	s20 =	sadd.s32 s23, s20;
	s23 =	smax.u32 s21, $0x1;
	_ =	swait.ge [sflag:s19], $0x2800  }
0x29: {  	p0 =	sne.s32 s23, $0x1;
	[sflag:s19] =	ssyncset.done $0x0  }
.Ltmp0:
0x2a: {  	[sflag:s19] =	ssyncadd.s32 $0xFFFFD800;
	(pc) =	sbr.rel @!p0 .LBB2_2-.Ltmp0, $4  }
0x2b: {  	s21 =	sor.u32 $0x1C03, s22;
	s20 =	sadd.s32 $0x5A200, s20;
	[bflag:$0x0] =	sbarrier.arrive $0xFFFF  }
0x2c: {  	[hbm:s20], [sflag:s21] =	dma.local [spmem:s8], $0x2800  }
0x2d: {  	_ =	swait.ge [sflag:s7], $0x2800  }
0x2e: {  	s22 =	sadd.s32 $0xFFFFFFFF, s23;
	[sflag:s7] =	ssyncset.done $0x0  }
.LBB2_1:
0x2f: {  	p0 =	sne.s32 s22, $0x1;
	s22 =	sadd.s32 $0xFFFFFFFF, s22;
	[sflag:s7] =	ssyncadd.s32 $0xFFFFD800  }
0x30: {  	[spmem:s8], [sflag:s5] =	dma.local [hbm:s4], $0x2800  }
0x31: {  	[tilespmem:s3], [sflag:$0x3] =	stream.linear.gather [hbm4b:s6+s3], $0x200, $0x38;
	[tilespmem:$0x1E200] =	vst v63  }
0x32: {  	_ =	swait.ge [sflag:s7], $0x200  }
0x33: {  	[sflag:s7] =	ssyncset.done $0x0  }
0x34: {  	[sflag:s7] =	ssyncadd.s32 $0xFFFFFE00  }
0x35: {  	[tilespmem:s10], [sflag:$0x3] =	stream.linear.gather [hbm4b:s9+s3], $0xA000, $0x38;
	[tilespmem:$0x1E200] =	vst v63  }
0x36: {  	_ =	swait.ge [sflag:s7], $0xA000  }
0x37: {  	[sflag:s7] =	ssyncset.done $0x0  }
0x38: {  	[sflag:s7] =	ssyncadd.s32 $0xFFFF6000  }
0x39: {  	_ =	swait.ge [sflag:s11], $0x2800  }
0x3a: {  	[sflag:s11] =	ssyncset.done $0x0  }
0x3b: {  	[sflag:s11] =	ssyncadd.s32 $0xFFFFD800  }
0x3c: {  	[bflag:$0x0] =	sbarrier.arrive $0xFFFF  }
0x3d: {  	[spmem:s2] =	stream.indirect.scatter.add.f32 [tilespmem:s10], [sflag:$0x2], $0x80, s3, s12, $0xb8;
	[tilespmem:$0x1E200] =	vst v63  }
0x3e: {  	_ = 	snop  }
0x3f: {  	[spmem:s2] =	stream.indirect.scatter.add.f32 [tilespmem:s14], [sflag:$0x2], $0x80, s13, s12, $0xb8;
	[tilespmem:$0x1E200] =	vst v63  }
0x40: {  	_ = 	snop  }
0x41: {  	[spmem:s2] =	stream.indirect.scatter.add.f32 [tilespmem:s16], [sflag:$0x2], $0x80, s15, s12, $0xb8;
	[tilespmem:$0x1E200] =	vst v63  }
0x42: {  	_ = 	snop  }
0x43: {  	[spmem:s2] =	stream.indirect.scatter.add.f32 [tilespmem:s18], [sflag:$0x2], $0x80, s17, s12, $0xb8;
	[tilespmem:$0x1E200] =	vst v63  }
0x44: {  	_ =	swait.ge [sflag:s19], $0x2800  }
0x45: {  	[sflag:s19] =	ssyncset.done $0x0  }
0x46: {  	[sflag:s19] =	ssyncadd.s32 $0xFFFFD800  }
0x47: {  	_ =	swait.ge [sflag:s19], $0x2800  }
0x48: {  	[sflag:s19] =	ssyncset.done $0x0  }
0x49: {  	[sflag:s19] =	ssyncadd.s32 $0xFFFFD800  }
0x4a: {  	_ =	swait.ge [sflag:s19], $0x2800  }
0x4b: {  	[sflag:s19] =	ssyncset.done $0x0  }
0x4c: {  	[sflag:s19] =	ssyncadd.s32 $0xFFFFD800  }
0x4d: {  	_ =	swait.ge [sflag:s19], $0x2800  }
0x4e: {  	[sflag:s19] =	ssyncset.done $0x0  }
.Ltmp1:
0x4f: {  	[sflag:s19] =	ssyncadd.s32 $0xFFFFD800;
	(pc) =	sbr.rel @p0 .LBB2_1-.Ltmp1, $4  }
0x50: {  	[bflag:$0x0] =	sbarrier.arrive $0xFFFF  }
0x51: {  	[hbm:s20], [sflag:s21] =	dma.local [spmem:s8], $0x2800  }
0x52: {  	_ =	swait.ge [sflag:s7], $0x2800  }
0x53: {  	[sflag:s7] =	ssyncset.done $0x0  }
.LBB2_2:
0x54: {  	[sflag:s7] =	ssyncadd.s32 $0xFFFFD800  }
0x55: {  	_ =	sfence.sel $0x180000  }
0x56: {  	[bflag:$0x0] =	sbarrier.arrive $0xFFFF  }
0x57: {  	p0 =	sne.s32 s1, $0x0;
	_ =	strace $0x90000050  }
0x58: {  	s0 =	sadd.s32 @!p0 $0x100000, s0;
	[bflag:$0x2] =	sbarrier.arrive $0xFFFF  }
0x59: {  	[sflag:s0] =	ssyncadd.tile.s32 @!p0 $0x1;
	_ =	shalt  }
.Lfunc_end2:
_tile_overlayer_lowered:
.L_overlay_start_2:
0x5a: {  	(tag) =	ssettag $0x2  }
0x5b: {  	s0 =	rddreg [dreg:$0x0];
	s2 =	stileid.u32  }
0x5c: {  	s1 =	rddreg [dreg:$0x1];
	p0 =	sne.s32 s2, $0x0  }
0x5d: {  	s3 =	rddreg [dreg:$0x2];
	[bflag:$0x3] =	sbarrier.arrive $0xFFFF;
	s2 =	simm.s32 @!p0 $0x1C03  }
0x5e: {  	[timem:s3], [sflag:s2] =	dma.local @!p0 [hbm:s0], s1  }
0x5f: {  	s0 =	simm.s32 @!p0 $0x3  }
0x60: {  	_ =	swait.ge @!p0 [sflag:s0], s1  }
0x61: {  	s1 =	ssub.s32 @!p0 $0x0, s1;
	[sflag:s0] =	ssyncset.done @!p0 $0x0  }
0x62: {  	[sflag:s0] =	ssyncadd.s32 @!p0 s1  }
0x63: {  	[bflag:$0x3] =	sbarrier.arrive $0xFFFF  }
0x64: {  	_ =	shalt  }

// kernel: kernel.26.cloned.1.call-start
scs
__scs_entry_jumppad:
0x0: {  	(pc) =	sbr.rel $0x88, $3  }
0x1: {  	(tag) =	ssettag $0x0;
	lr =	simm.s32 $0x1  }
0x2: {  	[smem:$0x3F86] =	sst lr;
	_ =	strace $0xD0000000  }
0x3: {  	_ = 	snop  }
0x4: {  	_ = 	snop  }
0x5: {  	_ = 	snop  }
0x6: {  	_ = 	snop  }
0x7: {  	_ = 	snop  }
__scs_overlays_trampoline_lowered:
0x8: {  	[smem:$0x3F95] =	sst s0  }
0x9: {  	[smem:$0x3F96] =	sst s1  }
0xa: {  	[smem:$0x3F97] =	sst s2  }
0xb: {  	[smem:$0x3F98] =	sst s3  }
0xc: {  	[smem:$0x3F99] =	sst s4  }
0xd: {  	[smem:$0x3F9A] =	sst s5  }
0xe: {  	[smem:$0x3F9B] =	sst s6  }
0xf: {  	[smem:$0x3F9C] =	sst s7  }
0x10: {  	[smem:$0x3F9D] =	sst s8  }
0x11: {  	[smem:$0x3F9E] =	sst s9;
	s0 =	simm.s32 @!p0 $0x0  }
0x12: {  	s1 =	sld [smem:$0x3F84];
	s0 =	simm.s32 @p0 $0x1  }
0x13: {  	[smem:$0x3F9F] =	sst s0;
	s0 =	simm.s32 @!p1 $0x0  }
0x14: {  	s2 =	sld [smem:$0x3F83];
	s0 =	simm.s32 @p1 $0x1  }
0x15: {  	[smem:$0x3FA0] =	sst s0;
	s0 =	simm.s32 @!p2 $0x0  }
0x16: {  	s3 =	sld [smem:$0x3FDB];
	s0 =	simm.s32 @p2 $0x1  }
0x17: {  	s4 =	simm.s32 $0x1BF5;
	[smem:$0x3FA2] =	sst s0  }
0x18: {  	s0 =	sld [smem:$0x3F85];
	_ =	swait.ge [sflag:s4], $0x0  }
0x19: {  	s7 =	sld [smem:$0x3F86]  }
0x1a: {  	s8 =	sadd.s32 $0xFFFFE003, lr  }
0x1b: {  	s9 =	sadd.s32 $0xFFFFFEF7, lr;
	s5 =	simm.s32 $0xFFFFFFFF;
	p2 =	slt.u32 s8, $0xFFFFF086  }
0x1c: {  	p1 =	slt.u32 s9, $0xF7A;
	s5 =	simm.s32 @!p2 $0x0  }
0x1d: {  	s5 =	simm.s32 @p1 $0x1;
	p0 =	seq.s32 s7, s2  }
0x1e: {  	s7 =	smul.u32 @!p0 $0xF7A, s2;
	p2 =	seq.s32 @!p0 s5, $0x0  }
0x1f: {  	s9 =	smul.u32 $0xF7A, s1;
	s8 =	simm.s32 @!p0 $0x1BF5;
	p2 =	por !p2, p0  }
0x20: {  	[sflag:s8] =	ssyncset.s32 @!p0 $0xFFFFF086;
	s6 =	sadd.s32 @!p0 s3, s7;
	s7 =	simm.s32 @!p0 $0x108  }
0x21: {  	s3 =	sadd.s32 s3, s9;
	s6 =	sadd.s32 @!p0 $0x88, s6;
	s7 =	simm.s32 @p2 $0x1082  }
0x22: {  	[simem:s7], [sflag:s8] =	dma.local @!p0 [hbm:s6], $0xF7A  }
0x23: {  	s9 =	sor.u32 $0xD0000000, s2;
	s6 =	simm.s32 $0x108;
	_ =	swait.ge @!p0 [sflag:s8], $0x0  }
0x24: {  	s3 =	sadd.s32 $0x88, s3;
	s6 =	simm.s32 @!p1 $0x1082;
	[sflag:s4] =	ssyncset.s32 $0xFFFFF086  }
0x25: {  	[simem:s6], [sflag:s4] =	dma.local [hbm:s3], $0xF7A  }
0x26: {  	[smem:$0x3F86] =	sst s1;
	(tag) =	ssettag s2;
	_ =	strace s9  }
0x27: {  	s1 =	sld [smem:$0x3F96]  }
0x28: {  	s2 =	sld [smem:$0x3F97]  }
0x29: {  	s4 =	sld [smem:$0x3F99]  }
0x2a: {  	p0 =	seq.s32 s5, $0x0;
	s5 =	sld [smem:$0x3F9A]  }
0x2b: {  	s6 =	sld [smem:$0x3F9B]  }
0x2c: {  	s7 =	sld [smem:$0x3F9C]  }
0x2d: {  	s3 =	simm.s32 $0x108;
	s8 =	sld [smem:$0x3F9D]  }
0x2e: {  	s3 =	simm.s32 @!p0 $0x1082;
	s9 =	sld [smem:$0x3F9E]  }
0x2f: {  	lr =	sadd.s32 s0, s3;
	s0 =	sld [smem:$0x3F95]  }
0x30: {  	s3 =	sld [smem:$0x3F98]  }
0x31: {  	[smem:$0x3FA1] =	sst s10  }
0x32: {  	s10 =	sld [smem:$0x3F9F];
	_ =	sdelay $0x3  }
0x33: {  	p0 =	seq.s32 s10, $0x1;
	s10 =	sld [smem:$0x3FA1];
	_ =	sdelay $0x3  }
0x34: {  	[smem:$0x3FA1] =	sst s10  }
0x35: {  	s10 =	sld [smem:$0x3FA0];
	_ =	sdelay $0x3  }
0x36: {  	p1 =	seq.s32 s10, $0x1;
	s10 =	sld [smem:$0x3FA1];
	_ =	sdelay $0x3  }
0x37: {  	[smem:$0x3FA1] =	sst s10  }
0x38: {  	s10 =	sld [smem:$0x3FA2]  }
0x39: {  	_ = 	snop;
	(pc) =	sbr.ind lr, $3  }
0x3a: {  	_ = 	snop  }
0x3b: {  	_ = 	snop  }
0x3c: {  	p2 =	seq.s32 s10, $0x1;
	s10 =	sld [smem:$0x3FA1]  }
0x3d: {  	_ =	shalt  }
0x3e: {  	_ =	shalt  }
0x3f: {  	_ =	shalt  }
0x40: {  	_ =	shalt  }
0x41: {  	_ =	shalt  }
0x42: {  	_ =	shalt  }
0x43: {  	_ =	shalt  }
0x44: {  	_ =	shalt  }
0x45: {  	_ =	shalt  }
0x46: {  	_ =	shalt  }
0x47: {  	_ =	shalt  }
0x48: {  	_ =	shalt  }
0x49: {  	_ =	shalt  }
0x4a: {  	_ =	shalt  }
0x4b: {  	_ =	shalt  }
0x4c: {  	_ =	shalt  }
0x4d: {  	_ =	shalt  }
0x4e: {  	_ =	shalt  }
0x4f: {  	_ =	shalt  }
0x50: {  	_ =	shalt  }
0x51: {  	_ =	shalt  }
0x52: {  	_ =	shalt  }
0x53: {  	_ =	shalt  }
0x54: {  	_ =	shalt  }
0x55: {  	_ =	shalt  }
0x56: {  	_ =	shalt  }
0x57: {  	_ =	shalt  }
0x58: {  	_ =	shalt  }
0x59: {  	_ =	shalt  }
0x5a: {  	_ =	shalt  }
0x5b: {  	_ =	shalt  }
0x5c: {  	_ =	shalt  }
0x5d: {  	_ =	shalt  }
0x5e: {  	_ =	shalt  }
0x5f: {  	_ =	shalt  }
0x60: {  	_ =	shalt  }
0x61: {  	_ =	shalt  }
0x62: {  	_ =	shalt  }
0x63: {  	_ =	shalt  }
0x64: {  	_ =	shalt  }
0x65: {  	_ =	shalt  }
0x66: {  	_ =	shalt  }
0x67: {  	_ =	shalt  }
0x68: {  	_ =	shalt  }
0x69: {  	_ =	shalt  }
0x6a: {  	_ =	shalt  }
0x6b: {  	_ =	shalt  }
0x6c: {  	_ =	shalt  }
0x6d: {  	_ =	shalt  }
0x6e: {  	_ =	shalt  }
0x6f: {  	_ =	shalt  }
0x70: {  	_ =	shalt  }
0x71: {  	_ =	shalt  }
0x72: {  	_ =	shalt  }
0x73: {  	_ =	shalt  }
0x74: {  	_ =	shalt  }
0x75: {  	_ =	shalt  }
0x76: {  	_ =	shalt  }
0x77: {  	_ =	shalt  }
0x78: {  	_ =	shalt  }
0x79: {  	_ =	shalt  }
0x7a: {  	_ =	shalt  }
0x7b: {  	_ =	shalt  }
0x7c: {  	_ =	shalt  }
0x7d: {  	_ =	shalt  }
0x7e: {  	_ =	shalt  }
0x7f: {  	_ =	shalt  }
0x80: {  	_ =	shalt  }
0x81: {  	_ =	shalt  }
0x82: {  	_ =	shalt  }
0x83: {  	_ =	shalt  }
0x84: {  	_ =	shalt  }
0x85: {  	_ =	shalt  }
0x86: {  	_ =	shalt  }
0x87: {  	_ =	shalt  }
.Lfunc_end0:
.L_simem_size_0:
called_computation.4_lowered:
.L_overlay_start_0:
0x88: {  	s2 =	sld [smem:$0x3FD9]  }
0x89: {  	s3 =	sld [smem:$0x3FFE];
	_ =	sdelay $0x1  }
0x8a: {  	s1 =	srdreg.scid  }
0x8b: {  	s0 =	sand.u32 $0x1, s1  }
0x8c: {  	s16 =	sshll.u32 s0, $0xA;
	s2 =	sadd.s32 s3, s2  }
0x8d: {  	s2 =	sadd.s32 s2, s16  }
0x8e: {  	[smem:$0x3FAD] =	sst s2  }
0x8f: {  	_ = 	snop  }
0x90: {  	(tm) =	ssettm $0x1  }
0x91: {  	s17 =	sld [smem:$0x3FFB];
	_ =	sdelay $0x3  }
0x92: {  	_ =	strace s17  }
0x93: {  	s2 =	sld [smem:$0x3FFC];
	_ =	sdelay $0x3  }
0x94: {  	_ =	strace s2  }
0x95: {  	s2 =	sld [smem:$0x3FFD];
	_ =	sdelay $0x3  }
0x96: {  	_ =	strace s2  }
0x97: {  	_ =	strace $0x8FFFFFFF  }
0x98: {  	s18 =	sld [smem:$0x3FDB];
	_ =	sdelay $0x1  }
0x99: {  	s19 =	simm.s32 $_scs_section_size  }
0x9a: {  	s4 =	simm.s32 $_size__tile_overlayer_lowered;
	s5 =	simm.s32 $_tile_overlayer_lowered  }
0x9b: {  	s22 =	simm.s32 $0x1BFF;
	s21 =	sshll.u32 s5, $0x1;
	s2 =	sadd.s32 s19, s18  }
0x9c: {  	s6 =	simm.s32 $0x0;
	s20 =	sshll.u32 s4, $0x1;
	s4 =	sadd.s32 s21, s2  }
0x9d: {  	[timem:s6], [sflag:s22] =	dma.local [hbm:s4], s20  }
0x9e: {  	_ =	swait.ge [sflag:s22], s20  }
0x9f: {  	s3 =	ssub.s32 $0x0, s20;
	[sflag:s22] =	ssyncset.done $0x0  }
0xa0: {  	[sflag:s22] =	ssyncadd.s32 s3;
	_ =	sdelay $0x1  }
0xa1: {  	s23 =	simm.s32 $0x1B8B  }
0xa2: {  	_ =	swait.ge [sflag:s23], $0x1  }
0xa3: {  	[sflag:s23] =	ssyncset.done $0x0  }
0xa4: {  	s25 =	simm.s32 $0x1B8E;
	s24 =	sld [smem:$0x3FFE];
	[sflag:s23] =	ssyncadd.s32 $0xFFFFFFFF  }
0xa5: {  	s26 =	simm.s32 $execute0_lowered;
	[smem:$0x3FD2] =	sst s25  }
0xa6: {  	s4 =	sshll.u32 s26, $0x1;
	_ =	strace $0x80000052;
	[dreg:$0x1] =	wrdreg $0xFFFFFFFF  }
0xa7: {  	s28 =	simm.s32 $_size_execute0_lowered;
	s2 =	sadd.s32 s2, s4;
	[dreg:$0x0] =	wrdreg $0x0  }
0xa8: {  	s4 =	sshll.u32 s28, $0x1;
	[dreg:$0x2] =	wrdreg s2  }
0xa9: {  	[dreg:$0x3] =	wrdreg s4  }
0xaa: {  	[dreg:$0x4] =	wrdreg $0xC0  }
0xab: {  	_ =	task [dreg:s6], $0x5FFFF  }
0xac: {  	[dreg:$0x1] =	wrdreg $0xFFFFFFFF  }
0xad: {  	[dreg:$0x0] =	wrdreg $0x60  }
0xae: {  	[dreg:$0x2] =	wrdreg s24  }
0xaf: {  	[dreg:$0x3] =	wrdreg $0x9  }
0xb0: {  	_ =	task.clear_ibuf [dreg:s6], $0x4FFFF;
	_ =	strace $0x90000052  }
0xb1: {  	s29 =	simm.s32 $0x9;
	_ =	strace $0x80000054  }
0xb2: {  	_ =	swait.ge [sflag:s29], $0x1  }
0xb3: {  	[sflag:s29] =	ssyncadd.s32 $0xFFFFFFFF  }
0xb4: {  	_ =	strace $0x90000054  }
0xb5: {  	_ =	sfence  }
0xb6: {  	s30 =	sld [smem:$0x0];
	_ =	sdelay $0x2  }
0xb7: {  	s31 =	sshll.u32 s1, $0xD;
	s1 =	sshrl.u32 s1, $0x2  }
0xb8: {  	s3 =	sand.u32 $0x4000, s31;
	s1 =	sadd.s32 s1, s30  }
0xb9: {  	s0 =	sor.u32 s3, s0;
	s1 =	sshll.u32 s1, $0x11  }
0xba: {  	s0 =	sor.u32 s1, s0  }
0xbb: {  	s0 =	sadd.s32 $0x8F2B, s0  }
0xbc: {  	[sflag:s0] =	ssyncadd.remote.s32 $0x1  }
0xbd: {  	_ =	sfence.sel $0xFFFF  }
0xbe: {  	[dreg:$0x0] =	wrdreg $0xFFFFFFFF;
	(pc) =	sbr.abs _section_cstart, $3  }
0xbf: {  	[dreg:$0x1] =	wrdreg $0xFFFFFFFF  }
0xc0: {  	_ =	task.clear_ibuf [dreg:s6], $0x2FFFF;
	_ =	strace $0x9FFFFFFF  }
0xc1: {  	(tm) =	ssettm $0x7FFFFFFF  }
tec
execute0_lowered:
.L_overlay_start_1:
0x0: {  	(tag) =	ssettag $0x1  }
0x1: {  	s1 =	srdreg.scid;
	s0 =	stileid.u32  }
0x2: {  	s14 =	sand.u32 $0x1, s1;
	s29 =	sshll.u32 s0, $0x1  }
0x3: {  	s15 =	sor.u32 s14, s29  }
0x4: {  	s16 =	rddreg [dreg:$0x0];
	s3 =	smul.u32 $0x28, s15  }
0x5: {  	s2 =	simm.s32 $0x0;
	s1 =	rddreg [dreg:$0x1]  }
0x6: {  	[smem:$0x7FF] =	sst s2;
	s3 =	sadd.s32 s3, s16  }
0x7: {  	_ =	strace $0x80000053;
	s4 =	sadd.s32 $0x6C00, s3;
	s3 =	simm.s32 $0x2  }
0x8: {  	[tilespmem:s2], [sflag:$0x2] =	stream.linear.gather [hbm4b:s4+s2], $0x140, $0x38;
	[tilespmem:$0xA180] =	vst v63  }
0x9: {  	_ =	swait.ge [sflag:s3], $0x140  }
0xa: {  	s6 =	simm.s32 $0x50;
	[sflag:s3] =	ssyncset.done $0x0  }
0xb: {  	s7 =	simm.s32 $0x180;
	s5 =	sadd.s32 $0x7200, s16;
	[sflag:s3] =	ssyncadd.s32 $0xFFFFFEC0  }
0xc: {  	[tilespmem:s7], [sflag:$0x1] =	stream.indirect.gather [hbm4b:s5+s6], $0x80, s2, s6, $0xb8;
	[tilespmem:$0xA180] =	vst v63  }
0xd: {  	s8 =	simm.s32 $0x2980  }
0xe: {  	[tilespmem:s8], [sflag:$0x1] =	stream.indirect.gather [hbm4b:s5+s6], $0x80, s6, s6, $0xb8;
	[tilespmem:$0xA180] =	vst v63  }
0xf: {  	s9 =	simm.s32 $0xA0;
	s10 =	simm.s32 $0x5180  }
0x10: {  	[tilespmem:s10], [sflag:$0x1] =	stream.indirect.gather [hbm4b:s5+s6], $0x80, s9, s6, $0xb8;
	[tilespmem:$0xA180] =	vst v63  }
0x11: {  	s11 =	simm.s32 $0xF0;
	s12 =	simm.s32 $0x7980;
	s13 =	simm.s32 $0x1  }
0x12: {  	[tilespmem:s12], [sflag:$0x1] =	stream.indirect.gather [hbm4b:s5+s6], $0x80, s11, s6, $0xb8;
	[tilespmem:$0xA180] =	vst v63  }
0x13: {  	_ =	swait.ge [sflag:s13], $0x2800  }
0x14: {  	[sflag:s13] =	ssyncset.done $0x0  }
0x15: {  	[sflag:s13] =	ssyncadd.s32 $0xFFFFD800  }
0x16: {  	_ =	swait.ge [sflag:s13], $0x2800  }
0x17: {  	[sflag:s13] =	ssyncset.done $0x0  }
0x18: {  	s14 =	ssub.s32 $0x2, s14;
	[sflag:s13] =	ssyncadd.s32 $0xFFFFD800  }
0x19: {  	s17 =	sshrl.u32 s14, $0x1;
	_ =	swait.ge [sflag:s13], $0x2800  }
0x1a: {  	s30 =	ssub.s32 s14, s17;
	[sflag:s13] =	ssyncset.done $0x0  }
0x1b: {  	s15 =	smul.u32 $0x1400, s15;
	s31 =	smax.u32 s30, $0x1;
	[sflag:s13] =	ssyncadd.s32 $0xFFFFD800  }
0x1c: {  	p0 =	sne.s32 s31, $0x1;
	_ =	swait.ge [sflag:s13], $0x2800  }
.Ltmp0:
0x1d: {  	s15 =	sadd.s32 s15, s16;
	[sflag:s13] =	ssyncset.done $0x0;
	(pc) =	sbr.rel @!p0 .LBB2_2-.Ltmp0, $4  }
0x1e: {  	s14 =	sadd.s32 $0x2F200, s15;
	[sflag:s13] =	ssyncadd.s32 $0xFFFFD800  }
0x1f: {  	[hbm4b:s14+s2] =	stream.linear.scatter [tilespmem:s7], [sflag:$0x2], $0xA000, $0x38;
	[tilespmem:$0xA180] =	vst v63  }
0x20: {  	_ =	swait.ge [sflag:s3], $0xA000  }
0x21: {  	s15 =	sadd.s32 $0xFFFFFFFF, s31;
	[sflag:s3] =	ssyncset.done $0x0  }
.LBB2_1:
0x22: {  	p0 =	sne.s32 s15, $0x1;
	s15 =	sadd.s32 $0xFFFFFFFF, s15;
	[sflag:s3] =	ssyncadd.s32 $0xFFFF6000  }
0x23: {  	[tilespmem:s2], [sflag:$0x2] =	stream.linear.gather [hbm4b:s4+s2], $0x140, $0x38;
	[tilespmem:$0xA180] =	vst v63  }
0x24: {  	_ =	swait.ge [sflag:s3], $0x140  }
0x25: {  	[sflag:s3] =	ssyncset.done $0x0  }
0x26: {  	[sflag:s3] =	ssyncadd.s32 $0xFFFFFEC0  }
0x27: {  	[tilespmem:s7], [sflag:$0x1] =	stream.indirect.gather [hbm4b:s5+s6], $0x80, s2, s6, $0xb8;
	[tilespmem:$0xA180] =	vst v63  }
0x28: {  	_ = 	snop  }
0x29: {  	[tilespmem:s8], [sflag:$0x1] =	stream.indirect.gather [hbm4b:s5+s6], $0x80, s6, s6, $0xb8;
	[tilespmem:$0xA180] =	vst v63  }
0x2a: {  	_ = 	snop  }
0x2b: {  	[tilespmem:s10], [sflag:$0x1] =	stream.indirect.gather [hbm4b:s5+s6], $0x80, s9, s6, $0xb8;
	[tilespmem:$0xA180] =	vst v63  }
0x2c: {  	_ = 	snop  }
0x2d: {  	[tilespmem:s12], [sflag:$0x1] =	stream.indirect.gather [hbm4b:s5+s6], $0x80, s11, s6, $0xb8;
	[tilespmem:$0xA180] =	vst v63  }
0x2e: {  	_ =	swait.ge [sflag:s13], $0x2800  }
0x2f: {  	[sflag:s13] =	ssyncset.done $0x0  }
0x30: {  	[sflag:s13] =	ssyncadd.s32 $0xFFFFD800  }
0x31: {  	_ =	swait.ge [sflag:s13], $0x2800  }
0x32: {  	[sflag:s13] =	ssyncset.done $0x0  }
0x33: {  	[sflag:s13] =	ssyncadd.s32 $0xFFFFD800  }
0x34: {  	_ =	swait.ge [sflag:s13], $0x2800  }
0x35: {  	[sflag:s13] =	ssyncset.done $0x0  }
0x36: {  	[sflag:s13] =	ssyncadd.s32 $0xFFFFD800  }
0x37: {  	_ =	swait.ge [sflag:s13], $0x2800  }
.Ltmp1:
0x38: {  	[sflag:s13] =	ssyncset.done $0x0;
	(pc) =	sbr.rel @p0 .LBB2_1-.Ltmp1, $4  }
0x39: {  	[sflag:s13] =	ssyncadd.s32 $0xFFFFD800  }
0x3a: {  	[hbm4b:s14+s2] =	stream.linear.scatter [tilespmem:s7], [sflag:$0x2], $0xA000, $0x38;
	[tilespmem:$0xA180] =	vst v63  }
0x3b: {  	_ =	swait.ge [sflag:s3], $0xA000  }
0x3c: {  	[sflag:s3] =	ssyncset.done $0x0  }
.LBB2_2:
0x3d: {  	[sflag:s3] =	ssyncadd.s32 $0xFFFF6000  }
0x3e: {  	_ =	sfence.sel $0x180000  }
0x3f: {  	[bflag:$0x0] =	sbarrier.arrive $0xFFFF  }
0x40: {  	p0 =	sne.s32 s0, $0x0;
	_ =	strace $0x90000053  }
0x41: {  	s0 =	sadd.s32 @!p0 $0x100000, s1;
	[bflag:$0x2] =	sbarrier.arrive $0xFFFF  }
0x42: {  	[sflag:s0] =	ssyncadd.tile.s32 @!p0 $0x1;
	_ =	shalt  }
.Lfunc_end2:
_tile_overlayer_lowered:
.L_overlay_start_2:
0x43: {  	(tag) =	ssettag $0x2  }
0x44: {  	s0 =	rddreg [dreg:$0x0];
	s2 =	stileid.u32  }
0x45: {  	s1 =	rddreg [dreg:$0x1];
	p0 =	sne.s32 s2, $0x0  }
0x46: {  	s3 =	rddreg [dreg:$0x2];
	[bflag:$0x3] =	sbarrier.arrive $0xFFFF;
	s2 =	simm.s32 @!p0 $0x1C02  }
0x47: {  	[timem:s3], [sflag:s2] =	dma.local @!p0 [hbm:s0], s1  }
0x48: {  	s0 =	simm.s32 @!p0 $0x2  }
0x49: {  	_ =	swait.ge @!p0 [sflag:s0], s1  }
0x4a: {  	s1 =	ssub.s32 @!p0 $0x0, s1;
	[sflag:s0] =	ssyncset.done @!p0 $0x0  }
0x4b: {  	[sflag:s0] =	ssyncadd.s32 @!p0 s1  }
0x4c: {  	[bflag:$0x3] =	sbarrier.arrive $0xFFFF  }
0x4d: {  	_ =	shalt  }

// kernel: kernel.29.cloned.1.call-start
scs
__scs_entry_jumppad:
0x0: {  	(pc) =	sbr.rel $0x88, $3  }
0x1: {  	(tag) =	ssettag $0x0;
	lr =	simm.s32 $0x1  }
0x2: {  	[smem:$0x3F86] =	sst lr;
	_ =	strace $0xD0000000  }
0x3: {  	_ = 	snop  }
0x4: {  	_ = 	snop  }
0x5: {  	_ = 	snop  }
0x6: {  	_ = 	snop  }
0x7: {  	_ = 	snop  }
__scs_overlays_trampoline_lowered:
0x8: {  	[smem:$0x3F95] =	sst s0  }
0x9: {  	[smem:$0x3F96] =	sst s1  }
0xa: {  	[smem:$0x3F97] =	sst s2  }
0xb: {  	[smem:$0x3F98] =	sst s3  }
0xc: {  	[smem:$0x3F99] =	sst s4  }
0xd: {  	[smem:$0x3F9A] =	sst s5  }
0xe: {  	[smem:$0x3F9B] =	sst s6  }
0xf: {  	[smem:$0x3F9C] =	sst s7  }
0x10: {  	[smem:$0x3F9D] =	sst s8  }
0x11: {  	[smem:$0x3F9E] =	sst s9;
	s0 =	simm.s32 @!p0 $0x0  }
0x12: {  	s1 =	sld [smem:$0x3F84];
	s0 =	simm.s32 @p0 $0x1  }
0x13: {  	[smem:$0x3F9F] =	sst s0;
	s0 =	simm.s32 @!p1 $0x0  }
0x14: {  	s2 =	sld [smem:$0x3F83];
	s0 =	simm.s32 @p1 $0x1  }
0x15: {  	[smem:$0x3FA0] =	sst s0;
	s0 =	simm.s32 @!p2 $0x0  }
0x16: {  	s3 =	sld [smem:$0x3FDB];
	s0 =	simm.s32 @p2 $0x1  }
0x17: {  	s4 =	simm.s32 $0x1BF5;
	[smem:$0x3FA2] =	sst s0  }
0x18: {  	s0 =	sld [smem:$0x3F85];
	_ =	swait.ge [sflag:s4], $0x0  }
0x19: {  	s7 =	sld [smem:$0x3F86]  }
0x1a: {  	s8 =	sadd.s32 $0xFFFFE003, lr  }
0x1b: {  	s9 =	sadd.s32 $0xFFFFFEF7, lr;
	s5 =	simm.s32 $0xFFFFFFFF;
	p2 =	slt.u32 s8, $0xFFFFF086  }
0x1c: {  	p1 =	slt.u32 s9, $0xF7A;
	s5 =	simm.s32 @!p2 $0x0  }
0x1d: {  	s5 =	simm.s32 @p1 $0x1;
	p0 =	seq.s32 s7, s2  }
0x1e: {  	s7 =	smul.u32 @!p0 $0xF7A, s2;
	p2 =	seq.s32 @!p0 s5, $0x0  }
0x1f: {  	s9 =	smul.u32 $0xF7A, s1;
	s8 =	simm.s32 @!p0 $0x1BF5;
	p2 =	por !p2, p0  }
0x20: {  	[sflag:s8] =	ssyncset.s32 @!p0 $0xFFFFF086;
	s6 =	sadd.s32 @!p0 s3, s7;
	s7 =	simm.s32 @!p0 $0x108  }
0x21: {  	s3 =	sadd.s32 s3, s9;
	s6 =	sadd.s32 @!p0 $0x88, s6;
	s7 =	simm.s32 @p2 $0x1082  }
0x22: {  	[simem:s7], [sflag:s8] =	dma.local @!p0 [hbm:s6], $0xF7A  }
0x23: {  	s9 =	sor.u32 $0xD0000000, s2;
	s6 =	simm.s32 $0x108;
	_ =	swait.ge @!p0 [sflag:s8], $0x0  }
0x24: {  	s3 =	sadd.s32 $0x88, s3;
	s6 =	simm.s32 @!p1 $0x1082;
	[sflag:s4] =	ssyncset.s32 $0xFFFFF086  }
0x25: {  	[simem:s6], [sflag:s4] =	dma.local [hbm:s3], $0xF7A  }
0x26: {  	[smem:$0x3F86] =	sst s1;
	(tag) =	ssettag s2;
	_ =	strace s9  }
0x27: {  	s1 =	sld [smem:$0x3F96]  }
0x28: {  	s2 =	sld [smem:$0x3F97]  }
0x29: {  	s4 =	sld [smem:$0x3F99]  }
0x2a: {  	p0 =	seq.s32 s5, $0x0;
	s5 =	sld [smem:$0x3F9A]  }
0x2b: {  	s6 =	sld [smem:$0x3F9B]  }
0x2c: {  	s7 =	sld [smem:$0x3F9C]  }
0x2d: {  	s3 =	simm.s32 $0x108;
	s8 =	sld [smem:$0x3F9D]  }
0x2e: {  	s3 =	simm.s32 @!p0 $0x1082;
	s9 =	sld [smem:$0x3F9E]  }
0x2f: {  	lr =	sadd.s32 s0, s3;
	s0 =	sld [smem:$0x3F95]  }
0x30: {  	s3 =	sld [smem:$0x3F98]  }
0x31: {  	[smem:$0x3FA1] =	sst s10  }
0x32: {  	s10 =	sld [smem:$0x3F9F];
	_ =	sdelay $0x3  }
0x33: {  	p0 =	seq.s32 s10, $0x1;
	s10 =	sld [smem:$0x3FA1];
	_ =	sdelay $0x3  }
0x34: {  	[smem:$0x3FA1] =	sst s10  }
0x35: {  	s10 =	sld [smem:$0x3FA0];
	_ =	sdelay $0x3  }
0x36: {  	p1 =	seq.s32 s10, $0x1;
	s10 =	sld [smem:$0x3FA1];
	_ =	sdelay $0x3  }
0x37: {  	[smem:$0x3FA1] =	sst s10  }
0x38: {  	s10 =	sld [smem:$0x3FA2]  }
0x39: {  	_ = 	snop;
	(pc) =	sbr.ind lr, $3  }
0x3a: {  	_ = 	snop  }
0x3b: {  	_ = 	snop  }
0x3c: {  	p2 =	seq.s32 s10, $0x1;
	s10 =	sld [smem:$0x3FA1]  }
0x3d: {  	_ =	shalt  }
0x3e: {  	_ =	shalt  }
0x3f: {  	_ =	shalt  }
0x40: {  	_ =	shalt  }
0x41: {  	_ =	shalt  }
0x42: {  	_ =	shalt  }
0x43: {  	_ =	shalt  }
0x44: {  	_ =	shalt  }
0x45: {  	_ =	shalt  }
0x46: {  	_ =	shalt  }
0x47: {  	_ =	shalt  }
0x48: {  	_ =	shalt  }
0x49: {  	_ =	shalt  }
0x4a: {  	_ =	shalt  }
0x4b: {  	_ =	shalt  }
0x4c: {  	_ =	shalt  }
0x4d: {  	_ =	shalt  }
0x4e: {  	_ =	shalt  }
0x4f: {  	_ =	shalt  }
0x50: {  	_ =	shalt  }
0x51: {  	_ =	shalt  }
0x52: {  	_ =	shalt  }
0x53: {  	_ =	shalt  }
0x54: {  	_ =	shalt  }
0x55: {  	_ =	shalt  }
0x56: {  	_ =	shalt  }
0x57: {  	_ =	shalt  }
0x58: {  	_ =	shalt  }
0x59: {  	_ =	shalt  }
0x5a: {  	_ =	shalt  }
0x5b: {  	_ =	shalt  }
0x5c: {  	_ =	shalt  }
0x5d: {  	_ =	shalt  }
0x5e: {  	_ =	shalt  }
0x5f: {  	_ =	shalt  }
0x60: {  	_ =	shalt  }
0x61: {  	_ =	shalt  }
0x62: {  	_ =	shalt  }
0x63: {  	_ =	shalt  }
0x64: {  	_ =	shalt  }
0x65: {  	_ =	shalt  }
0x66: {  	_ =	shalt  }
0x67: {  	_ =	shalt  }
0x68: {  	_ =	shalt  }
0x69: {  	_ =	shalt  }
0x6a: {  	_ =	shalt  }
0x6b: {  	_ =	shalt  }
0x6c: {  	_ =	shalt  }
0x6d: {  	_ =	shalt  }
0x6e: {  	_ =	shalt  }
0x6f: {  	_ =	shalt  }
0x70: {  	_ =	shalt  }
0x71: {  	_ =	shalt  }
0x72: {  	_ =	shalt  }
0x73: {  	_ =	shalt  }
0x74: {  	_ =	shalt  }
0x75: {  	_ =	shalt  }
0x76: {  	_ =	shalt  }
0x77: {  	_ =	shalt  }
0x78: {  	_ =	shalt  }
0x79: {  	_ =	shalt  }
0x7a: {  	_ =	shalt  }
0x7b: {  	_ =	shalt  }
0x7c: {  	_ =	shalt  }
0x7d: {  	_ =	shalt  }
0x7e: {  	_ =	shalt  }
0x7f: {  	_ =	shalt  }
0x80: {  	_ =	shalt  }
0x81: {  	_ =	shalt  }
0x82: {  	_ =	shalt  }
0x83: {  	_ =	shalt  }
0x84: {  	_ =	shalt  }
0x85: {  	_ =	shalt  }
0x86: {  	_ =	shalt  }
0x87: {  	_ =	shalt  }
.Lfunc_end0:
.L_simem_size_0:
called_computation.5_lowered:
.L_overlay_start_0:
0x88: {  	s2 =	sld [smem:$0x3FD9]  }
0x89: {  	s3 =	sld [smem:$0x3FFE];
	_ =	sdelay $0x1  }
0x8a: {  	s1 =	srdreg.scid  }
0x8b: {  	s0 =	sand.u32 $0x1, s1  }
0x8c: {  	s16 =	sshll.u32 s0, $0xA;
	s2 =	sadd.s32 s3, s2  }
0x8d: {  	s2 =	sadd.s32 s2, s16  }
0x8e: {  	[smem:$0x3FAD] =	sst s2  }
0x8f: {  	_ = 	snop  }
0x90: {  	(tm) =	ssettm $0x1  }
0x91: {  	s17 =	sld [smem:$0x3FFB];
	_ =	sdelay $0x3  }
0x92: {  	_ =	strace s17  }
0x93: {  	s2 =	sld [smem:$0x3FFC];
	_ =	sdelay $0x3  }
0x94: {  	_ =	strace s2  }
0x95: {  	s2 =	sld [smem:$0x3FFD];
	_ =	sdelay $0x3  }
0x96: {  	_ =	strace s2  }
0x97: {  	_ =	strace $0x8FFFFFFF  }
0x98: {  	s18 =	sld [smem:$0x3FDB];
	_ =	sdelay $0x1  }
0x99: {  	s19 =	simm.s32 $_scs_section_size  }
0x9a: {  	s4 =	simm.s32 $_size__tile_overlayer_lowered;
	s5 =	simm.s32 $_tile_overlayer_lowered  }
0x9b: {  	s22 =	simm.s32 $0x1BFF;
	s21 =	sshll.u32 s5, $0x1;
	s2 =	sadd.s32 s19, s18  }
0x9c: {  	s6 =	simm.s32 $0x0;
	s20 =	sshll.u32 s4, $0x1;
	s4 =	sadd.s32 s21, s2  }
0x9d: {  	[timem:s6], [sflag:s22] =	dma.local [hbm:s4], s20  }
0x9e: {  	_ =	swait.ge [sflag:s22], s20  }
0x9f: {  	s3 =	ssub.s32 $0x0, s20;
	[sflag:s22] =	ssyncset.done $0x0  }
0xa0: {  	[sflag:s22] =	ssyncadd.s32 s3;
	_ =	sdelay $0x1  }
0xa1: {  	s23 =	simm.s32 $0x1B8B  }
0xa2: {  	_ =	swait.ge [sflag:s23], $0x1  }
0xa3: {  	[sflag:s23] =	ssyncset.done $0x0  }
0xa4: {  	s25 =	simm.s32 $0x1B8E;
	s24 =	sld [smem:$0x3FFE];
	[sflag:s23] =	ssyncadd.s32 $0xFFFFFFFF  }
0xa5: {  	s26 =	simm.s32 $execute0_lowered;
	[smem:$0x3FD2] =	sst s25  }
0xa6: {  	s4 =	sshll.u32 s26, $0x1;
	_ =	strace $0x80000055;
	[dreg:$0x1] =	wrdreg $0xFFFFFFFF  }
0xa7: {  	s28 =	simm.s32 $_size_execute0_lowered;
	s2 =	sadd.s32 s2, s4;
	[dreg:$0x0] =	wrdreg $0x0  }
0xa8: {  	s4 =	sshll.u32 s28, $0x1;
	[dreg:$0x2] =	wrdreg s2  }
0xa9: {  	[dreg:$0x3] =	wrdreg s4  }
0xaa: {  	[dreg:$0x4] =	wrdreg $0xC0  }
0xab: {  	_ =	task [dreg:s6], $0x5FFFF  }
0xac: {  	[dreg:$0x1] =	wrdreg $0xFFFFFFFF  }
0xad: {  	[dreg:$0x0] =	wrdreg $0x60  }
0xae: {  	[dreg:$0x2] =	wrdreg s24  }
0xaf: {  	[dreg:$0x3] =	wrdreg $0xA2000  }
0xb0: {  	[dreg:$0x4] =	wrdreg $0x9  }
0xb1: {  	_ =	task.clear_ibuf [dreg:s6], $0x5FFFF;
	_ =	strace $0x90000055  }
0xb2: {  	s29 =	simm.s32 $0x9;
	_ =	strace $0x80000057  }
0xb3: {  	_ =	swait.ge [sflag:s29], $0x1  }
0xb4: {  	[sflag:s29] =	ssyncadd.s32 $0xFFFFFFFF  }
0xb5: {  	_ =	strace $0x90000057  }
0xb6: {  	_ =	sfence  }
0xb7: {  	s30 =	sld [smem:$0x0];
	_ =	sdelay $0x2  }
0xb8: {  	s31 =	sshll.u32 s1, $0xD;
	s1 =	sshrl.u32 s1, $0x2  }
0xb9: {  	s3 =	sand.u32 $0x4000, s31;
	s1 =	sadd.s32 s1, s30  }
0xba: {  	s0 =	sor.u32 s3, s0;
	s1 =	sshll.u32 s1, $0x11  }
0xbb: {  	s0 =	sor.u32 s1, s0  }
0xbc: {  	s0 =	sadd.s32 $0x8F2B, s0  }
0xbd: {  	[sflag:s0] =	ssyncadd.remote.s32 $0x1  }
0xbe: {  	_ =	sfence.sel $0xFFFF  }
0xbf: {  	[dreg:$0x0] =	wrdreg $0xFFFFFFFF;
	(pc) =	sbr.abs _section_cstart, $3  }
0xc0: {  	[dreg:$0x1] =	wrdreg $0xFFFFFFFF  }
0xc1: {  	_ =	task.clear_ibuf [dreg:s6], $0x2FFFF;
	_ =	strace $0x9FFFFFFF  }
0xc2: {  	(tm) =	ssettm $0x7FFFFFFF  }
0xc3: {  	_ =	shalt  }
tec
execute0_lowered:
.L_overlay_start_1:
0x0: {  	(tag) =	ssettag $0x1  }
0x1: {  	s20 =	rddreg [dreg:$0x0]  }
0x2: {  	s2 =	rddreg [dreg:$0x1]  }
0x3: {  	s0 =	rddreg [dreg:$0x2]  }
0x4: {  	s4 =	srdreg.scid;
	s1 =	stileid.u32  }
0x5: {  	s3 =	simm.s32 $0x0;
	s21 =	sand.u32 $0x1, s4;
	s30 =	sshll.u32 s1, $0x1  }
0x6: {  	[smem:$0x7FF] =	sst s3;
	s5 =	smul.u32 $0x50000, s1;
	s4 =	sor.u32 s21, s30  }
0x7: {  	s22 =	sshll.u32 s1, $0x6;
	s9 =	smul.u32 $0x1400, s4;
	s4 =	sshll.u32 s4, $0x6  }
0x8: {  	_ =	strace $0x80000056;
	s5 =	sshrl.u32 s5, $0x2;
	s6 =	sadd.s32 s4, s20  }
0x9: {  	s4 =	sadd.s32 $0x57A00, s20;
	s7 =	sadd.s32 s5, s2;
	s5 =	sor.u32 $0x1C01, s22  }
0xa: {  	s6 =	sadd.s32 $0x57200, s6;
	s8 =	sshrl.u32 s7, $0x3;
	s7 =	simm.s32 $0x3  }
0xb: {  	[spmem:s8], [sflag:s5] =	dma.local [hbm:s4], $0x2800  }
0xc: {  	[tilespmem:s3], [sflag:$0x3] =	stream.linear.gather [hbm4b:s6+s3], $0x200, $0x38;
	[tilespmem:$0x1E200] =	vst v63  }
0xd: {  	_ =	swait.ge [sflag:s7], $0x200  }
0xe: {  	s9 =	sadd.s32 s9, s20;
	[sflag:s7] =	ssyncset.done $0x0  }
0xf: {  	s10 =	simm.s32 $0x200;
	s9 =	sadd.s32 $0x2F200, s9;
	[sflag:s7] =	ssyncadd.s32 $0xFFFFFE00  }
0x10: {  	[tilespmem:s10], [sflag:$0x3] =	stream.linear.gather [hbm4b:s9+s3], $0xA000, $0x38;
	[tilespmem:$0x1E200] =	vst v63  }
0x11: {  	_ =	swait.ge [sflag:s7], $0xA000  }
0x12: {  	[sflag:s7] =	ssyncset.done $0x0  }
0x13: {  	s11 =	simm.s32 $0x1;
	[sflag:s7] =	ssyncadd.s32 $0xFFFF6000  }
0x14: {  	_ =	swait.ge [sflag:s11], $0x2800  }
0x15: {  	[sflag:s11] =	ssyncset.done $0x0  }
0x16: {  	[sflag:s11] =	ssyncadd.s32 $0xFFFFD800  }
0x17: {  	s12 =	simm.s32 $0x50;
	[bflag:$0x0] =	sbarrier.arrive $0xFFFF  }
0x18: {  	[spmem:s2] =	stream.indirect.scatter.add.f32 [tilespmem:s10], [sflag:$0x2], $0x80, s3, s12, $0xb8;
	[tilespmem:$0x1E200] =	vst v63  }
0x19: {  	s13 =	simm.s32 $0x80;
	s14 =	simm.s32 $0x2A00  }
0x1a: {  	[spmem:s2] =	stream.indirect.scatter.add.f32 [tilespmem:s14], [sflag:$0x2], $0x80, s13, s12, $0xb8;
	[tilespmem:$0x1E200] =	vst v63  }
0x1b: {  	s15 =	simm.s32 $0x100;
	s16 =	simm.s32 $0x5200  }
0x1c: {  	[spmem:s2] =	stream.indirect.scatter.add.f32 [tilespmem:s16], [sflag:$0x2], $0x80, s15, s12, $0xb8;
	[tilespmem:$0x1E200] =	vst v63  }
0x1d: {  	s17 =	simm.s32 $0x180;
	s18 =	simm.s32 $0x7A00;
	s19 =	simm.s32 $0x2  }
0x1e: {  	[spmem:s2] =	stream.indirect.scatter.add.f32 [tilespmem:s18], [sflag:$0x2], $0x80, s17, s12, $0xb8;
	[tilespmem:$0x1E200] =	vst v63  }
0x1f: {  	_ =	swait.ge [sflag:s19], $0x2800  }
0x20: {  	[sflag:s19] =	ssyncset.done $0x0  }
0x21: {  	[sflag:s19] =	ssyncadd.s32 $0xFFFFD800  }
0x22: {  	_ =	swait.ge [sflag:s19], $0x2800  }
0x23: {  	s24 =	smul.u32 $0x14000, s1;
	[sflag:s19] =	ssyncset.done $0x0  }
0x24: {  	s23 =	smul.u32 $0x140000, s21;
	[sflag:s19] =	ssyncadd.s32 $0xFFFFD800  }
0x25: {  	s21 =	ssub.s32 $0x2, s21;
	_ =	swait.ge [sflag:s19], $0x2800  }
0x26: {  	s31 =	sshrl.u32 s21, $0x1;
	s23 =	sadd.s32 s24, s23;
	[sflag:s19] =	ssyncset.done $0x0  }
0x27: {  	s21 =	ssub.s32 s21, s31;
	s23 =	sshrl.u32 s23, $0x3;
	[sflag:s19] =	ssyncadd.s32 $0xFFFFD800  }
0x28: {  	s20 =	sadd.s32 s23, s20;
	s23 =	smax.u32 s21, $0x1;
	_ =	swait.ge [sflag:s19], $0x2800  }
0x29: {  	p0 =	sne.s32 s23, $0x1;
	[sflag:s19] =	ssyncset.done $0x0  }
.Ltmp0:
0x2a: {  	[sflag:s19] =	ssyncadd.s32 $0xFFFFD800;
	(pc) =	sbr.rel @!p0 .LBB2_2-.Ltmp0, $4  }
0x2b: {  	s21 =	sor.u32 $0x1C03, s22;
	s20 =	sadd.s32 $0x5A200, s20;
	[bflag:$0x0] =	sbarrier.arrive $0xFFFF  }
0x2c: {  	[hbm:s20], [sflag:s21] =	dma.local [spmem:s8], $0x2800  }
0x2d: {  	_ =	swait.ge [sflag:s7], $0x2800  }
0x2e: {  	s22 =	sadd.s32 $0xFFFFFFFF, s23;
	[sflag:s7] =	ssyncset.done $0x0  }
.LBB2_1:
0x2f: {  	p0 =	sne.s32 s22, $0x1;
	s22 =	sadd.s32 $0xFFFFFFFF, s22;
	[sflag:s7] =	ssyncadd.s32 $0xFFFFD800  }
0x30: {  	[spmem:s8], [sflag:s5] =	dma.local [hbm:s4], $0x2800  }
0x31: {  	[tilespmem:s3], [sflag:$0x3] =	stream.linear.gather [hbm4b:s6+s3], $0x200, $0x38;
	[tilespmem:$0x1E200] =	vst v63  }
0x32: {  	_ =	swait.ge [sflag:s7], $0x200  }
0x33: {  	[sflag:s7] =	ssyncset.done $0x0  }
0x34: {  	[sflag:s7] =	ssyncadd.s32 $0xFFFFFE00  }
0x35: {  	[tilespmem:s10], [sflag:$0x3] =	stream.linear.gather [hbm4b:s9+s3], $0xA000, $0x38;
	[tilespmem:$0x1E200] =	vst v63  }
0x36: {  	_ =	swait.ge [sflag:s7], $0xA000  }
0x37: {  	[sflag:s7] =	ssyncset.done $0x0  }
0x38: {  	[sflag:s7] =	ssyncadd.s32 $0xFFFF6000  }
0x39: {  	_ =	swait.ge [sflag:s11], $0x2800  }
0x3a: {  	[sflag:s11] =	ssyncset.done $0x0  }
0x3b: {  	[sflag:s11] =	ssyncadd.s32 $0xFFFFD800  }
0x3c: {  	[bflag:$0x0] =	sbarrier.arrive $0xFFFF  }
0x3d: {  	[spmem:s2] =	stream.indirect.scatter.add.f32 [tilespmem:s10], [sflag:$0x2], $0x80, s3, s12, $0xb8;
	[tilespmem:$0x1E200] =	vst v63  }
0x3e: {  	_ = 	snop  }
0x3f: {  	[spmem:s2] =	stream.indirect.scatter.add.f32 [tilespmem:s14], [sflag:$0x2], $0x80, s13, s12, $0xb8;
	[tilespmem:$0x1E200] =	vst v63  }
0x40: {  	_ = 	snop  }
0x41: {  	[spmem:s2] =	stream.indirect.scatter.add.f32 [tilespmem:s16], [sflag:$0x2], $0x80, s15, s12, $0xb8;
	[tilespmem:$0x1E200] =	vst v63  }
0x42: {  	_ = 	snop  }
0x43: {  	[spmem:s2] =	stream.indirect.scatter.add.f32 [tilespmem:s18], [sflag:$0x2], $0x80, s17, s12, $0xb8;
	[tilespmem:$0x1E200] =	vst v63  }
0x44: {  	_ =	swait.ge [sflag:s19], $0x2800  }
0x45: {  	[sflag:s19] =	ssyncset.done $0x0  }
0x46: {  	[sflag:s19] =	ssyncadd.s32 $0xFFFFD800  }
0x47: {  	_ =	swait.ge [sflag:s19], $0x2800  }
0x48: {  	[sflag:s19] =	ssyncset.done $0x0  }
0x49: {  	[sflag:s19] =	ssyncadd.s32 $0xFFFFD800  }
0x4a: {  	_ =	swait.ge [sflag:s19], $0x2800  }
0x4b: {  	[sflag:s19] =	ssyncset.done $0x0  }
0x4c: {  	[sflag:s19] =	ssyncadd.s32 $0xFFFFD800  }
0x4d: {  	_ =	swait.ge [sflag:s19], $0x2800  }
0x4e: {  	[sflag:s19] =	ssyncset.done $0x0  }
.Ltmp1:
0x4f: {  	[sflag:s19] =	ssyncadd.s32 $0xFFFFD800;
	(pc) =	sbr.rel @p0 .LBB2_1-.Ltmp1, $4  }
0x50: {  	[bflag:$0x0] =	sbarrier.arrive $0xFFFF  }
0x51: {  	[hbm:s20], [sflag:s21] =	dma.local [spmem:s8], $0x2800  }
0x52: {  	_ =	swait.ge [sflag:s7], $0x2800  }
0x53: {  	[sflag:s7] =	ssyncset.done $0x0  }
.LBB2_2:
0x54: {  	[sflag:s7] =	ssyncadd.s32 $0xFFFFD800  }
0x55: {  	_ =	sfence.sel $0x180000  }
0x56: {  	[bflag:$0x0] =	sbarrier.arrive $0xFFFF  }
0x57: {  	p0 =	sne.s32 s1, $0x0;
	_ =	strace $0x90000056  }
0x58: {  	s0 =	sadd.s32 @!p0 $0x100000, s0;
	[bflag:$0x2] =	sbarrier.arrive $0xFFFF  }
0x59: {  	[sflag:s0] =	ssyncadd.tile.s32 @!p0 $0x1;
	_ =	shalt  }
.Lfunc_end2:
_tile_overlayer_lowered:
.L_overlay_start_2:
0x5a: {  	(tag) =	ssettag $0x2  }
0x5b: {  	s0 =	rddreg [dreg:$0x0];
	s2 =	stileid.u32  }
0x5c: {  	s1 =	rddreg [dreg:$0x1];
	p0 =	sne.s32 s2, $0x0  }
0x5d: {  	s3 =	rddreg [dreg:$0x2];
	[bflag:$0x3] =	sbarrier.arrive $0xFFFF;
	s2 =	simm.s32 @!p0 $0x1C03  }
0x5e: {  	[timem:s3], [sflag:s2] =	dma.local @!p0 [hbm:s0], s1  }
0x5f: {  	s0 =	simm.s32 @!p0 $0x3  }
0x60: {  	_ =	swait.ge @!p0 [sflag:s0], s1  }
0x61: {  	s1 =	ssub.s32 @!p0 $0x0, s1;
	[sflag:s0] =	ssyncset.done @!p0 $0x0  }
0x62: {  	[sflag:s0] =	ssyncadd.s32 @!p0 s1  }
0x63: {  	[bflag:$0x3] =	sbarrier.arrive $0xFFFF  }
0x64: {  	_ =	shalt  }

</sc_bundles>
